<compile_context>
chip_gen: v7x
topology: tpu7x:2x2x1
jax: 0.10.2.dev20260603
libtpu: 0.0.44.dev20260713+nightly
codegen_flags: <defaults>
</compile_context>

<pallas_src>
import jax
import jax.numpy as jnp
from jax import lax
from jax.experimental import pallas as pl
from jax.experimental.pallas import tpu as pltpu
from jax.experimental.pallas import tpu_sc as plsc

B, C, H, W = 16, 64, 128, 128
HW = H * W
CHW = C * HW
N = 8192
NC, NS = 2, 16
NW = NC * NS
NPW = N // NW
EPW = NPW * C
ROWS = EPW // 128
SCALE = 1.0 / (N + 0.0001)


NCHUNK = 8
GPC = (NPW // 16) // NCHUNK
RPC = ROWS // NCHUNK
EPC = EPW // NCHUNK


def _body(out_hbm, tgt_hbm, ind_hbm, bat_hbm, res_hbm,
          indv, batv, idx2, pred2, tgtv, accv, finv, shared,
          sem_t, sem_g0, sem_g1, sem_g2, sem_g3,
          sem_g4, sem_g5, sem_g6, sem_g7,
          sem_g8, sem_g9, sem_ga, sem_gb,
          sem_gc, sem_gd, sem_ge, sem_gf):
    cid = lax.axis_index("c")
    sid = lax.axis_index("s")
    wid = cid * NS + sid
    n0 = wid * NPW
    sems = (sem_g0, sem_g1, sem_g2, sem_g3, sem_g4, sem_g5, sem_g6, sem_g7,
            sem_g8, sem_g9, sem_ga, sem_gb, sem_gc, sem_gd, sem_ge, sem_gf)

    tcopy = pltpu.async_copy(tgt_hbm.at[pl.ds(n0, NPW), :], tgtv, sem_t)
    icopy = pltpu.async_copy(ind_hbm.at[pl.ds(n0, NPW)], indv, sem_g0)
    bcopy = pltpu.async_copy(bat_hbm.at[pl.ds(n0, NPW)], batv, sem_g0)
    icopy.wait()
    bcopy.wait()

    iota = lax.iota(jnp.int32, 16)

    def build(g, carry):
        ind16 = indv[pl.ds(g * 16, 16)]
        bat16 = batv[pl.ds(g * 16, 16)]
        base16 = bat16 * CHW + ind16
        p0 = (g * 16 + iota) * C
        for c in range(C):
            plsc.store_scatter(idx2, [p0 + c], base16 + c * HW)
        return carry

    for k in range(NCHUNK):
        lax.fori_loop(k * GPC, (k + 1) * GPC, build, 0, unroll=False)
        pltpu.async_copy(out_hbm.at[idx2.at[pl.ds(k * EPC, EPC)]],
                         pred2.at[pl.ds(k * EPC, EPC)], sems[k])

    tcopy.wait()

    zero = jnp.zeros((16,), jnp.float32)

    def comp(j, accs):
        a0, a1, a2, a3 = accs
        base = j * 128
        d = [None] * 8
        for q in range(8):
            pv = pred2[pl.ds(base + q * 16, 16)]
            tv = tgtv[j * 2 + q // 4, pl.ds((q % 4) * 16, 16)]
            d[q] = jnp.abs(pv - tv)
        a0 = a0 + d[0] + d[4]
        a1 = a1 + d[1] + d[5]
        a2 = a2 + d[2] + d[6]
        a3 = a3 + d[3] + d[7]
        return (a0, a1, a2, a3)

    accs = (zero, zero, zero, zero)
    for k in range(NCHUNK):
        pltpu.make_async_copy(out_hbm.at[pl.ds(0, EPC)],
                              pred2.at[pl.ds(k * EPC, EPC)], sems[k]).wait()
        accs = lax.fori_loop(k * RPC, (k + 1) * RPC, comp, accs, unroll=False)

    for q in range(4):
        accv[pl.ds(q * 16, 16)] = accs[q] * SCALE

    pltpu.sync_copy(accv, shared.at[pl.ds(sid * C, C)])
    plsc.subcore_barrier()

    @pl.when(sid == 0)
    def _():
        pltpu.sync_copy(shared, finv)

        def red(r, accs):
            a0, a1, a2, a3 = accs
            b = r * C
            a0 = a0 + finv[pl.ds(b, 16)]
            a1 = a1 + finv[pl.ds(b + 16, 16)]
            a2 = a2 + finv[pl.ds(b + 32, 16)]
            a3 = a3 + finv[pl.ds(b + 48, 16)]
            return (a0, a1, a2, a3)

        f = lax.fori_loop(0, NS, red, (zero, zero, zero, zero), unroll=False)
        for q in range(4):
            accv[pl.ds(q * 16, 16)] = f[q]
        pltpu.sync_copy(accv, res_hbm.at[cid])


_sc_call = pl.kernel(
    _body,
    out_type=jax.ShapeDtypeStruct((NC, C), jnp.float32),
    mesh=plsc.VectorSubcoreMesh(core_axis_name="c", subcore_axis_name="s",
                                num_cores=NC, num_subcores=NS),
    compiler_params=pltpu.CompilerParams(needs_layout_passes=False),
    scratch_types=[
        pltpu.VMEM((NPW,), jnp.int32),
        pltpu.VMEM((NPW,), jnp.int32),
        pltpu.VMEM((EPW,), jnp.int32),
        pltpu.VMEM((EPW,), jnp.float32),
        pltpu.VMEM((NPW, C), jnp.float32),
        pltpu.VMEM((C,), jnp.float32),
        pltpu.VMEM((NS * C,), jnp.float32),
        pltpu.VMEM_SHARED((NS * C,), jnp.float32),
        pltpu.SemaphoreType.DMA,
        pltpu.SemaphoreType.DMA,
        pltpu.SemaphoreType.DMA,
        pltpu.SemaphoreType.DMA,
        pltpu.SemaphoreType.DMA,
        pltpu.SemaphoreType.DMA,
        pltpu.SemaphoreType.DMA,
        pltpu.SemaphoreType.DMA,
        pltpu.SemaphoreType.DMA,
        pltpu.SemaphoreType.DMA,
        pltpu.SemaphoreType.DMA,
        pltpu.SemaphoreType.DMA,
        pltpu.SemaphoreType.DMA,
        pltpu.SemaphoreType.DMA,
        pltpu.SemaphoreType.DMA,
        pltpu.SemaphoreType.DMA,
        pltpu.SemaphoreType.DMA,
    ],
)


def kernel(output, target, ind, batch):
    out_flat = output.reshape(-1)
    ind32 = ind.astype(jnp.int32)
    bat32 = batch.astype(jnp.int32)
    partials = _sc_call(out_flat, target, ind32, bat32)
    return partials[0] + partials[1]

# --- scband reference (transcript-rebuilt; emitter-appended) ---
"""Pipeline reference for scband-reg-loss2-17849884082445 (READ-ONLY COPY).

The authoritative reference and input builder live on the scoring server;
editing this copy changes nothing except your own understanding.
"""

import jax, jax.numpy as jnp
import numpy as np


def setup_inputs(seed: int = 0) -> dict:
    key = jax.random.key(seed)
    k1, k2, k3, k4 = jax.random.split(key, 4)
    B, C, H, W = 16, 64, 128, 128
    N = 8192
    output = jax.random.normal(k1, (B, C, H, W), dtype=jnp.float32)
    target = jax.random.normal(k2, (N, C), dtype=jnp.float32)
    ind = jax.random.randint(k3, (N,), 0, H * W, dtype=jnp.int64)
    batch = jax.random.randint(k4, (N,), 0, B, dtype=jnp.int64)
    return {"output": output, "target": target, "ind": ind, "batch": batch}


def _transpose_and_gather_feat_by_batch(output, ind, batch):
    # output: [B, C, H, W] -> feat: [B, H*W, C]
    B, C, H, W = output.shape
    feat = jnp.transpose(output, (0, 2, 3, 1)).reshape(B, H * W, C)
    # gather one spatial location per object, routed by its batch index -> [N, C]
    pred = feat[batch, ind]
    return pred


def reference(output, target, ind, batch):
    pred = _transpose_and_gather_feat_by_batch(output, ind, batch)
    loss = jnp.abs(pred - target)  # F.l1_loss(..., reduction='none')
    loss = loss / (ind.shape[0] + 0.0001)
    loss = loss.sum(axis=0)
    return loss

if __name__ == "__main__":
    import jax
    _d = setup_inputs()
    print(jax.jit(kernel)(*tuple(_d.values())))

</pallas_src>

<mosaic_0001>
#map = affine_map<(d0, d1) -> (0)>
#map1 = affine_map<(d0, d1) -> (0, 0)>
module attributes {stable_mosaic.version = 14 : i64} {
  func.func @_body(%arg0: i32, %arg1: i32, %arg2: memref<16777216xf32, #tpu.memory_space<hbm>>, %arg3: memref<8192x64xf32, #tpu.memory_space<hbm>>, %arg4: memref<8192xi32, #tpu.memory_space<hbm>>, %arg5: memref<8192xi32, #tpu.memory_space<hbm>>, %arg6: memref<2x64xf32, #tpu.memory_space<hbm>>, %arg7: memref<256xi32, #tpu.memory_space<vmem>>, %arg8: memref<256xi32, #tpu.memory_space<vmem>>, %arg9: memref<16384xi32, #tpu.memory_space<vmem>>, %arg10: memref<16384xf32, #tpu.memory_space<vmem>>, %arg11: memref<256x64xf32, #tpu.memory_space<vmem>>, %arg12: memref<64xf32, #tpu.memory_space<vmem>>, %arg13: memref<1024xf32, #tpu.memory_space<vmem>>, %arg14: memref<1024xf32, #tpu.memory_space<vmem_shared>>, %arg15: memref<!tpu.dma_semaphore, #tpu.memory_space<semaphore_mem>>, %arg16: memref<!tpu.dma_semaphore, #tpu.memory_space<semaphore_mem>>, %arg17: memref<!tpu.dma_semaphore, #tpu.memory_space<semaphore_mem>>, %arg18: memref<!tpu.dma_semaphore, #tpu.memory_space<semaphore_mem>>, %arg19: memref<!tpu.dma_semaphore, #tpu.memory_space<semaphore_mem>>, %arg20: memref<!tpu.dma_semaphore, #tpu.memory_space<semaphore_mem>>, %arg21: memref<!tpu.dma_semaphore, #tpu.memory_space<semaphore_mem>>, %arg22: memref<!tpu.dma_semaphore, #tpu.memory_space<semaphore_mem>>, %arg23: memref<!tpu.dma_semaphore, #tpu.memory_space<semaphore_mem>>, %arg24: memref<!tpu.dma_semaphore, #tpu.memory_space<semaphore_mem>>, %arg25: memref<!tpu.dma_semaphore, #tpu.memory_space<semaphore_mem>>, %arg26: memref<!tpu.dma_semaphore, #tpu.memory_space<semaphore_mem>>, %arg27: memref<!tpu.dma_semaphore, #tpu.memory_space<semaphore_mem>>, %arg28: memref<!tpu.dma_semaphore, #tpu.memory_space<semaphore_mem>>, %arg29: memref<!tpu.dma_semaphore, #tpu.memory_space<semaphore_mem>>, %arg30: memref<!tpu.dma_semaphore, #tpu.memory_space<semaphore_mem>>, %arg31: memref<!tpu.dma_semaphore, #tpu.memory_space<semaphore_mem>>) attributes {dimension_semantics = [#tpu.dimension_semantics<core_parallel>, #tpu.dimension_semantics<subcore_parallel>], iteration_bounds = array<i64: 2, 16>, scalar_prefetch = 0 : i64, scratch_operands = 25 : i64, tpu.core_type = #tpu.core_type<sc_vector_subcore>, window_params = [{transform_indices = #map}, {transform_indices = #map1}, {transform_indices = #map}, {transform_indices = #map}, {transform_indices = #map1}]} {
    %mul3A = arith.constant 16 : i32
    %mul3A_0 = arith.muli %arg0, %mul3A : i32
    %add3A = arith.addi %mul3A_0, %arg1 : i32
    %mul3A_1 = arith.constant 256 : i32
    %mul3A_2 = arith.muli %add3A, %mul3A_1 : i32
    %dma_start3A = arith.constant 0 : i32
    %dma_start3A_3 = tpu.memref_slice %arg3[%mul3A_2, %dma_start3A] : memref<8192x64xf32, #tpu.memory_space<hbm>> -> memref<256x64xf32, #tpu.memory_space<hbm>>
    %dma_start3A_4 = arith.constant 0 : i32
    %dma_start3A_5 = tpu.memref_slice %arg3[%mul3A_2, %dma_start3A_4] : memref<8192x64xf32, #tpu.memory_space<hbm>> -> memref<256x64xf32, #tpu.memory_space<hbm>>
    tpu.enqueue_dma source(%dma_start3A_5 : memref<256x64xf32, #tpu.memory_space<hbm>>) target(%arg11 : memref<256x64xf32, #tpu.memory_space<vmem>>) target_semaphore(%arg15 : memref<!tpu.dma_semaphore, #tpu.memory_space<semaphore_mem>>)
    %dma_start3A_6 = tpu.memref_slice %arg4[%mul3A_2] : memref<8192xi32, #tpu.memory_space<hbm>> -> memref<256xi32, #tpu.memory_space<hbm>>
    %dma_start3A_7 = tpu.memref_slice %arg4[%mul3A_2] : memref<8192xi32, #tpu.memory_space<hbm>> -> memref<256xi32, #tpu.memory_space<hbm>>
    tpu.enqueue_dma source(%dma_start3A_7 : memref<256xi32, #tpu.memory_space<hbm>>) target(%arg7 : memref<256xi32, #tpu.memory_space<vmem>>) target_semaphore(%arg16 : memref<!tpu.dma_semaphore, #tpu.memory_space<semaphore_mem>>)
    %dma_start3A_8 = tpu.memref_slice %arg5[%mul3A_2] : memref<8192xi32, #tpu.memory_space<hbm>> -> memref<256xi32, #tpu.memory_space<hbm>>
    %dma_start3A_9 = tpu.memref_slice %arg5[%mul3A_2] : memref<8192xi32, #tpu.memory_space<hbm>> -> memref<256xi32, #tpu.memory_space<hbm>>
    tpu.enqueue_dma source(%dma_start3A_9 : memref<256xi32, #tpu.memory_space<hbm>>) target(%arg8 : memref<256xi32, #tpu.memory_space<vmem>>) target_semaphore(%arg16 : memref<!tpu.dma_semaphore, #tpu.memory_space<semaphore_mem>>)
    %dma_wait3A = tpu.memref_slice %arg4[%mul3A_2] : memref<8192xi32, #tpu.memory_space<hbm>> -> memref<256xi32, #tpu.memory_space<hbm>>
    %dma_wait3A_10 = tpu.memref_slice %arg4[%mul3A_2] : memref<8192xi32, #tpu.memory_space<hbm>> -> memref<256xi32, #tpu.memory_space<hbm>>
    tpu.wait_dma2 semaphore(%arg16 : memref<!tpu.dma_semaphore, #tpu.memory_space<semaphore_mem>>) src(%dma_wait3A_10 : memref<256xi32, #tpu.memory_space<hbm>>) dst(%arg7 : memref<256xi32, #tpu.memory_space<vmem>>)
    %dma_wait3A_11 = tpu.memref_slice %arg5[%mul3A_2] : memref<8192xi32, #tpu.memory_space<hbm>> -> memref<256xi32, #tpu.memory_space<hbm>>
    %dma_wait3A_12 = tpu.memref_slice %arg5[%mul3A_2] : memref<8192xi32, #tpu.memory_space<hbm>> -> memref<256xi32, #tpu.memory_space<hbm>>
    tpu.wait_dma2 semaphore(%arg16 : memref<!tpu.dma_semaphore, #tpu.memory_space<semaphore_mem>>) src(%dma_wait3A_12 : memref<256xi32, #tpu.memory_space<hbm>>) dst(%arg8 : memref<256xi32, #tpu.memory_space<vmem>>)
    %iota3A = tpu.iota {dimensions = array<i32: 0>} : vector<16xi32>
    %scan3A = arith.constant 0 : i32
    %scan3A_13 = arith.constant 0 : i32
    %scan3A_14 = arith.constant 2 : i32
    %scan3A_15 = arith.addi %scan3A_13, %scan3A_14 : i32
    %scan3A_16 = arith.constant 1 : i32
    scf.for %scan3A_248 = %scan3A_13 to %scan3A_15 step %scan3A_16  : i32 {
      %mul3A_249 = arith.constant 16 : i32
      %mul3A_250 = arith.muli %scan3A_248, %mul3A_249 : i32
      %get3A = arith.index_cast %mul3A_250 : i32 to index
      %get3A_251 = tpu.vector_load %arg7[%get3A] {strides = array<i32>} : memref<256xi32, #tpu.memory_space<vmem>>, vector<16xi32>,
      %mul3A_252 = arith.constant 16 : i32
      %mul3A_253 = arith.muli %scan3A_248, %mul3A_252 : i32
      %get3A_254 = arith.index_cast %mul3A_253 : i32 to index
      %get3A_255 = tpu.vector_load %arg8[%get3A_254] {strides = array<i32>} : memref<256xi32, #tpu.memory_space<vmem>>, vector<16xi32>,
      %mul3A_256 = arith.constant 1048576 : i32
      %mul3A_257 = vector.broadcast %mul3A_256 : i32 to vector<16xi32>
      %mul3A_258 = arith.muli %get3A_255, %mul3A_257 : vector<16xi32>
      %add3A_259 = arith.addi %mul3A_258, %get3A_251 : vector<16xi32>
      %mul3A_260 = arith.constant 16 : i32
      %mul3A_261 = arith.muli %scan3A_248, %mul3A_260 : i32
      %add3A_262 = vector.broadcast %mul3A_261 : i32 to vector<16xi32>
      %add3A_263 = arith.addi %add3A_262, %iota3A : vector<16xi32>
      %mul3A_264 = arith.constant 64 : i32
      %mul3A_265 = vector.broadcast %mul3A_264 : i32 to vector<16xi32>
      %mul3A_266 = arith.muli %add3A_263, %mul3A_265 : vector<16xi32>
      %add3A_267 = arith.constant 0 : i32
      %add3A_268 = vector.broadcast %add3A_267 : i32 to vector<16xi32>
      %add3A_269 = arith.addi %mul3A_266, %add3A_268 : vector<16xi32>
      %add3A_270 = arith.constant 0 : i32
      %add3A_271 = vector.broadcast %add3A_270 : i32 to vector<16xi32>
      %add3A_272 = arith.addi %add3A_259, %add3A_271 : vector<16xi32>
      tpu.vector_store_idx %arg9[%add3A_269], %add3A_272 : memref<16384xi32, #tpu.memory_space<vmem>>[vector<16xi32>], vector<16xi32>,
      %add3A_273 = arith.constant 1 : i32
      %add3A_274 = vector.broadcast %add3A_273 : i32 to vector<16xi32>
      %add3A_275 = arith.addi %mul3A_266, %add3A_274 : vector<16xi32>
      %add3A_276 = arith.constant 16384 : i32
      %add3A_277 = vector.broadcast %add3A_276 : i32 to vector<16xi32>
      %add3A_278 = arith.addi %add3A_259, %add3A_277 : vector<16xi32>
      tpu.vector_store_idx %arg9[%add3A_275], %add3A_278 : memref<16384xi32, #tpu.memory_space<vmem>>[vector<16xi32>], vector<16xi32>,
      %add3A_279 = arith.constant 2 : i32
      %add3A_280 = vector.broadcast %add3A_279 : i32 to vector<16xi32>
      %add3A_281 = arith.addi %mul3A_266, %add3A_280 : vector<16xi32>
      %add3A_282 = arith.constant 32768 : i32
      %add3A_283 = vector.broadcast %add3A_282 : i32 to vector<16xi32>
      %add3A_284 = arith.addi %add3A_259, %add3A_283 : vector<16xi32>
      tpu.vector_store_idx %arg9[%add3A_281], %add3A_284 : memref<16384xi32, #tpu.memory_space<vmem>>[vector<16xi32>], vector<16xi32>,
      %add3A_285 = arith.constant 3 : i32
      %add3A_286 = vector.broadcast %add3A_285 : i32 to vector<16xi32>
      %add3A_287 = arith.addi %mul3A_266, %add3A_286 : vector<16xi32>
      %add3A_288 = arith.constant 49152 : i32
      %add3A_289 = vector.broadcast %add3A_288 : i32 to vector<16xi32>
      %add3A_290 = arith.addi %add3A_259, %add3A_289 : vector<16xi32>
      tpu.vector_store_idx %arg9[%add3A_287], %add3A_290 : memref<16384xi32, #tpu.memory_space<vmem>>[vector<16xi32>], vector<16xi32>,
      %add3A_291 = arith.constant 4 : i32
      %add3A_292 = vector.broadcast %add3A_291 : i32 to vector<16xi32>
      %add3A_293 = arith.addi %mul3A_266, %add3A_292 : vector<16xi32>
      %add3A_294 = arith.constant 65536 : i32
      %add3A_295 = vector.broadcast %add3A_294 : i32 to vector<16xi32>
      %add3A_296 = arith.addi %add3A_259, %add3A_295 : vector<16xi32>
      tpu.vector_store_idx %arg9[%add3A_293], %add3A_296 : memref<16384xi32, #tpu.memory_space<vmem>>[vector<16xi32>], vector<16xi32>,
      %add3A_297 = arith.constant 5 : i32
      %add3A_298 = vector.broadcast %add3A_297 : i32 to vector<16xi32>
      %add3A_299 = arith.addi %mul3A_266, %add3A_298 : vector<16xi32>
      %add3A_300 = arith.constant 81920 : i32
      %add3A_301 = vector.broadcast %add3A_300 : i32 to vector<16xi32>
      %add3A_302 = arith.addi %add3A_259, %add3A_301 : vector<16xi32>
      tpu.vector_store_idx %arg9[%add3A_299], %add3A_302 : memref<16384xi32, #tpu.memory_space<vmem>>[vector<16xi32>], vector<16xi32>,
      %add3A_303 = arith.constant 6 : i32
      %add3A_304 = vector.broadcast %add3A_303 : i32 to vector<16xi32>
      %add3A_305 = arith.addi %mul3A_266, %add3A_304 : vector<16xi32>
      %add3A_306 = arith.constant 98304 : i32
      %add3A_307 = vector.broadcast %add3A_306 : i32 to vector<16xi32>
      %add3A_308 = arith.addi %add3A_259, %add3A_307 : vector<16xi32>
      tpu.vector_store_idx %arg9[%add3A_305], %add3A_308 : memref<16384xi32, #tpu.memory_space<vmem>>[vector<16xi32>], vector<16xi32>,
      %add3A_309 = arith.constant 7 : i32
      %add3A_310 = vector.broadcast %add3A_309 : i32 to vector<16xi32>
      %add3A_311 = arith.addi %mul3A_266, %add3A_310 : vector<16xi32>
      %add3A_312 = arith.constant 114688 : i32
      %add3A_313 = vector.broadcast %add3A_312 : i32 to vector<16xi32>
      %add3A_314 = arith.addi %add3A_259, %add3A_313 : vector<16xi32>
      tpu.vector_store_idx %arg9[%add3A_311], %add3A_314 : memref<16384xi32, #tpu.memory_space<vmem>>[vector<16xi32>], vector<16xi32>,
      %add3A_315 = arith.constant 8 : i32
      %add3A_316 = vector.broadcast %add3A_315 : i32 to vector<16xi32>
      %add3A_317 = arith.addi %mul3A_266, %add3A_316 : vector<16xi32>
      %add3A_318 = arith.constant 131072 : i32
      %add3A_319 = vector.broadcast %add3A_318 : i32 to vector<16xi32>
      %add3A_320 = arith.addi %add3A_259, %add3A_319 : vector<16xi32>
      tpu.vector_store_idx %arg9[%add3A_317], %add3A_320 : memref<16384xi32, #tpu.memory_space<vmem>>[vector<16xi32>], vector<16xi32>,
      %add3A_321 = arith.constant 9 : i32
      %add3A_322 = vector.broadcast %add3A_321 : i32 to vector<16xi32>
      %add3A_323 = arith.addi %mul3A_266, %add3A_322 : vector<16xi32>
      %add3A_324 = arith.constant 147456 : i32
      %add3A_325 = vector.broadcast %add3A_324 : i32 to vector<16xi32>
      %add3A_326 = arith.addi %add3A_259, %add3A_325 : vector<16xi32>
      tpu.vector_store_idx %arg9[%add3A_323], %add3A_326 : memref<16384xi32, #tpu.memory_space<vmem>>[vector<16xi32>], vector<16xi32>,
      %add3A_327 = arith.constant 10 : i32
      %add3A_328 = vector.broadcast %add3A_327 : i32 to vector<16xi32>
      %add3A_329 = arith.addi %mul3A_266, %add3A_328 : vector<16xi32>
      %add3A_330 = arith.constant 163840 : i32
      %add3A_331 = vector.broadcast %add3A_330 : i32 to vector<16xi32>
      %add3A_332 = arith.addi %add3A_259, %add3A_331 : vector<16xi32>
      tpu.vector_store_idx %arg9[%add3A_329], %add3A_332 : memref<16384xi32, #tpu.memory_space<vmem>>[vector<16xi32>], vector<16xi32>,
      %add3A_333 = arith.constant 11 : i32
      %add3A_334 = vector.broadcast %add3A_333 : i32 to vector<16xi32>
      %add3A_335 = arith.addi %mul3A_266, %add3A_334 : vector<16xi32>
      %add3A_336 = arith.constant 180224 : i32
      %add3A_337 = vector.broadcast %add3A_336 : i32 to vector<16xi32>
      %add3A_338 = arith.addi %add3A_259, %add3A_337 : vector<16xi32>
      tpu.vector_store_idx %arg9[%add3A_335], %add3A_338 : memref<16384xi32, #tpu.memory_space<vmem>>[vector<16xi32>], vector<16xi32>,
      %add3A_339 = arith.constant 12 : i32
      %add3A_340 = vector.broadcast %add3A_339 : i32 to vector<16xi32>
      %add3A_341 = arith.addi %mul3A_266, %add3A_340 : vector<16xi32>
      %add3A_342 = arith.constant 196608 : i32
      %add3A_343 = vector.broadcast %add3A_342 : i32 to vector<16xi32>
      %add3A_344 = arith.addi %add3A_259, %add3A_343 : vector<16xi32>
      tpu.vector_store_idx %arg9[%add3A_341], %add3A_344 : memref<16384xi32, #tpu.memory_space<vmem>>[vector<16xi32>], vector<16xi32>,
      %add3A_345 = arith.constant 13 : i32
      %add3A_346 = vector.broadcast %add3A_345 : i32 to vector<16xi32>
      %add3A_347 = arith.addi %mul3A_266, %add3A_346 : vector<16xi32>
      %add3A_348 = arith.constant 212992 : i32
      %add3A_349 = vector.broadcast %add3A_348 : i32 to vector<16xi32>
      %add3A_350 = arith.addi %add3A_259, %add3A_349 : vector<16xi32>
      tpu.vector_store_idx %arg9[%add3A_347], %add3A_350 : memref<16384xi32, #tpu.memory_space<vmem>>[vector<16xi32>], vector<16xi32>,
      %add3A_351 = arith.constant 14 : i32
      %add3A_352 = vector.broadcast %add3A_351 : i32 to vector<16xi32>
      %add3A_353 = arith.addi %mul3A_266, %add3A_352 : vector<16xi32>
      %add3A_354 = arith.constant 229376 : i32
      %add3A_355 = vector.broadcast %add3A_354 : i32 to vector<16xi32>
      %add3A_356 = arith.addi %add3A_259, %add3A_355 : vector<16xi32>
      tpu.vector_store_idx %arg9[%add3A_353], %add3A_356 : memref<16384xi32, #tpu.memory_space<vmem>>[vector<16xi32>], vector<16xi32>,
      %add3A_357 = arith.constant 15 : i32
      %add3A_358 = vector.broadcast %add3A_357 : i32 to vector<16xi32>
      %add3A_359 = arith.addi %mul3A_266, %add3A_358 : vector<16xi32>
      %add3A_360 = arith.constant 245760 : i32
      %add3A_361 = vector.broadcast %add3A_360 : i32 to vector<16xi32>
      %add3A_362 = arith.addi %add3A_259, %add3A_361 : vector<16xi32>
      tpu.vector_store_idx %arg9[%add3A_359], %add3A_362 : memref<16384xi32, #tpu.memory_space<vmem>>[vector<16xi32>], vector<16xi32>,
      %add3A_363 = arith.constant 16 : i32
      %add3A_364 = vector.broadcast %add3A_363 : i32 to vector<16xi32>
      %add3A_365 = arith.addi %mul3A_266, %add3A_364 : vector<16xi32>
      %add3A_366 = arith.constant 262144 : i32
      %add3A_367 = vector.broadcast %add3A_366 : i32 to vector<16xi32>
      %add3A_368 = arith.addi %add3A_259, %add3A_367 : vector<16xi32>
      tpu.vector_store_idx %arg9[%add3A_365], %add3A_368 : memref<16384xi32, #tpu.memory_space<vmem>>[vector<16xi32>], vector<16xi32>,
      %add3A_369 = arith.constant 17 : i32
      %add3A_370 = vector.broadcast %add3A_369 : i32 to vector<16xi32>
      %add3A_371 = arith.addi %mul3A_266, %add3A_370 : vector<16xi32>
      %add3A_372 = arith.constant 278528 : i32
      %add3A_373 = vector.broadcast %add3A_372 : i32 to vector<16xi32>
      %add3A_374 = arith.addi %add3A_259, %add3A_373 : vector<16xi32>
      tpu.vector_store_idx %arg9[%add3A_371], %add3A_374 : memref<16384xi32, #tpu.memory_space<vmem>>[vector<16xi32>], vector<16xi32>,
      %add3A_375 = arith.constant 18 : i32
      %add3A_376 = vector.broadcast %add3A_375 : i32 to vector<16xi32>
      %add3A_377 = arith.addi %mul3A_266, %add3A_376 : vector<16xi32>
      %add3A_378 = arith.constant 294912 : i32
      %add3A_379 = vector.broadcast %add3A_378 : i32 to vector<16xi32>
      %add3A_380 = arith.addi %add3A_259, %add3A_379 : vector<16xi32>
      tpu.vector_store_idx %arg9[%add3A_377], %add3A_380 : memref<16384xi32, #tpu.memory_space<vmem>>[vector<16xi32>], vector<16xi32>,
      %add3A_381 = arith.constant 19 : i32
      %add3A_382 = vector.broadcast %add3A_381 : i32 to vector<16xi32>
      %add3A_383 = arith.addi %mul3A_266, %add3A_382 : vector<16xi32>
      %add3A_384 = arith.constant 311296 : i32
      %add3A_385 = vector.broadcast %add3A_384 : i32 to vector<16xi32>
      %add3A_386 = arith.addi %add3A_259, %add3A_385 : vector<16xi32>
      tpu.vector_store_idx %arg9[%add3A_383], %add3A_386 : memref<16384xi32, #tpu.memory_space<vmem>>[vector<16xi32>], vector<16xi32>,
      %add3A_387 = arith.constant 20 : i32
      %add3A_388 = vector.broadcast %add3A_387 : i32 to vector<16xi32>
      %add3A_389 = arith.addi %mul3A_266, %add3A_388 : vector<16xi32>
      %add3A_390 = arith.constant 327680 : i32
      %add3A_391 = vector.broadcast %add3A_390 : i32 to vector<16xi32>
      %add3A_392 = arith.addi %add3A_259, %add3A_391 : vector<16xi32>
      tpu.vector_store_idx %arg9[%add3A_389], %add3A_392 : memref<16384xi32, #tpu.memory_space<vmem>>[vector<16xi32>], vector<16xi32>,
      %add3A_393 = arith.constant 21 : i32
      %add3A_394 = vector.broadcast %add3A_393 : i32 to vector<16xi32>
      %add3A_395 = arith.addi %mul3A_266, %add3A_394 : vector<16xi32>
      %add3A_396 = arith.constant 344064 : i32
      %add3A_397 = vector.broadcast %add3A_396 : i32 to vector<16xi32>
      %add3A_398 = arith.addi %add3A_259, %add3A_397 : vector<16xi32>
      tpu.vector_store_idx %arg9[%add3A_395], %add3A_398 : memref<16384xi32, #tpu.memory_space<vmem>>[vector<16xi32>], vector<16xi32>,
      %add3A_399 = arith.constant 22 : i32
      %add3A_400 = vector.broadcast %add3A_399 : i32 to vector<16xi32>
      %add3A_401 = arith.addi %mul3A_266, %add3A_400 : vector<16xi32>
      %add3A_402 = arith.constant 360448 : i32
      %add3A_403 = vector.broadcast %add3A_402 : i32 to vector<16xi32>
      %add3A_404 = arith.addi %add3A_259, %add3A_403 : vector<16xi32>
      tpu.vector_store_idx %arg9[%add3A_401], %add3A_404 : memref<16384xi32, #tpu.memory_space<vmem>>[vector<16xi32>], vector<16xi32>,
      %add3A_405 = arith.constant 23 : i32
      %add3A_406 = vector.broadcast %add3A_405 : i32 to vector<16xi32>
      %add3A_407 = arith.addi %mul3A_266, %add3A_406 : vector<16xi32>
      %add3A_408 = arith.constant 376832 : i32
      %add3A_409 = vector.broadcast %add3A_408 : i32 to vector<16xi32>
      %add3A_410 = arith.addi %add3A_259, %add3A_409 : vector<16xi32>
      tpu.vector_store_idx %arg9[%add3A_407], %add3A_410 : memref<16384xi32, #tpu.memory_space<vmem>>[vector<16xi32>], vector<16xi32>,
      %add3A_411 = arith.constant 24 : i32
      %add3A_412 = vector.broadcast %add3A_411 : i32 to vector<16xi32>
      %add3A_413 = arith.addi %mul3A_266, %add3A_412 : vector<16xi32>
      %add3A_414 = arith.constant 393216 : i32
      %add3A_415 = vector.broadcast %add3A_414 : i32 to vector<16xi32>
      %add3A_416 = arith.addi %add3A_259, %add3A_415 : vector<16xi32>
      tpu.vector_store_idx %arg9[%add3A_413], %add3A_416 : memref<16384xi32, #tpu.memory_space<vmem>>[vector<16xi32>], vector<16xi32>,
      %add3A_417 = arith.constant 25 : i32
      %add3A_418 = vector.broadcast %add3A_417 : i32 to vector<16xi32>
      %add3A_419 = arith.addi %mul3A_266, %add3A_418 : vector<16xi32>
      %add3A_420 = arith.constant 409600 : i32
      %add3A_421 = vector.broadcast %add3A_420 : i32 to vector<16xi32>
      %add3A_422 = arith.addi %add3A_259, %add3A_421 : vector<16xi32>
      tpu.vector_store_idx %arg9[%add3A_419], %add3A_422 : memref<16384xi32, #tpu.memory_space<vmem>>[vector<16xi32>], vector<16xi32>,
      %add3A_423 = arith.constant 26 : i32
      %add3A_424 = vector.broadcast %add3A_423 : i32 to vector<16xi32>
      %add3A_425 = arith.addi %mul3A_266, %add3A_424 : vector<16xi32>
      %add3A_426 = arith.constant 425984 : i32
      %add3A_427 = vector.broadcast %add3A_426 : i32 to vector<16xi32>
      %add3A_428 = arith.addi %add3A_259, %add3A_427 : vector<16xi32>
      tpu.vector_store_idx %arg9[%add3A_425], %add3A_428 : memref<16384xi32, #tpu.memory_space<vmem>>[vector<16xi32>], vector<16xi32>,
      %add3A_429 = arith.constant 27 : i32
      %add3A_430 = vector.broadcast %add3A_429 : i32 to vector<16xi32>
      %add3A_431 = arith.addi %mul3A_266, %add3A_430 : vector<16xi32>
      %add3A_432 = arith.constant 442368 : i32
      %add3A_433 = vector.broadcast %add3A_432 : i32 to vector<16xi32>
      %add3A_434 = arith.addi %add3A_259, %add3A_433 : vector<16xi32>
      tpu.vector_store_idx %arg9[%add3A_431], %add3A_434 : memref<16384xi32, #tpu.memory_space<vmem>>[vector<16xi32>], vector<16xi32>,
      %add3A_435 = arith.constant 28 : i32
      %add3A_436 = vector.broadcast %add3A_435 : i32 to vector<16xi32>
      %add3A_437 = arith.addi %mul3A_266, %add3A_436 : vector<16xi32>
      %add3A_438 = arith.constant 458752 : i32
      %add3A_439 = vector.broadcast %add3A_438 : i32 to vector<16xi32>
      %add3A_440 = arith.addi %add3A_259, %add3A_439 : vector<16xi32>
      tpu.vector_store_idx %arg9[%add3A_437], %add3A_440 : memref<16384xi32, #tpu.memory_space<vmem>>[vector<16xi32>], vector<16xi32>,
      %add3A_441 = arith.constant 29 : i32
      %add3A_442 = vector.broadcast %add3A_441 : i32 to vector<16xi32>
      %add3A_443 = arith.addi %mul3A_266, %add3A_442 : vector<16xi32>
      %add3A_444 = arith.constant 475136 : i32
      %add3A_445 = vector.broadcast %add3A_444 : i32 to vector<16xi32>
      %add3A_446 = arith.addi %add3A_259, %add3A_445 : vector<16xi32>
      tpu.vector_store_idx %arg9[%add3A_443], %add3A_446 : memref<16384xi32, #tpu.memory_space<vmem>>[vector<16xi32>], vector<16xi32>,
      %add3A_447 = arith.constant 30 : i32
      %add3A_448 = vector.broadcast %add3A_447 : i32 to vector<16xi32>
      %add3A_449 = arith.addi %mul3A_266, %add3A_448 : vector<16xi32>
      %add3A_450 = arith.constant 491520 : i32
      %add3A_451 = vector.broadcast %add3A_450 : i32 to vector<16xi32>
      %add3A_452 = arith.addi %add3A_259, %add3A_451 : vector<16xi32>
      tpu.vector_store_idx %arg9[%add3A_449], %add3A_452 : memref<16384xi32, #tpu.memory_space<vmem>>[vector<16xi32>], vector<16xi32>,
      %add3A_453 = arith.constant 31 : i32
      %add3A_454 = vector.broadcast %add3A_453 : i32 to vector<16xi32>
      %add3A_455 = arith.addi %mul3A_266, %add3A_454 : vector<16xi32>
      %add3A_456 = arith.constant 507904 : i32
      %add3A_457 = vector.broadcast %add3A_456 : i32 to vector<16xi32>
      %add3A_458 = arith.addi %add3A_259, %add3A_457 : vector<16xi32>
      tpu.vector_store_idx %arg9[%add3A_455], %add3A_458 : memref<16384xi32, #tpu.memory_space<vmem>>[vector<16xi32>], vector<16xi32>,
      %add3A_459 = arith.constant 32 : i32
      %add3A_460 = vector.broadcast %add3A_459 : i32 to vector<16xi32>
      %add3A_461 = arith.addi %mul3A_266, %add3A_460 : vector<16xi32>
      %add3A_462 = arith.constant 524288 : i32
      %add3A_463 = vector.broadcast %add3A_462 : i32 to vector<16xi32>
      %add3A_464 = arith.addi %add3A_259, %add3A_463 : vector<16xi32>
      tpu.vector_store_idx %arg9[%add3A_461], %add3A_464 : memref<16384xi32, #tpu.memory_space<vmem>>[vector<16xi32>], vector<16xi32>,
      %add3A_465 = arith.constant 33 : i32
      %add3A_466 = vector.broadcast %add3A_465 : i32 to vector<16xi32>
      %add3A_467 = arith.addi %mul3A_266, %add3A_466 : vector<16xi32>
      %add3A_468 = arith.constant 540672 : i32
      %add3A_469 = vector.broadcast %add3A_468 : i32 to vector<16xi32>
      %add3A_470 = arith.addi %add3A_259, %add3A_469 : vector<16xi32>
      tpu.vector_store_idx %arg9[%add3A_467], %add3A_470 : memref<16384xi32, #tpu.memory_space<vmem>>[vector<16xi32>], vector<16xi32>,
      %add3A_471 = arith.constant 34 : i32
      %add3A_472 = vector.broadcast %add3A_471 : i32 to vector<16xi32>
      %add3A_473 = arith.addi %mul3A_266, %add3A_472 : vector<16xi32>
      %add3A_474 = arith.constant 557056 : i32
      %add3A_475 = vector.broadcast %add3A_474 : i32 to vector<16xi32>
      %add3A_476 = arith.addi %add3A_259, %add3A_475 : vector<16xi32>
      tpu.vector_store_idx %arg9[%add3A_473], %add3A_476 : memref<16384xi32, #tpu.memory_space<vmem>>[vector<16xi32>], vector<16xi32>,
      %add3A_477 = arith.constant 35 : i32
      %add3A_478 = vector.broadcast %add3A_477 : i32 to vector<16xi32>
      %add3A_479 = arith.addi %mul3A_266, %add3A_478 : vector<16xi32>
      %add3A_480 = arith.constant 573440 : i32
      %add3A_481 = vector.broadcast %add3A_480 : i32 to vector<16xi32>
      %add3A_482 = arith.addi %add3A_259, %add3A_481 : vector<16xi32>
      tpu.vector_store_idx %arg9[%add3A_479], %add3A_482 : memref<16384xi32, #tpu.memory_space<vmem>>[vector<16xi32>], vector<16xi32>,
      %add3A_483 = arith.constant 36 : i32
      %add3A_484 = vector.broadcast %add3A_483 : i32 to vector<16xi32>
      %add3A_485 = arith.addi %mul3A_266, %add3A_484 : vector<16xi32>
      %add3A_486 = arith.constant 589824 : i32
      %add3A_487 = vector.broadcast %add3A_486 : i32 to vector<16xi32>
      %add3A_488 = arith.addi %add3A_259, %add3A_487 : vector<16xi32>
      tpu.vector_store_idx %arg9[%add3A_485], %add3A_488 : memref<16384xi32, #tpu.memory_space<vmem>>[vector<16xi32>], vector<16xi32>,
      %add3A_489 = arith.constant 37 : i32
      %add3A_490 = vector.broadcast %add3A_489 : i32 to vector<16xi32>
      %add3A_491 = arith.addi %mul3A_266, %add3A_490 : vector<16xi32>
      %add3A_492 = arith.constant 606208 : i32
      %add3A_493 = vector.broadcast %add3A_492 : i32 to vector<16xi32>
      %add3A_494 = arith.addi %add3A_259, %add3A_493 : vector<16xi32>
      tpu.vector_store_idx %arg9[%add3A_491], %add3A_494 : memref<16384xi32, #tpu.memory_space<vmem>>[vector<16xi32>], vector<16xi32>,
      %add3A_495 = arith.constant 38 : i32
      %add3A_496 = vector.broadcast %add3A_495 : i32 to vector<16xi32>
      %add3A_497 = arith.addi %mul3A_266, %add3A_496 : vector<16xi32>
      %add3A_498 = arith.constant 622592 : i32
      %add3A_499 = vector.broadcast %add3A_498 : i32 to vector<16xi32>
      %add3A_500 = arith.addi %add3A_259, %add3A_499 : vector<16xi32>
      tpu.vector_store_idx %arg9[%add3A_497], %add3A_500 : memref<16384xi32, #tpu.memory_space<vmem>>[vector<16xi32>], vector<16xi32>,
      %add3A_501 = arith.constant 39 : i32
      %add3A_502 = vector.broadcast %add3A_501 : i32 to vector<16xi32>
      %add3A_503 = arith.addi %mul3A_266, %add3A_502 : vector<16xi32>
      %add3A_504 = arith.constant 638976 : i32
      %add3A_505 = vector.broadcast %add3A_504 : i32 to vector<16xi32>
      %add3A_506 = arith.addi %add3A_259, %add3A_505 : vector<16xi32>
      tpu.vector_store_idx %arg9[%add3A_503], %add3A_506 : memref<16384xi32, #tpu.memory_space<vmem>>[vector<16xi32>], vector<16xi32>,
      %add3A_507 = arith.constant 40 : i32
      %add3A_508 = vector.broadcast %add3A_507 : i32 to vector<16xi32>
      %add3A_509 = arith.addi %mul3A_266, %add3A_508 : vector<16xi32>
      %add3A_510 = arith.constant 655360 : i32
      %add3A_511 = vector.broadcast %add3A_510 : i32 to vector<16xi32>
      %add3A_512 = arith.addi %add3A_259, %add3A_511 : vector<16xi32>
      tpu.vector_store_idx %arg9[%add3A_509], %add3A_512 : memref<16384xi32, #tpu.memory_space<vmem>>[vector<16xi32>], vector<16xi32>,
      %add3A_513 = arith.constant 41 : i32
      %add3A_514 = vector.broadcast %add3A_513 : i32 to vector<16xi32>
      %add3A_515 = arith.addi %mul3A_266, %add3A_514 : vector<16xi32>
      %add3A_516 = arith.constant 671744 : i32
      %add3A_517 = vector.broadcast %add3A_516 : i32 to vector<16xi32>
      %add3A_518 = arith.addi %add3A_259, %add3A_517 : vector<16xi32>
      tpu.vector_store_idx %arg9[%add3A_515], %add3A_518 : memref<16384xi32, #tpu.memory_space<vmem>>[vector<16xi32>], vector<16xi32>,
      %add3A_519 = arith.constant 42 : i32
      %add3A_520 = vector.broadcast %add3A_519 : i32 to vector<16xi32>
      %add3A_521 = arith.addi %mul3A_266, %add3A_520 : vector<16xi32>
      %add3A_522 = arith.constant 688128 : i32
      %add3A_523 = vector.broadcast %add3A_522 : i32 to vector<16xi32>
      %add3A_524 = arith.addi %add3A_259, %add3A_523 : vector<16xi32>
      tpu.vector_store_idx %arg9[%add3A_521], %add3A_524 : memref<16384xi32, #tpu.memory_space<vmem>>[vector<16xi32>], vector<16xi32>,
      %add3A_525 = arith.constant 43 : i32
      %add3A_526 = vector.broadcast %add3A_525 : i32 to vector<16xi32>
      %add3A_527 = arith.addi %mul3A_266, %add3A_526 : vector<16xi32>
      %add3A_528 = arith.constant 704512 : i32
      %add3A_529 = vector.broadcast %add3A_528 : i32 to vector<16xi32>
      %add3A_530 = arith.addi %add3A_259, %add3A_529 : vector<16xi32>
      tpu.vector_store_idx %arg9[%add3A_527], %add3A_530 : memref<16384xi32, #tpu.memory_space<vmem>>[vector<16xi32>], vector<16xi32>,
      %add3A_531 = arith.constant 44 : i32
      %add3A_532 = vector.broadcast %add3A_531 : i32 to vector<16xi32>
      %add3A_533 = arith.addi %mul3A_266, %add3A_532 : vector<16xi32>
      %add3A_534 = arith.constant 720896 : i32
      %add3A_535 = vector.broadcast %add3A_534 : i32 to vector<16xi32>
      %add3A_536 = arith.addi %add3A_259, %add3A_535 : vector<16xi32>
      tpu.vector_store_idx %arg9[%add3A_533], %add3A_536 : memref<16384xi32, #tpu.memory_space<vmem>>[vector<16xi32>], vector<16xi32>,
      %add3A_537 = arith.constant 45 : i32
      %add3A_538 = vector.broadcast %add3A_537 : i32 to vector<16xi32>
      %add3A_539 = arith.addi %mul3A_266, %add3A_538 : vector<16xi32>
      %add3A_540 = arith.constant 737280 : i32
      %add3A_541 = vector.broadcast %add3A_540 : i32 to vector<16xi32>
      %add3A_542 = arith.addi %add3A_259, %add3A_541 : vector<16xi32>
      tpu.vector_store_idx %arg9[%add3A_539], %add3A_542 : memref<16384xi32, #tpu.memory_space<vmem>>[vector<16xi32>], vector<16xi32>,
      %add3A_543 = arith.constant 46 : i32
      %add3A_544 = vector.broadcast %add3A_543 : i32 to vector<16xi32>
      %add3A_545 = arith.addi %mul3A_266, %add3A_544 : vector<16xi32>
      %add3A_546 = arith.constant 753664 : i32
      %add3A_547 = vector.broadcast %add3A_546 : i32 to vector<16xi32>
      %add3A_548 = arith.addi %add3A_259, %add3A_547 : vector<16xi32>
      tpu.vector_store_idx %arg9[%add3A_545], %add3A_548 : memref<16384xi32, #tpu.memory_space<vmem>>[vector<16xi32>], vector<16xi32>,
      %add3A_549 = arith.constant 47 : i32
      %add3A_550 = vector.broadcast %add3A_549 : i32 to vector<16xi32>
      %add3A_551 = arith.addi %mul3A_266, %add3A_550 : vector<16xi32>
      %add3A_552 = arith.constant 770048 : i32
      %add3A_553 = vector.broadcast %add3A_552 : i32 to vector<16xi32>
      %add3A_554 = arith.addi %add3A_259, %add3A_553 : vector<16xi32>
      tpu.vector_store_idx %arg9[%add3A_551], %add3A_554 : memref<16384xi32, #tpu.memory_space<vmem>>[vector<16xi32>], vector<16xi32>,
      %add3A_555 = arith.constant 48 : i32
      %add3A_556 = vector.broadcast %add3A_555 : i32 to vector<16xi32>
      %add3A_557 = arith.addi %mul3A_266, %add3A_556 : vector<16xi32>
      %add3A_558 = arith.constant 786432 : i32
      %add3A_559 = vector.broadcast %add3A_558 : i32 to vector<16xi32>
      %add3A_560 = arith.addi %add3A_259, %add3A_559 : vector<16xi32>
      tpu.vector_store_idx %arg9[%add3A_557], %add3A_560 : memref<16384xi32, #tpu.memory_space<vmem>>[vector<16xi32>], vector<16xi32>,
      %add3A_561 = arith.constant 49 : i32
      %add3A_562 = vector.broadcast %add3A_561 : i32 to vector<16xi32>
      %add3A_563 = arith.addi %mul3A_266, %add3A_562 : vector<16xi32>
      %add3A_564 = arith.constant 802816 : i32
      %add3A_565 = vector.broadcast %add3A_564 : i32 to vector<16xi32>
      %add3A_566 = arith.addi %add3A_259, %add3A_565 : vector<16xi32>
      tpu.vector_store_idx %arg9[%add3A_563], %add3A_566 : memref<16384xi32, #tpu.memory_space<vmem>>[vector<16xi32>], vector<16xi32>,
      %add3A_567 = arith.constant 50 : i32
      %add3A_568 = vector.broadcast %add3A_567 : i32 to vector<16xi32>
      %add3A_569 = arith.addi %mul3A_266, %add3A_568 : vector<16xi32>
      %add3A_570 = arith.constant 819200 : i32
      %add3A_571 = vector.broadcast %add3A_570 : i32 to vector<16xi32>
      %add3A_572 = arith.addi %add3A_259, %add3A_571 : vector<16xi32>
      tpu.vector_store_idx %arg9[%add3A_569], %add3A_572 : memref<16384xi32, #tpu.memory_space<vmem>>[vector<16xi32>], vector<16xi32>,
      %add3A_573 = arith.constant 51 : i32
      %add3A_574 = vector.broadcast %add3A_573 : i32 to vector<16xi32>
      %add3A_575 = arith.addi %mul3A_266, %add3A_574 : vector<16xi32>
      %add3A_576 = arith.constant 835584 : i32
      %add3A_577 = vector.broadcast %add3A_576 : i32 to vector<16xi32>
      %add3A_578 = arith.addi %add3A_259, %add3A_577 : vector<16xi32>
      tpu.vector_store_idx %arg9[%add3A_575], %add3A_578 : memref<16384xi32, #tpu.memory_space<vmem>>[vector<16xi32>], vector<16xi32>,
      %add3A_579 = arith.constant 52 : i32
      %add3A_580 = vector.broadcast %add3A_579 : i32 to vector<16xi32>
      %add3A_581 = arith.addi %mul3A_266, %add3A_580 : vector<16xi32>
      %add3A_582 = arith.constant 851968 : i32
      %add3A_583 = vector.broadcast %add3A_582 : i32 to vector<16xi32>
      %add3A_584 = arith.addi %add3A_259, %add3A_583 : vector<16xi32>
      tpu.vector_store_idx %arg9[%add3A_581], %add3A_584 : memref<16384xi32, #tpu.memory_space<vmem>>[vector<16xi32>], vector<16xi32>,
      %add3A_585 = arith.constant 53 : i32
      %add3A_586 = vector.broadcast %add3A_585 : i32 to vector<16xi32>
      %add3A_587 = arith.addi %mul3A_266, %add3A_586 : vector<16xi32>
      %add3A_588 = arith.constant 868352 : i32
      %add3A_589 = vector.broadcast %add3A_588 : i32 to vector<16xi32>
      %add3A_590 = arith.addi %add3A_259, %add3A_589 : vector<16xi32>
      tpu.vector_store_idx %arg9[%add3A_587], %add3A_590 : memref<16384xi32, #tpu.memory_space<vmem>>[vector<16xi32>], vector<16xi32>,
      %add3A_591 = arith.constant 54 : i32
      %add3A_592 = vector.broadcast %add3A_591 : i32 to vector<16xi32>
      %add3A_593 = arith.addi %mul3A_266, %add3A_592 : vector<16xi32>
      %add3A_594 = arith.constant 884736 : i32
      %add3A_595 = vector.broadcast %add3A_594 : i32 to vector<16xi32>
      %add3A_596 = arith.addi %add3A_259, %add3A_595 : vector<16xi32>
      tpu.vector_store_idx %arg9[%add3A_593], %add3A_596 : memref<16384xi32, #tpu.memory_space<vmem>>[vector<16xi32>], vector<16xi32>,
      %add3A_597 = arith.constant 55 : i32
      %add3A_598 = vector.broadcast %add3A_597 : i32 to vector<16xi32>
      %add3A_599 = arith.addi %mul3A_266, %add3A_598 : vector<16xi32>
      %add3A_600 = arith.constant 901120 : i32
      %add3A_601 = vector.broadcast %add3A_600 : i32 to vector<16xi32>
      %add3A_602 = arith.addi %add3A_259, %add3A_601 : vector<16xi32>
      tpu.vector_store_idx %arg9[%add3A_599], %add3A_602 : memref<16384xi32, #tpu.memory_space<vmem>>[vector<16xi32>], vector<16xi32>,
      %add3A_603 = arith.constant 56 : i32
      %add3A_604 = vector.broadcast %add3A_603 : i32 to vector<16xi32>
      %add3A_605 = arith.addi %mul3A_266, %add3A_604 : vector<16xi32>
      %add3A_606 = arith.constant 917504 : i32
      %add3A_607 = vector.broadcast %add3A_606 : i32 to vector<16xi32>
      %add3A_608 = arith.addi %add3A_259, %add3A_607 : vector<16xi32>
      tpu.vector_store_idx %arg9[%add3A_605], %add3A_608 : memref<16384xi32, #tpu.memory_space<vmem>>[vector<16xi32>], vector<16xi32>,
      %add3A_609 = arith.constant 57 : i32
      %add3A_610 = vector.broadcast %add3A_609 : i32 to vector<16xi32>
      %add3A_611 = arith.addi %mul3A_266, %add3A_610 : vector<16xi32>
      %add3A_612 = arith.constant 933888 : i32
      %add3A_613 = vector.broadcast %add3A_612 : i32 to vector<16xi32>
      %add3A_614 = arith.addi %add3A_259, %add3A_613 : vector<16xi32>
      tpu.vector_store_idx %arg9[%add3A_611], %add3A_614 : memref<16384xi32, #tpu.memory_space<vmem>>[vector<16xi32>], vector<16xi32>,
      %add3A_615 = arith.constant 58 : i32
      %add3A_616 = vector.broadcast %add3A_615 : i32 to vector<16xi32>
      %add3A_617 = arith.addi %mul3A_266, %add3A_616 : vector<16xi32>
      %add3A_618 = arith.constant 950272 : i32
      %add3A_619 = vector.broadcast %add3A_618 : i32 to vector<16xi32>
      %add3A_620 = arith.addi %add3A_259, %add3A_619 : vector<16xi32>
      tpu.vector_store_idx %arg9[%add3A_617], %add3A_620 : memref<16384xi32, #tpu.memory_space<vmem>>[vector<16xi32>], vector<16xi32>,
      %add3A_621 = arith.constant 59 : i32
      %add3A_622 = vector.broadcast %add3A_621 : i32 to vector<16xi32>
      %add3A_623 = arith.addi %mul3A_266, %add3A_622 : vector<16xi32>
      %add3A_624 = arith.constant 966656 : i32
      %add3A_625 = vector.broadcast %add3A_624 : i32 to vector<16xi32>
      %add3A_626 = arith.addi %add3A_259, %add3A_625 : vector<16xi32>
      tpu.vector_store_idx %arg9[%add3A_623], %add3A_626 : memref<16384xi32, #tpu.memory_space<vmem>>[vector<16xi32>], vector<16xi32>,
      %add3A_627 = arith.constant 60 : i32
      %add3A_628 = vector.broadcast %add3A_627 : i32 to vector<16xi32>
      %add3A_629 = arith.addi %mul3A_266, %add3A_628 : vector<16xi32>
      %add3A_630 = arith.constant 983040 : i32
      %add3A_631 = vector.broadcast %add3A_630 : i32 to vector<16xi32>
      %add3A_632 = arith.addi %add3A_259, %add3A_631 : vector<16xi32>
      tpu.vector_store_idx %arg9[%add3A_629], %add3A_632 : memref<16384xi32, #tpu.memory_space<vmem>>[vector<16xi32>], vector<16xi32>,
      %add3A_633 = arith.constant 61 : i32
      %add3A_634 = vector.broadcast %add3A_633 : i32 to vector<16xi32>
      %add3A_635 = arith.addi %mul3A_266, %add3A_634 : vector<16xi32>
      %add3A_636 = arith.constant 999424 : i32
      %add3A_637 = vector.broadcast %add3A_636 : i32 to vector<16xi32>
      %add3A_638 = arith.addi %add3A_259, %add3A_637 : vector<16xi32>
      tpu.vector_store_idx %arg9[%add3A_635], %add3A_638 : memref<16384xi32, #tpu.memory_space<vmem>>[vector<16xi32>], vector<16xi32>,
      %add3A_639 = arith.constant 62 : i32
      %add3A_640 = vector.broadcast %add3A_639 : i32 to vector<16xi32>
      %add3A_641 = arith.addi %mul3A_266, %add3A_640 : vector<16xi32>
      %add3A_642 = arith.constant 1015808 : i32
      %add3A_643 = vector.broadcast %add3A_642 : i32 to vector<16xi32>
      %add3A_644 = arith.addi %add3A_259, %add3A_643 : vector<16xi32>
      tpu.vector_store_idx %arg9[%add3A_641], %add3A_644 : memref<16384xi32, #tpu.memory_space<vmem>>[vector<16xi32>], vector<16xi32>,
      %add3A_645 = arith.constant 63 : i32
      %add3A_646 = vector.broadcast %add3A_645 : i32 to vector<16xi32>
      %add3A_647 = arith.addi %mul3A_266, %add3A_646 : vector<16xi32>
      %add3A_648 = arith.constant 1032192 : i32
      %add3A_649 = vector.broadcast %add3A_648 : i32 to vector<16xi32>
      %add3A_650 = arith.addi %add3A_259, %add3A_649 : vector<16xi32>
      tpu.vector_store_idx %arg9[%add3A_647], %add3A_650 : memref<16384xi32, #tpu.memory_space<vmem>>[vector<16xi32>], vector<16xi32>,
    }
    %scan3A_17 = arith.constant 2 : i32
    %dma_start3A_18 = arith.constant 0 : i32
    %dma_start3A_19 = tpu.memref_slice %arg10[%dma_start3A_18] : memref<16384xf32, #tpu.memory_space<vmem>> -> memref<2048xf32, #tpu.memory_space<vmem>>
    %dma_start3A_20 = arith.constant 0 : i32
    %dma_start3A_21 = tpu.memref_slice %arg9[%dma_start3A_20] : memref<16384xi32, #tpu.memory_space<vmem>> -> memref<2048xi32, #tpu.memory_space<vmem>>
    %dma_start3A_22 = arith.constant 0 : i32
    %dma_start3A_23 = tpu.memref_slice %arg2[%dma_start3A_22] : memref<16777216xf32, #tpu.memory_space<hbm>> -> memref<16777216xf32, #tpu.memory_space<hbm>>
    tpu.enqueue_indirect_dma source(%dma_start3A_23 : memref<16777216xf32, #tpu.memory_space<hbm>>) target(%dma_start3A_19 : memref<2048xf32, #tpu.memory_space<vmem>>) offsets(%dma_start3A_21 : memref<2048xi32, #tpu.memory_space<vmem>>) semaphore(%arg16 : memref<!tpu.dma_semaphore, #tpu.memory_space<semaphore_mem>>)
    %scan3A_24 = arith.constant 0 : i32
    %scan3A_25 = arith.constant 2 : i32
    %scan3A_26 = arith.constant 2 : i32
    %scan3A_27 = arith.addi %scan3A_25, %scan3A_26 : i32
    %scan3A_28 = arith.constant 1 : i32
    scf.for %scan3A_248 = %scan3A_25 to %scan3A_27 step %scan3A_28  : i32 {
      %mul3A_249 = arith.constant 16 : i32
      %mul3A_250 = arith.muli %scan3A_248, %mul3A_249 : i32
      %get3A = arith.index_cast %mul3A_250 : i32 to index
      %get3A_251 = tpu.vector_load %arg7[%get3A] {strides = array<i32>} : memref<256xi32, #tpu.memory_space<vmem>>, vector<16xi32>,
      %mul3A_252 = arith.constant 16 : i32
      %mul3A_253 = arith.muli %scan3A_248, %mul3A_252 : i32
      %get3A_254 = arith.index_cast %mul3A_253 : i32 to index
      %get3A_255 = tpu.vector_load %arg8[%get3A_254] {strides = array<i32>} : memref<256xi32, #tpu.memory_space<vmem>>, vector<16xi32>,
      %mul3A_256 = arith.constant 1048576 : i32
      %mul3A_257 = vector.broadcast %mul3A_256 : i32 to vector<16xi32>
      %mul3A_258 = arith.muli %get3A_255, %mul3A_257 : vector<16xi32>
      %add3A_259 = arith.addi %mul3A_258, %get3A_251 : vector<16xi32>
      %mul3A_260 = arith.constant 16 : i32
      %mul3A_261 = arith.muli %scan3A_248, %mul3A_260 : i32
      %add3A_262 = vector.broadcast %mul3A_261 : i32 to vector<16xi32>
      %add3A_263 = arith.addi %add3A_262, %iota3A : vector<16xi32>
      %mul3A_264 = arith.constant 64 : i32
      %mul3A_265 = vector.broadcast %mul3A_264 : i32 to vector<16xi32>
      %mul3A_266 = arith.muli %add3A_263, %mul3A_265 : vector<16xi32>
      %add3A_267 = arith.constant 0 : i32
      %add3A_268 = vector.broadcast %add3A_267 : i32 to vector<16xi32>
      %add3A_269 = arith.addi %mul3A_266, %add3A_268 : vector<16xi32>
      %add3A_270 = arith.constant 0 : i32
      %add3A_271 = vector.broadcast %add3A_270 : i32 to vector<16xi32>
      %add3A_272 = arith.addi %add3A_259, %add3A_271 : vector<16xi32>
      tpu.vector_store_idx %arg9[%add3A_269], %add3A_272 : memref<16384xi32, #tpu.memory_space<vmem>>[vector<16xi32>], vector<16xi32>,
      %add3A_273 = arith.constant 1 : i32
      %add3A_274 = vector.broadcast %add3A_273 : i32 to vector<16xi32>
      %add3A_275 = arith.addi %mul3A_266, %add3A_274 : vector<16xi32>
      %add3A_276 = arith.constant 16384 : i32
      %add3A_277 = vector.broadcast %add3A_276 : i32 to vector<16xi32>
      %add3A_278 = arith.addi %add3A_259, %add3A_277 : vector<16xi32>
      tpu.vector_store_idx %arg9[%add3A_275], %add3A_278 : memref<16384xi32, #tpu.memory_space<vmem>>[vector<16xi32>], vector<16xi32>,
      %add3A_279 = arith.constant 2 : i32
      %add3A_280 = vector.broadcast %add3A_279 : i32 to vector<16xi32>
      %add3A_281 = arith.addi %mul3A_266, %add3A_280 : vector<16xi32>
      %add3A_282 = arith.constant 32768 : i32
      %add3A_283 = vector.broadcast %add3A_282 : i32 to vector<16xi32>
      %add3A_284 = arith.addi %add3A_259, %add3A_283 : vector<16xi32>
      tpu.vector_store_idx %arg9[%add3A_281], %add3A_284 : memref<16384xi32, #tpu.memory_space<vmem>>[vector<16xi32>], vector<16xi32>,
      %add3A_285 = arith.constant 3 : i32
      %add3A_286 = vector.broadcast %add3A_285 : i32 to vector<16xi32>
      %add3A_287 = arith.addi %mul3A_266, %add3A_286 : vector<16xi32>
      %add3A_288 = arith.constant 49152 : i32
      %add3A_289 = vector.broadcast %add3A_288 : i32 to vector<16xi32>
      %add3A_290 = arith.addi %add3A_259, %add3A_289 : vector<16xi32>
      tpu.vector_store_idx %arg9[%add3A_287], %add3A_290 : memref<16384xi32, #tpu.memory_space<vmem>>[vector<16xi32>], vector<16xi32>,
      %add3A_291 = arith.constant 4 : i32
      %add3A_292 = vector.broadcast %add3A_291 : i32 to vector<16xi32>
      %add3A_293 = arith.addi %mul3A_266, %add3A_292 : vector<16xi32>
      %add3A_294 = arith.constant 65536 : i32
      %add3A_295 = vector.broadcast %add3A_294 : i32 to vector<16xi32>
      %add3A_296 = arith.addi %add3A_259, %add3A_295 : vector<16xi32>
      tpu.vector_store_idx %arg9[%add3A_293], %add3A_296 : memref<16384xi32, #tpu.memory_space<vmem>>[vector<16xi32>], vector<16xi32>,
      %add3A_297 = arith.constant 5 : i32
      %add3A_298 = vector.broadcast %add3A_297 : i32 to vector<16xi32>
      %add3A_299 = arith.addi %mul3A_266, %add3A_298 : vector<16xi32>
      %add3A_300 = arith.constant 81920 : i32
      %add3A_301 = vector.broadcast %add3A_300 : i32 to vector<16xi32>
      %add3A_302 = arith.addi %add3A_259, %add3A_301 : vector<16xi32>
      tpu.vector_store_idx %arg9[%add3A_299], %add3A_302 : memref<16384xi32, #tpu.memory_space<vmem>>[vector<16xi32>], vector<16xi32>,
      %add3A_303 = arith.constant 6 : i32
      %add3A_304 = vector.broadcast %add3A_303 : i32 to vector<16xi32>
      %add3A_305 = arith.addi %mul3A_266, %add3A_304 : vector<16xi32>
      %add3A_306 = arith.constant 98304 : i32
      %add3A_307 = vector.broadcast %add3A_306 : i32 to vector<16xi32>
      %add3A_308 = arith.addi %add3A_259, %add3A_307 : vector<16xi32>
      tpu.vector_store_idx %arg9[%add3A_305], %add3A_308 : memref<16384xi32, #tpu.memory_space<vmem>>[vector<16xi32>], vector<16xi32>,
      %add3A_309 = arith.constant 7 : i32
      %add3A_310 = vector.broadcast %add3A_309 : i32 to vector<16xi32>
      %add3A_311 = arith.addi %mul3A_266, %add3A_310 : vector<16xi32>
      %add3A_312 = arith.constant 114688 : i32
      %add3A_313 = vector.broadcast %add3A_312 : i32 to vector<16xi32>
      %add3A_314 = arith.addi %add3A_259, %add3A_313 : vector<16xi32>
      tpu.vector_store_idx %arg9[%add3A_311], %add3A_314 : memref<16384xi32, #tpu.memory_space<vmem>>[vector<16xi32>], vector<16xi32>,
      %add3A_315 = arith.constant 8 : i32
      %add3A_316 = vector.broadcast %add3A_315 : i32 to vector<16xi32>
      %add3A_317 = arith.addi %mul3A_266, %add3A_316 : vector<16xi32>
      %add3A_318 = arith.constant 131072 : i32
      %add3A_319 = vector.broadcast %add3A_318 : i32 to vector<16xi32>
      %add3A_320 = arith.addi %add3A_259, %add3A_319 : vector<16xi32>
      tpu.vector_store_idx %arg9[%add3A_317], %add3A_320 : memref<16384xi32, #tpu.memory_space<vmem>>[vector<16xi32>], vector<16xi32>,
      %add3A_321 = arith.constant 9 : i32
      %add3A_322 = vector.broadcast %add3A_321 : i32 to vector<16xi32>
      %add3A_323 = arith.addi %mul3A_266, %add3A_322 : vector<16xi32>
      %add3A_324 = arith.constant 147456 : i32
      %add3A_325 = vector.broadcast %add3A_324 : i32 to vector<16xi32>
      %add3A_326 = arith.addi %add3A_259, %add3A_325 : vector<16xi32>
      tpu.vector_store_idx %arg9[%add3A_323], %add3A_326 : memref<16384xi32, #tpu.memory_space<vmem>>[vector<16xi32>], vector<16xi32>,
      %add3A_327 = arith.constant 10 : i32
      %add3A_328 = vector.broadcast %add3A_327 : i32 to vector<16xi32>
      %add3A_329 = arith.addi %mul3A_266, %add3A_328 : vector<16xi32>
      %add3A_330 = arith.constant 163840 : i32
      %add3A_331 = vector.broadcast %add3A_330 : i32 to vector<16xi32>
      %add3A_332 = arith.addi %add3A_259, %add3A_331 : vector<16xi32>
      tpu.vector_store_idx %arg9[%add3A_329], %add3A_332 : memref<16384xi32, #tpu.memory_space<vmem>>[vector<16xi32>], vector<16xi32>,
      %add3A_333 = arith.constant 11 : i32
      %add3A_334 = vector.broadcast %add3A_333 : i32 to vector<16xi32>
      %add3A_335 = arith.addi %mul3A_266, %add3A_334 : vector<16xi32>
      %add3A_336 = arith.constant 180224 : i32
      %add3A_337 = vector.broadcast %add3A_336 : i32 to vector<16xi32>
      %add3A_338 = arith.addi %add3A_259, %add3A_337 : vector<16xi32>
      tpu.vector_store_idx %arg9[%add3A_335], %add3A_338 : memref<16384xi32, #tpu.memory_space<vmem>>[vector<16xi32>], vector<16xi32>,
      %add3A_339 = arith.constant 12 : i32
      %add3A_340 = vector.broadcast %add3A_339 : i32 to vector<16xi32>
      %add3A_341 = arith.addi %mul3A_266, %add3A_340 : vector<16xi32>
      %add3A_342 = arith.constant 196608 : i32
      %add3A_343 = vector.broadcast %add3A_342 : i32 to vector<16xi32>
      %add3A_344 = arith.addi %add3A_259, %add3A_343 : vector<16xi32>
      tpu.vector_store_idx %arg9[%add3A_341], %add3A_344 : memref<16384xi32, #tpu.memory_space<vmem>>[vector<16xi32>], vector<16xi32>,
      %add3A_345 = arith.constant 13 : i32
      %add3A_346 = vector.broadcast %add3A_345 : i32 to vector<16xi32>
      %add3A_347 = arith.addi %mul3A_266, %add3A_346 : vector<16xi32>
      %add3A_348 = arith.constant 212992 : i32
      %add3A_349 = vector.broadcast %add3A_348 : i32 to vector<16xi32>
      %add3A_350 = arith.addi %add3A_259, %add3A_349 : vector<16xi32>
      tpu.vector_store_idx %arg9[%add3A_347], %add3A_350 : memref<16384xi32, #tpu.memory_space<vmem>>[vector<16xi32>], vector<16xi32>,
      %add3A_351 = arith.constant 14 : i32
      %add3A_352 = vector.broadcast %add3A_351 : i32 to vector<16xi32>
      %add3A_353 = arith.addi %mul3A_266, %add3A_352 : vector<16xi32>
      %add3A_354 = arith.constant 229376 : i32
      %add3A_355 = vector.broadcast %add3A_354 : i32 to vector<16xi32>
      %add3A_356 = arith.addi %add3A_259, %add3A_355 : vector<16xi32>
      tpu.vector_store_idx %arg9[%add3A_353], %add3A_356 : memref<16384xi32, #tpu.memory_space<vmem>>[vector<16xi32>], vector<16xi32>,
      %add3A_357 = arith.constant 15 : i32
      %add3A_358 = vector.broadcast %add3A_357 : i32 to vector<16xi32>
      %add3A_359 = arith.addi %mul3A_266, %add3A_358 : vector<16xi32>
      %add3A_360 = arith.constant 245760 : i32
      %add3A_361 = vector.broadcast %add3A_360 : i32 to vector<16xi32>
      %add3A_362 = arith.addi %add3A_259, %add3A_361 : vector<16xi32>
      tpu.vector_store_idx %arg9[%add3A_359], %add3A_362 : memref<16384xi32, #tpu.memory_space<vmem>>[vector<16xi32>], vector<16xi32>,
      %add3A_363 = arith.constant 16 : i32
      %add3A_364 = vector.broadcast %add3A_363 : i32 to vector<16xi32>
      %add3A_365 = arith.addi %mul3A_266, %add3A_364 : vector<16xi32>
      %add3A_366 = arith.constant 262144 : i32
      %add3A_367 = vector.broadcast %add3A_366 : i32 to vector<16xi32>
      %add3A_368 = arith.addi %add3A_259, %add3A_367 : vector<16xi32>
      tpu.vector_store_idx %arg9[%add3A_365], %add3A_368 : memref<16384xi32, #tpu.memory_space<vmem>>[vector<16xi32>], vector<16xi32>,
      %add3A_369 = arith.constant 17 : i32
      %add3A_370 = vector.broadcast %add3A_369 : i32 to vector<16xi32>
      %add3A_371 = arith.addi %mul3A_266, %add3A_370 : vector<16xi32>
      %add3A_372 = arith.constant 278528 : i32
      %add3A_373 = vector.broadcast %add3A_372 : i32 to vector<16xi32>
      %add3A_374 = arith.addi %add3A_259, %add3A_373 : vector<16xi32>
      tpu.vector_store_idx %arg9[%add3A_371], %add3A_374 : memref<16384xi32, #tpu.memory_space<vmem>>[vector<16xi32>], vector<16xi32>,
      %add3A_375 = arith.constant 18 : i32
      %add3A_376 = vector.broadcast %add3A_375 : i32 to vector<16xi32>
      %add3A_377 = arith.addi %mul3A_266, %add3A_376 : vector<16xi32>
      %add3A_378 = arith.constant 294912 : i32
      %add3A_379 = vector.broadcast %add3A_378 : i32 to vector<16xi32>
      %add3A_380 = arith.addi %add3A_259, %add3A_379 : vector<16xi32>
      tpu.vector_store_idx %arg9[%add3A_377], %add3A_380 : memref<16384xi32, #tpu.memory_space<vmem>>[vector<16xi32>], vector<16xi32>,
      %add3A_381 = arith.constant 19 : i32
      %add3A_382 = vector.broadcast %add3A_381 : i32 to vector<16xi32>
      %add3A_383 = arith.addi %mul3A_266, %add3A_382 : vector<16xi32>
      %add3A_384 = arith.constant 311296 : i32
      %add3A_385 = vector.broadcast %add3A_384 : i32 to vector<16xi32>
      %add3A_386 = arith.addi %add3A_259, %add3A_385 : vector<16xi32>
      tpu.vector_store_idx %arg9[%add3A_383], %add3A_386 : memref<16384xi32, #tpu.memory_space<vmem>>[vector<16xi32>], vector<16xi32>,
      %add3A_387 = arith.constant 20 : i32
      %add3A_388 = vector.broadcast %add3A_387 : i32 to vector<16xi32>
      %add3A_389 = arith.addi %mul3A_266, %add3A_388 : vector<16xi32>
      %add3A_390 = arith.constant 327680 : i32
      %add3A_391 = vector.broadcast %add3A_390 : i32 to vector<16xi32>
      %add3A_392 = arith.addi %add3A_259, %add3A_391 : vector<16xi32>
      tpu.vector_store_idx %arg9[%add3A_389], %add3A_392 : memref<16384xi32, #tpu.memory_space<vmem>>[vector<16xi32>], vector<16xi32>,
      %add3A_393 = arith.constant 21 : i32
      %add3A_394 = vector.broadcast %add3A_393 : i32 to vector<16xi32>
      %add3A_395 = arith.addi %mul3A_266, %add3A_394 : vector<16xi32>
      %add3A_396 = arith.constant 344064 : i32
      %add3A_397 = vector.broadcast %add3A_396 : i32 to vector<16xi32>
      %add3A_398 = arith.addi %add3A_259, %add3A_397 : vector<16xi32>
      tpu.vector_store_idx %arg9[%add3A_395], %add3A_398 : memref<16384xi32, #tpu.memory_space<vmem>>[vector<16xi32>], vector<16xi32>,
      %add3A_399 = arith.constant 22 : i32
      %add3A_400 = vector.broadcast %add3A_399 : i32 to vector<16xi32>
      %add3A_401 = arith.addi %mul3A_266, %add3A_400 : vector<16xi32>
      %add3A_402 = arith.constant 360448 : i32
      %add3A_403 = vector.broadcast %add3A_402 : i32 to vector<16xi32>
      %add3A_404 = arith.addi %add3A_259, %add3A_403 : vector<16xi32>
      tpu.vector_store_idx %arg9[%add3A_401], %add3A_404 : memref<16384xi32, #tpu.memory_space<vmem>>[vector<16xi32>], vector<16xi32>,
      %add3A_405 = arith.constant 23 : i32
      %add3A_406 = vector.broadcast %add3A_405 : i32 to vector<16xi32>
      %add3A_407 = arith.addi %mul3A_266, %add3A_406 : vector<16xi32>
      %add3A_408 = arith.constant 376832 : i32
      %add3A_409 = vector.broadcast %add3A_408 : i32 to vector<16xi32>
      %add3A_410 = arith.addi %add3A_259, %add3A_409 : vector<16xi32>
      tpu.vector_store_idx %arg9[%add3A_407], %add3A_410 : memref<16384xi32, #tpu.memory_space<vmem>>[vector<16xi32>], vector<16xi32>,
      %add3A_411 = arith.constant 24 : i32
      %add3A_412 = vector.broadcast %add3A_411 : i32 to vector<16xi32>
      %add3A_413 = arith.addi %mul3A_266, %add3A_412 : vector<16xi32>
      %add3A_414 = arith.constant 393216 : i32
      %add3A_415 = vector.broadcast %add3A_414 : i32 to vector<16xi32>
      %add3A_416 = arith.addi %add3A_259, %add3A_415 : vector<16xi32>
      tpu.vector_store_idx %arg9[%add3A_413], %add3A_416 : memref<16384xi32, #tpu.memory_space<vmem>>[vector<16xi32>], vector<16xi32>,
      %add3A_417 = arith.constant 25 : i32
      %add3A_418 = vector.broadcast %add3A_417 : i32 to vector<16xi32>
      %add3A_419 = arith.addi %mul3A_266, %add3A_418 : vector<16xi32>
      %add3A_420 = arith.constant 409600 : i32
      %add3A_421 = vector.broadcast %add3A_420 : i32 to vector<16xi32>
      %add3A_422 = arith.addi %add3A_259, %add3A_421 : vector<16xi32>
      tpu.vector_store_idx %arg9[%add3A_419], %add3A_422 : memref<16384xi32, #tpu.memory_space<vmem>>[vector<16xi32>], vector<16xi32>,
      %add3A_423 = arith.constant 26 : i32
      %add3A_424 = vector.broadcast %add3A_423 : i32 to vector<16xi32>
      %add3A_425 = arith.addi %mul3A_266, %add3A_424 : vector<16xi32>
      %add3A_426 = arith.constant 425984 : i32
      %add3A_427 = vector.broadcast %add3A_426 : i32 to vector<16xi32>
      %add3A_428 = arith.addi %add3A_259, %add3A_427 : vector<16xi32>
      tpu.vector_store_idx %arg9[%add3A_425], %add3A_428 : memref<16384xi32, #tpu.memory_space<vmem>>[vector<16xi32>], vector<16xi32>,
      %add3A_429 = arith.constant 27 : i32
      %add3A_430 = vector.broadcast %add3A_429 : i32 to vector<16xi32>
      %add3A_431 = arith.addi %mul3A_266, %add3A_430 : vector<16xi32>
      %add3A_432 = arith.constant 442368 : i32
      %add3A_433 = vector.broadcast %add3A_432 : i32 to vector<16xi32>
      %add3A_434 = arith.addi %add3A_259, %add3A_433 : vector<16xi32>
      tpu.vector_store_idx %arg9[%add3A_431], %add3A_434 : memref<16384xi32, #tpu.memory_space<vmem>>[vector<16xi32>], vector<16xi32>,
      %add3A_435 = arith.constant 28 : i32
      %add3A_436 = vector.broadcast %add3A_435 : i32 to vector<16xi32>
      %add3A_437 = arith.addi %mul3A_266, %add3A_436 : vector<16xi32>
      %add3A_438 = arith.constant 458752 : i32
      %add3A_439 = vector.broadcast %add3A_438 : i32 to vector<16xi32>
      %add3A_440 = arith.addi %add3A_259, %add3A_439 : vector<16xi32>
      tpu.vector_store_idx %arg9[%add3A_437], %add3A_440 : memref<16384xi32, #tpu.memory_space<vmem>>[vector<16xi32>], vector<16xi32>,
      %add3A_441 = arith.constant 29 : i32
      %add3A_442 = vector.broadcast %add3A_441 : i32 to vector<16xi32>
      %add3A_443 = arith.addi %mul3A_266, %add3A_442 : vector<16xi32>
      %add3A_444 = arith.constant 475136 : i32
      %add3A_445 = vector.broadcast %add3A_444 : i32 to vector<16xi32>
      %add3A_446 = arith.addi %add3A_259, %add3A_445 : vector<16xi32>
      tpu.vector_store_idx %arg9[%add3A_443], %add3A_446 : memref<16384xi32, #tpu.memory_space<vmem>>[vector<16xi32>], vector<16xi32>,
      %add3A_447 = arith.constant 30 : i32
      %add3A_448 = vector.broadcast %add3A_447 : i32 to vector<16xi32>
      %add3A_449 = arith.addi %mul3A_266, %add3A_448 : vector<16xi32>
      %add3A_450 = arith.constant 491520 : i32
      %add3A_451 = vector.broadcast %add3A_450 : i32 to vector<16xi32>
      %add3A_452 = arith.addi %add3A_259, %add3A_451 : vector<16xi32>
      tpu.vector_store_idx %arg9[%add3A_449], %add3A_452 : memref<16384xi32, #tpu.memory_space<vmem>>[vector<16xi32>], vector<16xi32>,
      %add3A_453 = arith.constant 31 : i32
      %add3A_454 = vector.broadcast %add3A_453 : i32 to vector<16xi32>
      %add3A_455 = arith.addi %mul3A_266, %add3A_454 : vector<16xi32>
      %add3A_456 = arith.constant 507904 : i32
      %add3A_457 = vector.broadcast %add3A_456 : i32 to vector<16xi32>
      %add3A_458 = arith.addi %add3A_259, %add3A_457 : vector<16xi32>
      tpu.vector_store_idx %arg9[%add3A_455], %add3A_458 : memref<16384xi32, #tpu.memory_space<vmem>>[vector<16xi32>], vector<16xi32>,
      %add3A_459 = arith.constant 32 : i32
      %add3A_460 = vector.broadcast %add3A_459 : i32 to vector<16xi32>
      %add3A_461 = arith.addi %mul3A_266, %add3A_460 : vector<16xi32>
      %add3A_462 = arith.constant 524288 : i32
      %add3A_463 = vector.broadcast %add3A_462 : i32 to vector<16xi32>
      %add3A_464 = arith.addi %add3A_259, %add3A_463 : vector<16xi32>
      tpu.vector_store_idx %arg9[%add3A_461], %add3A_464 : memref<16384xi32, #tpu.memory_space<vmem>>[vector<16xi32>], vector<16xi32>,
      %add3A_465 = arith.constant 33 : i32
      %add3A_466 = vector.broadcast %add3A_465 : i32 to vector<16xi32>
      %add3A_467 = arith.addi %mul3A_266, %add3A_466 : vector<16xi32>
      %add3A_468 = arith.constant 540672 : i32
      %add3A_469 = vector.broadcast %add3A_468 : i32 to vector<16xi32>
      %add3A_470 = arith.addi %add3A_259, %add3A_469 : vector<16xi32>
      tpu.vector_store_idx %arg9[%add3A_467], %add3A_470 : memref<16384xi32, #tpu.memory_space<vmem>>[vector<16xi32>], vector<16xi32>,
      %add3A_471 = arith.constant 34 : i32
      %add3A_472 = vector.broadcast %add3A_471 : i32 to vector<16xi32>
      %add3A_473 = arith.addi %mul3A_266, %add3A_472 : vector<16xi32>
      %add3A_474 = arith.constant 557056 : i32
      %add3A_475 = vector.broadcast %add3A_474 : i32 to vector<16xi32>
      %add3A_476 = arith.addi %add3A_259, %add3A_475 : vector<16xi32>
      tpu.vector_store_idx %arg9[%add3A_473], %add3A_476 : memref<16384xi32, #tpu.memory_space<vmem>>[vector<16xi32>], vector<16xi32>,
      %add3A_477 = arith.constant 35 : i32
      %add3A_478 = vector.broadcast %add3A_477 : i32 to vector<16xi32>
      %add3A_479 = arith.addi %mul3A_266, %add3A_478 : vector<16xi32>
      %add3A_480 = arith.constant 573440 : i32
      %add3A_481 = vector.broadcast %add3A_480 : i32 to vector<16xi32>
      %add3A_482 = arith.addi %add3A_259, %add3A_481 : vector<16xi32>
      tpu.vector_store_idx %arg9[%add3A_479], %add3A_482 : memref<16384xi32, #tpu.memory_space<vmem>>[vector<16xi32>], vector<16xi32>,
      %add3A_483 = arith.constant 36 : i32
      %add3A_484 = vector.broadcast %add3A_483 : i32 to vector<16xi32>
      %add3A_485 = arith.addi %mul3A_266, %add3A_484 : vector<16xi32>
      %add3A_486 = arith.constant 589824 : i32
      %add3A_487 = vector.broadcast %add3A_486 : i32 to vector<16xi32>
      %add3A_488 = arith.addi %add3A_259, %add3A_487 : vector<16xi32>
      tpu.vector_store_idx %arg9[%add3A_485], %add3A_488 : memref<16384xi32, #tpu.memory_space<vmem>>[vector<16xi32>], vector<16xi32>,
      %add3A_489 = arith.constant 37 : i32
      %add3A_490 = vector.broadcast %add3A_489 : i32 to vector<16xi32>
      %add3A_491 = arith.addi %mul3A_266, %add3A_490 : vector<16xi32>
      %add3A_492 = arith.constant 606208 : i32
      %add3A_493 = vector.broadcast %add3A_492 : i32 to vector<16xi32>
      %add3A_494 = arith.addi %add3A_259, %add3A_493 : vector<16xi32>
      tpu.vector_store_idx %arg9[%add3A_491], %add3A_494 : memref<16384xi32, #tpu.memory_space<vmem>>[vector<16xi32>], vector<16xi32>,
      %add3A_495 = arith.constant 38 : i32
      %add3A_496 = vector.broadcast %add3A_495 : i32 to vector<16xi32>
      %add3A_497 = arith.addi %mul3A_266, %add3A_496 : vector<16xi32>
      %add3A_498 = arith.constant 622592 : i32
      %add3A_499 = vector.broadcast %add3A_498 : i32 to vector<16xi32>
      %add3A_500 = arith.addi %add3A_259, %add3A_499 : vector<16xi32>
      tpu.vector_store_idx %arg9[%add3A_497], %add3A_500 : memref<16384xi32, #tpu.memory_space<vmem>>[vector<16xi32>], vector<16xi32>,
      %add3A_501 = arith.constant 39 : i32
      %add3A_502 = vector.broadcast %add3A_501 : i32 to vector<16xi32>
      %add3A_503 = arith.addi %mul3A_266, %add3A_502 : vector<16xi32>
      %add3A_504 = arith.constant 638976 : i32
      %add3A_505 = vector.broadcast %add3A_504 : i32 to vector<16xi32>
      %add3A_506 = arith.addi %add3A_259, %add3A_505 : vector<16xi32>
      tpu.vector_store_idx %arg9[%add3A_503], %add3A_506 : memref<16384xi32, #tpu.memory_space<vmem>>[vector<16xi32>], vector<16xi32>,
      %add3A_507 = arith.constant 40 : i32
      %add3A_508 = vector.broadcast %add3A_507 : i32 to vector<16xi32>
      %add3A_509 = arith.addi %mul3A_266, %add3A_508 : vector<16xi32>
      %add3A_510 = arith.constant 655360 : i32
      %add3A_511 = vector.broadcast %add3A_510 : i32 to vector<16xi32>
      %add3A_512 = arith.addi %add3A_259, %add3A_511 : vector<16xi32>
      tpu.vector_store_idx %arg9[%add3A_509], %add3A_512 : memref<16384xi32, #tpu.memory_space<vmem>>[vector<16xi32>], vector<16xi32>,
      %add3A_513 = arith.constant 41 : i32
      %add3A_514 = vector.broadcast %add3A_513 : i32 to vector<16xi32>
      %add3A_515 = arith.addi %mul3A_266, %add3A_514 : vector<16xi32>
      %add3A_516 = arith.constant 671744 : i32
      %add3A_517 = vector.broadcast %add3A_516 : i32 to vector<16xi32>
      %add3A_518 = arith.addi %add3A_259, %add3A_517 : vector<16xi32>
      tpu.vector_store_idx %arg9[%add3A_515], %add3A_518 : memref<16384xi32, #tpu.memory_space<vmem>>[vector<16xi32>], vector<16xi32>,
      %add3A_519 = arith.constant 42 : i32
      %add3A_520 = vector.broadcast %add3A_519 : i32 to vector<16xi32>
      %add3A_521 = arith.addi %mul3A_266, %add3A_520 : vector<16xi32>
      %add3A_522 = arith.constant 688128 : i32
      %add3A_523 = vector.broadcast %add3A_522 : i32 to vector<16xi32>
      %add3A_524 = arith.addi %add3A_259, %add3A_523 : vector<16xi32>
      tpu.vector_store_idx %arg9[%add3A_521], %add3A_524 : memref<16384xi32, #tpu.memory_space<vmem>>[vector<16xi32>], vector<16xi32>,
      %add3A_525 = arith.constant 43 : i32
      %add3A_526 = vector.broadcast %add3A_525 : i32 to vector<16xi32>
      %add3A_527 = arith.addi %mul3A_266, %add3A_526 : vector<16xi32>
      %add3A_528 = arith.constant 704512 : i32
      %add3A_529 = vector.broadcast %add3A_528 : i32 to vector<16xi32>
      %add3A_530 = arith.addi %add3A_259, %add3A_529 : vector<16xi32>
      tpu.vector_store_idx %arg9[%add3A_527], %add3A_530 : memref<16384xi32, #tpu.memory_space<vmem>>[vector<16xi32>], vector<16xi32>,
      %add3A_531 = arith.constant 44 : i32
      %add3A_532 = vector.broadcast %add3A_531 : i32 to vector<16xi32>
      %add3A_533 = arith.addi %mul3A_266, %add3A_532 : vector<16xi32>
      %add3A_534 = arith.constant 720896 : i32
      %add3A_535 = vector.broadcast %add3A_534 : i32 to vector<16xi32>
      %add3A_536 = arith.addi %add3A_259, %add3A_535 : vector<16xi32>
      tpu.vector_store_idx %arg9[%add3A_533], %add3A_536 : memref<16384xi32, #tpu.memory_space<vmem>>[vector<16xi32>], vector<16xi32>,
      %add3A_537 = arith.constant 45 : i32
      %add3A_538 = vector.broadcast %add3A_537 : i32 to vector<16xi32>
      %add3A_539 = arith.addi %mul3A_266, %add3A_538 : vector<16xi32>
      %add3A_540 = arith.constant 737280 : i32
      %add3A_541 = vector.broadcast %add3A_540 : i32 to vector<16xi32>
      %add3A_542 = arith.addi %add3A_259, %add3A_541 : vector<16xi32>
      tpu.vector_store_idx %arg9[%add3A_539], %add3A_542 : memref<16384xi32, #tpu.memory_space<vmem>>[vector<16xi32>], vector<16xi32>,
      %add3A_543 = arith.constant 46 : i32
      %add3A_544 = vector.broadcast %add3A_543 : i32 to vector<16xi32>
      %add3A_545 = arith.addi %mul3A_266, %add3A_544 : vector<16xi32>
      %add3A_546 = arith.constant 753664 : i32
      %add3A_547 = vector.broadcast %add3A_546 : i32 to vector<16xi32>
      %add3A_548 = arith.addi %add3A_259, %add3A_547 : vector<16xi32>
      tpu.vector_store_idx %arg9[%add3A_545], %add3A_548 : memref<16384xi32, #tpu.memory_space<vmem>>[vector<16xi32>], vector<16xi32>,
      %add3A_549 = arith.constant 47 : i32
      %add3A_550 = vector.broadcast %add3A_549 : i32 to vector<16xi32>
      %add3A_551 = arith.addi %mul3A_266, %add3A_550 : vector<16xi32>
      %add3A_552 = arith.constant 770048 : i32
      %add3A_553 = vector.broadcast %add3A_552 : i32 to vector<16xi32>
      %add3A_554 = arith.addi %add3A_259, %add3A_553 : vector<16xi32>
      tpu.vector_store_idx %arg9[%add3A_551], %add3A_554 : memref<16384xi32, #tpu.memory_space<vmem>>[vector<16xi32>], vector<16xi32>,
      %add3A_555 = arith.constant 48 : i32
      %add3A_556 = vector.broadcast %add3A_555 : i32 to vector<16xi32>
      %add3A_557 = arith.addi %mul3A_266, %add3A_556 : vector<16xi32>
      %add3A_558 = arith.constant 786432 : i32
      %add3A_559 = vector.broadcast %add3A_558 : i32 to vector<16xi32>
      %add3A_560 = arith.addi %add3A_259, %add3A_559 : vector<16xi32>
      tpu.vector_store_idx %arg9[%add3A_557], %add3A_560 : memref<16384xi32, #tpu.memory_space<vmem>>[vector<16xi32>], vector<16xi32>,
      %add3A_561 = arith.constant 49 : i32
      %add3A_562 = vector.broadcast %add3A_561 : i32 to vector<16xi32>
      %add3A_563 = arith.addi %mul3A_266, %add3A_562 : vector<16xi32>
      %add3A_564 = arith.constant 802816 : i32
      %add3A_565 = vector.broadcast %add3A_564 : i32 to vector<16xi32>
      %add3A_566 = arith.addi %add3A_259, %add3A_565 : vector<16xi32>
      tpu.vector_store_idx %arg9[%add3A_563], %add3A_566 : memref<16384xi32, #tpu.memory_space<vmem>>[vector<16xi32>], vector<16xi32>,
      %add3A_567 = arith.constant 50 : i32
      %add3A_568 = vector.broadcast %add3A_567 : i32 to vector<16xi32>
      %add3A_569 = arith.addi %mul3A_266, %add3A_568 : vector<16xi32>
      %add3A_570 = arith.constant 819200 : i32
      %add3A_571 = vector.broadcast %add3A_570 : i32 to vector<16xi32>
      %add3A_572 = arith.addi %add3A_259, %add3A_571 : vector<16xi32>
      tpu.vector_store_idx %arg9[%add3A_569], %add3A_572 : memref<16384xi32, #tpu.memory_space<vmem>>[vector<16xi32>], vector<16xi32>,
      %add3A_573 = arith.constant 51 : i32
      %add3A_574 = vector.broadcast %add3A_573 : i32 to vector<16xi32>
      %add3A_575 = arith.addi %mul3A_266, %add3A_574 : vector<16xi32>
      %add3A_576 = arith.constant 835584 : i32
      %add3A_577 = vector.broadcast %add3A_576 : i32 to vector<16xi32>
      %add3A_578 = arith.addi %add3A_259, %add3A_577 : vector<16xi32>
      tpu.vector_store_idx %arg9[%add3A_575], %add3A_578 : memref<16384xi32, #tpu.memory_space<vmem>>[vector<16xi32>], vector<16xi32>,
      %add3A_579 = arith.constant 52 : i32
      %add3A_580 = vector.broadcast %add3A_579 : i32 to vector<16xi32>
      %add3A_581 = arith.addi %mul3A_266, %add3A_580 : vector<16xi32>
      %add3A_582 = arith.constant 851968 : i32
      %add3A_583 = vector.broadcast %add3A_582 : i32 to vector<16xi32>
      %add3A_584 = arith.addi %add3A_259, %add3A_583 : vector<16xi32>
      tpu.vector_store_idx %arg9[%add3A_581], %add3A_584 : memref<16384xi32, #tpu.memory_space<vmem>>[vector<16xi32>], vector<16xi32>,
      %add3A_585 = arith.constant 53 : i32
      %add3A_586 = vector.broadcast %add3A_585 : i32 to vector<16xi32>
      %add3A_587 = arith.addi %mul3A_266, %add3A_586 : vector<16xi32>
      %add3A_588 = arith.constant 868352 : i32
      %add3A_589 = vector.broadcast %add3A_588 : i32 to vector<16xi32>
      %add3A_590 = arith.addi %add3A_259, %add3A_589 : vector<16xi32>
      tpu.vector_store_idx %arg9[%add3A_587], %add3A_590 : memref<16384xi32, #tpu.memory_space<vmem>>[vector<16xi32>], vector<16xi32>,
      %add3A_591 = arith.constant 54 : i32
      %add3A_592 = vector.broadcast %add3A_591 : i32 to vector<16xi32>
      %add3A_593 = arith.addi %mul3A_266, %add3A_592 : vector<16xi32>
      %add3A_594 = arith.constant 884736 : i32
      %add3A_595 = vector.broadcast %add3A_594 : i32 to vector<16xi32>
      %add3A_596 = arith.addi %add3A_259, %add3A_595 : vector<16xi32>
      tpu.vector_store_idx %arg9[%add3A_593], %add3A_596 : memref<16384xi32, #tpu.memory_space<vmem>>[vector<16xi32>], vector<16xi32>,
      %add3A_597 = arith.constant 55 : i32
      %add3A_598 = vector.broadcast %add3A_597 : i32 to vector<16xi32>
      %add3A_599 = arith.addi %mul3A_266, %add3A_598 : vector<16xi32>
      %add3A_600 = arith.constant 901120 : i32
      %add3A_601 = vector.broadcast %add3A_600 : i32 to vector<16xi32>
      %add3A_602 = arith.addi %add3A_259, %add3A_601 : vector<16xi32>
      tpu.vector_store_idx %arg9[%add3A_599], %add3A_602 : memref<16384xi32, #tpu.memory_space<vmem>>[vector<16xi32>], vector<16xi32>,
      %add3A_603 = arith.constant 56 : i32
      %add3A_604 = vector.broadcast %add3A_603 : i32 to vector<16xi32>
      %add3A_605 = arith.addi %mul3A_266, %add3A_604 : vector<16xi32>
      %add3A_606 = arith.constant 917504 : i32
      %add3A_607 = vector.broadcast %add3A_606 : i32 to vector<16xi32>
      %add3A_608 = arith.addi %add3A_259, %add3A_607 : vector<16xi32>
      tpu.vector_store_idx %arg9[%add3A_605], %add3A_608 : memref<16384xi32, #tpu.memory_space<vmem>>[vector<16xi32>], vector<16xi32>,
      %add3A_609 = arith.constant 57 : i32
      %add3A_610 = vector.broadcast %add3A_609 : i32 to vector<16xi32>
      %add3A_611 = arith.addi %mul3A_266, %add3A_610 : vector<16xi32>
      %add3A_612 = arith.constant 933888 : i32
      %add3A_613 = vector.broadcast %add3A_612 : i32 to vector<16xi32>
      %add3A_614 = arith.addi %add3A_259, %add3A_613 : vector<16xi32>
      tpu.vector_store_idx %arg9[%add3A_611], %add3A_614 : memref<16384xi32, #tpu.memory_space<vmem>>[vector<16xi32>], vector<16xi32>,
      %add3A_615 = arith.constant 58 : i32
      %add3A_616 = vector.broadcast %add3A_615 : i32 to vector<16xi32>
      %add3A_617 = arith.addi %mul3A_266, %add3A_616 : vector<16xi32>
      %add3A_618 = arith.constant 950272 : i32
      %add3A_619 = vector.broadcast %add3A_618 : i32 to vector<16xi32>
      %add3A_620 = arith.addi %add3A_259, %add3A_619 : vector<16xi32>
      tpu.vector_store_idx %arg9[%add3A_617], %add3A_620 : memref<16384xi32, #tpu.memory_space<vmem>>[vector<16xi32>], vector<16xi32>,
      %add3A_621 = arith.constant 59 : i32
      %add3A_622 = vector.broadcast %add3A_621 : i32 to vector<16xi32>
      %add3A_623 = arith.addi %mul3A_266, %add3A_622 : vector<16xi32>
      %add3A_624 = arith.constant 966656 : i32
      %add3A_625 = vector.broadcast %add3A_624 : i32 to vector<16xi32>
      %add3A_626 = arith.addi %add3A_259, %add3A_625 : vector<16xi32>
      tpu.vector_store_idx %arg9[%add3A_623], %add3A_626 : memref<16384xi32, #tpu.memory_space<vmem>>[vector<16xi32>], vector<16xi32>,
      %add3A_627 = arith.constant 60 : i32
      %add3A_628 = vector.broadcast %add3A_627 : i32 to vector<16xi32>
      %add3A_629 = arith.addi %mul3A_266, %add3A_628 : vector<16xi32>
      %add3A_630 = arith.constant 983040 : i32
      %add3A_631 = vector.broadcast %add3A_630 : i32 to vector<16xi32>
      %add3A_632 = arith.addi %add3A_259, %add3A_631 : vector<16xi32>
      tpu.vector_store_idx %arg9[%add3A_629], %add3A_632 : memref<16384xi32, #tpu.memory_space<vmem>>[vector<16xi32>], vector<16xi32>,
      %add3A_633 = arith.constant 61 : i32
      %add3A_634 = vector.broadcast %add3A_633 : i32 to vector<16xi32>
      %add3A_635 = arith.addi %mul3A_266, %add3A_634 : vector<16xi32>
      %add3A_636 = arith.constant 999424 : i32
      %add3A_637 = vector.broadcast %add3A_636 : i32 to vector<16xi32>
      %add3A_638 = arith.addi %add3A_259, %add3A_637 : vector<16xi32>
      tpu.vector_store_idx %arg9[%add3A_635], %add3A_638 : memref<16384xi32, #tpu.memory_space<vmem>>[vector<16xi32>], vector<16xi32>,
      %add3A_639 = arith.constant 62 : i32
      %add3A_640 = vector.broadcast %add3A_639 : i32 to vector<16xi32>
      %add3A_641 = arith.addi %mul3A_266, %add3A_640 : vector<16xi32>
      %add3A_642 = arith.constant 1015808 : i32
      %add3A_643 = vector.broadcast %add3A_642 : i32 to vector<16xi32>
      %add3A_644 = arith.addi %add3A_259, %add3A_643 : vector<16xi32>
      tpu.vector_store_idx %arg9[%add3A_641], %add3A_644 : memref<16384xi32, #tpu.memory_space<vmem>>[vector<16xi32>], vector<16xi32>,
      %add3A_645 = arith.constant 63 : i32
      %add3A_646 = vector.broadcast %add3A_645 : i32 to vector<16xi32>
      %add3A_647 = arith.addi %mul3A_266, %add3A_646 : vector<16xi32>
      %add3A_648 = arith.constant 1032192 : i32
      %add3A_649 = vector.broadcast %add3A_648 : i32 to vector<16xi32>
      %add3A_650 = arith.addi %add3A_259, %add3A_649 : vector<16xi32>
      tpu.vector_store_idx %arg9[%add3A_647], %add3A_650 : memref<16384xi32, #tpu.memory_space<vmem>>[vector<16xi32>], vector<16xi32>,
    }
    %scan3A_29 = arith.constant 2 : i32
    %dma_start3A_30 = arith.constant 2048 : i32
    %dma_start3A_31 = tpu.memref_slice %arg10[%dma_start3A_30] : memref<16384xf32, #tpu.memory_space<vmem>> -> memref<2048xf32, #tpu.memory_space<vmem>>
    %dma_start3A_32 = arith.constant 2048 : i32
    %dma_start3A_33 = tpu.memref_slice %arg9[%dma_start3A_32] : memref<16384xi32, #tpu.memory_space<vmem>> -> memref<2048xi32, #tpu.memory_space<vmem>>
    %dma_start3A_34 = arith.constant 0 : i32
    %dma_start3A_35 = tpu.memref_slice %arg2[%dma_start3A_34] : memref<16777216xf32, #tpu.memory_space<hbm>> -> memref<16777216xf32, #tpu.memory_space<hbm>>
    tpu.enqueue_indirect_dma source(%dma_start3A_35 : memref<16777216xf32, #tpu.memory_space<hbm>>) target(%dma_start3A_31 : memref<2048xf32, #tpu.memory_space<vmem>>) offsets(%dma_start3A_33 : memref<2048xi32, #tpu.memory_space<vmem>>) semaphore(%arg17 : memref<!tpu.dma_semaphore, #tpu.memory_space<semaphore_mem>>)
    %scan3A_36 = arith.constant 0 : i32
    %scan3A_37 = arith.constant 4 : i32
    %scan3A_38 = arith.constant 2 : i32
    %scan3A_39 = arith.addi %scan3A_37, %scan3A_38 : i32
    %scan3A_40 = arith.constant 1 : i32
    scf.for %scan3A_248 = %scan3A_37 to %scan3A_39 step %scan3A_40  : i32 {
      %mul3A_249 = arith.constant 16 : i32
      %mul3A_250 = arith.muli %scan3A_248, %mul3A_249 : i32
      %get3A = arith.index_cast %mul3A_250 : i32 to index
      %get3A_251 = tpu.vector_load %arg7[%get3A] {strides = array<i32>} : memref<256xi32, #tpu.memory_space<vmem>>, vector<16xi32>,
      %mul3A_252 = arith.constant 16 : i32
      %mul3A_253 = arith.muli %scan3A_248, %mul3A_252 : i32
      %get3A_254 = arith.index_cast %mul3A_253 : i32 to index
      %get3A_255 = tpu.vector_load %arg8[%get3A_254] {strides = array<i32>} : memref<256xi32, #tpu.memory_space<vmem>>, vector<16xi32>,
      %mul3A_256 = arith.constant 1048576 : i32
      %mul3A_257 = vector.broadcast %mul3A_256 : i32 to vector<16xi32>
      %mul3A_258 = arith.muli %get3A_255, %mul3A_257 : vector<16xi32>
      %add3A_259 = arith.addi %mul3A_258, %get3A_251 : vector<16xi32>
      %mul3A_260 = arith.constant 16 : i32
      %mul3A_261 = arith.muli %scan3A_248, %mul3A_260 : i32
      %add3A_262 = vector.broadcast %mul3A_261 : i32 to vector<16xi32>
      %add3A_263 = arith.addi %add3A_262, %iota3A : vector<16xi32>
      %mul3A_264 = arith.constant 64 : i32
      %mul3A_265 = vector.broadcast %mul3A_264 : i32 to vector<16xi32>
      %mul3A_266 = arith.muli %add3A_263, %mul3A_265 : vector<16xi32>
      %add3A_267 = arith.constant 0 : i32
      %add3A_268 = vector.broadcast %add3A_267 : i32 to vector<16xi32>
      %add3A_269 = arith.addi %mul3A_266, %add3A_268 : vector<16xi32>
      %add3A_270 = arith.constant 0 : i32
      %add3A_271 = vector.broadcast %add3A_270 : i32 to vector<16xi32>
      %add3A_272 = arith.addi %add3A_259, %add3A_271 : vector<16xi32>
      tpu.vector_store_idx %arg9[%add3A_269], %add3A_272 : memref<16384xi32, #tpu.memory_space<vmem>>[vector<16xi32>], vector<16xi32>,
      %add3A_273 = arith.constant 1 : i32
      %add3A_274 = vector.broadcast %add3A_273 : i32 to vector<16xi32>
      %add3A_275 = arith.addi %mul3A_266, %add3A_274 : vector<16xi32>
      %add3A_276 = arith.constant 16384 : i32
      %add3A_277 = vector.broadcast %add3A_276 : i32 to vector<16xi32>
      %add3A_278 = arith.addi %add3A_259, %add3A_277 : vector<16xi32>
      tpu.vector_store_idx %arg9[%add3A_275], %add3A_278 : memref<16384xi32, #tpu.memory_space<vmem>>[vector<16xi32>], vector<16xi32>,
      %add3A_279 = arith.constant 2 : i32
      %add3A_280 = vector.broadcast %add3A_279 : i32 to vector<16xi32>
      %add3A_281 = arith.addi %mul3A_266, %add3A_280 : vector<16xi32>
      %add3A_282 = arith.constant 32768 : i32
      %add3A_283 = vector.broadcast %add3A_282 : i32 to vector<16xi32>
      %add3A_284 = arith.addi %add3A_259, %add3A_283 : vector<16xi32>
      tpu.vector_store_idx %arg9[%add3A_281], %add3A_284 : memref<16384xi32, #tpu.memory_space<vmem>>[vector<16xi32>], vector<16xi32>,
      %add3A_285 = arith.constant 3 : i32
      %add3A_286 = vector.broadcast %add3A_285 : i32 to vector<16xi32>
      %add3A_287 = arith.addi %mul3A_266, %add3A_286 : vector<16xi32>
      %add3A_288 = arith.constant 49152 : i32
      %add3A_289 = vector.broadcast %add3A_288 : i32 to vector<16xi32>
      %add3A_290 = arith.addi %add3A_259, %add3A_289 : vector<16xi32>
      tpu.vector_store_idx %arg9[%add3A_287], %add3A_290 : memref<16384xi32, #tpu.memory_space<vmem>>[vector<16xi32>], vector<16xi32>,
      %add3A_291 = arith.constant 4 : i32
      %add3A_292 = vector.broadcast %add3A_291 : i32 to vector<16xi32>
      %add3A_293 = arith.addi %mul3A_266, %add3A_292 : vector<16xi32>
      %add3A_294 = arith.constant 65536 : i32
      %add3A_295 = vector.broadcast %add3A_294 : i32 to vector<16xi32>
      %add3A_296 = arith.addi %add3A_259, %add3A_295 : vector<16xi32>
      tpu.vector_store_idx %arg9[%add3A_293], %add3A_296 : memref<16384xi32, #tpu.memory_space<vmem>>[vector<16xi32>], vector<16xi32>,
      %add3A_297 = arith.constant 5 : i32
      %add3A_298 = vector.broadcast %add3A_297 : i32 to vector<16xi32>
      %add3A_299 = arith.addi %mul3A_266, %add3A_298 : vector<16xi32>
      %add3A_300 = arith.constant 81920 : i32
      %add3A_301 = vector.broadcast %add3A_300 : i32 to vector<16xi32>
      %add3A_302 = arith.addi %add3A_259, %add3A_301 : vector<16xi32>
      tpu.vector_store_idx %arg9[%add3A_299], %add3A_302 : memref<16384xi32, #tpu.memory_space<vmem>>[vector<16xi32>], vector<16xi32>,
      %add3A_303 = arith.constant 6 : i32
      %add3A_304 = vector.broadcast %add3A_303 : i32 to vector<16xi32>
      %add3A_305 = arith.addi %mul3A_266, %add3A_304 : vector<16xi32>
      %add3A_306 = arith.constant 98304 : i32
      %add3A_307 = vector.broadcast %add3A_306 : i32 to vector<16xi32>
      %add3A_308 = arith.addi %add3A_259, %add3A_307 : vector<16xi32>
      tpu.vector_store_idx %arg9[%add3A_305], %add3A_308 : memref<16384xi32, #tpu.memory_space<vmem>>[vector<16xi32>], vector<16xi32>,
      %add3A_309 = arith.constant 7 : i32
      %add3A_310 = vector.broadcast %add3A_309 : i32 to vector<16xi32>
      %add3A_311 = arith.addi %mul3A_266, %add3A_310 : vector<16xi32>
      %add3A_312 = arith.constant 114688 : i32
      %add3A_313 = vector.broadcast %add3A_312 : i32 to vector<16xi32>
      %add3A_314 = arith.addi %add3A_259, %add3A_313 : vector<16xi32>
      tpu.vector_store_idx %arg9[%add3A_311], %add3A_314 : memref<16384xi32, #tpu.memory_space<vmem>>[vector<16xi32>], vector<16xi32>,
      %add3A_315 = arith.constant 8 : i32
      %add3A_316 = vector.broadcast %add3A_315 : i32 to vector<16xi32>
      %add3A_317 = arith.addi %mul3A_266, %add3A_316 : vector<16xi32>
      %add3A_318 = arith.constant 131072 : i32
      %add3A_319 = vector.broadcast %add3A_318 : i32 to vector<16xi32>
      %add3A_320 = arith.addi %add3A_259, %add3A_319 : vector<16xi32>
      tpu.vector_store_idx %arg9[%add3A_317], %add3A_320 : memref<16384xi32, #tpu.memory_space<vmem>>[vector<16xi32>], vector<16xi32>,
      %add3A_321 = arith.constant 9 : i32
      %add3A_322 = vector.broadcast %add3A_321 : i32 to vector<16xi32>
      %add3A_323 = arith.addi %mul3A_266, %add3A_322 : vector<16xi32>
      %add3A_324 = arith.constant 147456 : i32
      %add3A_325 = vector.broadcast %add3A_324 : i32 to vector<16xi32>
      %add3A_326 = arith.addi %add3A_259, %add3A_325 : vector<16xi32>
      tpu.vector_store_idx %arg9[%add3A_323], %add3A_326 : memref<16384xi32, #tpu.memory_space<vmem>>[vector<16xi32>], vector<16xi32>,
      %add3A_327 = arith.constant 10 : i32
      %add3A_328 = vector.broadcast %add3A_327 : i32 to vector<16xi32>
      %add3A_329 = arith.addi %mul3A_266, %add3A_328 : vector<16xi32>
      %add3A_330 = arith.constant 163840 : i32
      %add3A_331 = vector.broadcast %add3A_330 : i32 to vector<16xi32>
      %add3A_332 = arith.addi %add3A_259, %add3A_331 : vector<16xi32>
      tpu.vector_store_idx %arg9[%add3A_329], %add3A_332 : memref<16384xi32, #tpu.memory_space<vmem>>[vector<16xi32>], vector<16xi32>,
      %add3A_333 = arith.constant 11 : i32
      %add3A_334 = vector.broadcast %add3A_333 : i32 to vector<16xi32>
      %add3A_335 = arith.addi %mul3A_266, %add3A_334 : vector<16xi32>
      %add3A_336 = arith.constant 180224 : i32
      %add3A_337 = vector.broadcast %add3A_336 : i32 to vector<16xi32>
      %add3A_338 = arith.addi %add3A_259, %add3A_337 : vector<16xi32>
      tpu.vector_store_idx %arg9[%add3A_335], %add3A_338 : memref<16384xi32, #tpu.memory_space<vmem>>[vector<16xi32>], vector<16xi32>,
      %add3A_339 = arith.constant 12 : i32
      %add3A_340 = vector.broadcast %add3A_339 : i32 to vector<16xi32>
      %add3A_341 = arith.addi %mul3A_266, %add3A_340 : vector<16xi32>
      %add3A_342 = arith.constant 196608 : i32
      %add3A_343 = vector.broadcast %add3A_342 : i32 to vector<16xi32>
      %add3A_344 = arith.addi %add3A_259, %add3A_343 : vector<16xi32>
      tpu.vector_store_idx %arg9[%add3A_341], %add3A_344 : memref<16384xi32, #tpu.memory_space<vmem>>[vector<16xi32>], vector<16xi32>,
      %add3A_345 = arith.constant 13 : i32
      %add3A_346 = vector.broadcast %add3A_345 : i32 to vector<16xi32>
      %add3A_347 = arith.addi %mul3A_266, %add3A_346 : vector<16xi32>
      %add3A_348 = arith.constant 212992 : i32
      %add3A_349 = vector.broadcast %add3A_348 : i32 to vector<16xi32>
      %add3A_350 = arith.addi %add3A_259, %add3A_349 : vector<16xi32>
      tpu.vector_store_idx %arg9[%add3A_347], %add3A_350 : memref<16384xi32, #tpu.memory_space<vmem>>[vector<16xi32>], vector<16xi32>,
      %add3A_351 = arith.constant 14 : i32
      %add3A_352 = vector.broadcast %add3A_351 : i32 to vector<16xi32>
      %add3A_353 = arith.addi %mul3A_266, %add3A_352 : vector<16xi32>
      %add3A_354 = arith.constant 229376 : i32
      %add3A_355 = vector.broadcast %add3A_354 : i32 to vector<16xi32>
      %add3A_356 = arith.addi %add3A_259, %add3A_355 : vector<16xi32>
      tpu.vector_store_idx %arg9[%add3A_353], %add3A_356 : memref<16384xi32, #tpu.memory_space<vmem>>[vector<16xi32>], vector<16xi32>,
      %add3A_357 = arith.constant 15 : i32
      %add3A_358 = vector.broadcast %add3A_357 : i32 to vector<16xi32>
      %add3A_359 = arith.addi %mul3A_266, %add3A_358 : vector<16xi32>
      %add3A_360 = arith.constant 245760 : i32
      %add3A_361 = vector.broadcast %add3A_360 : i32 to vector<16xi32>
      %add3A_362 = arith.addi %add3A_259, %add3A_361 : vector<16xi32>
      tpu.vector_store_idx %arg9[%add3A_359], %add3A_362 : memref<16384xi32, #tpu.memory_space<vmem>>[vector<16xi32>], vector<16xi32>,
      %add3A_363 = arith.constant 16 : i32
      %add3A_364 = vector.broadcast %add3A_363 : i32 to vector<16xi32>
      %add3A_365 = arith.addi %mul3A_266, %add3A_364 : vector<16xi32>
      %add3A_366 = arith.constant 262144 : i32
      %add3A_367 = vector.broadcast %add3A_366 : i32 to vector<16xi32>
      %add3A_368 = arith.addi %add3A_259, %add3A_367 : vector<16xi32>
      tpu.vector_store_idx %arg9[%add3A_365], %add3A_368 : memref<16384xi32, #tpu.memory_space<vmem>>[vector<16xi32>], vector<16xi32>,
      %add3A_369 = arith.constant 17 : i32
      %add3A_370 = vector.broadcast %add3A_369 : i32 to vector<16xi32>
      %add3A_371 = arith.addi %mul3A_266, %add3A_370 : vector<16xi32>
      %add3A_372 = arith.constant 278528 : i32
      %add3A_373 = vector.broadcast %add3A_372 : i32 to vector<16xi32>
      %add3A_374 = arith.addi %add3A_259, %add3A_373 : vector<16xi32>
      tpu.vector_store_idx %arg9[%add3A_371], %add3A_374 : memref<16384xi32, #tpu.memory_space<vmem>>[vector<16xi32>], vector<16xi32>,
      %add3A_375 = arith.constant 18 : i32
      %add3A_376 = vector.broadcast %add3A_375 : i32 to vector<16xi32>
      %add3A_377 = arith.addi %mul3A_266, %add3A_376 : vector<16xi32>
      %add3A_378 = arith.constant 294912 : i32
      %add3A_379 = vector.broadcast %add3A_378 : i32 to vector<16xi32>
      %add3A_380 = arith.addi %add3A_259, %add3A_379 : vector<16xi32>
      tpu.vector_store_idx %arg9[%add3A_377], %add3A_380 : memref<16384xi32, #tpu.memory_space<vmem>>[vector<16xi32>], vector<16xi32>,
      %add3A_381 = arith.constant 19 : i32
      %add3A_382 = vector.broadcast %add3A_381 : i32 to vector<16xi32>
      %add3A_383 = arith.addi %mul3A_266, %add3A_382 : vector<16xi32>
      %add3A_384 = arith.constant 311296 : i32
      %add3A_385 = vector.broadcast %add3A_384 : i32 to vector<16xi32>
      %add3A_386 = arith.addi %add3A_259, %add3A_385 : vector<16xi32>
      tpu.vector_store_idx %arg9[%add3A_383], %add3A_386 : memref<16384xi32, #tpu.memory_space<vmem>>[vector<16xi32>], vector<16xi32>,
      %add3A_387 = arith.constant 20 : i32
      %add3A_388 = vector.broadcast %add3A_387 : i32 to vector<16xi32>
      %add3A_389 = arith.addi %mul3A_266, %add3A_388 : vector<16xi32>
      %add3A_390 = arith.constant 327680 : i32
      %add3A_391 = vector.broadcast %add3A_390 : i32 to vector<16xi32>
      %add3A_392 = arith.addi %add3A_259, %add3A_391 : vector<16xi32>
      tpu.vector_store_idx %arg9[%add3A_389], %add3A_392 : memref<16384xi32, #tpu.memory_space<vmem>>[vector<16xi32>], vector<16xi32>,
      %add3A_393 = arith.constant 21 : i32
      %add3A_394 = vector.broadcast %add3A_393 : i32 to vector<16xi32>
      %add3A_395 = arith.addi %mul3A_266, %add3A_394 : vector<16xi32>
      %add3A_396 = arith.constant 344064 : i32
      %add3A_397 = vector.broadcast %add3A_396 : i32 to vector<16xi32>
      %add3A_398 = arith.addi %add3A_259, %add3A_397 : vector<16xi32>
      tpu.vector_store_idx %arg9[%add3A_395], %add3A_398 : memref<16384xi32, #tpu.memory_space<vmem>>[vector<16xi32>], vector<16xi32>,
      %add3A_399 = arith.constant 22 : i32
      %add3A_400 = vector.broadcast %add3A_399 : i32 to vector<16xi32>
      %add3A_401 = arith.addi %mul3A_266, %add3A_400 : vector<16xi32>
      %add3A_402 = arith.constant 360448 : i32
      %add3A_403 = vector.broadcast %add3A_402 : i32 to vector<16xi32>
      %add3A_404 = arith.addi %add3A_259, %add3A_403 : vector<16xi32>
      tpu.vector_store_idx %arg9[%add3A_401], %add3A_404 : memref<16384xi32, #tpu.memory_space<vmem>>[vector<16xi32>], vector<16xi32>,
      %add3A_405 = arith.constant 23 : i32
      %add3A_406 = vector.broadcast %add3A_405 : i32 to vector<16xi32>
      %add3A_407 = arith.addi %mul3A_266, %add3A_406 : vector<16xi32>
      %add3A_408 = arith.constant 376832 : i32
      %add3A_409 = vector.broadcast %add3A_408 : i32 to vector<16xi32>
      %add3A_410 = arith.addi %add3A_259, %add3A_409 : vector<16xi32>
      tpu.vector_store_idx %arg9[%add3A_407], %add3A_410 : memref<16384xi32, #tpu.memory_space<vmem>>[vector<16xi32>], vector<16xi32>,
      %add3A_411 = arith.constant 24 : i32
      %add3A_412 = vector.broadcast %add3A_411 : i32 to vector<16xi32>
      %add3A_413 = arith.addi %mul3A_266, %add3A_412 : vector<16xi32>
      %add3A_414 = arith.constant 393216 : i32
      %add3A_415 = vector.broadcast %add3A_414 : i32 to vector<16xi32>
      %add3A_416 = arith.addi %add3A_259, %add3A_415 : vector<16xi32>
      tpu.vector_store_idx %arg9[%add3A_413], %add3A_416 : memref<16384xi32, #tpu.memory_space<vmem>>[vector<16xi32>], vector<16xi32>,
      %add3A_417 = arith.constant 25 : i32
      %add3A_418 = vector.broadcast %add3A_417 : i32 to vector<16xi32>
      %add3A_419 = arith.addi %mul3A_266, %add3A_418 : vector<16xi32>
      %add3A_420 = arith.constant 409600 : i32
      %add3A_421 = vector.broadcast %add3A_420 : i32 to vector<16xi32>
      %add3A_422 = arith.addi %add3A_259, %add3A_421 : vector<16xi32>
      tpu.vector_store_idx %arg9[%add3A_419], %add3A_422 : memref<16384xi32, #tpu.memory_space<vmem>>[vector<16xi32>], vector<16xi32>,
      %add3A_423 = arith.constant 26 : i32
      %add3A_424 = vector.broadcast %add3A_423 : i32 to vector<16xi32>
      %add3A_425 = arith.addi %mul3A_266, %add3A_424 : vector<16xi32>
      %add3A_426 = arith.constant 425984 : i32
      %add3A_427 = vector.broadcast %add3A_426 : i32 to vector<16xi32>
      %add3A_428 = arith.addi %add3A_259, %add3A_427 : vector<16xi32>
      tpu.vector_store_idx %arg9[%add3A_425], %add3A_428 : memref<16384xi32, #tpu.memory_space<vmem>>[vector<16xi32>], vector<16xi32>,
      %add3A_429 = arith.constant 27 : i32
      %add3A_430 = vector.broadcast %add3A_429 : i32 to vector<16xi32>
      %add3A_431 = arith.addi %mul3A_266, %add3A_430 : vector<16xi32>
      %add3A_432 = arith.constant 442368 : i32
      %add3A_433 = vector.broadcast %add3A_432 : i32 to vector<16xi32>
      %add3A_434 = arith.addi %add3A_259, %add3A_433 : vector<16xi32>
      tpu.vector_store_idx %arg9[%add3A_431], %add3A_434 : memref<16384xi32, #tpu.memory_space<vmem>>[vector<16xi32>], vector<16xi32>,
      %add3A_435 = arith.constant 28 : i32
      %add3A_436 = vector.broadcast %add3A_435 : i32 to vector<16xi32>
      %add3A_437 = arith.addi %mul3A_266, %add3A_436 : vector<16xi32>
      %add3A_438 = arith.constant 458752 : i32
      %add3A_439 = vector.broadcast %add3A_438 : i32 to vector<16xi32>
      %add3A_440 = arith.addi %add3A_259, %add3A_439 : vector<16xi32>
      tpu.vector_store_idx %arg9[%add3A_437], %add3A_440 : memref<16384xi32, #tpu.memory_space<vmem>>[vector<16xi32>], vector<16xi32>,
      %add3A_441 = arith.constant 29 : i32
      %add3A_442 = vector.broadcast %add3A_441 : i32 to vector<16xi32>
      %add3A_443 = arith.addi %mul3A_266, %add3A_442 : vector<16xi32>
      %add3A_444 = arith.constant 475136 : i32
      %add3A_445 = vector.broadcast %add3A_444 : i32 to vector<16xi32>
      %add3A_446 = arith.addi %add3A_259, %add3A_445 : vector<16xi32>
      tpu.vector_store_idx %arg9[%add3A_443], %add3A_446 : memref<16384xi32, #tpu.memory_space<vmem>>[vector<16xi32>], vector<16xi32>,
      %add3A_447 = arith.constant 30 : i32
      %add3A_448 = vector.broadcast %add3A_447 : i32 to vector<16xi32>
      %add3A_449 = arith.addi %mul3A_266, %add3A_448 : vector<16xi32>
      %add3A_450 = arith.constant 491520 : i32
      %add3A_451 = vector.broadcast %add3A_450 : i32 to vector<16xi32>
      %add3A_452 = arith.addi %add3A_259, %add3A_451 : vector<16xi32>
      tpu.vector_store_idx %arg9[%add3A_449], %add3A_452 : memref<16384xi32, #tpu.memory_space<vmem>>[vector<16xi32>], vector<16xi32>,
      %add3A_453 = arith.constant 31 : i32
      %add3A_454 = vector.broadcast %add3A_453 : i32 to vector<16xi32>
      %add3A_455 = arith.addi %mul3A_266, %add3A_454 : vector<16xi32>
      %add3A_456 = arith.constant 507904 : i32
      %add3A_457 = vector.broadcast %add3A_456 : i32 to vector<16xi32>
      %add3A_458 = arith.addi %add3A_259, %add3A_457 : vector<16xi32>
      tpu.vector_store_idx %arg9[%add3A_455], %add3A_458 : memref<16384xi32, #tpu.memory_space<vmem>>[vector<16xi32>], vector<16xi32>,
      %add3A_459 = arith.constant 32 : i32
      %add3A_460 = vector.broadcast %add3A_459 : i32 to vector<16xi32>
      %add3A_461 = arith.addi %mul3A_266, %add3A_460 : vector<16xi32>
      %add3A_462 = arith.constant 524288 : i32
      %add3A_463 = vector.broadcast %add3A_462 : i32 to vector<16xi32>
      %add3A_464 = arith.addi %add3A_259, %add3A_463 : vector<16xi32>
      tpu.vector_store_idx %arg9[%add3A_461], %add3A_464 : memref<16384xi32, #tpu.memory_space<vmem>>[vector<16xi32>], vector<16xi32>,
      %add3A_465 = arith.constant 33 : i32
      %add3A_466 = vector.broadcast %add3A_465 : i32 to vector<16xi32>
      %add3A_467 = arith.addi %mul3A_266, %add3A_466 : vector<16xi32>
      %add3A_468 = arith.constant 540672 : i32
      %add3A_469 = vector.broadcast %add3A_468 : i32 to vector<16xi32>
      %add3A_470 = arith.addi %add3A_259, %add3A_469 : vector<16xi32>
      tpu.vector_store_idx %arg9[%add3A_467], %add3A_470 : memref<16384xi32, #tpu.memory_space<vmem>>[vector<16xi32>], vector<16xi32>,
      %add3A_471 = arith.constant 34 : i32
      %add3A_472 = vector.broadcast %add3A_471 : i32 to vector<16xi32>
      %add3A_473 = arith.addi %mul3A_266, %add3A_472 : vector<16xi32>
      %add3A_474 = arith.constant 557056 : i32
      %add3A_475 = vector.broadcast %add3A_474 : i32 to vector<16xi32>
      %add3A_476 = arith.addi %add3A_259, %add3A_475 : vector<16xi32>
      tpu.vector_store_idx %arg9[%add3A_473], %add3A_476 : memref<16384xi32, #tpu.memory_space<vmem>>[vector<16xi32>], vector<16xi32>,
      %add3A_477 = arith.constant 35 : i32
      %add3A_478 = vector.broadcast %add3A_477 : i32 to vector<16xi32>
      %add3A_479 = arith.addi %mul3A_266, %add3A_478 : vector<16xi32>
      %add3A_480 = arith.constant 573440 : i32
      %add3A_481 = vector.broadcast %add3A_480 : i32 to vector<16xi32>
      %add3A_482 = arith.addi %add3A_259, %add3A_481 : vector<16xi32>
      tpu.vector_store_idx %arg9[%add3A_479], %add3A_482 : memref<16384xi32, #tpu.memory_space<vmem>>[vector<16xi32>], vector<16xi32>,
      %add3A_483 = arith.constant 36 : i32
      %add3A_484 = vector.broadcast %add3A_483 : i32 to vector<16xi32>
      %add3A_485 = arith.addi %mul3A_266, %add3A_484 : vector<16xi32>
      %add3A_486 = arith.constant 589824 : i32
      %add3A_487 = vector.broadcast %add3A_486 : i32 to vector<16xi32>
      %add3A_488 = arith.addi %add3A_259, %add3A_487 : vector<16xi32>
      tpu.vector_store_idx %arg9[%add3A_485], %add3A_488 : memref<16384xi32, #tpu.memory_space<vmem>>[vector<16xi32>], vector<16xi32>,
      %add3A_489 = arith.constant 37 : i32
      %add3A_490 = vector.broadcast %add3A_489 : i32 to vector<16xi32>
      %add3A_491 = arith.addi %mul3A_266, %add3A_490 : vector<16xi32>
      %add3A_492 = arith.constant 606208 : i32
      %add3A_493 = vector.broadcast %add3A_492 : i32 to vector<16xi32>
      %add3A_494 = arith.addi %add3A_259, %add3A_493 : vector<16xi32>
      tpu.vector_store_idx %arg9[%add3A_491], %add3A_494 : memref<16384xi32, #tpu.memory_space<vmem>>[vector<16xi32>], vector<16xi32>,
      %add3A_495 = arith.constant 38 : i32
      %add3A_496 = vector.broadcast %add3A_495 : i32 to vector<16xi32>
      %add3A_497 = arith.addi %mul3A_266, %add3A_496 : vector<16xi32>
      %add3A_498 = arith.constant 622592 : i32
      %add3A_499 = vector.broadcast %add3A_498 : i32 to vector<16xi32>
      %add3A_500 = arith.addi %add3A_259, %add3A_499 : vector<16xi32>
      tpu.vector_store_idx %arg9[%add3A_497], %add3A_500 : memref<16384xi32, #tpu.memory_space<vmem>>[vector<16xi32>], vector<16xi32>,
      %add3A_501 = arith.constant 39 : i32
      %add3A_502 = vector.broadcast %add3A_501 : i32 to vector<16xi32>
      %add3A_503 = arith.addi %mul3A_266, %add3A_502 : vector<16xi32>
      %add3A_504 = arith.constant 638976 : i32
      %add3A_505 = vector.broadcast %add3A_504 : i32 to vector<16xi32>
      %add3A_506 = arith.addi %add3A_259, %add3A_505 : vector<16xi32>
      tpu.vector_store_idx %arg9[%add3A_503], %add3A_506 : memref<16384xi32, #tpu.memory_space<vmem>>[vector<16xi32>], vector<16xi32>,
      %add3A_507 = arith.constant 40 : i32
      %add3A_508 = vector.broadcast %add3A_507 : i32 to vector<16xi32>
      %add3A_509 = arith.addi %mul3A_266, %add3A_508 : vector<16xi32>
      %add3A_510 = arith.constant 655360 : i32
      %add3A_511 = vector.broadcast %add3A_510 : i32 to vector<16xi32>
      %add3A_512 = arith.addi %add3A_259, %add3A_511 : vector<16xi32>
      tpu.vector_store_idx %arg9[%add3A_509], %add3A_512 : memref<16384xi32, #tpu.memory_space<vmem>>[vector<16xi32>], vector<16xi32>,
      %add3A_513 = arith.constant 41 : i32
      %add3A_514 = vector.broadcast %add3A_513 : i32 to vector<16xi32>
      %add3A_515 = arith.addi %mul3A_266, %add3A_514 : vector<16xi32>
      %add3A_516 = arith.constant 671744 : i32
      %add3A_517 = vector.broadcast %add3A_516 : i32 to vector<16xi32>
      %add3A_518 = arith.addi %add3A_259, %add3A_517 : vector<16xi32>
      tpu.vector_store_idx %arg9[%add3A_515], %add3A_518 : memref<16384xi32, #tpu.memory_space<vmem>>[vector<16xi32>], vector<16xi32>,
      %add3A_519 = arith.constant 42 : i32
      %add3A_520 = vector.broadcast %add3A_519 : i32 to vector<16xi32>
      %add3A_521 = arith.addi %mul3A_266, %add3A_520 : vector<16xi32>
      %add3A_522 = arith.constant 688128 : i32
      %add3A_523 = vector.broadcast %add3A_522 : i32 to vector<16xi32>
      %add3A_524 = arith.addi %add3A_259, %add3A_523 : vector<16xi32>
      tpu.vector_store_idx %arg9[%add3A_521], %add3A_524 : memref<16384xi32, #tpu.memory_space<vmem>>[vector<16xi32>], vector<16xi32>,
      %add3A_525 = arith.constant 43 : i32
      %add3A_526 = vector.broadcast %add3A_525 : i32 to vector<16xi32>
      %add3A_527 = arith.addi %mul3A_266, %add3A_526 : vector<16xi32>
      %add3A_528 = arith.constant 704512 : i32
      %add3A_529 = vector.broadcast %add3A_528 : i32 to vector<16xi32>
      %add3A_530 = arith.addi %add3A_259, %add3A_529 : vector<16xi32>
      tpu.vector_store_idx %arg9[%add3A_527], %add3A_530 : memref<16384xi32, #tpu.memory_space<vmem>>[vector<16xi32>], vector<16xi32>,
      %add3A_531 = arith.constant 44 : i32
      %add3A_532 = vector.broadcast %add3A_531 : i32 to vector<16xi32>
      %add3A_533 = arith.addi %mul3A_266, %add3A_532 : vector<16xi32>
      %add3A_534 = arith.constant 720896 : i32
      %add3A_535 = vector.broadcast %add3A_534 : i32 to vector<16xi32>
      %add3A_536 = arith.addi %add3A_259, %add3A_535 : vector<16xi32>
      tpu.vector_store_idx %arg9[%add3A_533], %add3A_536 : memref<16384xi32, #tpu.memory_space<vmem>>[vector<16xi32>], vector<16xi32>,
      %add3A_537 = arith.constant 45 : i32
      %add3A_538 = vector.broadcast %add3A_537 : i32 to vector<16xi32>
      %add3A_539 = arith.addi %mul3A_266, %add3A_538 : vector<16xi32>
      %add3A_540 = arith.constant 737280 : i32
      %add3A_541 = vector.broadcast %add3A_540 : i32 to vector<16xi32>
      %add3A_542 = arith.addi %add3A_259, %add3A_541 : vector<16xi32>
      tpu.vector_store_idx %arg9[%add3A_539], %add3A_542 : memref<16384xi32, #tpu.memory_space<vmem>>[vector<16xi32>], vector<16xi32>,
      %add3A_543 = arith.constant 46 : i32
      %add3A_544 = vector.broadcast %add3A_543 : i32 to vector<16xi32>
      %add3A_545 = arith.addi %mul3A_266, %add3A_544 : vector<16xi32>
      %add3A_546 = arith.constant 753664 : i32
      %add3A_547 = vector.broadcast %add3A_546 : i32 to vector<16xi32>
      %add3A_548 = arith.addi %add3A_259, %add3A_547 : vector<16xi32>
      tpu.vector_store_idx %arg9[%add3A_545], %add3A_548 : memref<16384xi32, #tpu.memory_space<vmem>>[vector<16xi32>], vector<16xi32>,
      %add3A_549 = arith.constant 47 : i32
      %add3A_550 = vector.broadcast %add3A_549 : i32 to vector<16xi32>
      %add3A_551 = arith.addi %mul3A_266, %add3A_550 : vector<16xi32>
      %add3A_552 = arith.constant 770048 : i32
      %add3A_553 = vector.broadcast %add3A_552 : i32 to vector<16xi32>
      %add3A_554 = arith.addi %add3A_259, %add3A_553 : vector<16xi32>
      tpu.vector_store_idx %arg9[%add3A_551], %add3A_554 : memref<16384xi32, #tpu.memory_space<vmem>>[vector<16xi32>], vector<16xi32>,
      %add3A_555 = arith.constant 48 : i32
      %add3A_556 = vector.broadcast %add3A_555 : i32 to vector<16xi32>
      %add3A_557 = arith.addi %mul3A_266, %add3A_556 : vector<16xi32>
      %add3A_558 = arith.constant 786432 : i32
      %add3A_559 = vector.broadcast %add3A_558 : i32 to vector<16xi32>
      %add3A_560 = arith.addi %add3A_259, %add3A_559 : vector<16xi32>
      tpu.vector_store_idx %arg9[%add3A_557], %add3A_560 : memref<16384xi32, #tpu.memory_space<vmem>>[vector<16xi32>], vector<16xi32>,
      %add3A_561 = arith.constant 49 : i32
      %add3A_562 = vector.broadcast %add3A_561 : i32 to vector<16xi32>
      %add3A_563 = arith.addi %mul3A_266, %add3A_562 : vector<16xi32>
      %add3A_564 = arith.constant 802816 : i32
      %add3A_565 = vector.broadcast %add3A_564 : i32 to vector<16xi32>
      %add3A_566 = arith.addi %add3A_259, %add3A_565 : vector<16xi32>
      tpu.vector_store_idx %arg9[%add3A_563], %add3A_566 : memref<16384xi32, #tpu.memory_space<vmem>>[vector<16xi32>], vector<16xi32>,
      %add3A_567 = arith.constant 50 : i32
      %add3A_568 = vector.broadcast %add3A_567 : i32 to vector<16xi32>
      %add3A_569 = arith.addi %mul3A_266, %add3A_568 : vector<16xi32>
      %add3A_570 = arith.constant 819200 : i32
      %add3A_571 = vector.broadcast %add3A_570 : i32 to vector<16xi32>
      %add3A_572 = arith.addi %add3A_259, %add3A_571 : vector<16xi32>
      tpu.vector_store_idx %arg9[%add3A_569], %add3A_572 : memref<16384xi32, #tpu.memory_space<vmem>>[vector<16xi32>], vector<16xi32>,
      %add3A_573 = arith.constant 51 : i32
      %add3A_574 = vector.broadcast %add3A_573 : i32 to vector<16xi32>
      %add3A_575 = arith.addi %mul3A_266, %add3A_574 : vector<16xi32>
      %add3A_576 = arith.constant 835584 : i32
      %add3A_577 = vector.broadcast %add3A_576 : i32 to vector<16xi32>
      %add3A_578 = arith.addi %add3A_259, %add3A_577 : vector<16xi32>
      tpu.vector_store_idx %arg9[%add3A_575], %add3A_578 : memref<16384xi32, #tpu.memory_space<vmem>>[vector<16xi32>], vector<16xi32>,
      %add3A_579 = arith.constant 52 : i32
      %add3A_580 = vector.broadcast %add3A_579 : i32 to vector<16xi32>
      %add3A_581 = arith.addi %mul3A_266, %add3A_580 : vector<16xi32>
      %add3A_582 = arith.constant 851968 : i32
      %add3A_583 = vector.broadcast %add3A_582 : i32 to vector<16xi32>
      %add3A_584 = arith.addi %add3A_259, %add3A_583 : vector<16xi32>
      tpu.vector_store_idx %arg9[%add3A_581], %add3A_584 : memref<16384xi32, #tpu.memory_space<vmem>>[vector<16xi32>], vector<16xi32>,
      %add3A_585 = arith.constant 53 : i32
      %add3A_586 = vector.broadcast %add3A_585 : i32 to vector<16xi32>
      %add3A_587 = arith.addi %mul3A_266, %add3A_586 : vector<16xi32>
      %add3A_588 = arith.constant 868352 : i32
      %add3A_589 = vector.broadcast %add3A_588 : i32 to vector<16xi32>
      %add3A_590 = arith.addi %add3A_259, %add3A_589 : vector<16xi32>
      tpu.vector_store_idx %arg9[%add3A_587], %add3A_590 : memref<16384xi32, #tpu.memory_space<vmem>>[vector<16xi32>], vector<16xi32>,
      %add3A_591 = arith.constant 54 : i32
      %add3A_592 = vector.broadcast %add3A_591 : i32 to vector<16xi32>
      %add3A_593 = arith.addi %mul3A_266, %add3A_592 : vector<16xi32>
      %add3A_594 = arith.constant 884736 : i32
      %add3A_595 = vector.broadcast %add3A_594 : i32 to vector<16xi32>
      %add3A_596 = arith.addi %add3A_259, %add3A_595 : vector<16xi32>
      tpu.vector_store_idx %arg9[%add3A_593], %add3A_596 : memref<16384xi32, #tpu.memory_space<vmem>>[vector<16xi32>], vector<16xi32>,
      %add3A_597 = arith.constant 55 : i32
      %add3A_598 = vector.broadcast %add3A_597 : i32 to vector<16xi32>
      %add3A_599 = arith.addi %mul3A_266, %add3A_598 : vector<16xi32>
      %add3A_600 = arith.constant 901120 : i32
      %add3A_601 = vector.broadcast %add3A_600 : i32 to vector<16xi32>
      %add3A_602 = arith.addi %add3A_259, %add3A_601 : vector<16xi32>
      tpu.vector_store_idx %arg9[%add3A_599], %add3A_602 : memref<16384xi32, #tpu.memory_space<vmem>>[vector<16xi32>], vector<16xi32>,
      %add3A_603 = arith.constant 56 : i32
      %add3A_604 = vector.broadcast %add3A_603 : i32 to vector<16xi32>
      %add3A_605 = arith.addi %mul3A_266, %add3A_604 : vector<16xi32>
      %add3A_606 = arith.constant 917504 : i32
      %add3A_607 = vector.broadcast %add3A_606 : i32 to vector<16xi32>
      %add3A_608 = arith.addi %add3A_259, %add3A_607 : vector<16xi32>
      tpu.vector_store_idx %arg9[%add3A_605], %add3A_608 : memref<16384xi32, #tpu.memory_space<vmem>>[vector<16xi32>], vector<16xi32>,
      %add3A_609 = arith.constant 57 : i32
      %add3A_610 = vector.broadcast %add3A_609 : i32 to vector<16xi32>
      %add3A_611 = arith.addi %mul3A_266, %add3A_610 : vector<16xi32>
      %add3A_612 = arith.constant 933888 : i32
      %add3A_613 = vector.broadcast %add3A_612 : i32 to vector<16xi32>
      %add3A_614 = arith.addi %add3A_259, %add3A_613 : vector<16xi32>
      tpu.vector_store_idx %arg9[%add3A_611], %add3A_614 : memref<16384xi32, #tpu.memory_space<vmem>>[vector<16xi32>], vector<16xi32>,
      %add3A_615 = arith.constant 58 : i32
      %add3A_616 = vector.broadcast %add3A_615 : i32 to vector<16xi32>
      %add3A_617 = arith.addi %mul3A_266, %add3A_616 : vector<16xi32>
      %add3A_618 = arith.constant 950272 : i32
      %add3A_619 = vector.broadcast %add3A_618 : i32 to vector<16xi32>
      %add3A_620 = arith.addi %add3A_259, %add3A_619 : vector<16xi32>
      tpu.vector_store_idx %arg9[%add3A_617], %add3A_620 : memref<16384xi32, #tpu.memory_space<vmem>>[vector<16xi32>], vector<16xi32>,
      %add3A_621 = arith.constant 59 : i32
      %add3A_622 = vector.broadcast %add3A_621 : i32 to vector<16xi32>
      %add3A_623 = arith.addi %mul3A_266, %add3A_622 : vector<16xi32>
      %add3A_624 = arith.constant 966656 : i32
      %add3A_625 = vector.broadcast %add3A_624 : i32 to vector<16xi32>
      %add3A_626 = arith.addi %add3A_259, %add3A_625 : vector<16xi32>
      tpu.vector_store_idx %arg9[%add3A_623], %add3A_626 : memref<16384xi32, #tpu.memory_space<vmem>>[vector<16xi32>], vector<16xi32>,
      %add3A_627 = arith.constant 60 : i32
      %add3A_628 = vector.broadcast %add3A_627 : i32 to vector<16xi32>
      %add3A_629 = arith.addi %mul3A_266, %add3A_628 : vector<16xi32>
      %add3A_630 = arith.constant 983040 : i32
      %add3A_631 = vector.broadcast %add3A_630 : i32 to vector<16xi32>
      %add3A_632 = arith.addi %add3A_259, %add3A_631 : vector<16xi32>
      tpu.vector_store_idx %arg9[%add3A_629], %add3A_632 : memref<16384xi32, #tpu.memory_space<vmem>>[vector<16xi32>], vector<16xi32>,
      %add3A_633 = arith.constant 61 : i32
      %add3A_634 = vector.broadcast %add3A_633 : i32 to vector<16xi32>
      %add3A_635 = arith.addi %mul3A_266, %add3A_634 : vector<16xi32>
      %add3A_636 = arith.constant 999424 : i32
      %add3A_637 = vector.broadcast %add3A_636 : i32 to vector<16xi32>
      %add3A_638 = arith.addi %add3A_259, %add3A_637 : vector<16xi32>
      tpu.vector_store_idx %arg9[%add3A_635], %add3A_638 : memref<16384xi32, #tpu.memory_space<vmem>>[vector<16xi32>], vector<16xi32>,
      %add3A_639 = arith.constant 62 : i32
      %add3A_640 = vector.broadcast %add3A_639 : i32 to vector<16xi32>
      %add3A_641 = arith.addi %mul3A_266, %add3A_640 : vector<16xi32>
      %add3A_642 = arith.constant 1015808 : i32
      %add3A_643 = vector.broadcast %add3A_642 : i32 to vector<16xi32>
      %add3A_644 = arith.addi %add3A_259, %add3A_643 : vector<16xi32>
      tpu.vector_store_idx %arg9[%add3A_641], %add3A_644 : memref<16384xi32, #tpu.memory_space<vmem>>[vector<16xi32>], vector<16xi32>,
      %add3A_645 = arith.constant 63 : i32
      %add3A_646 = vector.broadcast %add3A_645 : i32 to vector<16xi32>
      %add3A_647 = arith.addi %mul3A_266, %add3A_646 : vector<16xi32>
      %add3A_648 = arith.constant 1032192 : i32
      %add3A_649 = vector.broadcast %add3A_648 : i32 to vector<16xi32>
      %add3A_650 = arith.addi %add3A_259, %add3A_649 : vector<16xi32>
      tpu.vector_store_idx %arg9[%add3A_647], %add3A_650 : memref<16384xi32, #tpu.memory_space<vmem>>[vector<16xi32>], vector<16xi32>,
    }
    %scan3A_41 = arith.constant 2 : i32
    %dma_start3A_42 = arith.constant 4096 : i32
    %dma_start3A_43 = tpu.memref_slice %arg10[%dma_start3A_42] : memref<16384xf32, #tpu.memory_space<vmem>> -> memref<2048xf32, #tpu.memory_space<vmem>>
    %dma_start3A_44 = arith.constant 4096 : i32
    %dma_start3A_45 = tpu.memref_slice %arg9[%dma_start3A_44] : memref<16384xi32, #tpu.memory_space<vmem>> -> memref<2048xi32, #tpu.memory_space<vmem>>
    %dma_start3A_46 = arith.constant 0 : i32
    %dma_start3A_47 = tpu.memref_slice %arg2[%dma_start3A_46] : memref<16777216xf32, #tpu.memory_space<hbm>> -> memref<16777216xf32, #tpu.memory_space<hbm>>
    tpu.enqueue_indirect_dma source(%dma_start3A_47 : memref<16777216xf32, #tpu.memory_space<hbm>>) target(%dma_start3A_43 : memref<2048xf32, #tpu.memory_space<vmem>>) offsets(%dma_start3A_45 : memref<2048xi32, #tpu.memory_space<vmem>>) semaphore(%arg18 : memref<!tpu.dma_semaphore, #tpu.memory_space<semaphore_mem>>)
    %scan3A_48 = arith.constant 0 : i32
    %scan3A_49 = arith.constant 6 : i32
    %scan3A_50 = arith.constant 2 : i32
    %scan3A_51 = arith.addi %scan3A_49, %scan3A_50 : i32
    %scan3A_52 = arith.constant 1 : i32
    scf.for %scan3A_248 = %scan3A_49 to %scan3A_51 step %scan3A_52  : i32 {
      %mul3A_249 = arith.constant 16 : i32
      %mul3A_250 = arith.muli %scan3A_248, %mul3A_249 : i32
      %get3A = arith.index_cast %mul3A_250 : i32 to index
      %get3A_251 = tpu.vector_load %arg7[%get3A] {strides = array<i32>} : memref<256xi32, #tpu.memory_space<vmem>>, vector<16xi32>,
      %mul3A_252 = arith.constant 16 : i32
      %mul3A_253 = arith.muli %scan3A_248, %mul3A_252 : i32
      %get3A_254 = arith.index_cast %mul3A_253 : i32 to index
      %get3A_255 = tpu.vector_load %arg8[%get3A_254] {strides = array<i32>} : memref<256xi32, #tpu.memory_space<vmem>>, vector<16xi32>,
      %mul3A_256 = arith.constant 1048576 : i32
      %mul3A_257 = vector.broadcast %mul3A_256 : i32 to vector<16xi32>
      %mul3A_258 = arith.muli %get3A_255, %mul3A_257 : vector<16xi32>
      %add3A_259 = arith.addi %mul3A_258, %get3A_251 : vector<16xi32>
      %mul3A_260 = arith.constant 16 : i32
      %mul3A_261 = arith.muli %scan3A_248, %mul3A_260 : i32
      %add3A_262 = vector.broadcast %mul3A_261 : i32 to vector<16xi32>
      %add3A_263 = arith.addi %add3A_262, %iota3A : vector<16xi32>
      %mul3A_264 = arith.constant 64 : i32
      %mul3A_265 = vector.broadcast %mul3A_264 : i32 to vector<16xi32>
      %mul3A_266 = arith.muli %add3A_263, %mul3A_265 : vector<16xi32>
      %add3A_267 = arith.constant 0 : i32
      %add3A_268 = vector.broadcast %add3A_267 : i32 to vector<16xi32>
      %add3A_269 = arith.addi %mul3A_266, %add3A_268 : vector<16xi32>
      %add3A_270 = arith.constant 0 : i32
      %add3A_271 = vector.broadcast %add3A_270 : i32 to vector<16xi32>
      %add3A_272 = arith.addi %add3A_259, %add3A_271 : vector<16xi32>
      tpu.vector_store_idx %arg9[%add3A_269], %add3A_272 : memref<16384xi32, #tpu.memory_space<vmem>>[vector<16xi32>], vector<16xi32>,
      %add3A_273 = arith.constant 1 : i32
      %add3A_274 = vector.broadcast %add3A_273 : i32 to vector<16xi32>
      %add3A_275 = arith.addi %mul3A_266, %add3A_274 : vector<16xi32>
      %add3A_276 = arith.constant 16384 : i32
      %add3A_277 = vector.broadcast %add3A_276 : i32 to vector<16xi32>
      %add3A_278 = arith.addi %add3A_259, %add3A_277 : vector<16xi32>
      tpu.vector_store_idx %arg9[%add3A_275], %add3A_278 : memref<16384xi32, #tpu.memory_space<vmem>>[vector<16xi32>], vector<16xi32>,
      %add3A_279 = arith.constant 2 : i32
      %add3A_280 = vector.broadcast %add3A_279 : i32 to vector<16xi32>
      %add3A_281 = arith.addi %mul3A_266, %add3A_280 : vector<16xi32>
      %add3A_282 = arith.constant 32768 : i32
      %add3A_283 = vector.broadcast %add3A_282 : i32 to vector<16xi32>
      %add3A_284 = arith.addi %add3A_259, %add3A_283 : vector<16xi32>
      tpu.vector_store_idx %arg9[%add3A_281], %add3A_284 : memref<16384xi32, #tpu.memory_space<vmem>>[vector<16xi32>], vector<16xi32>,
      %add3A_285 = arith.constant 3 : i32
      %add3A_286 = vector.broadcast %add3A_285 : i32 to vector<16xi32>
      %add3A_287 = arith.addi %mul3A_266, %add3A_286 : vector<16xi32>
      %add3A_288 = arith.constant 49152 : i32
      %add3A_289 = vector.broadcast %add3A_288 : i32 to vector<16xi32>
      %add3A_290 = arith.addi %add3A_259, %add3A_289 : vector<16xi32>
      tpu.vector_store_idx %arg9[%add3A_287], %add3A_290 : memref<16384xi32, #tpu.memory_space<vmem>>[vector<16xi32>], vector<16xi32>,
      %add3A_291 = arith.constant 4 : i32
      %add3A_292 = vector.broadcast %add3A_291 : i32 to vector<16xi32>
      %add3A_293 = arith.addi %mul3A_266, %add3A_292 : vector<16xi32>
      %add3A_294 = arith.constant 65536 : i32
      %add3A_295 = vector.broadcast %add3A_294 : i32 to vector<16xi32>
      %add3A_296 = arith.addi %add3A_259, %add3A_295 : vector<16xi32>
      tpu.vector_store_idx %arg9[%add3A_293], %add3A_296 : memref<16384xi32, #tpu.memory_space<vmem>>[vector<16xi32>], vector<16xi32>,
      %add3A_297 = arith.constant 5 : i32
      %add3A_298 = vector.broadcast %add3A_297 : i32 to vector<16xi32>
      %add3A_299 = arith.addi %mul3A_266, %add3A_298 : vector<16xi32>
      %add3A_300 = arith.constant 81920 : i32
      %add3A_301 = vector.broadcast %add3A_300 : i32 to vector<16xi32>
      %add3A_302 = arith.addi %add3A_259, %add3A_301 : vector<16xi32>
      tpu.vector_store_idx %arg9[%add3A_299], %add3A_302 : memref<16384xi32, #tpu.memory_space<vmem>>[vector<16xi32>], vector<16xi32>,
      %add3A_303 = arith.constant 6 : i32
      %add3A_304 = vector.broadcast %add3A_303 : i32 to vector<16xi32>
      %add3A_305 = arith.addi %mul3A_266, %add3A_304 : vector<16xi32>
      %add3A_306 = arith.constant 98304 : i32
      %add3A_307 = vector.broadcast %add3A_306 : i32 to vector<16xi32>
      %add3A_308 = arith.addi %add3A_259, %add3A_307 : vector<16xi32>
      tpu.vector_store_idx %arg9[%add3A_305], %add3A_308 : memref<16384xi32, #tpu.memory_space<vmem>>[vector<16xi32>], vector<16xi32>,
      %add3A_309 = arith.constant 7 : i32
      %add3A_310 = vector.broadcast %add3A_309 : i32 to vector<16xi32>
      %add3A_311 = arith.addi %mul3A_266, %add3A_310 : vector<16xi32>
      %add3A_312 = arith.constant 114688 : i32
      %add3A_313 = vector.broadcast %add3A_312 : i32 to vector<16xi32>
      %add3A_314 = arith.addi %add3A_259, %add3A_313 : vector<16xi32>
      tpu.vector_store_idx %arg9[%add3A_311], %add3A_314 : memref<16384xi32, #tpu.memory_space<vmem>>[vector<16xi32>], vector<16xi32>,
      %add3A_315 = arith.constant 8 : i32
      %add3A_316 = vector.broadcast %add3A_315 : i32 to vector<16xi32>
      %add3A_317 = arith.addi %mul3A_266, %add3A_316 : vector<16xi32>
      %add3A_318 = arith.constant 131072 : i32
      %add3A_319 = vector.broadcast %add3A_318 : i32 to vector<16xi32>
      %add3A_320 = arith.addi %add3A_259, %add3A_319 : vector<16xi32>
      tpu.vector_store_idx %arg9[%add3A_317], %add3A_320 : memref<16384xi32, #tpu.memory_space<vmem>>[vector<16xi32>], vector<16xi32>,
      %add3A_321 = arith.constant 9 : i32
      %add3A_322 = vector.broadcast %add3A_321 : i32 to vector<16xi32>
      %add3A_323 = arith.addi %mul3A_266, %add3A_322 : vector<16xi32>
      %add3A_324 = arith.constant 147456 : i32
      %add3A_325 = vector.broadcast %add3A_324 : i32 to vector<16xi32>
      %add3A_326 = arith.addi %add3A_259, %add3A_325 : vector<16xi32>
      tpu.vector_store_idx %arg9[%add3A_323], %add3A_326 : memref<16384xi32, #tpu.memory_space<vmem>>[vector<16xi32>], vector<16xi32>,
      %add3A_327 = arith.constant 10 : i32
      %add3A_328 = vector.broadcast %add3A_327 : i32 to vector<16xi32>
      %add3A_329 = arith.addi %mul3A_266, %add3A_328 : vector<16xi32>
      %add3A_330 = arith.constant 163840 : i32
      %add3A_331 = vector.broadcast %add3A_330 : i32 to vector<16xi32>
      %add3A_332 = arith.addi %add3A_259, %add3A_331 : vector<16xi32>
      tpu.vector_store_idx %arg9[%add3A_329], %add3A_332 : memref<16384xi32, #tpu.memory_space<vmem>>[vector<16xi32>], vector<16xi32>,
      %add3A_333 = arith.constant 11 : i32
      %add3A_334 = vector.broadcast %add3A_333 : i32 to vector<16xi32>
      %add3A_335 = arith.addi %mul3A_266, %add3A_334 : vector<16xi32>
      %add3A_336 = arith.constant 180224 : i32
      %add3A_337 = vector.broadcast %add3A_336 : i32 to vector<16xi32>
      %add3A_338 = arith.addi %add3A_259, %add3A_337 : vector<16xi32>
      tpu.vector_store_idx %arg9[%add3A_335], %add3A_338 : memref<16384xi32, #tpu.memory_space<vmem>>[vector<16xi32>], vector<16xi32>,
      %add3A_339 = arith.constant 12 : i32
      %add3A_340 = vector.broadcast %add3A_339 : i32 to vector<16xi32>
      %add3A_341 = arith.addi %mul3A_266, %add3A_340 : vector<16xi32>
      %add3A_342 = arith.constant 196608 : i32
      %add3A_343 = vector.broadcast %add3A_342 : i32 to vector<16xi32>
      %add3A_344 = arith.addi %add3A_259, %add3A_343 : vector<16xi32>
      tpu.vector_store_idx %arg9[%add3A_341], %add3A_344 : memref<16384xi32, #tpu.memory_space<vmem>>[vector<16xi32>], vector<16xi32>,
      %add3A_345 = arith.constant 13 : i32
      %add3A_346 = vector.broadcast %add3A_345 : i32 to vector<16xi32>
      %add3A_347 = arith.addi %mul3A_266, %add3A_346 : vector<16xi32>
      %add3A_348 = arith.constant 212992 : i32
      %add3A_349 = vector.broadcast %add3A_348 : i32 to vector<16xi32>
      %add3A_350 = arith.addi %add3A_259, %add3A_349 : vector<16xi32>
      tpu.vector_store_idx %arg9[%add3A_347], %add3A_350 : memref<16384xi32, #tpu.memory_space<vmem>>[vector<16xi32>], vector<16xi32>,
      %add3A_351 = arith.constant 14 : i32
      %add3A_352 = vector.broadcast %add3A_351 : i32 to vector<16xi32>
      %add3A_353 = arith.addi %mul3A_266, %add3A_352 : vector<16xi32>
      %add3A_354 = arith.constant 229376 : i32
      %add3A_355 = vector.broadcast %add3A_354 : i32 to vector<16xi32>
      %add3A_356 = arith.addi %add3A_259, %add3A_355 : vector<16xi32>
      tpu.vector_store_idx %arg9[%add3A_353], %add3A_356 : memref<16384xi32, #tpu.memory_space<vmem>>[vector<16xi32>], vector<16xi32>,
      %add3A_357 = arith.constant 15 : i32
      %add3A_358 = vector.broadcast %add3A_357 : i32 to vector<16xi32>
      %add3A_359 = arith.addi %mul3A_266, %add3A_358 : vector<16xi32>
      %add3A_360 = arith.constant 245760 : i32
      %add3A_361 = vector.broadcast %add3A_360 : i32 to vector<16xi32>
      %add3A_362 = arith.addi %add3A_259, %add3A_361 : vector<16xi32>
      tpu.vector_store_idx %arg9[%add3A_359], %add3A_362 : memref<16384xi32, #tpu.memory_space<vmem>>[vector<16xi32>], vector<16xi32>,
      %add3A_363 = arith.constant 16 : i32
      %add3A_364 = vector.broadcast %add3A_363 : i32 to vector<16xi32>
      %add3A_365 = arith.addi %mul3A_266, %add3A_364 : vector<16xi32>
      %add3A_366 = arith.constant 262144 : i32
      %add3A_367 = vector.broadcast %add3A_366 : i32 to vector<16xi32>
      %add3A_368 = arith.addi %add3A_259, %add3A_367 : vector<16xi32>
      tpu.vector_store_idx %arg9[%add3A_365], %add3A_368 : memref<16384xi32, #tpu.memory_space<vmem>>[vector<16xi32>], vector<16xi32>,
      %add3A_369 = arith.constant 17 : i32
      %add3A_370 = vector.broadcast %add3A_369 : i32 to vector<16xi32>
      %add3A_371 = arith.addi %mul3A_266, %add3A_370 : vector<16xi32>
      %add3A_372 = arith.constant 278528 : i32
      %add3A_373 = vector.broadcast %add3A_372 : i32 to vector<16xi32>
      %add3A_374 = arith.addi %add3A_259, %add3A_373 : vector<16xi32>
      tpu.vector_store_idx %arg9[%add3A_371], %add3A_374 : memref<16384xi32, #tpu.memory_space<vmem>>[vector<16xi32>], vector<16xi32>,
      %add3A_375 = arith.constant 18 : i32
      %add3A_376 = vector.broadcast %add3A_375 : i32 to vector<16xi32>
      %add3A_377 = arith.addi %mul3A_266, %add3A_376 : vector<16xi32>
      %add3A_378 = arith.constant 294912 : i32
      %add3A_379 = vector.broadcast %add3A_378 : i32 to vector<16xi32>
      %add3A_380 = arith.addi %add3A_259, %add3A_379 : vector<16xi32>
      tpu.vector_store_idx %arg9[%add3A_377], %add3A_380 : memref<16384xi32, #tpu.memory_space<vmem>>[vector<16xi32>], vector<16xi32>,
      %add3A_381 = arith.constant 19 : i32
      %add3A_382 = vector.broadcast %add3A_381 : i32 to vector<16xi32>
      %add3A_383 = arith.addi %mul3A_266, %add3A_382 : vector<16xi32>
      %add3A_384 = arith.constant 311296 : i32
      %add3A_385 = vector.broadcast %add3A_384 : i32 to vector<16xi32>
      %add3A_386 = arith.addi %add3A_259, %add3A_385 : vector<16xi32>
      tpu.vector_store_idx %arg9[%add3A_383], %add3A_386 : memref<16384xi32, #tpu.memory_space<vmem>>[vector<16xi32>], vector<16xi32>,
      %add3A_387 = arith.constant 20 : i32
      %add3A_388 = vector.broadcast %add3A_387 : i32 to vector<16xi32>
      %add3A_389 = arith.addi %mul3A_266, %add3A_388 : vector<16xi32>
      %add3A_390 = arith.constant 327680 : i32
      %add3A_391 = vector.broadcast %add3A_390 : i32 to vector<16xi32>
      %add3A_392 = arith.addi %add3A_259, %add3A_391 : vector<16xi32>
      tpu.vector_store_idx %arg9[%add3A_389], %add3A_392 : memref<16384xi32, #tpu.memory_space<vmem>>[vector<16xi32>], vector<16xi32>,
      %add3A_393 = arith.constant 21 : i32
      %add3A_394 = vector.broadcast %add3A_393 : i32 to vector<16xi32>
      %add3A_395 = arith.addi %mul3A_266, %add3A_394 : vector<16xi32>
      %add3A_396 = arith.constant 344064 : i32
      %add3A_397 = vector.broadcast %add3A_396 : i32 to vector<16xi32>
      %add3A_398 = arith.addi %add3A_259, %add3A_397 : vector<16xi32>
      tpu.vector_store_idx %arg9[%add3A_395], %add3A_398 : memref<16384xi32, #tpu.memory_space<vmem>>[vector<16xi32>], vector<16xi32>,
      %add3A_399 = arith.constant 22 : i32
      %add3A_400 = vector.broadcast %add3A_399 : i32 to vector<16xi32>
      %add3A_401 = arith.addi %mul3A_266, %add3A_400 : vector<16xi32>
      %add3A_402 = arith.constant 360448 : i32
      %add3A_403 = vector.broadcast %add3A_402 : i32 to vector<16xi32>
      %add3A_404 = arith.addi %add3A_259, %add3A_403 : vector<16xi32>
      tpu.vector_store_idx %arg9[%add3A_401], %add3A_404 : memref<16384xi32, #tpu.memory_space<vmem>>[vector<16xi32>], vector<16xi32>,
      %add3A_405 = arith.constant 23 : i32
      %add3A_406 = vector.broadcast %add3A_405 : i32 to vector<16xi32>
      %add3A_407 = arith.addi %mul3A_266, %add3A_406 : vector<16xi32>
      %add3A_408 = arith.constant 376832 : i32
      %add3A_409 = vector.broadcast %add3A_408 : i32 to vector<16xi32>
      %add3A_410 = arith.addi %add3A_259, %add3A_409 : vector<16xi32>
      tpu.vector_store_idx %arg9[%add3A_407], %add3A_410 : memref<16384xi32, #tpu.memory_space<vmem>>[vector<16xi32>], vector<16xi32>,
      %add3A_411 = arith.constant 24 : i32
      %add3A_412 = vector.broadcast %add3A_411 : i32 to vector<16xi32>
      %add3A_413 = arith.addi %mul3A_266, %add3A_412 : vector<16xi32>
      %add3A_414 = arith.constant 393216 : i32
      %add3A_415 = vector.broadcast %add3A_414 : i32 to vector<16xi32>
      %add3A_416 = arith.addi %add3A_259, %add3A_415 : vector<16xi32>
      tpu.vector_store_idx %arg9[%add3A_413], %add3A_416 : memref<16384xi32, #tpu.memory_space<vmem>>[vector<16xi32>], vector<16xi32>,
      %add3A_417 = arith.constant 25 : i32
      %add3A_418 = vector.broadcast %add3A_417 : i32 to vector<16xi32>
      %add3A_419 = arith.addi %mul3A_266, %add3A_418 : vector<16xi32>
      %add3A_420 = arith.constant 409600 : i32
      %add3A_421 = vector.broadcast %add3A_420 : i32 to vector<16xi32>
      %add3A_422 = arith.addi %add3A_259, %add3A_421 : vector<16xi32>
      tpu.vector_store_idx %arg9[%add3A_419], %add3A_422 : memref<16384xi32, #tpu.memory_space<vmem>>[vector<16xi32>], vector<16xi32>,
      %add3A_423 = arith.constant 26 : i32
      %add3A_424 = vector.broadcast %add3A_423 : i32 to vector<16xi32>
      %add3A_425 = arith.addi %mul3A_266, %add3A_424 : vector<16xi32>
      %add3A_426 = arith.constant 425984 : i32
      %add3A_427 = vector.broadcast %add3A_426 : i32 to vector<16xi32>
      %add3A_428 = arith.addi %add3A_259, %add3A_427 : vector<16xi32>
      tpu.vector_store_idx %arg9[%add3A_425], %add3A_428 : memref<16384xi32, #tpu.memory_space<vmem>>[vector<16xi32>], vector<16xi32>,
      %add3A_429 = arith.constant 27 : i32
      %add3A_430 = vector.broadcast %add3A_429 : i32 to vector<16xi32>
      %add3A_431 = arith.addi %mul3A_266, %add3A_430 : vector<16xi32>
      %add3A_432 = arith.constant 442368 : i32
      %add3A_433 = vector.broadcast %add3A_432 : i32 to vector<16xi32>
      %add3A_434 = arith.addi %add3A_259, %add3A_433 : vector<16xi32>
      tpu.vector_store_idx %arg9[%add3A_431], %add3A_434 : memref<16384xi32, #tpu.memory_space<vmem>>[vector<16xi32>], vector<16xi32>,
      %add3A_435 = arith.constant 28 : i32
      %add3A_436 = vector.broadcast %add3A_435 : i32 to vector<16xi32>
      %add3A_437 = arith.addi %mul3A_266, %add3A_436 : vector<16xi32>
      %add3A_438 = arith.constant 458752 : i32
      %add3A_439 = vector.broadcast %add3A_438 : i32 to vector<16xi32>
      %add3A_440 = arith.addi %add3A_259, %add3A_439 : vector<16xi32>
      tpu.vector_store_idx %arg9[%add3A_437], %add3A_440 : memref<16384xi32, #tpu.memory_space<vmem>>[vector<16xi32>], vector<16xi32>,
      %add3A_441 = arith.constant 29 : i32
      %add3A_442 = vector.broadcast %add3A_441 : i32 to vector<16xi32>
      %add3A_443 = arith.addi %mul3A_266, %add3A_442 : vector<16xi32>
      %add3A_444 = arith.constant 475136 : i32
      %add3A_445 = vector.broadcast %add3A_444 : i32 to vector<16xi32>
      %add3A_446 = arith.addi %add3A_259, %add3A_445 : vector<16xi32>
      tpu.vector_store_idx %arg9[%add3A_443], %add3A_446 : memref<16384xi32, #tpu.memory_space<vmem>>[vector<16xi32>], vector<16xi32>,
      %add3A_447 = arith.constant 30 : i32
      %add3A_448 = vector.broadcast %add3A_447 : i32 to vector<16xi32>
      %add3A_449 = arith.addi %mul3A_266, %add3A_448 : vector<16xi32>
      %add3A_450 = arith.constant 491520 : i32
      %add3A_451 = vector.broadcast %add3A_450 : i32 to vector<16xi32>
      %add3A_452 = arith.addi %add3A_259, %add3A_451 : vector<16xi32>
      tpu.vector_store_idx %arg9[%add3A_449], %add3A_452 : memref<16384xi32, #tpu.memory_space<vmem>>[vector<16xi32>], vector<16xi32>,
      %add3A_453 = arith.constant 31 : i32
      %add3A_454 = vector.broadcast %add3A_453 : i32 to vector<16xi32>
      %add3A_455 = arith.addi %mul3A_266, %add3A_454 : vector<16xi32>
      %add3A_456 = arith.constant 507904 : i32
      %add3A_457 = vector.broadcast %add3A_456 : i32 to vector<16xi32>
      %add3A_458 = arith.addi %add3A_259, %add3A_457 : vector<16xi32>
      tpu.vector_store_idx %arg9[%add3A_455], %add3A_458 : memref<16384xi32, #tpu.memory_space<vmem>>[vector<16xi32>], vector<16xi32>,
      %add3A_459 = arith.constant 32 : i32
      %add3A_460 = vector.broadcast %add3A_459 : i32 to vector<16xi32>
      %add3A_461 = arith.addi %mul3A_266, %add3A_460 : vector<16xi32>
      %add3A_462 = arith.constant 524288 : i32
      %add3A_463 = vector.broadcast %add3A_462 : i32 to vector<16xi32>
      %add3A_464 = arith.addi %add3A_259, %add3A_463 : vector<16xi32>
      tpu.vector_store_idx %arg9[%add3A_461], %add3A_464 : memref<16384xi32, #tpu.memory_space<vmem>>[vector<16xi32>], vector<16xi32>,
      %add3A_465 = arith.constant 33 : i32
      %add3A_466 = vector.broadcast %add3A_465 : i32 to vector<16xi32>
      %add3A_467 = arith.addi %mul3A_266, %add3A_466 : vector<16xi32>
      %add3A_468 = arith.constant 540672 : i32
      %add3A_469 = vector.broadcast %add3A_468 : i32 to vector<16xi32>
      %add3A_470 = arith.addi %add3A_259, %add3A_469 : vector<16xi32>
      tpu.vector_store_idx %arg9[%add3A_467], %add3A_470 : memref<16384xi32, #tpu.memory_space<vmem>>[vector<16xi32>], vector<16xi32>,
      %add3A_471 = arith.constant 34 : i32
      %add3A_472 = vector.broadcast %add3A_471 : i32 to vector<16xi32>
      %add3A_473 = arith.addi %mul3A_266, %add3A_472 : vector<16xi32>
      %add3A_474 = arith.constant 557056 : i32
      %add3A_475 = vector.broadcast %add3A_474 : i32 to vector<16xi32>
      %add3A_476 = arith.addi %add3A_259, %add3A_475 : vector<16xi32>
      tpu.vector_store_idx %arg9[%add3A_473], %add3A_476 : memref<16384xi32, #tpu.memory_space<vmem>>[vector<16xi32>], vector<16xi32>,
      %add3A_477 = arith.constant 35 : i32
      %add3A_478 = vector.broadcast %add3A_477 : i32 to vector<16xi32>
      %add3A_479 = arith.addi %mul3A_266, %add3A_478 : vector<16xi32>
      %add3A_480 = arith.constant 573440 : i32
      %add3A_481 = vector.broadcast %add3A_480 : i32 to vector<16xi32>
      %add3A_482 = arith.addi %add3A_259, %add3A_481 : vector<16xi32>
      tpu.vector_store_idx %arg9[%add3A_479], %add3A_482 : memref<16384xi32, #tpu.memory_space<vmem>>[vector<16xi32>], vector<16xi32>,
      %add3A_483 = arith.constant 36 : i32
      %add3A_484 = vector.broadcast %add3A_483 : i32 to vector<16xi32>
      %add3A_485 = arith.addi %mul3A_266, %add3A_484 : vector<16xi32>
      %add3A_486 = arith.constant 589824 : i32
      %add3A_487 = vector.broadcast %add3A_486 : i32 to vector<16xi32>
      %add3A_488 = arith.addi %add3A_259, %add3A_487 : vector<16xi32>
      tpu.vector_store_idx %arg9[%add3A_485], %add3A_488 : memref<16384xi32, #tpu.memory_space<vmem>>[vector<16xi32>], vector<16xi32>,
      %add3A_489 = arith.constant 37 : i32
      %add3A_490 = vector.broadcast %add3A_489 : i32 to vector<16xi32>
      %add3A_491 = arith.addi %mul3A_266, %add3A_490 : vector<16xi32>
      %add3A_492 = arith.constant 606208 : i32
      %add3A_493 = vector.broadcast %add3A_492 : i32 to vector<16xi32>
      %add3A_494 = arith.addi %add3A_259, %add3A_493 : vector<16xi32>
      tpu.vector_store_idx %arg9[%add3A_491], %add3A_494 : memref<16384xi32, #tpu.memory_space<vmem>>[vector<16xi32>], vector<16xi32>,
      %add3A_495 = arith.constant 38 : i32
      %add3A_496 = vector.broadcast %add3A_495 : i32 to vector<16xi32>
      %add3A_497 = arith.addi %mul3A_266, %add3A_496 : vector<16xi32>
      %add3A_498 = arith.constant 622592 : i32
      %add3A_499 = vector.broadcast %add3A_498 : i32 to vector<16xi32>
      %add3A_500 = arith.addi %add3A_259, %add3A_499 : vector<16xi32>
      tpu.vector_store_idx %arg9[%add3A_497], %add3A_500 : memref<16384xi32, #tpu.memory_space<vmem>>[vector<16xi32>], vector<16xi32>,
      %add3A_501 = arith.constant 39 : i32
      %add3A_502 = vector.broadcast %add3A_501 : i32 to vector<16xi32>
      %add3A_503 = arith.addi %mul3A_266, %add3A_502 : vector<16xi32>
      %add3A_504 = arith.constant 638976 : i32
      %add3A_505 = vector.broadcast %add3A_504 : i32 to vector<16xi32>
      %add3A_506 = arith.addi %add3A_259, %add3A_505 : vector<16xi32>
      tpu.vector_store_idx %arg9[%add3A_503], %add3A_506 : memref<16384xi32, #tpu.memory_space<vmem>>[vector<16xi32>], vector<16xi32>,
      %add3A_507 = arith.constant 40 : i32
      %add3A_508 = vector.broadcast %add3A_507 : i32 to vector<16xi32>
      %add3A_509 = arith.addi %mul3A_266, %add3A_508 : vector<16xi32>
      %add3A_510 = arith.constant 655360 : i32
      %add3A_511 = vector.broadcast %add3A_510 : i32 to vector<16xi32>
      %add3A_512 = arith.addi %add3A_259, %add3A_511 : vector<16xi32>
      tpu.vector_store_idx %arg9[%add3A_509], %add3A_512 : memref<16384xi32, #tpu.memory_space<vmem>>[vector<16xi32>], vector<16xi32>,
      %add3A_513 = arith.constant 41 : i32
      %add3A_514 = vector.broadcast %add3A_513 : i32 to vector<16xi32>
      %add3A_515 = arith.addi %mul3A_266, %add3A_514 : vector<16xi32>
      %add3A_516 = arith.constant 671744 : i32
      %add3A_517 = vector.broadcast %add3A_516 : i32 to vector<16xi32>
      %add3A_518 = arith.addi %add3A_259, %add3A_517 : vector<16xi32>
      tpu.vector_store_idx %arg9[%add3A_515], %add3A_518 : memref<16384xi32, #tpu.memory_space<vmem>>[vector<16xi32>], vector<16xi32>,
      %add3A_519 = arith.constant 42 : i32
      %add3A_520 = vector.broadcast %add3A_519 : i32 to vector<16xi32>
      %add3A_521 = arith.addi %mul3A_266, %add3A_520 : vector<16xi32>
      %add3A_522 = arith.constant 688128 : i32
      %add3A_523 = vector.broadcast %add3A_522 : i32 to vector<16xi32>
      %add3A_524 = arith.addi %add3A_259, %add3A_523 : vector<16xi32>
      tpu.vector_store_idx %arg9[%add3A_521], %add3A_524 : memref<16384xi32, #tpu.memory_space<vmem>>[vector<16xi32>], vector<16xi32>,
      %add3A_525 = arith.constant 43 : i32
      %add3A_526 = vector.broadcast %add3A_525 : i32 to vector<16xi32>
      %add3A_527 = arith.addi %mul3A_266, %add3A_526 : vector<16xi32>
      %add3A_528 = arith.constant 704512 : i32
      %add3A_529 = vector.broadcast %add3A_528 : i32 to vector<16xi32>
      %add3A_530 = arith.addi %add3A_259, %add3A_529 : vector<16xi32>
      tpu.vector_store_idx %arg9[%add3A_527], %add3A_530 : memref<16384xi32, #tpu.memory_space<vmem>>[vector<16xi32>], vector<16xi32>,
      %add3A_531 = arith.constant 44 : i32
      %add3A_532 = vector.broadcast %add3A_531 : i32 to vector<16xi32>
      %add3A_533 = arith.addi %mul3A_266, %add3A_532 : vector<16xi32>
      %add3A_534 = arith.constant 720896 : i32
      %add3A_535 = vector.broadcast %add3A_534 : i32 to vector<16xi32>
      %add3A_536 = arith.addi %add3A_259, %add3A_535 : vector<16xi32>
      tpu.vector_store_idx %arg9[%add3A_533], %add3A_536 : memref<16384xi32, #tpu.memory_space<vmem>>[vector<16xi32>], vector<16xi32>,
      %add3A_537 = arith.constant 45 : i32
      %add3A_538 = vector.broadcast %add3A_537 : i32 to vector<16xi32>
      %add3A_539 = arith.addi %mul3A_266, %add3A_538 : vector<16xi32>
      %add3A_540 = arith.constant 737280 : i32
      %add3A_541 = vector.broadcast %add3A_540 : i32 to vector<16xi32>
      %add3A_542 = arith.addi %add3A_259, %add3A_541 : vector<16xi32>
      tpu.vector_store_idx %arg9[%add3A_539], %add3A_542 : memref<16384xi32, #tpu.memory_space<vmem>>[vector<16xi32>], vector<16xi32>,
      %add3A_543 = arith.constant 46 : i32
      %add3A_544 = vector.broadcast %add3A_543 : i32 to vector<16xi32>
      %add3A_545 = arith.addi %mul3A_266, %add3A_544 : vector<16xi32>
      %add3A_546 = arith.constant 753664 : i32
      %add3A_547 = vector.broadcast %add3A_546 : i32 to vector<16xi32>
      %add3A_548 = arith.addi %add3A_259, %add3A_547 : vector<16xi32>
      tpu.vector_store_idx %arg9[%add3A_545], %add3A_548 : memref<16384xi32, #tpu.memory_space<vmem>>[vector<16xi32>], vector<16xi32>,
      %add3A_549 = arith.constant 47 : i32
      %add3A_550 = vector.broadcast %add3A_549 : i32 to vector<16xi32>
      %add3A_551 = arith.addi %mul3A_266, %add3A_550 : vector<16xi32>
      %add3A_552 = arith.constant 770048 : i32
      %add3A_553 = vector.broadcast %add3A_552 : i32 to vector<16xi32>
      %add3A_554 = arith.addi %add3A_259, %add3A_553 : vector<16xi32>
      tpu.vector_store_idx %arg9[%add3A_551], %add3A_554 : memref<16384xi32, #tpu.memory_space<vmem>>[vector<16xi32>], vector<16xi32>,
      %add3A_555 = arith.constant 48 : i32
      %add3A_556 = vector.broadcast %add3A_555 : i32 to vector<16xi32>
      %add3A_557 = arith.addi %mul3A_266, %add3A_556 : vector<16xi32>
      %add3A_558 = arith.constant 786432 : i32
      %add3A_559 = vector.broadcast %add3A_558 : i32 to vector<16xi32>
      %add3A_560 = arith.addi %add3A_259, %add3A_559 : vector<16xi32>
      tpu.vector_store_idx %arg9[%add3A_557], %add3A_560 : memref<16384xi32, #tpu.memory_space<vmem>>[vector<16xi32>], vector<16xi32>,
      %add3A_561 = arith.constant 49 : i32
      %add3A_562 = vector.broadcast %add3A_561 : i32 to vector<16xi32>
      %add3A_563 = arith.addi %mul3A_266, %add3A_562 : vector<16xi32>
      %add3A_564 = arith.constant 802816 : i32
      %add3A_565 = vector.broadcast %add3A_564 : i32 to vector<16xi32>
      %add3A_566 = arith.addi %add3A_259, %add3A_565 : vector<16xi32>
      tpu.vector_store_idx %arg9[%add3A_563], %add3A_566 : memref<16384xi32, #tpu.memory_space<vmem>>[vector<16xi32>], vector<16xi32>,
      %add3A_567 = arith.constant 50 : i32
      %add3A_568 = vector.broadcast %add3A_567 : i32 to vector<16xi32>
      %add3A_569 = arith.addi %mul3A_266, %add3A_568 : vector<16xi32>
      %add3A_570 = arith.constant 819200 : i32
      %add3A_571 = vector.broadcast %add3A_570 : i32 to vector<16xi32>
      %add3A_572 = arith.addi %add3A_259, %add3A_571 : vector<16xi32>
      tpu.vector_store_idx %arg9[%add3A_569], %add3A_572 : memref<16384xi32, #tpu.memory_space<vmem>>[vector<16xi32>], vector<16xi32>,
      %add3A_573 = arith.constant 51 : i32
      %add3A_574 = vector.broadcast %add3A_573 : i32 to vector<16xi32>
      %add3A_575 = arith.addi %mul3A_266, %add3A_574 : vector<16xi32>
      %add3A_576 = arith.constant 835584 : i32
      %add3A_577 = vector.broadcast %add3A_576 : i32 to vector<16xi32>
      %add3A_578 = arith.addi %add3A_259, %add3A_577 : vector<16xi32>
      tpu.vector_store_idx %arg9[%add3A_575], %add3A_578 : memref<16384xi32, #tpu.memory_space<vmem>>[vector<16xi32>], vector<16xi32>,
      %add3A_579 = arith.constant 52 : i32
      %add3A_580 = vector.broadcast %add3A_579 : i32 to vector<16xi32>
      %add3A_581 = arith.addi %mul3A_266, %add3A_580 : vector<16xi32>
      %add3A_582 = arith.constant 851968 : i32
      %add3A_583 = vector.broadcast %add3A_582 : i32 to vector<16xi32>
      %add3A_584 = arith.addi %add3A_259, %add3A_583 : vector<16xi32>
      tpu.vector_store_idx %arg9[%add3A_581], %add3A_584 : memref<16384xi32, #tpu.memory_space<vmem>>[vector<16xi32>], vector<16xi32>,
      %add3A_585 = arith.constant 53 : i32
      %add3A_586 = vector.broadcast %add3A_585 : i32 to vector<16xi32>
      %add3A_587 = arith.addi %mul3A_266, %add3A_586 : vector<16xi32>
      %add3A_588 = arith.constant 868352 : i32
      %add3A_589 = vector.broadcast %add3A_588 : i32 to vector<16xi32>
      %add3A_590 = arith.addi %add3A_259, %add3A_589 : vector<16xi32>
      tpu.vector_store_idx %arg9[%add3A_587], %add3A_590 : memref<16384xi32, #tpu.memory_space<vmem>>[vector<16xi32>], vector<16xi32>,
      %add3A_591 = arith.constant 54 : i32
      %add3A_592 = vector.broadcast %add3A_591 : i32 to vector<16xi32>
      %add3A_593 = arith.addi %mul3A_266, %add3A_592 : vector<16xi32>
      %add3A_594 = arith.constant 884736 : i32
      %add3A_595 = vector.broadcast %add3A_594 : i32 to vector<16xi32>
      %add3A_596 = arith.addi %add3A_259, %add3A_595 : vector<16xi32>
      tpu.vector_store_idx %arg9[%add3A_593], %add3A_596 : memref<16384xi32, #tpu.memory_space<vmem>>[vector<16xi32>], vector<16xi32>,
      %add3A_597 = arith.constant 55 : i32
      %add3A_598 = vector.broadcast %add3A_597 : i32 to vector<16xi32>
      %add3A_599 = arith.addi %mul3A_266, %add3A_598 : vector<16xi32>
      %add3A_600 = arith.constant 901120 : i32
      %add3A_601 = vector.broadcast %add3A_600 : i32 to vector<16xi32>
      %add3A_602 = arith.addi %add3A_259, %add3A_601 : vector<16xi32>
      tpu.vector_store_idx %arg9[%add3A_599], %add3A_602 : memref<16384xi32, #tpu.memory_space<vmem>>[vector<16xi32>], vector<16xi32>,
      %add3A_603 = arith.constant 56 : i32
      %add3A_604 = vector.broadcast %add3A_603 : i32 to vector<16xi32>
      %add3A_605 = arith.addi %mul3A_266, %add3A_604 : vector<16xi32>
      %add3A_606 = arith.constant 917504 : i32
      %add3A_607 = vector.broadcast %add3A_606 : i32 to vector<16xi32>
      %add3A_608 = arith.addi %add3A_259, %add3A_607 : vector<16xi32>
      tpu.vector_store_idx %arg9[%add3A_605], %add3A_608 : memref<16384xi32, #tpu.memory_space<vmem>>[vector<16xi32>], vector<16xi32>,
      %add3A_609 = arith.constant 57 : i32
      %add3A_610 = vector.broadcast %add3A_609 : i32 to vector<16xi32>
      %add3A_611 = arith.addi %mul3A_266, %add3A_610 : vector<16xi32>
      %add3A_612 = arith.constant 933888 : i32
      %add3A_613 = vector.broadcast %add3A_612 : i32 to vector<16xi32>
      %add3A_614 = arith.addi %add3A_259, %add3A_613 : vector<16xi32>
      tpu.vector_store_idx %arg9[%add3A_611], %add3A_614 : memref<16384xi32, #tpu.memory_space<vmem>>[vector<16xi32>], vector<16xi32>,
      %add3A_615 = arith.constant 58 : i32
      %add3A_616 = vector.broadcast %add3A_615 : i32 to vector<16xi32>
      %add3A_617 = arith.addi %mul3A_266, %add3A_616 : vector<16xi32>
      %add3A_618 = arith.constant 950272 : i32
      %add3A_619 = vector.broadcast %add3A_618 : i32 to vector<16xi32>
      %add3A_620 = arith.addi %add3A_259, %add3A_619 : vector<16xi32>
      tpu.vector_store_idx %arg9[%add3A_617], %add3A_620 : memref<16384xi32, #tpu.memory_space<vmem>>[vector<16xi32>], vector<16xi32>,
      %add3A_621 = arith.constant 59 : i32
      %add3A_622 = vector.broadcast %add3A_621 : i32 to vector<16xi32>
      %add3A_623 = arith.addi %mul3A_266, %add3A_622 : vector<16xi32>
      %add3A_624 = arith.constant 966656 : i32
      %add3A_625 = vector.broadcast %add3A_624 : i32 to vector<16xi32>
      %add3A_626 = arith.addi %add3A_259, %add3A_625 : vector<16xi32>
      tpu.vector_store_idx %arg9[%add3A_623], %add3A_626 : memref<16384xi32, #tpu.memory_space<vmem>>[vector<16xi32>], vector<16xi32>,
      %add3A_627 = arith.constant 60 : i32
      %add3A_628 = vector.broadcast %add3A_627 : i32 to vector<16xi32>
      %add3A_629 = arith.addi %mul3A_266, %add3A_628 : vector<16xi32>
      %add3A_630 = arith.constant 983040 : i32
      %add3A_631 = vector.broadcast %add3A_630 : i32 to vector<16xi32>
      %add3A_632 = arith.addi %add3A_259, %add3A_631 : vector<16xi32>
      tpu.vector_store_idx %arg9[%add3A_629], %add3A_632 : memref<16384xi32, #tpu.memory_space<vmem>>[vector<16xi32>], vector<16xi32>,
      %add3A_633 = arith.constant 61 : i32
      %add3A_634 = vector.broadcast %add3A_633 : i32 to vector<16xi32>
      %add3A_635 = arith.addi %mul3A_266, %add3A_634 : vector<16xi32>
      %add3A_636 = arith.constant 999424 : i32
      %add3A_637 = vector.broadcast %add3A_636 : i32 to vector<16xi32>
      %add3A_638 = arith.addi %add3A_259, %add3A_637 : vector<16xi32>
      tpu.vector_store_idx %arg9[%add3A_635], %add3A_638 : memref<16384xi32, #tpu.memory_space<vmem>>[vector<16xi32>], vector<16xi32>,
      %add3A_639 = arith.constant 62 : i32
      %add3A_640 = vector.broadcast %add3A_639 : i32 to vector<16xi32>
      %add3A_641 = arith.addi %mul3A_266, %add3A_640 : vector<16xi32>
      %add3A_642 = arith.constant 1015808 : i32
      %add3A_643 = vector.broadcast %add3A_642 : i32 to vector<16xi32>
      %add3A_644 = arith.addi %add3A_259, %add3A_643 : vector<16xi32>
      tpu.vector_store_idx %arg9[%add3A_641], %add3A_644 : memref<16384xi32, #tpu.memory_space<vmem>>[vector<16xi32>], vector<16xi32>,
      %add3A_645 = arith.constant 63 : i32
      %add3A_646 = vector.broadcast %add3A_645 : i32 to vector<16xi32>
      %add3A_647 = arith.addi %mul3A_266, %add3A_646 : vector<16xi32>
      %add3A_648 = arith.constant 1032192 : i32
      %add3A_649 = vector.broadcast %add3A_648 : i32 to vector<16xi32>
      %add3A_650 = arith.addi %add3A_259, %add3A_649 : vector<16xi32>
      tpu.vector_store_idx %arg9[%add3A_647], %add3A_650 : memref<16384xi32, #tpu.memory_space<vmem>>[vector<16xi32>], vector<16xi32>,
    }
    %scan3A_53 = arith.constant 2 : i32
    %dma_start3A_54 = arith.constant 6144 : i32
    %dma_start3A_55 = tpu.memref_slice %arg10[%dma_start3A_54] : memref<16384xf32, #tpu.memory_space<vmem>> -> memref<2048xf32, #tpu.memory_space<vmem>>
    %dma_start3A_56 = arith.constant 6144 : i32
    %dma_start3A_57 = tpu.memref_slice %arg9[%dma_start3A_56] : memref<16384xi32, #tpu.memory_space<vmem>> -> memref<2048xi32, #tpu.memory_space<vmem>>
    %dma_start3A_58 = arith.constant 0 : i32
    %dma_start3A_59 = tpu.memref_slice %arg2[%dma_start3A_58] : memref<16777216xf32, #tpu.memory_space<hbm>> -> memref<16777216xf32, #tpu.memory_space<hbm>>
    tpu.enqueue_indirect_dma source(%dma_start3A_59 : memref<16777216xf32, #tpu.memory_space<hbm>>) target(%dma_start3A_55 : memref<2048xf32, #tpu.memory_space<vmem>>) offsets(%dma_start3A_57 : memref<2048xi32, #tpu.memory_space<vmem>>) semaphore(%arg19 : memref<!tpu.dma_semaphore, #tpu.memory_space<semaphore_mem>>)
    %scan3A_60 = arith.constant 0 : i32
    %scan3A_61 = arith.constant 8 : i32
    %scan3A_62 = arith.constant 2 : i32
    %scan3A_63 = arith.addi %scan3A_61, %scan3A_62 : i32
    %scan3A_64 = arith.constant 1 : i32
    scf.for %scan3A_248 = %scan3A_61 to %scan3A_63 step %scan3A_64  : i32 {
      %mul3A_249 = arith.constant 16 : i32
      %mul3A_250 = arith.muli %scan3A_248, %mul3A_249 : i32
      %get3A = arith.index_cast %mul3A_250 : i32 to index
      %get3A_251 = tpu.vector_load %arg7[%get3A] {strides = array<i32>} : memref<256xi32, #tpu.memory_space<vmem>>, vector<16xi32>,
      %mul3A_252 = arith.constant 16 : i32
      %mul3A_253 = arith.muli %scan3A_248, %mul3A_252 : i32
      %get3A_254 = arith.index_cast %mul3A_253 : i32 to index
      %get3A_255 = tpu.vector_load %arg8[%get3A_254] {strides = array<i32>} : memref<256xi32, #tpu.memory_space<vmem>>, vector<16xi32>,
      %mul3A_256 = arith.constant 1048576 : i32
      %mul3A_257 = vector.broadcast %mul3A_256 : i32 to vector<16xi32>
      %mul3A_258 = arith.muli %get3A_255, %mul3A_257 : vector<16xi32>
      %add3A_259 = arith.addi %mul3A_258, %get3A_251 : vector<16xi32>
      %mul3A_260 = arith.constant 16 : i32
      %mul3A_261 = arith.muli %scan3A_248, %mul3A_260 : i32
      %add3A_262 = vector.broadcast %mul3A_261 : i32 to vector<16xi32>
      %add3A_263 = arith.addi %add3A_262, %iota3A : vector<16xi32>
      %mul3A_264 = arith.constant 64 : i32
      %mul3A_265 = vector.broadcast %mul3A_264 : i32 to vector<16xi32>
      %mul3A_266 = arith.muli %add3A_263, %mul3A_265 : vector<16xi32>
      %add3A_267 = arith.constant 0 : i32
      %add3A_268 = vector.broadcast %add3A_267 : i32 to vector<16xi32>
      %add3A_269 = arith.addi %mul3A_266, %add3A_268 : vector<16xi32>
      %add3A_270 = arith.constant 0 : i32
      %add3A_271 = vector.broadcast %add3A_270 : i32 to vector<16xi32>
      %add3A_272 = arith.addi %add3A_259, %add3A_271 : vector<16xi32>
      tpu.vector_store_idx %arg9[%add3A_269], %add3A_272 : memref<16384xi32, #tpu.memory_space<vmem>>[vector<16xi32>], vector<16xi32>,
      %add3A_273 = arith.constant 1 : i32
      %add3A_274 = vector.broadcast %add3A_273 : i32 to vector<16xi32>
      %add3A_275 = arith.addi %mul3A_266, %add3A_274 : vector<16xi32>
      %add3A_276 = arith.constant 16384 : i32
      %add3A_277 = vector.broadcast %add3A_276 : i32 to vector<16xi32>
      %add3A_278 = arith.addi %add3A_259, %add3A_277 : vector<16xi32>
      tpu.vector_store_idx %arg9[%add3A_275], %add3A_278 : memref<16384xi32, #tpu.memory_space<vmem>>[vector<16xi32>], vector<16xi32>,
      %add3A_279 = arith.constant 2 : i32
      %add3A_280 = vector.broadcast %add3A_279 : i32 to vector<16xi32>
      %add3A_281 = arith.addi %mul3A_266, %add3A_280 : vector<16xi32>
      %add3A_282 = arith.constant 32768 : i32
      %add3A_283 = vector.broadcast %add3A_282 : i32 to vector<16xi32>
      %add3A_284 = arith.addi %add3A_259, %add3A_283 : vector<16xi32>
      tpu.vector_store_idx %arg9[%add3A_281], %add3A_284 : memref<16384xi32, #tpu.memory_space<vmem>>[vector<16xi32>], vector<16xi32>,
      %add3A_285 = arith.constant 3 : i32
      %add3A_286 = vector.broadcast %add3A_285 : i32 to vector<16xi32>
      %add3A_287 = arith.addi %mul3A_266, %add3A_286 : vector<16xi32>
      %add3A_288 = arith.constant 49152 : i32
      %add3A_289 = vector.broadcast %add3A_288 : i32 to vector<16xi32>
      %add3A_290 = arith.addi %add3A_259, %add3A_289 : vector<16xi32>
      tpu.vector_store_idx %arg9[%add3A_287], %add3A_290 : memref<16384xi32, #tpu.memory_space<vmem>>[vector<16xi32>], vector<16xi32>,
      %add3A_291 = arith.constant 4 : i32
      %add3A_292 = vector.broadcast %add3A_291 : i32 to vector<16xi32>
      %add3A_293 = arith.addi %mul3A_266, %add3A_292 : vector<16xi32>
      %add3A_294 = arith.constant 65536 : i32
      %add3A_295 = vector.broadcast %add3A_294 : i32 to vector<16xi32>
      %add3A_296 = arith.addi %add3A_259, %add3A_295 : vector<16xi32>
      tpu.vector_store_idx %arg9[%add3A_293], %add3A_296 : memref<16384xi32, #tpu.memory_space<vmem>>[vector<16xi32>], vector<16xi32>,
      %add3A_297 = arith.constant 5 : i32
      %add3A_298 = vector.broadcast %add3A_297 : i32 to vector<16xi32>
      %add3A_299 = arith.addi %mul3A_266, %add3A_298 : vector<16xi32>
      %add3A_300 = arith.constant 81920 : i32
      %add3A_301 = vector.broadcast %add3A_300 : i32 to vector<16xi32>
      %add3A_302 = arith.addi %add3A_259, %add3A_301 : vector<16xi32>
      tpu.vector_store_idx %arg9[%add3A_299], %add3A_302 : memref<16384xi32, #tpu.memory_space<vmem>>[vector<16xi32>], vector<16xi32>,
      %add3A_303 = arith.constant 6 : i32
      %add3A_304 = vector.broadcast %add3A_303 : i32 to vector<16xi32>
      %add3A_305 = arith.addi %mul3A_266, %add3A_304 : vector<16xi32>
      %add3A_306 = arith.constant 98304 : i32
      %add3A_307 = vector.broadcast %add3A_306 : i32 to vector<16xi32>
      %add3A_308 = arith.addi %add3A_259, %add3A_307 : vector<16xi32>
      tpu.vector_store_idx %arg9[%add3A_305], %add3A_308 : memref<16384xi32, #tpu.memory_space<vmem>>[vector<16xi32>], vector<16xi32>,
      %add3A_309 = arith.constant 7 : i32
      %add3A_310 = vector.broadcast %add3A_309 : i32 to vector<16xi32>
      %add3A_311 = arith.addi %mul3A_266, %add3A_310 : vector<16xi32>
      %add3A_312 = arith.constant 114688 : i32
      %add3A_313 = vector.broadcast %add3A_312 : i32 to vector<16xi32>
      %add3A_314 = arith.addi %add3A_259, %add3A_313 : vector<16xi32>
      tpu.vector_store_idx %arg9[%add3A_311], %add3A_314 : memref<16384xi32, #tpu.memory_space<vmem>>[vector<16xi32>], vector<16xi32>,
      %add3A_315 = arith.constant 8 : i32
      %add3A_316 = vector.broadcast %add3A_315 : i32 to vector<16xi32>
      %add3A_317 = arith.addi %mul3A_266, %add3A_316 : vector<16xi32>
      %add3A_318 = arith.constant 131072 : i32
      %add3A_319 = vector.broadcast %add3A_318 : i32 to vector<16xi32>
      %add3A_320 = arith.addi %add3A_259, %add3A_319 : vector<16xi32>
      tpu.vector_store_idx %arg9[%add3A_317], %add3A_320 : memref<16384xi32, #tpu.memory_space<vmem>>[vector<16xi32>], vector<16xi32>,
      %add3A_321 = arith.constant 9 : i32
      %add3A_322 = vector.broadcast %add3A_321 : i32 to vector<16xi32>
      %add3A_323 = arith.addi %mul3A_266, %add3A_322 : vector<16xi32>
      %add3A_324 = arith.constant 147456 : i32
      %add3A_325 = vector.broadcast %add3A_324 : i32 to vector<16xi32>
      %add3A_326 = arith.addi %add3A_259, %add3A_325 : vector<16xi32>
      tpu.vector_store_idx %arg9[%add3A_323], %add3A_326 : memref<16384xi32, #tpu.memory_space<vmem>>[vector<16xi32>], vector<16xi32>,
      %add3A_327 = arith.constant 10 : i32
      %add3A_328 = vector.broadcast %add3A_327 : i32 to vector<16xi32>
      %add3A_329 = arith.addi %mul3A_266, %add3A_328 : vector<16xi32>
      %add3A_330 = arith.constant 163840 : i32
      %add3A_331 = vector.broadcast %add3A_330 : i32 to vector<16xi32>
      %add3A_332 = arith.addi %add3A_259, %add3A_331 : vector<16xi32>
      tpu.vector_store_idx %arg9[%add3A_329], %add3A_332 : memref<16384xi32, #tpu.memory_space<vmem>>[vector<16xi32>], vector<16xi32>,
      %add3A_333 = arith.constant 11 : i32
      %add3A_334 = vector.broadcast %add3A_333 : i32 to vector<16xi32>
      %add3A_335 = arith.addi %mul3A_266, %add3A_334 : vector<16xi32>
      %add3A_336 = arith.constant 180224 : i32
      %add3A_337 = vector.broadcast %add3A_336 : i32 to vector<16xi32>
      %add3A_338 = arith.addi %add3A_259, %add3A_337 : vector<16xi32>
      tpu.vector_store_idx %arg9[%add3A_335], %add3A_338 : memref<16384xi32, #tpu.memory_space<vmem>>[vector<16xi32>], vector<16xi32>,
      %add3A_339 = arith.constant 12 : i32
      %add3A_340 = vector.broadcast %add3A_339 : i32 to vector<16xi32>
      %add3A_341 = arith.addi %mul3A_266, %add3A_340 : vector<16xi32>
      %add3A_342 = arith.constant 196608 : i32
      %add3A_343 = vector.broadcast %add3A_342 : i32 to vector<16xi32>
      %add3A_344 = arith.addi %add3A_259, %add3A_343 : vector<16xi32>
      tpu.vector_store_idx %arg9[%add3A_341], %add3A_344 : memref<16384xi32, #tpu.memory_space<vmem>>[vector<16xi32>], vector<16xi32>,
      %add3A_345 = arith.constant 13 : i32
      %add3A_346 = vector.broadcast %add3A_345 : i32 to vector<16xi32>
      %add3A_347 = arith.addi %mul3A_266, %add3A_346 : vector<16xi32>
      %add3A_348 = arith.constant 212992 : i32
      %add3A_349 = vector.broadcast %add3A_348 : i32 to vector<16xi32>
      %add3A_350 = arith.addi %add3A_259, %add3A_349 : vector<16xi32>
      tpu.vector_store_idx %arg9[%add3A_347], %add3A_350 : memref<16384xi32, #tpu.memory_space<vmem>>[vector<16xi32>], vector<16xi32>,
      %add3A_351 = arith.constant 14 : i32
      %add3A_352 = vector.broadcast %add3A_351 : i32 to vector<16xi32>
      %add3A_353 = arith.addi %mul3A_266, %add3A_352 : vector<16xi32>
      %add3A_354 = arith.constant 229376 : i32
      %add3A_355 = vector.broadcast %add3A_354 : i32 to vector<16xi32>
      %add3A_356 = arith.addi %add3A_259, %add3A_355 : vector<16xi32>
      tpu.vector_store_idx %arg9[%add3A_353], %add3A_356 : memref<16384xi32, #tpu.memory_space<vmem>>[vector<16xi32>], vector<16xi32>,
      %add3A_357 = arith.constant 15 : i32
      %add3A_358 = vector.broadcast %add3A_357 : i32 to vector<16xi32>
      %add3A_359 = arith.addi %mul3A_266, %add3A_358 : vector<16xi32>
      %add3A_360 = arith.constant 245760 : i32
      %add3A_361 = vector.broadcast %add3A_360 : i32 to vector<16xi32>
      %add3A_362 = arith.addi %add3A_259, %add3A_361 : vector<16xi32>
      tpu.vector_store_idx %arg9[%add3A_359], %add3A_362 : memref<16384xi32, #tpu.memory_space<vmem>>[vector<16xi32>], vector<16xi32>,
      %add3A_363 = arith.constant 16 : i32
      %add3A_364 = vector.broadcast %add3A_363 : i32 to vector<16xi32>
      %add3A_365 = arith.addi %mul3A_266, %add3A_364 : vector<16xi32>
      %add3A_366 = arith.constant 262144 : i32
      %add3A_367 = vector.broadcast %add3A_366 : i32 to vector<16xi32>
      %add3A_368 = arith.addi %add3A_259, %add3A_367 : vector<16xi32>
      tpu.vector_store_idx %arg9[%add3A_365], %add3A_368 : memref<16384xi32, #tpu.memory_space<vmem>>[vector<16xi32>], vector<16xi32>,
      %add3A_369 = arith.constant 17 : i32
      %add3A_370 = vector.broadcast %add3A_369 : i32 to vector<16xi32>
      %add3A_371 = arith.addi %mul3A_266, %add3A_370 : vector<16xi32>
      %add3A_372 = arith.constant 278528 : i32
      %add3A_373 = vector.broadcast %add3A_372 : i32 to vector<16xi32>
      %add3A_374 = arith.addi %add3A_259, %add3A_373 : vector<16xi32>
      tpu.vector_store_idx %arg9[%add3A_371], %add3A_374 : memref<16384xi32, #tpu.memory_space<vmem>>[vector<16xi32>], vector<16xi32>,
      %add3A_375 = arith.constant 18 : i32
      %add3A_376 = vector.broadcast %add3A_375 : i32 to vector<16xi32>
      %add3A_377 = arith.addi %mul3A_266, %add3A_376 : vector<16xi32>
      %add3A_378 = arith.constant 294912 : i32
      %add3A_379 = vector.broadcast %add3A_378 : i32 to vector<16xi32>
      %add3A_380 = arith.addi %add3A_259, %add3A_379 : vector<16xi32>
      tpu.vector_store_idx %arg9[%add3A_377], %add3A_380 : memref<16384xi32, #tpu.memory_space<vmem>>[vector<16xi32>], vector<16xi32>,
      %add3A_381 = arith.constant 19 : i32
      %add3A_382 = vector.broadcast %add3A_381 : i32 to vector<16xi32>
      %add3A_383 = arith.addi %mul3A_266, %add3A_382 : vector<16xi32>
      %add3A_384 = arith.constant 311296 : i32
      %add3A_385 = vector.broadcast %add3A_384 : i32 to vector<16xi32>
      %add3A_386 = arith.addi %add3A_259, %add3A_385 : vector<16xi32>
      tpu.vector_store_idx %arg9[%add3A_383], %add3A_386 : memref<16384xi32, #tpu.memory_space<vmem>>[vector<16xi32>], vector<16xi32>,
      %add3A_387 = arith.constant 20 : i32
      %add3A_388 = vector.broadcast %add3A_387 : i32 to vector<16xi32>
      %add3A_389 = arith.addi %mul3A_266, %add3A_388 : vector<16xi32>
      %add3A_390 = arith.constant 327680 : i32
      %add3A_391 = vector.broadcast %add3A_390 : i32 to vector<16xi32>
      %add3A_392 = arith.addi %add3A_259, %add3A_391 : vector<16xi32>
      tpu.vector_store_idx %arg9[%add3A_389], %add3A_392 : memref<16384xi32, #tpu.memory_space<vmem>>[vector<16xi32>], vector<16xi32>,
      %add3A_393 = arith.constant 21 : i32
      %add3A_394 = vector.broadcast %add3A_393 : i32 to vector<16xi32>
      %add3A_395 = arith.addi %mul3A_266, %add3A_394 : vector<16xi32>
      %add3A_396 = arith.constant 344064 : i32
      %add3A_397 = vector.broadcast %add3A_396 : i32 to vector<16xi32>
      %add3A_398 = arith.addi %add3A_259, %add3A_397 : vector<16xi32>
      tpu.vector_store_idx %arg9[%add3A_395], %add3A_398 : memref<16384xi32, #tpu.memory_space<vmem>>[vector<16xi32>], vector<16xi32>,
      %add3A_399 = arith.constant 22 : i32
      %add3A_400 = vector.broadcast %add3A_399 : i32 to vector<16xi32>
      %add3A_401 = arith.addi %mul3A_266, %add3A_400 : vector<16xi32>
      %add3A_402 = arith.constant 360448 : i32
      %add3A_403 = vector.broadcast %add3A_402 : i32 to vector<16xi32>
      %add3A_404 = arith.addi %add3A_259, %add3A_403 : vector<16xi32>
      tpu.vector_store_idx %arg9[%add3A_401], %add3A_404 : memref<16384xi32, #tpu.memory_space<vmem>>[vector<16xi32>], vector<16xi32>,
      %add3A_405 = arith.constant 23 : i32
      %add3A_406 = vector.broadcast %add3A_405 : i32 to vector<16xi32>
      %add3A_407 = arith.addi %mul3A_266, %add3A_406 : vector<16xi32>
      %add3A_408 = arith.constant 376832 : i32
      %add3A_409 = vector.broadcast %add3A_408 : i32 to vector<16xi32>
      %add3A_410 = arith.addi %add3A_259, %add3A_409 : vector<16xi32>
      tpu.vector_store_idx %arg9[%add3A_407], %add3A_410 : memref<16384xi32, #tpu.memory_space<vmem>>[vector<16xi32>], vector<16xi32>,
      %add3A_411 = arith.constant 24 : i32
      %add3A_412 = vector.broadcast %add3A_411 : i32 to vector<16xi32>
      %add3A_413 = arith.addi %mul3A_266, %add3A_412 : vector<16xi32>
      %add3A_414 = arith.constant 393216 : i32
      %add3A_415 = vector.broadcast %add3A_414 : i32 to vector<16xi32>
      %add3A_416 = arith.addi %add3A_259, %add3A_415 : vector<16xi32>
      tpu.vector_store_idx %arg9[%add3A_413], %add3A_416 : memref<16384xi32, #tpu.memory_space<vmem>>[vector<16xi32>], vector<16xi32>,
      %add3A_417 = arith.constant 25 : i32
      %add3A_418 = vector.broadcast %add3A_417 : i32 to vector<16xi32>
      %add3A_419 = arith.addi %mul3A_266, %add3A_418 : vector<16xi32>
      %add3A_420 = arith.constant 409600 : i32
      %add3A_421 = vector.broadcast %add3A_420 : i32 to vector<16xi32>
      %add3A_422 = arith.addi %add3A_259, %add3A_421 : vector<16xi32>
      tpu.vector_store_idx %arg9[%add3A_419], %add3A_422 : memref<16384xi32, #tpu.memory_space<vmem>>[vector<16xi32>], vector<16xi32>,
      %add3A_423 = arith.constant 26 : i32
      %add3A_424 = vector.broadcast %add3A_423 : i32 to vector<16xi32>
      %add3A_425 = arith.addi %mul3A_266, %add3A_424 : vector<16xi32>
      %add3A_426 = arith.constant 425984 : i32
      %add3A_427 = vector.broadcast %add3A_426 : i32 to vector<16xi32>
      %add3A_428 = arith.addi %add3A_259, %add3A_427 : vector<16xi32>
      tpu.vector_store_idx %arg9[%add3A_425], %add3A_428 : memref<16384xi32, #tpu.memory_space<vmem>>[vector<16xi32>], vector<16xi32>,
      %add3A_429 = arith.constant 27 : i32
      %add3A_430 = vector.broadcast %add3A_429 : i32 to vector<16xi32>
      %add3A_431 = arith.addi %mul3A_266, %add3A_430 : vector<16xi32>
      %add3A_432 = arith.constant 442368 : i32
      %add3A_433 = vector.broadcast %add3A_432 : i32 to vector<16xi32>
      %add3A_434 = arith.addi %add3A_259, %add3A_433 : vector<16xi32>
      tpu.vector_store_idx %arg9[%add3A_431], %add3A_434 : memref<16384xi32, #tpu.memory_space<vmem>>[vector<16xi32>], vector<16xi32>,
      %add3A_435 = arith.constant 28 : i32
      %add3A_436 = vector.broadcast %add3A_435 : i32 to vector<16xi32>
      %add3A_437 = arith.addi %mul3A_266, %add3A_436 : vector<16xi32>
      %add3A_438 = arith.constant 458752 : i32
      %add3A_439 = vector.broadcast %add3A_438 : i32 to vector<16xi32>
      %add3A_440 = arith.addi %add3A_259, %add3A_439 : vector<16xi32>
      tpu.vector_store_idx %arg9[%add3A_437], %add3A_440 : memref<16384xi32, #tpu.memory_space<vmem>>[vector<16xi32>], vector<16xi32>,
      %add3A_441 = arith.constant 29 : i32
      %add3A_442 = vector.broadcast %add3A_441 : i32 to vector<16xi32>
      %add3A_443 = arith.addi %mul3A_266, %add3A_442 : vector<16xi32>
      %add3A_444 = arith.constant 475136 : i32
      %add3A_445 = vector.broadcast %add3A_444 : i32 to vector<16xi32>
      %add3A_446 = arith.addi %add3A_259, %add3A_445 : vector<16xi32>
      tpu.vector_store_idx %arg9[%add3A_443], %add3A_446 : memref<16384xi32, #tpu.memory_space<vmem>>[vector<16xi32>], vector<16xi32>,
      %add3A_447 = arith.constant 30 : i32
      %add3A_448 = vector.broadcast %add3A_447 : i32 to vector<16xi32>
      %add3A_449 = arith.addi %mul3A_266, %add3A_448 : vector<16xi32>
      %add3A_450 = arith.constant 491520 : i32
      %add3A_451 = vector.broadcast %add3A_450 : i32 to vector<16xi32>
      %add3A_452 = arith.addi %add3A_259, %add3A_451 : vector<16xi32>
      tpu.vector_store_idx %arg9[%add3A_449], %add3A_452 : memref<16384xi32, #tpu.memory_space<vmem>>[vector<16xi32>], vector<16xi32>,
      %add3A_453 = arith.constant 31 : i32
      %add3A_454 = vector.broadcast %add3A_453 : i32 to vector<16xi32>
      %add3A_455 = arith.addi %mul3A_266, %add3A_454 : vector<16xi32>
      %add3A_456 = arith.constant 507904 : i32
      %add3A_457 = vector.broadcast %add3A_456 : i32 to vector<16xi32>
      %add3A_458 = arith.addi %add3A_259, %add3A_457 : vector<16xi32>
      tpu.vector_store_idx %arg9[%add3A_455], %add3A_458 : memref<16384xi32, #tpu.memory_space<vmem>>[vector<16xi32>], vector<16xi32>,
      %add3A_459 = arith.constant 32 : i32
      %add3A_460 = vector.broadcast %add3A_459 : i32 to vector<16xi32>
      %add3A_461 = arith.addi %mul3A_266, %add3A_460 : vector<16xi32>
      %add3A_462 = arith.constant 524288 : i32
      %add3A_463 = vector.broadcast %add3A_462 : i32 to vector<16xi32>
      %add3A_464 = arith.addi %add3A_259, %add3A_463 : vector<16xi32>
      tpu.vector_store_idx %arg9[%add3A_461], %add3A_464 : memref<16384xi32, #tpu.memory_space<vmem>>[vector<16xi32>], vector<16xi32>,
      %add3A_465 = arith.constant 33 : i32
      %add3A_466 = vector.broadcast %add3A_465 : i32 to vector<16xi32>
      %add3A_467 = arith.addi %mul3A_266, %add3A_466 : vector<16xi32>
      %add3A_468 = arith.constant 540672 : i32
      %add3A_469 = vector.broadcast %add3A_468 : i32 to vector<16xi32>
      %add3A_470 = arith.addi %add3A_259, %add3A_469 : vector<16xi32>
      tpu.vector_store_idx %arg9[%add3A_467], %add3A_470 : memref<16384xi32, #tpu.memory_space<vmem>>[vector<16xi32>], vector<16xi32>,
      %add3A_471 = arith.constant 34 : i32
      %add3A_472 = vector.broadcast %add3A_471 : i32 to vector<16xi32>
      %add3A_473 = arith.addi %mul3A_266, %add3A_472 : vector<16xi32>
      %add3A_474 = arith.constant 557056 : i32
      %add3A_475 = vector.broadcast %add3A_474 : i32 to vector<16xi32>
      %add3A_476 = arith.addi %add3A_259, %add3A_475 : vector<16xi32>
      tpu.vector_store_idx %arg9[%add3A_473], %add3A_476 : memref<16384xi32, #tpu.memory_space<vmem>>[vector<16xi32>], vector<16xi32>,
      %add3A_477 = arith.constant 35 : i32
      %add3A_478 = vector.broadcast %add3A_477 : i32 to vector<16xi32>
      %add3A_479 = arith.addi %mul3A_266, %add3A_478 : vector<16xi32>
      %add3A_480 = arith.constant 573440 : i32
      %add3A_481 = vector.broadcast %add3A_480 : i32 to vector<16xi32>
      %add3A_482 = arith.addi %add3A_259, %add3A_481 : vector<16xi32>
      tpu.vector_store_idx %arg9[%add3A_479], %add3A_482 : memref<16384xi32, #tpu.memory_space<vmem>>[vector<16xi32>], vector<16xi32>,
      %add3A_483 = arith.constant 36 : i32
      %add3A_484 = vector.broadcast %add3A_483 : i32 to vector<16xi32>
      %add3A_485 = arith.addi %mul3A_266, %add3A_484 : vector<16xi32>
      %add3A_486 = arith.constant 589824 : i32
      %add3A_487 = vector.broadcast %add3A_486 : i32 to vector<16xi32>
      %add3A_488 = arith.addi %add3A_259, %add3A_487 : vector<16xi32>
      tpu.vector_store_idx %arg9[%add3A_485], %add3A_488 : memref<16384xi32, #tpu.memory_space<vmem>>[vector<16xi32>], vector<16xi32>,
      %add3A_489 = arith.constant 37 : i32
      %add3A_490 = vector.broadcast %add3A_489 : i32 to vector<16xi32>
      %add3A_491 = arith.addi %mul3A_266, %add3A_490 : vector<16xi32>
      %add3A_492 = arith.constant 606208 : i32
      %add3A_493 = vector.broadcast %add3A_492 : i32 to vector<16xi32>
      %add3A_494 = arith.addi %add3A_259, %add3A_493 : vector<16xi32>
      tpu.vector_store_idx %arg9[%add3A_491], %add3A_494 : memref<16384xi32, #tpu.memory_space<vmem>>[vector<16xi32>], vector<16xi32>,
      %add3A_495 = arith.constant 38 : i32
      %add3A_496 = vector.broadcast %add3A_495 : i32 to vector<16xi32>
      %add3A_497 = arith.addi %mul3A_266, %add3A_496 : vector<16xi32>
      %add3A_498 = arith.constant 622592 : i32
      %add3A_499 = vector.broadcast %add3A_498 : i32 to vector<16xi32>
      %add3A_500 = arith.addi %add3A_259, %add3A_499 : vector<16xi32>
      tpu.vector_store_idx %arg9[%add3A_497], %add3A_500 : memref<16384xi32, #tpu.memory_space<vmem>>[vector<16xi32>], vector<16xi32>,
      %add3A_501 = arith.constant 39 : i32
      %add3A_502 = vector.broadcast %add3A_501 : i32 to vector<16xi32>
      %add3A_503 = arith.addi %mul3A_266, %add3A_502 : vector<16xi32>
      %add3A_504 = arith.constant 638976 : i32
      %add3A_505 = vector.broadcast %add3A_504 : i32 to vector<16xi32>
      %add3A_506 = arith.addi %add3A_259, %add3A_505 : vector<16xi32>
      tpu.vector_store_idx %arg9[%add3A_503], %add3A_506 : memref<16384xi32, #tpu.memory_space<vmem>>[vector<16xi32>], vector<16xi32>,
      %add3A_507 = arith.constant 40 : i32
      %add3A_508 = vector.broadcast %add3A_507 : i32 to vector<16xi32>
      %add3A_509 = arith.addi %mul3A_266, %add3A_508 : vector<16xi32>
      %add3A_510 = arith.constant 655360 : i32
      %add3A_511 = vector.broadcast %add3A_510 : i32 to vector<16xi32>
      %add3A_512 = arith.addi %add3A_259, %add3A_511 : vector<16xi32>
      tpu.vector_store_idx %arg9[%add3A_509], %add3A_512 : memref<16384xi32, #tpu.memory_space<vmem>>[vector<16xi32>], vector<16xi32>,
      %add3A_513 = arith.constant 41 : i32
      %add3A_514 = vector.broadcast %add3A_513 : i32 to vector<16xi32>
      %add3A_515 = arith.addi %mul3A_266, %add3A_514 : vector<16xi32>
      %add3A_516 = arith.constant 671744 : i32
      %add3A_517 = vector.broadcast %add3A_516 : i32 to vector<16xi32>
      %add3A_518 = arith.addi %add3A_259, %add3A_517 : vector<16xi32>
      tpu.vector_store_idx %arg9[%add3A_515], %add3A_518 : memref<16384xi32, #tpu.memory_space<vmem>>[vector<16xi32>], vector<16xi32>,
      %add3A_519 = arith.constant 42 : i32
      %add3A_520 = vector.broadcast %add3A_519 : i32 to vector<16xi32>
      %add3A_521 = arith.addi %mul3A_266, %add3A_520 : vector<16xi32>
      %add3A_522 = arith.constant 688128 : i32
      %add3A_523 = vector.broadcast %add3A_522 : i32 to vector<16xi32>
      %add3A_524 = arith.addi %add3A_259, %add3A_523 : vector<16xi32>
      tpu.vector_store_idx %arg9[%add3A_521], %add3A_524 : memref<16384xi32, #tpu.memory_space<vmem>>[vector<16xi32>], vector<16xi32>,
      %add3A_525 = arith.constant 43 : i32
      %add3A_526 = vector.broadcast %add3A_525 : i32 to vector<16xi32>
      %add3A_527 = arith.addi %mul3A_266, %add3A_526 : vector<16xi32>
      %add3A_528 = arith.constant 704512 : i32
      %add3A_529 = vector.broadcast %add3A_528 : i32 to vector<16xi32>
      %add3A_530 = arith.addi %add3A_259, %add3A_529 : vector<16xi32>
      tpu.vector_store_idx %arg9[%add3A_527], %add3A_530 : memref<16384xi32, #tpu.memory_space<vmem>>[vector<16xi32>], vector<16xi32>,
      %add3A_531 = arith.constant 44 : i32
      %add3A_532 = vector.broadcast %add3A_531 : i32 to vector<16xi32>
      %add3A_533 = arith.addi %mul3A_266, %add3A_532 : vector<16xi32>
      %add3A_534 = arith.constant 720896 : i32
      %add3A_535 = vector.broadcast %add3A_534 : i32 to vector<16xi32>
      %add3A_536 = arith.addi %add3A_259, %add3A_535 : vector<16xi32>
      tpu.vector_store_idx %arg9[%add3A_533], %add3A_536 : memref<16384xi32, #tpu.memory_space<vmem>>[vector<16xi32>], vector<16xi32>,
      %add3A_537 = arith.constant 45 : i32
      %add3A_538 = vector.broadcast %add3A_537 : i32 to vector<16xi32>
      %add3A_539 = arith.addi %mul3A_266, %add3A_538 : vector<16xi32>
      %add3A_540 = arith.constant 737280 : i32
      %add3A_541 = vector.broadcast %add3A_540 : i32 to vector<16xi32>
      %add3A_542 = arith.addi %add3A_259, %add3A_541 : vector<16xi32>
      tpu.vector_store_idx %arg9[%add3A_539], %add3A_542 : memref<16384xi32, #tpu.memory_space<vmem>>[vector<16xi32>], vector<16xi32>,
      %add3A_543 = arith.constant 46 : i32
      %add3A_544 = vector.broadcast %add3A_543 : i32 to vector<16xi32>
      %add3A_545 = arith.addi %mul3A_266, %add3A_544 : vector<16xi32>
      %add3A_546 = arith.constant 753664 : i32
      %add3A_547 = vector.broadcast %add3A_546 : i32 to vector<16xi32>
      %add3A_548 = arith.addi %add3A_259, %add3A_547 : vector<16xi32>
      tpu.vector_store_idx %arg9[%add3A_545], %add3A_548 : memref<16384xi32, #tpu.memory_space<vmem>>[vector<16xi32>], vector<16xi32>,
      %add3A_549 = arith.constant 47 : i32
      %add3A_550 = vector.broadcast %add3A_549 : i32 to vector<16xi32>
      %add3A_551 = arith.addi %mul3A_266, %add3A_550 : vector<16xi32>
      %add3A_552 = arith.constant 770048 : i32
      %add3A_553 = vector.broadcast %add3A_552 : i32 to vector<16xi32>
      %add3A_554 = arith.addi %add3A_259, %add3A_553 : vector<16xi32>
      tpu.vector_store_idx %arg9[%add3A_551], %add3A_554 : memref<16384xi32, #tpu.memory_space<vmem>>[vector<16xi32>], vector<16xi32>,
      %add3A_555 = arith.constant 48 : i32
      %add3A_556 = vector.broadcast %add3A_555 : i32 to vector<16xi32>
      %add3A_557 = arith.addi %mul3A_266, %add3A_556 : vector<16xi32>
      %add3A_558 = arith.constant 786432 : i32
      %add3A_559 = vector.broadcast %add3A_558 : i32 to vector<16xi32>
      %add3A_560 = arith.addi %add3A_259, %add3A_559 : vector<16xi32>
      tpu.vector_store_idx %arg9[%add3A_557], %add3A_560 : memref<16384xi32, #tpu.memory_space<vmem>>[vector<16xi32>], vector<16xi32>,
      %add3A_561 = arith.constant 49 : i32
      %add3A_562 = vector.broadcast %add3A_561 : i32 to vector<16xi32>
      %add3A_563 = arith.addi %mul3A_266, %add3A_562 : vector<16xi32>
      %add3A_564 = arith.constant 802816 : i32
      %add3A_565 = vector.broadcast %add3A_564 : i32 to vector<16xi32>
      %add3A_566 = arith.addi %add3A_259, %add3A_565 : vector<16xi32>
      tpu.vector_store_idx %arg9[%add3A_563], %add3A_566 : memref<16384xi32, #tpu.memory_space<vmem>>[vector<16xi32>], vector<16xi32>,
      %add3A_567 = arith.constant 50 : i32
      %add3A_568 = vector.broadcast %add3A_567 : i32 to vector<16xi32>
      %add3A_569 = arith.addi %mul3A_266, %add3A_568 : vector<16xi32>
      %add3A_570 = arith.constant 819200 : i32
      %add3A_571 = vector.broadcast %add3A_570 : i32 to vector<16xi32>
      %add3A_572 = arith.addi %add3A_259, %add3A_571 : vector<16xi32>
      tpu.vector_store_idx %arg9[%add3A_569], %add3A_572 : memref<16384xi32, #tpu.memory_space<vmem>>[vector<16xi32>], vector<16xi32>,
      %add3A_573 = arith.constant 51 : i32
      %add3A_574 = vector.broadcast %add3A_573 : i32 to vector<16xi32>
      %add3A_575 = arith.addi %mul3A_266, %add3A_574 : vector<16xi32>
      %add3A_576 = arith.constant 835584 : i32
      %add3A_577 = vector.broadcast %add3A_576 : i32 to vector<16xi32>
      %add3A_578 = arith.addi %add3A_259, %add3A_577 : vector<16xi32>
      tpu.vector_store_idx %arg9[%add3A_575], %add3A_578 : memref<16384xi32, #tpu.memory_space<vmem>>[vector<16xi32>], vector<16xi32>,
      %add3A_579 = arith.constant 52 : i32
      %add3A_580 = vector.broadcast %add3A_579 : i32 to vector<16xi32>
      %add3A_581 = arith.addi %mul3A_266, %add3A_580 : vector<16xi32>
      %add3A_582 = arith.constant 851968 : i32
      %add3A_583 = vector.broadcast %add3A_582 : i32 to vector<16xi32>
      %add3A_584 = arith.addi %add3A_259, %add3A_583 : vector<16xi32>
      tpu.vector_store_idx %arg9[%add3A_581], %add3A_584 : memref<16384xi32, #tpu.memory_space<vmem>>[vector<16xi32>], vector<16xi32>,
      %add3A_585 = arith.constant 53 : i32
      %add3A_586 = vector.broadcast %add3A_585 : i32 to vector<16xi32>
      %add3A_587 = arith.addi %mul3A_266, %add3A_586 : vector<16xi32>
      %add3A_588 = arith.constant 868352 : i32
      %add3A_589 = vector.broadcast %add3A_588 : i32 to vector<16xi32>
      %add3A_590 = arith.addi %add3A_259, %add3A_589 : vector<16xi32>
      tpu.vector_store_idx %arg9[%add3A_587], %add3A_590 : memref<16384xi32, #tpu.memory_space<vmem>>[vector<16xi32>], vector<16xi32>,
      %add3A_591 = arith.constant 54 : i32
      %add3A_592 = vector.broadcast %add3A_591 : i32 to vector<16xi32>
      %add3A_593 = arith.addi %mul3A_266, %add3A_592 : vector<16xi32>
      %add3A_594 = arith.constant 884736 : i32
      %add3A_595 = vector.broadcast %add3A_594 : i32 to vector<16xi32>
      %add3A_596 = arith.addi %add3A_259, %add3A_595 : vector<16xi32>
      tpu.vector_store_idx %arg9[%add3A_593], %add3A_596 : memref<16384xi32, #tpu.memory_space<vmem>>[vector<16xi32>], vector<16xi32>,
      %add3A_597 = arith.constant 55 : i32
      %add3A_598 = vector.broadcast %add3A_597 : i32 to vector<16xi32>
      %add3A_599 = arith.addi %mul3A_266, %add3A_598 : vector<16xi32>
      %add3A_600 = arith.constant 901120 : i32
      %add3A_601 = vector.broadcast %add3A_600 : i32 to vector<16xi32>
      %add3A_602 = arith.addi %add3A_259, %add3A_601 : vector<16xi32>
      tpu.vector_store_idx %arg9[%add3A_599], %add3A_602 : memref<16384xi32, #tpu.memory_space<vmem>>[vector<16xi32>], vector<16xi32>,
      %add3A_603 = arith.constant 56 : i32
      %add3A_604 = vector.broadcast %add3A_603 : i32 to vector<16xi32>
      %add3A_605 = arith.addi %mul3A_266, %add3A_604 : vector<16xi32>
      %add3A_606 = arith.constant 917504 : i32
      %add3A_607 = vector.broadcast %add3A_606 : i32 to vector<16xi32>
      %add3A_608 = arith.addi %add3A_259, %add3A_607 : vector<16xi32>
      tpu.vector_store_idx %arg9[%add3A_605], %add3A_608 : memref<16384xi32, #tpu.memory_space<vmem>>[vector<16xi32>], vector<16xi32>,
      %add3A_609 = arith.constant 57 : i32
      %add3A_610 = vector.broadcast %add3A_609 : i32 to vector<16xi32>
      %add3A_611 = arith.addi %mul3A_266, %add3A_610 : vector<16xi32>
      %add3A_612 = arith.constant 933888 : i32
      %add3A_613 = vector.broadcast %add3A_612 : i32 to vector<16xi32>
      %add3A_614 = arith.addi %add3A_259, %add3A_613 : vector<16xi32>
      tpu.vector_store_idx %arg9[%add3A_611], %add3A_614 : memref<16384xi32, #tpu.memory_space<vmem>>[vector<16xi32>], vector<16xi32>,
      %add3A_615 = arith.constant 58 : i32
      %add3A_616 = vector.broadcast %add3A_615 : i32 to vector<16xi32>
      %add3A_617 = arith.addi %mul3A_266, %add3A_616 : vector<16xi32>
      %add3A_618 = arith.constant 950272 : i32
      %add3A_619 = vector.broadcast %add3A_618 : i32 to vector<16xi32>
      %add3A_620 = arith.addi %add3A_259, %add3A_619 : vector<16xi32>
      tpu.vector_store_idx %arg9[%add3A_617], %add3A_620 : memref<16384xi32, #tpu.memory_space<vmem>>[vector<16xi32>], vector<16xi32>,
      %add3A_621 = arith.constant 59 : i32
      %add3A_622 = vector.broadcast %add3A_621 : i32 to vector<16xi32>
      %add3A_623 = arith.addi %mul3A_266, %add3A_622 : vector<16xi32>
      %add3A_624 = arith.constant 966656 : i32
      %add3A_625 = vector.broadcast %add3A_624 : i32 to vector<16xi32>
      %add3A_626 = arith.addi %add3A_259, %add3A_625 : vector<16xi32>
      tpu.vector_store_idx %arg9[%add3A_623], %add3A_626 : memref<16384xi32, #tpu.memory_space<vmem>>[vector<16xi32>], vector<16xi32>,
      %add3A_627 = arith.constant 60 : i32
      %add3A_628 = vector.broadcast %add3A_627 : i32 to vector<16xi32>
      %add3A_629 = arith.addi %mul3A_266, %add3A_628 : vector<16xi32>
      %add3A_630 = arith.constant 983040 : i32
      %add3A_631 = vector.broadcast %add3A_630 : i32 to vector<16xi32>
      %add3A_632 = arith.addi %add3A_259, %add3A_631 : vector<16xi32>
      tpu.vector_store_idx %arg9[%add3A_629], %add3A_632 : memref<16384xi32, #tpu.memory_space<vmem>>[vector<16xi32>], vector<16xi32>,
      %add3A_633 = arith.constant 61 : i32
      %add3A_634 = vector.broadcast %add3A_633 : i32 to vector<16xi32>
      %add3A_635 = arith.addi %mul3A_266, %add3A_634 : vector<16xi32>
      %add3A_636 = arith.constant 999424 : i32
      %add3A_637 = vector.broadcast %add3A_636 : i32 to vector<16xi32>
      %add3A_638 = arith.addi %add3A_259, %add3A_637 : vector<16xi32>
      tpu.vector_store_idx %arg9[%add3A_635], %add3A_638 : memref<16384xi32, #tpu.memory_space<vmem>>[vector<16xi32>], vector<16xi32>,
      %add3A_639 = arith.constant 62 : i32
      %add3A_640 = vector.broadcast %add3A_639 : i32 to vector<16xi32>
      %add3A_641 = arith.addi %mul3A_266, %add3A_640 : vector<16xi32>
      %add3A_642 = arith.constant 1015808 : i32
      %add3A_643 = vector.broadcast %add3A_642 : i32 to vector<16xi32>
      %add3A_644 = arith.addi %add3A_259, %add3A_643 : vector<16xi32>
      tpu.vector_store_idx %arg9[%add3A_641], %add3A_644 : memref<16384xi32, #tpu.memory_space<vmem>>[vector<16xi32>], vector<16xi32>,
      %add3A_645 = arith.constant 63 : i32
      %add3A_646 = vector.broadcast %add3A_645 : i32 to vector<16xi32>
      %add3A_647 = arith.addi %mul3A_266, %add3A_646 : vector<16xi32>
      %add3A_648 = arith.constant 1032192 : i32
      %add3A_649 = vector.broadcast %add3A_648 : i32 to vector<16xi32>
      %add3A_650 = arith.addi %add3A_259, %add3A_649 : vector<16xi32>
      tpu.vector_store_idx %arg9[%add3A_647], %add3A_650 : memref<16384xi32, #tpu.memory_space<vmem>>[vector<16xi32>], vector<16xi32>,
    }
    %scan3A_65 = arith.constant 2 : i32
    %dma_start3A_66 = arith.constant 8192 : i32
    %dma_start3A_67 = tpu.memref_slice %arg10[%dma_start3A_66] : memref<16384xf32, #tpu.memory_space<vmem>> -> memref<2048xf32, #tpu.memory_space<vmem>>
    %dma_start3A_68 = arith.constant 8192 : i32
    %dma_start3A_69 = tpu.memref_slice %arg9[%dma_start3A_68] : memref<16384xi32, #tpu.memory_space<vmem>> -> memref<2048xi32, #tpu.memory_space<vmem>>
    %dma_start3A_70 = arith.constant 0 : i32
    %dma_start3A_71 = tpu.memref_slice %arg2[%dma_start3A_70] : memref<16777216xf32, #tpu.memory_space<hbm>> -> memref<16777216xf32, #tpu.memory_space<hbm>>
    tpu.enqueue_indirect_dma source(%dma_start3A_71 : memref<16777216xf32, #tpu.memory_space<hbm>>) target(%dma_start3A_67 : memref<2048xf32, #tpu.memory_space<vmem>>) offsets(%dma_start3A_69 : memref<2048xi32, #tpu.memory_space<vmem>>) semaphore(%arg20 : memref<!tpu.dma_semaphore, #tpu.memory_space<semaphore_mem>>)
    %scan3A_72 = arith.constant 0 : i32
    %scan3A_73 = arith.constant 10 : i32
    %scan3A_74 = arith.constant 2 : i32
    %scan3A_75 = arith.addi %scan3A_73, %scan3A_74 : i32
    %scan3A_76 = arith.constant 1 : i32
    scf.for %scan3A_248 = %scan3A_73 to %scan3A_75 step %scan3A_76  : i32 {
      %mul3A_249 = arith.constant 16 : i32
      %mul3A_250 = arith.muli %scan3A_248, %mul3A_249 : i32
      %get3A = arith.index_cast %mul3A_250 : i32 to index
      %get3A_251 = tpu.vector_load %arg7[%get3A] {strides = array<i32>} : memref<256xi32, #tpu.memory_space<vmem>>, vector<16xi32>,
      %mul3A_252 = arith.constant 16 : i32
      %mul3A_253 = arith.muli %scan3A_248, %mul3A_252 : i32
      %get3A_254 = arith.index_cast %mul3A_253 : i32 to index
      %get3A_255 = tpu.vector_load %arg8[%get3A_254] {strides = array<i32>} : memref<256xi32, #tpu.memory_space<vmem>>, vector<16xi32>,
      %mul3A_256 = arith.constant 1048576 : i32
      %mul3A_257 = vector.broadcast %mul3A_256 : i32 to vector<16xi32>
      %mul3A_258 = arith.muli %get3A_255, %mul3A_257 : vector<16xi32>
      %add3A_259 = arith.addi %mul3A_258, %get3A_251 : vector<16xi32>
      %mul3A_260 = arith.constant 16 : i32
      %mul3A_261 = arith.muli %scan3A_248, %mul3A_260 : i32
      %add3A_262 = vector.broadcast %mul3A_261 : i32 to vector<16xi32>
      %add3A_263 = arith.addi %add3A_262, %iota3A : vector<16xi32>
      %mul3A_264 = arith.constant 64 : i32
      %mul3A_265 = vector.broadcast %mul3A_264 : i32 to vector<16xi32>
      %mul3A_266 = arith.muli %add3A_263, %mul3A_265 : vector<16xi32>
      %add3A_267 = arith.constant 0 : i32
      %add3A_268 = vector.broadcast %add3A_267 : i32 to vector<16xi32>
      %add3A_269 = arith.addi %mul3A_266, %add3A_268 : vector<16xi32>
      %add3A_270 = arith.constant 0 : i32
      %add3A_271 = vector.broadcast %add3A_270 : i32 to vector<16xi32>
      %add3A_272 = arith.addi %add3A_259, %add3A_271 : vector<16xi32>
      tpu.vector_store_idx %arg9[%add3A_269], %add3A_272 : memref<16384xi32, #tpu.memory_space<vmem>>[vector<16xi32>], vector<16xi32>,
      %add3A_273 = arith.constant 1 : i32
      %add3A_274 = vector.broadcast %add3A_273 : i32 to vector<16xi32>
      %add3A_275 = arith.addi %mul3A_266, %add3A_274 : vector<16xi32>
      %add3A_276 = arith.constant 16384 : i32
      %add3A_277 = vector.broadcast %add3A_276 : i32 to vector<16xi32>
      %add3A_278 = arith.addi %add3A_259, %add3A_277 : vector<16xi32>
      tpu.vector_store_idx %arg9[%add3A_275], %add3A_278 : memref<16384xi32, #tpu.memory_space<vmem>>[vector<16xi32>], vector<16xi32>,
      %add3A_279 = arith.constant 2 : i32
      %add3A_280 = vector.broadcast %add3A_279 : i32 to vector<16xi32>
      %add3A_281 = arith.addi %mul3A_266, %add3A_280 : vector<16xi32>
      %add3A_282 = arith.constant 32768 : i32
      %add3A_283 = vector.broadcast %add3A_282 : i32 to vector<16xi32>
      %add3A_284 = arith.addi %add3A_259, %add3A_283 : vector<16xi32>
      tpu.vector_store_idx %arg9[%add3A_281], %add3A_284 : memref<16384xi32, #tpu.memory_space<vmem>>[vector<16xi32>], vector<16xi32>,
      %add3A_285 = arith.constant 3 : i32
      %add3A_286 = vector.broadcast %add3A_285 : i32 to vector<16xi32>
      %add3A_287 = arith.addi %mul3A_266, %add3A_286 : vector<16xi32>
      %add3A_288 = arith.constant 49152 : i32
      %add3A_289 = vector.broadcast %add3A_288 : i32 to vector<16xi32>
      %add3A_290 = arith.addi %add3A_259, %add3A_289 : vector<16xi32>
      tpu.vector_store_idx %arg9[%add3A_287], %add3A_290 : memref<16384xi32, #tpu.memory_space<vmem>>[vector<16xi32>], vector<16xi32>,
      %add3A_291 = arith.constant 4 : i32
      %add3A_292 = vector.broadcast %add3A_291 : i32 to vector<16xi32>
      %add3A_293 = arith.addi %mul3A_266, %add3A_292 : vector<16xi32>
      %add3A_294 = arith.constant 65536 : i32
      %add3A_295 = vector.broadcast %add3A_294 : i32 to vector<16xi32>
      %add3A_296 = arith.addi %add3A_259, %add3A_295 : vector<16xi32>
      tpu.vector_store_idx %arg9[%add3A_293], %add3A_296 : memref<16384xi32, #tpu.memory_space<vmem>>[vector<16xi32>], vector<16xi32>,
      %add3A_297 = arith.constant 5 : i32
      %add3A_298 = vector.broadcast %add3A_297 : i32 to vector<16xi32>
      %add3A_299 = arith.addi %mul3A_266, %add3A_298 : vector<16xi32>
      %add3A_300 = arith.constant 81920 : i32
      %add3A_301 = vector.broadcast %add3A_300 : i32 to vector<16xi32>
      %add3A_302 = arith.addi %add3A_259, %add3A_301 : vector<16xi32>
      tpu.vector_store_idx %arg9[%add3A_299], %add3A_302 : memref<16384xi32, #tpu.memory_space<vmem>>[vector<16xi32>], vector<16xi32>,
      %add3A_303 = arith.constant 6 : i32
      %add3A_304 = vector.broadcast %add3A_303 : i32 to vector<16xi32>
      %add3A_305 = arith.addi %mul3A_266, %add3A_304 : vector<16xi32>
      %add3A_306 = arith.constant 98304 : i32
      %add3A_307 = vector.broadcast %add3A_306 : i32 to vector<16xi32>
      %add3A_308 = arith.addi %add3A_259, %add3A_307 : vector<16xi32>
      tpu.vector_store_idx %arg9[%add3A_305], %add3A_308 : memref<16384xi32, #tpu.memory_space<vmem>>[vector<16xi32>], vector<16xi32>,
      %add3A_309 = arith.constant 7 : i32
      %add3A_310 = vector.broadcast %add3A_309 : i32 to vector<16xi32>
      %add3A_311 = arith.addi %mul3A_266, %add3A_310 : vector<16xi32>
      %add3A_312 = arith.constant 114688 : i32
      %add3A_313 = vector.broadcast %add3A_312 : i32 to vector<16xi32>
      %add3A_314 = arith.addi %add3A_259, %add3A_313 : vector<16xi32>
      tpu.vector_store_idx %arg9[%add3A_311], %add3A_314 : memref<16384xi32, #tpu.memory_space<vmem>>[vector<16xi32>], vector<16xi32>,
      %add3A_315 = arith.constant 8 : i32
      %add3A_316 = vector.broadcast %add3A_315 : i32 to vector<16xi32>
      %add3A_317 = arith.addi %mul3A_266, %add3A_316 : vector<16xi32>
      %add3A_318 = arith.constant 131072 : i32
      %add3A_319 = vector.broadcast %add3A_318 : i32 to vector<16xi32>
      %add3A_320 = arith.addi %add3A_259, %add3A_319 : vector<16xi32>
      tpu.vector_store_idx %arg9[%add3A_317], %add3A_320 : memref<16384xi32, #tpu.memory_space<vmem>>[vector<16xi32>], vector<16xi32>,
      %add3A_321 = arith.constant 9 : i32
      %add3A_322 = vector.broadcast %add3A_321 : i32 to vector<16xi32>
      %add3A_323 = arith.addi %mul3A_266, %add3A_322 : vector<16xi32>
      %add3A_324 = arith.constant 147456 : i32
      %add3A_325 = vector.broadcast %add3A_324 : i32 to vector<16xi32>
      %add3A_326 = arith.addi %add3A_259, %add3A_325 : vector<16xi32>
      tpu.vector_store_idx %arg9[%add3A_323], %add3A_326 : memref<16384xi32, #tpu.memory_space<vmem>>[vector<16xi32>], vector<16xi32>,
      %add3A_327 = arith.constant 10 : i32
      %add3A_328 = vector.broadcast %add3A_327 : i32 to vector<16xi32>
      %add3A_329 = arith.addi %mul3A_266, %add3A_328 : vector<16xi32>
      %add3A_330 = arith.constant 163840 : i32
      %add3A_331 = vector.broadcast %add3A_330 : i32 to vector<16xi32>
      %add3A_332 = arith.addi %add3A_259, %add3A_331 : vector<16xi32>
      tpu.vector_store_idx %arg9[%add3A_329], %add3A_332 : memref<16384xi32, #tpu.memory_space<vmem>>[vector<16xi32>], vector<16xi32>,
      %add3A_333 = arith.constant 11 : i32
      %add3A_334 = vector.broadcast %add3A_333 : i32 to vector<16xi32>
      %add3A_335 = arith.addi %mul3A_266, %add3A_334 : vector<16xi32>
      %add3A_336 = arith.constant 180224 : i32
      %add3A_337 = vector.broadcast %add3A_336 : i32 to vector<16xi32>
      %add3A_338 = arith.addi %add3A_259, %add3A_337 : vector<16xi32>
      tpu.vector_store_idx %arg9[%add3A_335], %add3A_338 : memref<16384xi32, #tpu.memory_space<vmem>>[vector<16xi32>], vector<16xi32>,
      %add3A_339 = arith.constant 12 : i32
      %add3A_340 = vector.broadcast %add3A_339 : i32 to vector<16xi32>
      %add3A_341 = arith.addi %mul3A_266, %add3A_340 : vector<16xi32>
      %add3A_342 = arith.constant 196608 : i32
      %add3A_343 = vector.broadcast %add3A_342 : i32 to vector<16xi32>
      %add3A_344 = arith.addi %add3A_259, %add3A_343 : vector<16xi32>
      tpu.vector_store_idx %arg9[%add3A_341], %add3A_344 : memref<16384xi32, #tpu.memory_space<vmem>>[vector<16xi32>], vector<16xi32>,
      %add3A_345 = arith.constant 13 : i32
      %add3A_346 = vector.broadcast %add3A_345 : i32 to vector<16xi32>
      %add3A_347 = arith.addi %mul3A_266, %add3A_346 : vector<16xi32>
      %add3A_348 = arith.constant 212992 : i32
      %add3A_349 = vector.broadcast %add3A_348 : i32 to vector<16xi32>
      %add3A_350 = arith.addi %add3A_259, %add3A_349 : vector<16xi32>
      tpu.vector_store_idx %arg9[%add3A_347], %add3A_350 : memref<16384xi32, #tpu.memory_space<vmem>>[vector<16xi32>], vector<16xi32>,
      %add3A_351 = arith.constant 14 : i32
      %add3A_352 = vector.broadcast %add3A_351 : i32 to vector<16xi32>
      %add3A_353 = arith.addi %mul3A_266, %add3A_352 : vector<16xi32>
      %add3A_354 = arith.constant 229376 : i32
      %add3A_355 = vector.broadcast %add3A_354 : i32 to vector<16xi32>
      %add3A_356 = arith.addi %add3A_259, %add3A_355 : vector<16xi32>
      tpu.vector_store_idx %arg9[%add3A_353], %add3A_356 : memref<16384xi32, #tpu.memory_space<vmem>>[vector<16xi32>], vector<16xi32>,
      %add3A_357 = arith.constant 15 : i32
      %add3A_358 = vector.broadcast %add3A_357 : i32 to vector<16xi32>
      %add3A_359 = arith.addi %mul3A_266, %add3A_358 : vector<16xi32>
      %add3A_360 = arith.constant 245760 : i32
      %add3A_361 = vector.broadcast %add3A_360 : i32 to vector<16xi32>
      %add3A_362 = arith.addi %add3A_259, %add3A_361 : vector<16xi32>
      tpu.vector_store_idx %arg9[%add3A_359], %add3A_362 : memref<16384xi32, #tpu.memory_space<vmem>>[vector<16xi32>], vector<16xi32>,
      %add3A_363 = arith.constant 16 : i32
      %add3A_364 = vector.broadcast %add3A_363 : i32 to vector<16xi32>
      %add3A_365 = arith.addi %mul3A_266, %add3A_364 : vector<16xi32>
      %add3A_366 = arith.constant 262144 : i32
      %add3A_367 = vector.broadcast %add3A_366 : i32 to vector<16xi32>
      %add3A_368 = arith.addi %add3A_259, %add3A_367 : vector<16xi32>
      tpu.vector_store_idx %arg9[%add3A_365], %add3A_368 : memref<16384xi32, #tpu.memory_space<vmem>>[vector<16xi32>], vector<16xi32>,
      %add3A_369 = arith.constant 17 : i32
      %add3A_370 = vector.broadcast %add3A_369 : i32 to vector<16xi32>
      %add3A_371 = arith.addi %mul3A_266, %add3A_370 : vector<16xi32>
      %add3A_372 = arith.constant 278528 : i32
      %add3A_373 = vector.broadcast %add3A_372 : i32 to vector<16xi32>
      %add3A_374 = arith.addi %add3A_259, %add3A_373 : vector<16xi32>
      tpu.vector_store_idx %arg9[%add3A_371], %add3A_374 : memref<16384xi32, #tpu.memory_space<vmem>>[vector<16xi32>], vector<16xi32>,
      %add3A_375 = arith.constant 18 : i32
      %add3A_376 = vector.broadcast %add3A_375 : i32 to vector<16xi32>
      %add3A_377 = arith.addi %mul3A_266, %add3A_376 : vector<16xi32>
      %add3A_378 = arith.constant 294912 : i32
      %add3A_379 = vector.broadcast %add3A_378 : i32 to vector<16xi32>
      %add3A_380 = arith.addi %add3A_259, %add3A_379 : vector<16xi32>
      tpu.vector_store_idx %arg9[%add3A_377], %add3A_380 : memref<16384xi32, #tpu.memory_space<vmem>>[vector<16xi32>], vector<16xi32>,
      %add3A_381 = arith.constant 19 : i32
      %add3A_382 = vector.broadcast %add3A_381 : i32 to vector<16xi32>
      %add3A_383 = arith.addi %mul3A_266, %add3A_382 : vector<16xi32>
      %add3A_384 = arith.constant 311296 : i32
      %add3A_385 = vector.broadcast %add3A_384 : i32 to vector<16xi32>
      %add3A_386 = arith.addi %add3A_259, %add3A_385 : vector<16xi32>
      tpu.vector_store_idx %arg9[%add3A_383], %add3A_386 : memref<16384xi32, #tpu.memory_space<vmem>>[vector<16xi32>], vector<16xi32>,
      %add3A_387 = arith.constant 20 : i32
      %add3A_388 = vector.broadcast %add3A_387 : i32 to vector<16xi32>
      %add3A_389 = arith.addi %mul3A_266, %add3A_388 : vector<16xi32>
      %add3A_390 = arith.constant 327680 : i32
      %add3A_391 = vector.broadcast %add3A_390 : i32 to vector<16xi32>
      %add3A_392 = arith.addi %add3A_259, %add3A_391 : vector<16xi32>
      tpu.vector_store_idx %arg9[%add3A_389], %add3A_392 : memref<16384xi32, #tpu.memory_space<vmem>>[vector<16xi32>], vector<16xi32>,
      %add3A_393 = arith.constant 21 : i32
      %add3A_394 = vector.broadcast %add3A_393 : i32 to vector<16xi32>
      %add3A_395 = arith.addi %mul3A_266, %add3A_394 : vector<16xi32>
      %add3A_396 = arith.constant 344064 : i32
      %add3A_397 = vector.broadcast %add3A_396 : i32 to vector<16xi32>
      %add3A_398 = arith.addi %add3A_259, %add3A_397 : vector<16xi32>
      tpu.vector_store_idx %arg9[%add3A_395], %add3A_398 : memref<16384xi32, #tpu.memory_space<vmem>>[vector<16xi32>], vector<16xi32>,
      %add3A_399 = arith.constant 22 : i32
      %add3A_400 = vector.broadcast %add3A_399 : i32 to vector<16xi32>
      %add3A_401 = arith.addi %mul3A_266, %add3A_400 : vector<16xi32>
      %add3A_402 = arith.constant 360448 : i32
      %add3A_403 = vector.broadcast %add3A_402 : i32 to vector<16xi32>
      %add3A_404 = arith.addi %add3A_259, %add3A_403 : vector<16xi32>
      tpu.vector_store_idx %arg9[%add3A_401], %add3A_404 : memref<16384xi32, #tpu.memory_space<vmem>>[vector<16xi32>], vector<16xi32>,
      %add3A_405 = arith.constant 23 : i32
      %add3A_406 = vector.broadcast %add3A_405 : i32 to vector<16xi32>
      %add3A_407 = arith.addi %mul3A_266, %add3A_406 : vector<16xi32>
      %add3A_408 = arith.constant 376832 : i32
      %add3A_409 = vector.broadcast %add3A_408 : i32 to vector<16xi32>
      %add3A_410 = arith.addi %add3A_259, %add3A_409 : vector<16xi32>
      tpu.vector_store_idx %arg9[%add3A_407], %add3A_410 : memref<16384xi32, #tpu.memory_space<vmem>>[vector<16xi32>], vector<16xi32>,
      %add3A_411 = arith.constant 24 : i32
      %add3A_412 = vector.broadcast %add3A_411 : i32 to vector<16xi32>
      %add3A_413 = arith.addi %mul3A_266, %add3A_412 : vector<16xi32>
      %add3A_414 = arith.constant 393216 : i32
      %add3A_415 = vector.broadcast %add3A_414 : i32 to vector<16xi32>
      %add3A_416 = arith.addi %add3A_259, %add3A_415 : vector<16xi32>
      tpu.vector_store_idx %arg9[%add3A_413], %add3A_416 : memref<16384xi32, #tpu.memory_space<vmem>>[vector<16xi32>], vector<16xi32>,
      %add3A_417 = arith.constant 25 : i32
      %add3A_418 = vector.broadcast %add3A_417 : i32 to vector<16xi32>
      %add3A_419 = arith.addi %mul3A_266, %add3A_418 : vector<16xi32>
      %add3A_420 = arith.constant 409600 : i32
      %add3A_421 = vector.broadcast %add3A_420 : i32 to vector<16xi32>
      %add3A_422 = arith.addi %add3A_259, %add3A_421 : vector<16xi32>
      tpu.vector_store_idx %arg9[%add3A_419], %add3A_422 : memref<16384xi32, #tpu.memory_space<vmem>>[vector<16xi32>], vector<16xi32>,
      %add3A_423 = arith.constant 26 : i32
      %add3A_424 = vector.broadcast %add3A_423 : i32 to vector<16xi32>
      %add3A_425 = arith.addi %mul3A_266, %add3A_424 : vector<16xi32>
      %add3A_426 = arith.constant 425984 : i32
      %add3A_427 = vector.broadcast %add3A_426 : i32 to vector<16xi32>
      %add3A_428 = arith.addi %add3A_259, %add3A_427 : vector<16xi32>
      tpu.vector_store_idx %arg9[%add3A_425], %add3A_428 : memref<16384xi32, #tpu.memory_space<vmem>>[vector<16xi32>], vector<16xi32>,
      %add3A_429 = arith.constant 27 : i32
      %add3A_430 = vector.broadcast %add3A_429 : i32 to vector<16xi32>
      %add3A_431 = arith.addi %mul3A_266, %add3A_430 : vector<16xi32>
      %add3A_432 = arith.constant 442368 : i32
      %add3A_433 = vector.broadcast %add3A_432 : i32 to vector<16xi32>
      %add3A_434 = arith.addi %add3A_259, %add3A_433 : vector<16xi32>
      tpu.vector_store_idx %arg9[%add3A_431], %add3A_434 : memref<16384xi32, #tpu.memory_space<vmem>>[vector<16xi32>], vector<16xi32>,
      %add3A_435 = arith.constant 28 : i32
      %add3A_436 = vector.broadcast %add3A_435 : i32 to vector<16xi32>
      %add3A_437 = arith.addi %mul3A_266, %add3A_436 : vector<16xi32>
      %add3A_438 = arith.constant 458752 : i32
      %add3A_439 = vector.broadcast %add3A_438 : i32 to vector<16xi32>
      %add3A_440 = arith.addi %add3A_259, %add3A_439 : vector<16xi32>
      tpu.vector_store_idx %arg9[%add3A_437], %add3A_440 : memref<16384xi32, #tpu.memory_space<vmem>>[vector<16xi32>], vector<16xi32>,
      %add3A_441 = arith.constant 29 : i32
      %add3A_442 = vector.broadcast %add3A_441 : i32 to vector<16xi32>
      %add3A_443 = arith.addi %mul3A_266, %add3A_442 : vector<16xi32>
      %add3A_444 = arith.constant 475136 : i32
      %add3A_445 = vector.broadcast %add3A_444 : i32 to vector<16xi32>
      %add3A_446 = arith.addi %add3A_259, %add3A_445 : vector<16xi32>
      tpu.vector_store_idx %arg9[%add3A_443], %add3A_446 : memref<16384xi32, #tpu.memory_space<vmem>>[vector<16xi32>], vector<16xi32>,
      %add3A_447 = arith.constant 30 : i32
      %add3A_448 = vector.broadcast %add3A_447 : i32 to vector<16xi32>
      %add3A_449 = arith.addi %mul3A_266, %add3A_448 : vector<16xi32>
      %add3A_450 = arith.constant 491520 : i32
      %add3A_451 = vector.broadcast %add3A_450 : i32 to vector<16xi32>
      %add3A_452 = arith.addi %add3A_259, %add3A_451 : vector<16xi32>
      tpu.vector_store_idx %arg9[%add3A_449], %add3A_452 : memref<16384xi32, #tpu.memory_space<vmem>>[vector<16xi32>], vector<16xi32>,
      %add3A_453 = arith.constant 31 : i32
      %add3A_454 = vector.broadcast %add3A_453 : i32 to vector<16xi32>
      %add3A_455 = arith.addi %mul3A_266, %add3A_454 : vector<16xi32>
      %add3A_456 = arith.constant 507904 : i32
      %add3A_457 = vector.broadcast %add3A_456 : i32 to vector<16xi32>
      %add3A_458 = arith.addi %add3A_259, %add3A_457 : vector<16xi32>
      tpu.vector_store_idx %arg9[%add3A_455], %add3A_458 : memref<16384xi32, #tpu.memory_space<vmem>>[vector<16xi32>], vector<16xi32>,
      %add3A_459 = arith.constant 32 : i32
      %add3A_460 = vector.broadcast %add3A_459 : i32 to vector<16xi32>
      %add3A_461 = arith.addi %mul3A_266, %add3A_460 : vector<16xi32>
      %add3A_462 = arith.constant 524288 : i32
      %add3A_463 = vector.broadcast %add3A_462 : i32 to vector<16xi32>
      %add3A_464 = arith.addi %add3A_259, %add3A_463 : vector<16xi32>
      tpu.vector_store_idx %arg9[%add3A_461], %add3A_464 : memref<16384xi32, #tpu.memory_space<vmem>>[vector<16xi32>], vector<16xi32>,
      %add3A_465 = arith.constant 33 : i32
      %add3A_466 = vector.broadcast %add3A_465 : i32 to vector<16xi32>
      %add3A_467 = arith.addi %mul3A_266, %add3A_466 : vector<16xi32>
      %add3A_468 = arith.constant 540672 : i32
      %add3A_469 = vector.broadcast %add3A_468 : i32 to vector<16xi32>
      %add3A_470 = arith.addi %add3A_259, %add3A_469 : vector<16xi32>
      tpu.vector_store_idx %arg9[%add3A_467], %add3A_470 : memref<16384xi32, #tpu.memory_space<vmem>>[vector<16xi32>], vector<16xi32>,
      %add3A_471 = arith.constant 34 : i32
      %add3A_472 = vector.broadcast %add3A_471 : i32 to vector<16xi32>
      %add3A_473 = arith.addi %mul3A_266, %add3A_472 : vector<16xi32>
      %add3A_474 = arith.constant 557056 : i32
      %add3A_475 = vector.broadcast %add3A_474 : i32 to vector<16xi32>
      %add3A_476 = arith.addi %add3A_259, %add3A_475 : vector<16xi32>
      tpu.vector_store_idx %arg9[%add3A_473], %add3A_476 : memref<16384xi32, #tpu.memory_space<vmem>>[vector<16xi32>], vector<16xi32>,
      %add3A_477 = arith.constant 35 : i32
      %add3A_478 = vector.broadcast %add3A_477 : i32 to vector<16xi32>
      %add3A_479 = arith.addi %mul3A_266, %add3A_478 : vector<16xi32>
      %add3A_480 = arith.constant 573440 : i32
      %add3A_481 = vector.broadcast %add3A_480 : i32 to vector<16xi32>
      %add3A_482 = arith.addi %add3A_259, %add3A_481 : vector<16xi32>
      tpu.vector_store_idx %arg9[%add3A_479], %add3A_482 : memref<16384xi32, #tpu.memory_space<vmem>>[vector<16xi32>], vector<16xi32>,
      %add3A_483 = arith.constant 36 : i32
      %add3A_484 = vector.broadcast %add3A_483 : i32 to vector<16xi32>
      %add3A_485 = arith.addi %mul3A_266, %add3A_484 : vector<16xi32>
      %add3A_486 = arith.constant 589824 : i32
      %add3A_487 = vector.broadcast %add3A_486 : i32 to vector<16xi32>
      %add3A_488 = arith.addi %add3A_259, %add3A_487 : vector<16xi32>
      tpu.vector_store_idx %arg9[%add3A_485], %add3A_488 : memref<16384xi32, #tpu.memory_space<vmem>>[vector<16xi32>], vector<16xi32>,
      %add3A_489 = arith.constant 37 : i32
      %add3A_490 = vector.broadcast %add3A_489 : i32 to vector<16xi32>
      %add3A_491 = arith.addi %mul3A_266, %add3A_490 : vector<16xi32>
      %add3A_492 = arith.constant 606208 : i32
      %add3A_493 = vector.broadcast %add3A_492 : i32 to vector<16xi32>
      %add3A_494 = arith.addi %add3A_259, %add3A_493 : vector<16xi32>
      tpu.vector_store_idx %arg9[%add3A_491], %add3A_494 : memref<16384xi32, #tpu.memory_space<vmem>>[vector<16xi32>], vector<16xi32>,
      %add3A_495 = arith.constant 38 : i32
      %add3A_496 = vector.broadcast %add3A_495 : i32 to vector<16xi32>
      %add3A_497 = arith.addi %mul3A_266, %add3A_496 : vector<16xi32>
      %add3A_498 = arith.constant 622592 : i32
      %add3A_499 = vector.broadcast %add3A_498 : i32 to vector<16xi32>
      %add3A_500 = arith.addi %add3A_259, %add3A_499 : vector<16xi32>
      tpu.vector_store_idx %arg9[%add3A_497], %add3A_500 : memref<16384xi32, #tpu.memory_space<vmem>>[vector<16xi32>], vector<16xi32>,
      %add3A_501 = arith.constant 39 : i32
      %add3A_502 = vector.broadcast %add3A_501 : i32 to vector<16xi32>
      %add3A_503 = arith.addi %mul3A_266, %add3A_502 : vector<16xi32>
      %add3A_504 = arith.constant 638976 : i32
      %add3A_505 = vector.broadcast %add3A_504 : i32 to vector<16xi32>
      %add3A_506 = arith.addi %add3A_259, %add3A_505 : vector<16xi32>
      tpu.vector_store_idx %arg9[%add3A_503], %add3A_506 : memref<16384xi32, #tpu.memory_space<vmem>>[vector<16xi32>], vector<16xi32>,
      %add3A_507 = arith.constant 40 : i32
      %add3A_508 = vector.broadcast %add3A_507 : i32 to vector<16xi32>
      %add3A_509 = arith.addi %mul3A_266, %add3A_508 : vector<16xi32>
      %add3A_510 = arith.constant 655360 : i32
      %add3A_511 = vector.broadcast %add3A_510 : i32 to vector<16xi32>
      %add3A_512 = arith.addi %add3A_259, %add3A_511 : vector<16xi32>
      tpu.vector_store_idx %arg9[%add3A_509], %add3A_512 : memref<16384xi32, #tpu.memory_space<vmem>>[vector<16xi32>], vector<16xi32>,
      %add3A_513 = arith.constant 41 : i32
      %add3A_514 = vector.broadcast %add3A_513 : i32 to vector<16xi32>
      %add3A_515 = arith.addi %mul3A_266, %add3A_514 : vector<16xi32>
      %add3A_516 = arith.constant 671744 : i32
      %add3A_517 = vector.broadcast %add3A_516 : i32 to vector<16xi32>
      %add3A_518 = arith.addi %add3A_259, %add3A_517 : vector<16xi32>
      tpu.vector_store_idx %arg9[%add3A_515], %add3A_518 : memref<16384xi32, #tpu.memory_space<vmem>>[vector<16xi32>], vector<16xi32>,
      %add3A_519 = arith.constant 42 : i32
      %add3A_520 = vector.broadcast %add3A_519 : i32 to vector<16xi32>
      %add3A_521 = arith.addi %mul3A_266, %add3A_520 : vector<16xi32>
      %add3A_522 = arith.constant 688128 : i32
      %add3A_523 = vector.broadcast %add3A_522 : i32 to vector<16xi32>
      %add3A_524 = arith.addi %add3A_259, %add3A_523 : vector<16xi32>
      tpu.vector_store_idx %arg9[%add3A_521], %add3A_524 : memref<16384xi32, #tpu.memory_space<vmem>>[vector<16xi32>], vector<16xi32>,
      %add3A_525 = arith.constant 43 : i32
      %add3A_526 = vector.broadcast %add3A_525 : i32 to vector<16xi32>
      %add3A_527 = arith.addi %mul3A_266, %add3A_526 : vector<16xi32>
      %add3A_528 = arith.constant 704512 : i32
      %add3A_529 = vector.broadcast %add3A_528 : i32 to vector<16xi32>
      %add3A_530 = arith.addi %add3A_259, %add3A_529 : vector<16xi32>
      tpu.vector_store_idx %arg9[%add3A_527], %add3A_530 : memref<16384xi32, #tpu.memory_space<vmem>>[vector<16xi32>], vector<16xi32>,
      %add3A_531 = arith.constant 44 : i32
      %add3A_532 = vector.broadcast %add3A_531 : i32 to vector<16xi32>
      %add3A_533 = arith.addi %mul3A_266, %add3A_532 : vector<16xi32>
      %add3A_534 = arith.constant 720896 : i32
      %add3A_535 = vector.broadcast %add3A_534 : i32 to vector<16xi32>
      %add3A_536 = arith.addi %add3A_259, %add3A_535 : vector<16xi32>
      tpu.vector_store_idx %arg9[%add3A_533], %add3A_536 : memref<16384xi32, #tpu.memory_space<vmem>>[vector<16xi32>], vector<16xi32>,
      %add3A_537 = arith.constant 45 : i32
      %add3A_538 = vector.broadcast %add3A_537 : i32 to vector<16xi32>
      %add3A_539 = arith.addi %mul3A_266, %add3A_538 : vector<16xi32>
      %add3A_540 = arith.constant 737280 : i32
      %add3A_541 = vector.broadcast %add3A_540 : i32 to vector<16xi32>
      %add3A_542 = arith.addi %add3A_259, %add3A_541 : vector<16xi32>
      tpu.vector_store_idx %arg9[%add3A_539], %add3A_542 : memref<16384xi32, #tpu.memory_space<vmem>>[vector<16xi32>], vector<16xi32>,
      %add3A_543 = arith.constant 46 : i32
      %add3A_544 = vector.broadcast %add3A_543 : i32 to vector<16xi32>
      %add3A_545 = arith.addi %mul3A_266, %add3A_544 : vector<16xi32>
      %add3A_546 = arith.constant 753664 : i32
      %add3A_547 = vector.broadcast %add3A_546 : i32 to vector<16xi32>
      %add3A_548 = arith.addi %add3A_259, %add3A_547 : vector<16xi32>
      tpu.vector_store_idx %arg9[%add3A_545], %add3A_548 : memref<16384xi32, #tpu.memory_space<vmem>>[vector<16xi32>], vector<16xi32>,
      %add3A_549 = arith.constant 47 : i32
      %add3A_550 = vector.broadcast %add3A_549 : i32 to vector<16xi32>
      %add3A_551 = arith.addi %mul3A_266, %add3A_550 : vector<16xi32>
      %add3A_552 = arith.constant 770048 : i32
      %add3A_553 = vector.broadcast %add3A_552 : i32 to vector<16xi32>
      %add3A_554 = arith.addi %add3A_259, %add3A_553 : vector<16xi32>
      tpu.vector_store_idx %arg9[%add3A_551], %add3A_554 : memref<16384xi32, #tpu.memory_space<vmem>>[vector<16xi32>], vector<16xi32>,
      %add3A_555 = arith.constant 48 : i32
      %add3A_556 = vector.broadcast %add3A_555 : i32 to vector<16xi32>
      %add3A_557 = arith.addi %mul3A_266, %add3A_556 : vector<16xi32>
      %add3A_558 = arith.constant 786432 : i32
      %add3A_559 = vector.broadcast %add3A_558 : i32 to vector<16xi32>
      %add3A_560 = arith.addi %add3A_259, %add3A_559 : vector<16xi32>
      tpu.vector_store_idx %arg9[%add3A_557], %add3A_560 : memref<16384xi32, #tpu.memory_space<vmem>>[vector<16xi32>], vector<16xi32>,
      %add3A_561 = arith.constant 49 : i32
      %add3A_562 = vector.broadcast %add3A_561 : i32 to vector<16xi32>
      %add3A_563 = arith.addi %mul3A_266, %add3A_562 : vector<16xi32>
      %add3A_564 = arith.constant 802816 : i32
      %add3A_565 = vector.broadcast %add3A_564 : i32 to vector<16xi32>
      %add3A_566 = arith.addi %add3A_259, %add3A_565 : vector<16xi32>
      tpu.vector_store_idx %arg9[%add3A_563], %add3A_566 : memref<16384xi32, #tpu.memory_space<vmem>>[vector<16xi32>], vector<16xi32>,
      %add3A_567 = arith.constant 50 : i32
      %add3A_568 = vector.broadcast %add3A_567 : i32 to vector<16xi32>
      %add3A_569 = arith.addi %mul3A_266, %add3A_568 : vector<16xi32>
      %add3A_570 = arith.constant 819200 : i32
      %add3A_571 = vector.broadcast %add3A_570 : i32 to vector<16xi32>
      %add3A_572 = arith.addi %add3A_259, %add3A_571 : vector<16xi32>
      tpu.vector_store_idx %arg9[%add3A_569], %add3A_572 : memref<16384xi32, #tpu.memory_space<vmem>>[vector<16xi32>], vector<16xi32>,
      %add3A_573 = arith.constant 51 : i32
      %add3A_574 = vector.broadcast %add3A_573 : i32 to vector<16xi32>
      %add3A_575 = arith.addi %mul3A_266, %add3A_574 : vector<16xi32>
      %add3A_576 = arith.constant 835584 : i32
      %add3A_577 = vector.broadcast %add3A_576 : i32 to vector<16xi32>
      %add3A_578 = arith.addi %add3A_259, %add3A_577 : vector<16xi32>
      tpu.vector_store_idx %arg9[%add3A_575], %add3A_578 : memref<16384xi32, #tpu.memory_space<vmem>>[vector<16xi32>], vector<16xi32>,
      %add3A_579 = arith.constant 52 : i32
      %add3A_580 = vector.broadcast %add3A_579 : i32 to vector<16xi32>
      %add3A_581 = arith.addi %mul3A_266, %add3A_580 : vector<16xi32>
      %add3A_582 = arith.constant 851968 : i32
      %add3A_583 = vector.broadcast %add3A_582 : i32 to vector<16xi32>
      %add3A_584 = arith.addi %add3A_259, %add3A_583 : vector<16xi32>
      tpu.vector_store_idx %arg9[%add3A_581], %add3A_584 : memref<16384xi32, #tpu.memory_space<vmem>>[vector<16xi32>], vector<16xi32>,
      %add3A_585 = arith.constant 53 : i32
      %add3A_586 = vector.broadcast %add3A_585 : i32 to vector<16xi32>
      %add3A_587 = arith.addi %mul3A_266, %add3A_586 : vector<16xi32>
      %add3A_588 = arith.constant 868352 : i32
      %add3A_589 = vector.broadcast %add3A_588 : i32 to vector<16xi32>
      %add3A_590 = arith.addi %add3A_259, %add3A_589 : vector<16xi32>
      tpu.vector_store_idx %arg9[%add3A_587], %add3A_590 : memref<16384xi32, #tpu.memory_space<vmem>>[vector<16xi32>], vector<16xi32>,
      %add3A_591 = arith.constant 54 : i32
      %add3A_592 = vector.broadcast %add3A_591 : i32 to vector<16xi32>
      %add3A_593 = arith.addi %mul3A_266, %add3A_592 : vector<16xi32>
      %add3A_594 = arith.constant 884736 : i32
      %add3A_595 = vector.broadcast %add3A_594 : i32 to vector<16xi32>
      %add3A_596 = arith.addi %add3A_259, %add3A_595 : vector<16xi32>
      tpu.vector_store_idx %arg9[%add3A_593], %add3A_596 : memref<16384xi32, #tpu.memory_space<vmem>>[vector<16xi32>], vector<16xi32>,
      %add3A_597 = arith.constant 55 : i32
      %add3A_598 = vector.broadcast %add3A_597 : i32 to vector<16xi32>
      %add3A_599 = arith.addi %mul3A_266, %add3A_598 : vector<16xi32>
      %add3A_600 = arith.constant 901120 : i32
      %add3A_601 = vector.broadcast %add3A_600 : i32 to vector<16xi32>
      %add3A_602 = arith.addi %add3A_259, %add3A_601 : vector<16xi32>
      tpu.vector_store_idx %arg9[%add3A_599], %add3A_602 : memref<16384xi32, #tpu.memory_space<vmem>>[vector<16xi32>], vector<16xi32>,
      %add3A_603 = arith.constant 56 : i32
      %add3A_604 = vector.broadcast %add3A_603 : i32 to vector<16xi32>
      %add3A_605 = arith.addi %mul3A_266, %add3A_604 : vector<16xi32>
      %add3A_606 = arith.constant 917504 : i32
      %add3A_607 = vector.broadcast %add3A_606 : i32 to vector<16xi32>
      %add3A_608 = arith.addi %add3A_259, %add3A_607 : vector<16xi32>
      tpu.vector_store_idx %arg9[%add3A_605], %add3A_608 : memref<16384xi32, #tpu.memory_space<vmem>>[vector<16xi32>], vector<16xi32>,
      %add3A_609 = arith.constant 57 : i32
      %add3A_610 = vector.broadcast %add3A_609 : i32 to vector<16xi32>
      %add3A_611 = arith.addi %mul3A_266, %add3A_610 : vector<16xi32>
      %add3A_612 = arith.constant 933888 : i32
      %add3A_613 = vector.broadcast %add3A_612 : i32 to vector<16xi32>
      %add3A_614 = arith.addi %add3A_259, %add3A_613 : vector<16xi32>
      tpu.vector_store_idx %arg9[%add3A_611], %add3A_614 : memref<16384xi32, #tpu.memory_space<vmem>>[vector<16xi32>], vector<16xi32>,
      %add3A_615 = arith.constant 58 : i32
      %add3A_616 = vector.broadcast %add3A_615 : i32 to vector<16xi32>
      %add3A_617 = arith.addi %mul3A_266, %add3A_616 : vector<16xi32>
      %add3A_618 = arith.constant 950272 : i32
      %add3A_619 = vector.broadcast %add3A_618 : i32 to vector<16xi32>
      %add3A_620 = arith.addi %add3A_259, %add3A_619 : vector<16xi32>
      tpu.vector_store_idx %arg9[%add3A_617], %add3A_620 : memref<16384xi32, #tpu.memory_space<vmem>>[vector<16xi32>], vector<16xi32>,
      %add3A_621 = arith.constant 59 : i32
      %add3A_622 = vector.broadcast %add3A_621 : i32 to vector<16xi32>
      %add3A_623 = arith.addi %mul3A_266, %add3A_622 : vector<16xi32>
      %add3A_624 = arith.constant 966656 : i32
      %add3A_625 = vector.broadcast %add3A_624 : i32 to vector<16xi32>
      %add3A_626 = arith.addi %add3A_259, %add3A_625 : vector<16xi32>
      tpu.vector_store_idx %arg9[%add3A_623], %add3A_626 : memref<16384xi32, #tpu.memory_space<vmem>>[vector<16xi32>], vector<16xi32>,
      %add3A_627 = arith.constant 60 : i32
      %add3A_628 = vector.broadcast %add3A_627 : i32 to vector<16xi32>
      %add3A_629 = arith.addi %mul3A_266, %add3A_628 : vector<16xi32>
      %add3A_630 = arith.constant 983040 : i32
      %add3A_631 = vector.broadcast %add3A_630 : i32 to vector<16xi32>
      %add3A_632 = arith.addi %add3A_259, %add3A_631 : vector<16xi32>
      tpu.vector_store_idx %arg9[%add3A_629], %add3A_632 : memref<16384xi32, #tpu.memory_space<vmem>>[vector<16xi32>], vector<16xi32>,
      %add3A_633 = arith.constant 61 : i32
      %add3A_634 = vector.broadcast %add3A_633 : i32 to vector<16xi32>
      %add3A_635 = arith.addi %mul3A_266, %add3A_634 : vector<16xi32>
      %add3A_636 = arith.constant 999424 : i32
      %add3A_637 = vector.broadcast %add3A_636 : i32 to vector<16xi32>
      %add3A_638 = arith.addi %add3A_259, %add3A_637 : vector<16xi32>
      tpu.vector_store_idx %arg9[%add3A_635], %add3A_638 : memref<16384xi32, #tpu.memory_space<vmem>>[vector<16xi32>], vector<16xi32>,
      %add3A_639 = arith.constant 62 : i32
      %add3A_640 = vector.broadcast %add3A_639 : i32 to vector<16xi32>
      %add3A_641 = arith.addi %mul3A_266, %add3A_640 : vector<16xi32>
      %add3A_642 = arith.constant 1015808 : i32
      %add3A_643 = vector.broadcast %add3A_642 : i32 to vector<16xi32>
      %add3A_644 = arith.addi %add3A_259, %add3A_643 : vector<16xi32>
      tpu.vector_store_idx %arg9[%add3A_641], %add3A_644 : memref<16384xi32, #tpu.memory_space<vmem>>[vector<16xi32>], vector<16xi32>,
      %add3A_645 = arith.constant 63 : i32
      %add3A_646 = vector.broadcast %add3A_645 : i32 to vector<16xi32>
      %add3A_647 = arith.addi %mul3A_266, %add3A_646 : vector<16xi32>
      %add3A_648 = arith.constant 1032192 : i32
      %add3A_649 = vector.broadcast %add3A_648 : i32 to vector<16xi32>
      %add3A_650 = arith.addi %add3A_259, %add3A_649 : vector<16xi32>
      tpu.vector_store_idx %arg9[%add3A_647], %add3A_650 : memref<16384xi32, #tpu.memory_space<vmem>>[vector<16xi32>], vector<16xi32>,
    }
    %scan3A_77 = arith.constant 2 : i32
    %dma_start3A_78 = arith.constant 10240 : i32
    %dma_start3A_79 = tpu.memref_slice %arg10[%dma_start3A_78] : memref<16384xf32, #tpu.memory_space<vmem>> -> memref<2048xf32, #tpu.memory_space<vmem>>
    %dma_start3A_80 = arith.constant 10240 : i32
    %dma_start3A_81 = tpu.memref_slice %arg9[%dma_start3A_80] : memref<16384xi32, #tpu.memory_space<vmem>> -> memref<2048xi32, #tpu.memory_space<vmem>>
    %dma_start3A_82 = arith.constant 0 : i32
    %dma_start3A_83 = tpu.memref_slice %arg2[%dma_start3A_82] : memref<16777216xf32, #tpu.memory_space<hbm>> -> memref<16777216xf32, #tpu.memory_space<hbm>>
    tpu.enqueue_indirect_dma source(%dma_start3A_83 : memref<16777216xf32, #tpu.memory_space<hbm>>) target(%dma_start3A_79 : memref<2048xf32, #tpu.memory_space<vmem>>) offsets(%dma_start3A_81 : memref<2048xi32, #tpu.memory_space<vmem>>) semaphore(%arg21 : memref<!tpu.dma_semaphore, #tpu.memory_space<semaphore_mem>>)
    %scan3A_84 = arith.constant 0 : i32
    %scan3A_85 = arith.constant 12 : i32
    %scan3A_86 = arith.constant 2 : i32
    %scan3A_87 = arith.addi %scan3A_85, %scan3A_86 : i32
    %scan3A_88 = arith.constant 1 : i32
    scf.for %scan3A_248 = %scan3A_85 to %scan3A_87 step %scan3A_88  : i32 {
      %mul3A_249 = arith.constant 16 : i32
      %mul3A_250 = arith.muli %scan3A_248, %mul3A_249 : i32
      %get3A = arith.index_cast %mul3A_250 : i32 to index
      %get3A_251 = tpu.vector_load %arg7[%get3A] {strides = array<i32>} : memref<256xi32, #tpu.memory_space<vmem>>, vector<16xi32>,
      %mul3A_252 = arith.constant 16 : i32
      %mul3A_253 = arith.muli %scan3A_248, %mul3A_252 : i32
      %get3A_254 = arith.index_cast %mul3A_253 : i32 to index
      %get3A_255 = tpu.vector_load %arg8[%get3A_254] {strides = array<i32>} : memref<256xi32, #tpu.memory_space<vmem>>, vector<16xi32>,
      %mul3A_256 = arith.constant 1048576 : i32
      %mul3A_257 = vector.broadcast %mul3A_256 : i32 to vector<16xi32>
      %mul3A_258 = arith.muli %get3A_255, %mul3A_257 : vector<16xi32>
      %add3A_259 = arith.addi %mul3A_258, %get3A_251 : vector<16xi32>
      %mul3A_260 = arith.constant 16 : i32
      %mul3A_261 = arith.muli %scan3A_248, %mul3A_260 : i32
      %add3A_262 = vector.broadcast %mul3A_261 : i32 to vector<16xi32>
      %add3A_263 = arith.addi %add3A_262, %iota3A : vector<16xi32>
      %mul3A_264 = arith.constant 64 : i32
      %mul3A_265 = vector.broadcast %mul3A_264 : i32 to vector<16xi32>
      %mul3A_266 = arith.muli %add3A_263, %mul3A_265 : vector<16xi32>
      %add3A_267 = arith.constant 0 : i32
      %add3A_268 = vector.broadcast %add3A_267 : i32 to vector<16xi32>
      %add3A_269 = arith.addi %mul3A_266, %add3A_268 : vector<16xi32>
      %add3A_270 = arith.constant 0 : i32
      %add3A_271 = vector.broadcast %add3A_270 : i32 to vector<16xi32>
      %add3A_272 = arith.addi %add3A_259, %add3A_271 : vector<16xi32>
      tpu.vector_store_idx %arg9[%add3A_269], %add3A_272 : memref<16384xi32, #tpu.memory_space<vmem>>[vector<16xi32>], vector<16xi32>,
      %add3A_273 = arith.constant 1 : i32
      %add3A_274 = vector.broadcast %add3A_273 : i32 to vector<16xi32>
      %add3A_275 = arith.addi %mul3A_266, %add3A_274 : vector<16xi32>
      %add3A_276 = arith.constant 16384 : i32
      %add3A_277 = vector.broadcast %add3A_276 : i32 to vector<16xi32>
      %add3A_278 = arith.addi %add3A_259, %add3A_277 : vector<16xi32>
      tpu.vector_store_idx %arg9[%add3A_275], %add3A_278 : memref<16384xi32, #tpu.memory_space<vmem>>[vector<16xi32>], vector<16xi32>,
      %add3A_279 = arith.constant 2 : i32
      %add3A_280 = vector.broadcast %add3A_279 : i32 to vector<16xi32>
      %add3A_281 = arith.addi %mul3A_266, %add3A_280 : vector<16xi32>
      %add3A_282 = arith.constant 32768 : i32
      %add3A_283 = vector.broadcast %add3A_282 : i32 to vector<16xi32>
      %add3A_284 = arith.addi %add3A_259, %add3A_283 : vector<16xi32>
      tpu.vector_store_idx %arg9[%add3A_281], %add3A_284 : memref<16384xi32, #tpu.memory_space<vmem>>[vector<16xi32>], vector<16xi32>,
      %add3A_285 = arith.constant 3 : i32
      %add3A_286 = vector.broadcast %add3A_285 : i32 to vector<16xi32>
      %add3A_287 = arith.addi %mul3A_266, %add3A_286 : vector<16xi32>
      %add3A_288 = arith.constant 49152 : i32
      %add3A_289 = vector.broadcast %add3A_288 : i32 to vector<16xi32>
      %add3A_290 = arith.addi %add3A_259, %add3A_289 : vector<16xi32>
      tpu.vector_store_idx %arg9[%add3A_287], %add3A_290 : memref<16384xi32, #tpu.memory_space<vmem>>[vector<16xi32>], vector<16xi32>,
      %add3A_291 = arith.constant 4 : i32
      %add3A_292 = vector.broadcast %add3A_291 : i32 to vector<16xi32>
      %add3A_293 = arith.addi %mul3A_266, %add3A_292 : vector<16xi32>
      %add3A_294 = arith.constant 65536 : i32
      %add3A_295 = vector.broadcast %add3A_294 : i32 to vector<16xi32>
      %add3A_296 = arith.addi %add3A_259, %add3A_295 : vector<16xi32>
      tpu.vector_store_idx %arg9[%add3A_293], %add3A_296 : memref<16384xi32, #tpu.memory_space<vmem>>[vector<16xi32>], vector<16xi32>,
      %add3A_297 = arith.constant 5 : i32
      %add3A_298 = vector.broadcast %add3A_297 : i32 to vector<16xi32>
      %add3A_299 = arith.addi %mul3A_266, %add3A_298 : vector<16xi32>
      %add3A_300 = arith.constant 81920 : i32
      %add3A_301 = vector.broadcast %add3A_300 : i32 to vector<16xi32>
      %add3A_302 = arith.addi %add3A_259, %add3A_301 : vector<16xi32>
      tpu.vector_store_idx %arg9[%add3A_299], %add3A_302 : memref<16384xi32, #tpu.memory_space<vmem>>[vector<16xi32>], vector<16xi32>,
      %add3A_303 = arith.constant 6 : i32
      %add3A_304 = vector.broadcast %add3A_303 : i32 to vector<16xi32>
      %add3A_305 = arith.addi %mul3A_266, %add3A_304 : vector<16xi32>
      %add3A_306 = arith.constant 98304 : i32
      %add3A_307 = vector.broadcast %add3A_306 : i32 to vector<16xi32>
      %add3A_308 = arith.addi %add3A_259, %add3A_307 : vector<16xi32>
      tpu.vector_store_idx %arg9[%add3A_305], %add3A_308 : memref<16384xi32, #tpu.memory_space<vmem>>[vector<16xi32>], vector<16xi32>,
      %add3A_309 = arith.constant 7 : i32
      %add3A_310 = vector.broadcast %add3A_309 : i32 to vector<16xi32>
      %add3A_311 = arith.addi %mul3A_266, %add3A_310 : vector<16xi32>
      %add3A_312 = arith.constant 114688 : i32
      %add3A_313 = vector.broadcast %add3A_312 : i32 to vector<16xi32>
      %add3A_314 = arith.addi %add3A_259, %add3A_313 : vector<16xi32>
      tpu.vector_store_idx %arg9[%add3A_311], %add3A_314 : memref<16384xi32, #tpu.memory_space<vmem>>[vector<16xi32>], vector<16xi32>,
      %add3A_315 = arith.constant 8 : i32
      %add3A_316 = vector.broadcast %add3A_315 : i32 to vector<16xi32>
      %add3A_317 = arith.addi %mul3A_266, %add3A_316 : vector<16xi32>
      %add3A_318 = arith.constant 131072 : i32
      %add3A_319 = vector.broadcast %add3A_318 : i32 to vector<16xi32>
      %add3A_320 = arith.addi %add3A_259, %add3A_319 : vector<16xi32>
      tpu.vector_store_idx %arg9[%add3A_317], %add3A_320 : memref<16384xi32, #tpu.memory_space<vmem>>[vector<16xi32>], vector<16xi32>,
      %add3A_321 = arith.constant 9 : i32
      %add3A_322 = vector.broadcast %add3A_321 : i32 to vector<16xi32>
      %add3A_323 = arith.addi %mul3A_266, %add3A_322 : vector<16xi32>
      %add3A_324 = arith.constant 147456 : i32
      %add3A_325 = vector.broadcast %add3A_324 : i32 to vector<16xi32>
      %add3A_326 = arith.addi %add3A_259, %add3A_325 : vector<16xi32>
      tpu.vector_store_idx %arg9[%add3A_323], %add3A_326 : memref<16384xi32, #tpu.memory_space<vmem>>[vector<16xi32>], vector<16xi32>,
      %add3A_327 = arith.constant 10 : i32
      %add3A_328 = vector.broadcast %add3A_327 : i32 to vector<16xi32>
      %add3A_329 = arith.addi %mul3A_266, %add3A_328 : vector<16xi32>
      %add3A_330 = arith.constant 163840 : i32
      %add3A_331 = vector.broadcast %add3A_330 : i32 to vector<16xi32>
      %add3A_332 = arith.addi %add3A_259, %add3A_331 : vector<16xi32>
      tpu.vector_store_idx %arg9[%add3A_329], %add3A_332 : memref<16384xi32, #tpu.memory_space<vmem>>[vector<16xi32>], vector<16xi32>,
      %add3A_333 = arith.constant 11 : i32
      %add3A_334 = vector.broadcast %add3A_333 : i32 to vector<16xi32>
      %add3A_335 = arith.addi %mul3A_266, %add3A_334 : vector<16xi32>
      %add3A_336 = arith.constant 180224 : i32
      %add3A_337 = vector.broadcast %add3A_336 : i32 to vector<16xi32>
      %add3A_338 = arith.addi %add3A_259, %add3A_337 : vector<16xi32>
      tpu.vector_store_idx %arg9[%add3A_335], %add3A_338 : memref<16384xi32, #tpu.memory_space<vmem>>[vector<16xi32>], vector<16xi32>,
      %add3A_339 = arith.constant 12 : i32
      %add3A_340 = vector.broadcast %add3A_339 : i32 to vector<16xi32>
      %add3A_341 = arith.addi %mul3A_266, %add3A_340 : vector<16xi32>
      %add3A_342 = arith.constant 196608 : i32
      %add3A_343 = vector.broadcast %add3A_342 : i32 to vector<16xi32>
      %add3A_344 = arith.addi %add3A_259, %add3A_343 : vector<16xi32>
      tpu.vector_store_idx %arg9[%add3A_341], %add3A_344 : memref<16384xi32, #tpu.memory_space<vmem>>[vector<16xi32>], vector<16xi32>,
      %add3A_345 = arith.constant 13 : i32
      %add3A_346 = vector.broadcast %add3A_345 : i32 to vector<16xi32>
      %add3A_347 = arith.addi %mul3A_266, %add3A_346 : vector<16xi32>
      %add3A_348 = arith.constant 212992 : i32
      %add3A_349 = vector.broadcast %add3A_348 : i32 to vector<16xi32>
      %add3A_350 = arith.addi %add3A_259, %add3A_349 : vector<16xi32>
      tpu.vector_store_idx %arg9[%add3A_347], %add3A_350 : memref<16384xi32, #tpu.memory_space<vmem>>[vector<16xi32>], vector<16xi32>,
      %add3A_351 = arith.constant 14 : i32
      %add3A_352 = vector.broadcast %add3A_351 : i32 to vector<16xi32>
      %add3A_353 = arith.addi %mul3A_266, %add3A_352 : vector<16xi32>
      %add3A_354 = arith.constant 229376 : i32
      %add3A_355 = vector.broadcast %add3A_354 : i32 to vector<16xi32>
      %add3A_356 = arith.addi %add3A_259, %add3A_355 : vector<16xi32>
      tpu.vector_store_idx %arg9[%add3A_353], %add3A_356 : memref<16384xi32, #tpu.memory_space<vmem>>[vector<16xi32>], vector<16xi32>,
      %add3A_357 = arith.constant 15 : i32
      %add3A_358 = vector.broadcast %add3A_357 : i32 to vector<16xi32>
      %add3A_359 = arith.addi %mul3A_266, %add3A_358 : vector<16xi32>
      %add3A_360 = arith.constant 245760 : i32
      %add3A_361 = vector.broadcast %add3A_360 : i32 to vector<16xi32>
      %add3A_362 = arith.addi %add3A_259, %add3A_361 : vector<16xi32>
      tpu.vector_store_idx %arg9[%add3A_359], %add3A_362 : memref<16384xi32, #tpu.memory_space<vmem>>[vector<16xi32>], vector<16xi32>,
      %add3A_363 = arith.constant 16 : i32
      %add3A_364 = vector.broadcast %add3A_363 : i32 to vector<16xi32>
      %add3A_365 = arith.addi %mul3A_266, %add3A_364 : vector<16xi32>
      %add3A_366 = arith.constant 262144 : i32
      %add3A_367 = vector.broadcast %add3A_366 : i32 to vector<16xi32>
      %add3A_368 = arith.addi %add3A_259, %add3A_367 : vector<16xi32>
      tpu.vector_store_idx %arg9[%add3A_365], %add3A_368 : memref<16384xi32, #tpu.memory_space<vmem>>[vector<16xi32>], vector<16xi32>,
      %add3A_369 = arith.constant 17 : i32
      %add3A_370 = vector.broadcast %add3A_369 : i32 to vector<16xi32>
      %add3A_371 = arith.addi %mul3A_266, %add3A_370 : vector<16xi32>
      %add3A_372 = arith.constant 278528 : i32
      %add3A_373 = vector.broadcast %add3A_372 : i32 to vector<16xi32>
      %add3A_374 = arith.addi %add3A_259, %add3A_373 : vector<16xi32>
      tpu.vector_store_idx %arg9[%add3A_371], %add3A_374 : memref<16384xi32, #tpu.memory_space<vmem>>[vector<16xi32>], vector<16xi32>,
      %add3A_375 = arith.constant 18 : i32
      %add3A_376 = vector.broadcast %add3A_375 : i32 to vector<16xi32>
      %add3A_377 = arith.addi %mul3A_266, %add3A_376 : vector<16xi32>
      %add3A_378 = arith.constant 294912 : i32
      %add3A_379 = vector.broadcast %add3A_378 : i32 to vector<16xi32>
      %add3A_380 = arith.addi %add3A_259, %add3A_379 : vector<16xi32>
      tpu.vector_store_idx %arg9[%add3A_377], %add3A_380 : memref<16384xi32, #tpu.memory_space<vmem>>[vector<16xi32>], vector<16xi32>,
      %add3A_381 = arith.constant 19 : i32
      %add3A_382 = vector.broadcast %add3A_381 : i32 to vector<16xi32>
      %add3A_383 = arith.addi %mul3A_266, %add3A_382 : vector<16xi32>
      %add3A_384 = arith.constant 311296 : i32
      %add3A_385 = vector.broadcast %add3A_384 : i32 to vector<16xi32>
      %add3A_386 = arith.addi %add3A_259, %add3A_385 : vector<16xi32>
      tpu.vector_store_idx %arg9[%add3A_383], %add3A_386 : memref<16384xi32, #tpu.memory_space<vmem>>[vector<16xi32>], vector<16xi32>,
      %add3A_387 = arith.constant 20 : i32
      %add3A_388 = vector.broadcast %add3A_387 : i32 to vector<16xi32>
      %add3A_389 = arith.addi %mul3A_266, %add3A_388 : vector<16xi32>
      %add3A_390 = arith.constant 327680 : i32
      %add3A_391 = vector.broadcast %add3A_390 : i32 to vector<16xi32>
      %add3A_392 = arith.addi %add3A_259, %add3A_391 : vector<16xi32>
      tpu.vector_store_idx %arg9[%add3A_389], %add3A_392 : memref<16384xi32, #tpu.memory_space<vmem>>[vector<16xi32>], vector<16xi32>,
      %add3A_393 = arith.constant 21 : i32
      %add3A_394 = vector.broadcast %add3A_393 : i32 to vector<16xi32>
      %add3A_395 = arith.addi %mul3A_266, %add3A_394 : vector<16xi32>
      %add3A_396 = arith.constant 344064 : i32
      %add3A_397 = vector.broadcast %add3A_396 : i32 to vector<16xi32>
      %add3A_398 = arith.addi %add3A_259, %add3A_397 : vector<16xi32>
      tpu.vector_store_idx %arg9[%add3A_395], %add3A_398 : memref<16384xi32, #tpu.memory_space<vmem>>[vector<16xi32>], vector<16xi32>,
      %add3A_399 = arith.constant 22 : i32
      %add3A_400 = vector.broadcast %add3A_399 : i32 to vector<16xi32>
      %add3A_401 = arith.addi %mul3A_266, %add3A_400 : vector<16xi32>
      %add3A_402 = arith.constant 360448 : i32
      %add3A_403 = vector.broadcast %add3A_402 : i32 to vector<16xi32>
      %add3A_404 = arith.addi %add3A_259, %add3A_403 : vector<16xi32>
      tpu.vector_store_idx %arg9[%add3A_401], %add3A_404 : memref<16384xi32, #tpu.memory_space<vmem>>[vector<16xi32>], vector<16xi32>,
      %add3A_405 = arith.constant 23 : i32
      %add3A_406 = vector.broadcast %add3A_405 : i32 to vector<16xi32>
      %add3A_407 = arith.addi %mul3A_266, %add3A_406 : vector<16xi32>
      %add3A_408 = arith.constant 376832 : i32
      %add3A_409 = vector.broadcast %add3A_408 : i32 to vector<16xi32>
      %add3A_410 = arith.addi %add3A_259, %add3A_409 : vector<16xi32>
      tpu.vector_store_idx %arg9[%add3A_407], %add3A_410 : memref<16384xi32, #tpu.memory_space<vmem>>[vector<16xi32>], vector<16xi32>,
      %add3A_411 = arith.constant 24 : i32
      %add3A_412 = vector.broadcast %add3A_411 : i32 to vector<16xi32>
      %add3A_413 = arith.addi %mul3A_266, %add3A_412 : vector<16xi32>
      %add3A_414 = arith.constant 393216 : i32
      %add3A_415 = vector.broadcast %add3A_414 : i32 to vector<16xi32>
      %add3A_416 = arith.addi %add3A_259, %add3A_415 : vector<16xi32>
      tpu.vector_store_idx %arg9[%add3A_413], %add3A_416 : memref<16384xi32, #tpu.memory_space<vmem>>[vector<16xi32>], vector<16xi32>,
      %add3A_417 = arith.constant 25 : i32
      %add3A_418 = vector.broadcast %add3A_417 : i32 to vector<16xi32>
      %add3A_419 = arith.addi %mul3A_266, %add3A_418 : vector<16xi32>
      %add3A_420 = arith.constant 409600 : i32
      %add3A_421 = vector.broadcast %add3A_420 : i32 to vector<16xi32>
      %add3A_422 = arith.addi %add3A_259, %add3A_421 : vector<16xi32>
      tpu.vector_store_idx %arg9[%add3A_419], %add3A_422 : memref<16384xi32, #tpu.memory_space<vmem>>[vector<16xi32>], vector<16xi32>,
      %add3A_423 = arith.constant 26 : i32
      %add3A_424 = vector.broadcast %add3A_423 : i32 to vector<16xi32>
      %add3A_425 = arith.addi %mul3A_266, %add3A_424 : vector<16xi32>
      %add3A_426 = arith.constant 425984 : i32
      %add3A_427 = vector.broadcast %add3A_426 : i32 to vector<16xi32>
      %add3A_428 = arith.addi %add3A_259, %add3A_427 : vector<16xi32>
      tpu.vector_store_idx %arg9[%add3A_425], %add3A_428 : memref<16384xi32, #tpu.memory_space<vmem>>[vector<16xi32>], vector<16xi32>,
      %add3A_429 = arith.constant 27 : i32
      %add3A_430 = vector.broadcast %add3A_429 : i32 to vector<16xi32>
      %add3A_431 = arith.addi %mul3A_266, %add3A_430 : vector<16xi32>
      %add3A_432 = arith.constant 442368 : i32
      %add3A_433 = vector.broadcast %add3A_432 : i32 to vector<16xi32>
      %add3A_434 = arith.addi %add3A_259, %add3A_433 : vector<16xi32>
      tpu.vector_store_idx %arg9[%add3A_431], %add3A_434 : memref<16384xi32, #tpu.memory_space<vmem>>[vector<16xi32>], vector<16xi32>,
      %add3A_435 = arith.constant 28 : i32
      %add3A_436 = vector.broadcast %add3A_435 : i32 to vector<16xi32>
      %add3A_437 = arith.addi %mul3A_266, %add3A_436 : vector<16xi32>
      %add3A_438 = arith.constant 458752 : i32
      %add3A_439 = vector.broadcast %add3A_438 : i32 to vector<16xi32>
      %add3A_440 = arith.addi %add3A_259, %add3A_439 : vector<16xi32>
      tpu.vector_store_idx %arg9[%add3A_437], %add3A_440 : memref<16384xi32, #tpu.memory_space<vmem>>[vector<16xi32>], vector<16xi32>,
      %add3A_441 = arith.constant 29 : i32
      %add3A_442 = vector.broadcast %add3A_441 : i32 to vector<16xi32>
      %add3A_443 = arith.addi %mul3A_266, %add3A_442 : vector<16xi32>
      %add3A_444 = arith.constant 475136 : i32
      %add3A_445 = vector.broadcast %add3A_444 : i32 to vector<16xi32>
      %add3A_446 = arith.addi %add3A_259, %add3A_445 : vector<16xi32>
      tpu.vector_store_idx %arg9[%add3A_443], %add3A_446 : memref<16384xi32, #tpu.memory_space<vmem>>[vector<16xi32>], vector<16xi32>,
      %add3A_447 = arith.constant 30 : i32
      %add3A_448 = vector.broadcast %add3A_447 : i32 to vector<16xi32>
      %add3A_449 = arith.addi %mul3A_266, %add3A_448 : vector<16xi32>
      %add3A_450 = arith.constant 491520 : i32
      %add3A_451 = vector.broadcast %add3A_450 : i32 to vector<16xi32>
      %add3A_452 = arith.addi %add3A_259, %add3A_451 : vector<16xi32>
      tpu.vector_store_idx %arg9[%add3A_449], %add3A_452 : memref<16384xi32, #tpu.memory_space<vmem>>[vector<16xi32>], vector<16xi32>,
      %add3A_453 = arith.constant 31 : i32
      %add3A_454 = vector.broadcast %add3A_453 : i32 to vector<16xi32>
      %add3A_455 = arith.addi %mul3A_266, %add3A_454 : vector<16xi32>
      %add3A_456 = arith.constant 507904 : i32
      %add3A_457 = vector.broadcast %add3A_456 : i32 to vector<16xi32>
      %add3A_458 = arith.addi %add3A_259, %add3A_457 : vector<16xi32>
      tpu.vector_store_idx %arg9[%add3A_455], %add3A_458 : memref<16384xi32, #tpu.memory_space<vmem>>[vector<16xi32>], vector<16xi32>,
      %add3A_459 = arith.constant 32 : i32
      %add3A_460 = vector.broadcast %add3A_459 : i32 to vector<16xi32>
      %add3A_461 = arith.addi %mul3A_266, %add3A_460 : vector<16xi32>
      %add3A_462 = arith.constant 524288 : i32
      %add3A_463 = vector.broadcast %add3A_462 : i32 to vector<16xi32>
      %add3A_464 = arith.addi %add3A_259, %add3A_463 : vector<16xi32>
      tpu.vector_store_idx %arg9[%add3A_461], %add3A_464 : memref<16384xi32, #tpu.memory_space<vmem>>[vector<16xi32>], vector<16xi32>,
      %add3A_465 = arith.constant 33 : i32
      %add3A_466 = vector.broadcast %add3A_465 : i32 to vector<16xi32>
      %add3A_467 = arith.addi %mul3A_266, %add3A_466 : vector<16xi32>
      %add3A_468 = arith.constant 540672 : i32
      %add3A_469 = vector.broadcast %add3A_468 : i32 to vector<16xi32>
      %add3A_470 = arith.addi %add3A_259, %add3A_469 : vector<16xi32>
      tpu.vector_store_idx %arg9[%add3A_467], %add3A_470 : memref<16384xi32, #tpu.memory_space<vmem>>[vector<16xi32>], vector<16xi32>,
      %add3A_471 = arith.constant 34 : i32
      %add3A_472 = vector.broadcast %add3A_471 : i32 to vector<16xi32>
      %add3A_473 = arith.addi %mul3A_266, %add3A_472 : vector<16xi32>
      %add3A_474 = arith.constant 557056 : i32
      %add3A_475 = vector.broadcast %add3A_474 : i32 to vector<16xi32>
      %add3A_476 = arith.addi %add3A_259, %add3A_475 : vector<16xi32>
      tpu.vector_store_idx %arg9[%add3A_473], %add3A_476 : memref<16384xi32, #tpu.memory_space<vmem>>[vector<16xi32>], vector<16xi32>,
      %add3A_477 = arith.constant 35 : i32
      %add3A_478 = vector.broadcast %add3A_477 : i32 to vector<16xi32>
      %add3A_479 = arith.addi %mul3A_266, %add3A_478 : vector<16xi32>
      %add3A_480 = arith.constant 573440 : i32
      %add3A_481 = vector.broadcast %add3A_480 : i32 to vector<16xi32>
      %add3A_482 = arith.addi %add3A_259, %add3A_481 : vector<16xi32>
      tpu.vector_store_idx %arg9[%add3A_479], %add3A_482 : memref<16384xi32, #tpu.memory_space<vmem>>[vector<16xi32>], vector<16xi32>,
      %add3A_483 = arith.constant 36 : i32
      %add3A_484 = vector.broadcast %add3A_483 : i32 to vector<16xi32>
      %add3A_485 = arith.addi %mul3A_266, %add3A_484 : vector<16xi32>
      %add3A_486 = arith.constant 589824 : i32
      %add3A_487 = vector.broadcast %add3A_486 : i32 to vector<16xi32>
      %add3A_488 = arith.addi %add3A_259, %add3A_487 : vector<16xi32>
      tpu.vector_store_idx %arg9[%add3A_485], %add3A_488 : memref<16384xi32, #tpu.memory_space<vmem>>[vector<16xi32>], vector<16xi32>,
      %add3A_489 = arith.constant 37 : i32
      %add3A_490 = vector.broadcast %add3A_489 : i32 to vector<16xi32>
      %add3A_491 = arith.addi %mul3A_266, %add3A_490 : vector<16xi32>
      %add3A_492 = arith.constant 606208 : i32
      %add3A_493 = vector.broadcast %add3A_492 : i32 to vector<16xi32>
      %add3A_494 = arith.addi %add3A_259, %add3A_493 : vector<16xi32>
      tpu.vector_store_idx %arg9[%add3A_491], %add3A_494 : memref<16384xi32, #tpu.memory_space<vmem>>[vector<16xi32>], vector<16xi32>,
      %add3A_495 = arith.constant 38 : i32
      %add3A_496 = vector.broadcast %add3A_495 : i32 to vector<16xi32>
      %add3A_497 = arith.addi %mul3A_266, %add3A_496 : vector<16xi32>
      %add3A_498 = arith.constant 622592 : i32
      %add3A_499 = vector.broadcast %add3A_498 : i32 to vector<16xi32>
      %add3A_500 = arith.addi %add3A_259, %add3A_499 : vector<16xi32>
      tpu.vector_store_idx %arg9[%add3A_497], %add3A_500 : memref<16384xi32, #tpu.memory_space<vmem>>[vector<16xi32>], vector<16xi32>,
      %add3A_501 = arith.constant 39 : i32
      %add3A_502 = vector.broadcast %add3A_501 : i32 to vector<16xi32>
      %add3A_503 = arith.addi %mul3A_266, %add3A_502 : vector<16xi32>
      %add3A_504 = arith.constant 638976 : i32
      %add3A_505 = vector.broadcast %add3A_504 : i32 to vector<16xi32>
      %add3A_506 = arith.addi %add3A_259, %add3A_505 : vector<16xi32>
      tpu.vector_store_idx %arg9[%add3A_503], %add3A_506 : memref<16384xi32, #tpu.memory_space<vmem>>[vector<16xi32>], vector<16xi32>,
      %add3A_507 = arith.constant 40 : i32
      %add3A_508 = vector.broadcast %add3A_507 : i32 to vector<16xi32>
      %add3A_509 = arith.addi %mul3A_266, %add3A_508 : vector<16xi32>
      %add3A_510 = arith.constant 655360 : i32
      %add3A_511 = vector.broadcast %add3A_510 : i32 to vector<16xi32>
      %add3A_512 = arith.addi %add3A_259, %add3A_511 : vector<16xi32>
      tpu.vector_store_idx %arg9[%add3A_509], %add3A_512 : memref<16384xi32, #tpu.memory_space<vmem>>[vector<16xi32>], vector<16xi32>,
      %add3A_513 = arith.constant 41 : i32
      %add3A_514 = vector.broadcast %add3A_513 : i32 to vector<16xi32>
      %add3A_515 = arith.addi %mul3A_266, %add3A_514 : vector<16xi32>
      %add3A_516 = arith.constant 671744 : i32
      %add3A_517 = vector.broadcast %add3A_516 : i32 to vector<16xi32>
      %add3A_518 = arith.addi %add3A_259, %add3A_517 : vector<16xi32>
      tpu.vector_store_idx %arg9[%add3A_515], %add3A_518 : memref<16384xi32, #tpu.memory_space<vmem>>[vector<16xi32>], vector<16xi32>,
      %add3A_519 = arith.constant 42 : i32
      %add3A_520 = vector.broadcast %add3A_519 : i32 to vector<16xi32>
      %add3A_521 = arith.addi %mul3A_266, %add3A_520 : vector<16xi32>
      %add3A_522 = arith.constant 688128 : i32
      %add3A_523 = vector.broadcast %add3A_522 : i32 to vector<16xi32>
      %add3A_524 = arith.addi %add3A_259, %add3A_523 : vector<16xi32>
      tpu.vector_store_idx %arg9[%add3A_521], %add3A_524 : memref<16384xi32, #tpu.memory_space<vmem>>[vector<16xi32>], vector<16xi32>,
      %add3A_525 = arith.constant 43 : i32
      %add3A_526 = vector.broadcast %add3A_525 : i32 to vector<16xi32>
      %add3A_527 = arith.addi %mul3A_266, %add3A_526 : vector<16xi32>
      %add3A_528 = arith.constant 704512 : i32
      %add3A_529 = vector.broadcast %add3A_528 : i32 to vector<16xi32>
      %add3A_530 = arith.addi %add3A_259, %add3A_529 : vector<16xi32>
      tpu.vector_store_idx %arg9[%add3A_527], %add3A_530 : memref<16384xi32, #tpu.memory_space<vmem>>[vector<16xi32>], vector<16xi32>,
      %add3A_531 = arith.constant 44 : i32
      %add3A_532 = vector.broadcast %add3A_531 : i32 to vector<16xi32>
      %add3A_533 = arith.addi %mul3A_266, %add3A_532 : vector<16xi32>
      %add3A_534 = arith.constant 720896 : i32
      %add3A_535 = vector.broadcast %add3A_534 : i32 to vector<16xi32>
      %add3A_536 = arith.addi %add3A_259, %add3A_535 : vector<16xi32>
      tpu.vector_store_idx %arg9[%add3A_533], %add3A_536 : memref<16384xi32, #tpu.memory_space<vmem>>[vector<16xi32>], vector<16xi32>,
      %add3A_537 = arith.constant 45 : i32
      %add3A_538 = vector.broadcast %add3A_537 : i32 to vector<16xi32>
      %add3A_539 = arith.addi %mul3A_266, %add3A_538 : vector<16xi32>
      %add3A_540 = arith.constant 737280 : i32
      %add3A_541 = vector.broadcast %add3A_540 : i32 to vector<16xi32>
      %add3A_542 = arith.addi %add3A_259, %add3A_541 : vector<16xi32>
      tpu.vector_store_idx %arg9[%add3A_539], %add3A_542 : memref<16384xi32, #tpu.memory_space<vmem>>[vector<16xi32>], vector<16xi32>,
      %add3A_543 = arith.constant 46 : i32
      %add3A_544 = vector.broadcast %add3A_543 : i32 to vector<16xi32>
      %add3A_545 = arith.addi %mul3A_266, %add3A_544 : vector<16xi32>
      %add3A_546 = arith.constant 753664 : i32
      %add3A_547 = vector.broadcast %add3A_546 : i32 to vector<16xi32>
      %add3A_548 = arith.addi %add3A_259, %add3A_547 : vector<16xi32>
      tpu.vector_store_idx %arg9[%add3A_545], %add3A_548 : memref<16384xi32, #tpu.memory_space<vmem>>[vector<16xi32>], vector<16xi32>,
      %add3A_549 = arith.constant 47 : i32
      %add3A_550 = vector.broadcast %add3A_549 : i32 to vector<16xi32>
      %add3A_551 = arith.addi %mul3A_266, %add3A_550 : vector<16xi32>
      %add3A_552 = arith.constant 770048 : i32
      %add3A_553 = vector.broadcast %add3A_552 : i32 to vector<16xi32>
      %add3A_554 = arith.addi %add3A_259, %add3A_553 : vector<16xi32>
      tpu.vector_store_idx %arg9[%add3A_551], %add3A_554 : memref<16384xi32, #tpu.memory_space<vmem>>[vector<16xi32>], vector<16xi32>,
      %add3A_555 = arith.constant 48 : i32
      %add3A_556 = vector.broadcast %add3A_555 : i32 to vector<16xi32>
      %add3A_557 = arith.addi %mul3A_266, %add3A_556 : vector<16xi32>
      %add3A_558 = arith.constant 786432 : i32
      %add3A_559 = vector.broadcast %add3A_558 : i32 to vector<16xi32>
      %add3A_560 = arith.addi %add3A_259, %add3A_559 : vector<16xi32>
      tpu.vector_store_idx %arg9[%add3A_557], %add3A_560 : memref<16384xi32, #tpu.memory_space<vmem>>[vector<16xi32>], vector<16xi32>,
      %add3A_561 = arith.constant 49 : i32
      %add3A_562 = vector.broadcast %add3A_561 : i32 to vector<16xi32>
      %add3A_563 = arith.addi %mul3A_266, %add3A_562 : vector<16xi32>
      %add3A_564 = arith.constant 802816 : i32
      %add3A_565 = vector.broadcast %add3A_564 : i32 to vector<16xi32>
      %add3A_566 = arith.addi %add3A_259, %add3A_565 : vector<16xi32>
      tpu.vector_store_idx %arg9[%add3A_563], %add3A_566 : memref<16384xi32, #tpu.memory_space<vmem>>[vector<16xi32>], vector<16xi32>,
      %add3A_567 = arith.constant 50 : i32
      %add3A_568 = vector.broadcast %add3A_567 : i32 to vector<16xi32>
      %add3A_569 = arith.addi %mul3A_266, %add3A_568 : vector<16xi32>
      %add3A_570 = arith.constant 819200 : i32
      %add3A_571 = vector.broadcast %add3A_570 : i32 to vector<16xi32>
      %add3A_572 = arith.addi %add3A_259, %add3A_571 : vector<16xi32>
      tpu.vector_store_idx %arg9[%add3A_569], %add3A_572 : memref<16384xi32, #tpu.memory_space<vmem>>[vector<16xi32>], vector<16xi32>,
      %add3A_573 = arith.constant 51 : i32
      %add3A_574 = vector.broadcast %add3A_573 : i32 to vector<16xi32>
      %add3A_575 = arith.addi %mul3A_266, %add3A_574 : vector<16xi32>
      %add3A_576 = arith.constant 835584 : i32
      %add3A_577 = vector.broadcast %add3A_576 : i32 to vector<16xi32>
      %add3A_578 = arith.addi %add3A_259, %add3A_577 : vector<16xi32>
      tpu.vector_store_idx %arg9[%add3A_575], %add3A_578 : memref<16384xi32, #tpu.memory_space<vmem>>[vector<16xi32>], vector<16xi32>,
      %add3A_579 = arith.constant 52 : i32
      %add3A_580 = vector.broadcast %add3A_579 : i32 to vector<16xi32>
      %add3A_581 = arith.addi %mul3A_266, %add3A_580 : vector<16xi32>
      %add3A_582 = arith.constant 851968 : i32
      %add3A_583 = vector.broadcast %add3A_582 : i32 to vector<16xi32>
      %add3A_584 = arith.addi %add3A_259, %add3A_583 : vector<16xi32>
      tpu.vector_store_idx %arg9[%add3A_581], %add3A_584 : memref<16384xi32, #tpu.memory_space<vmem>>[vector<16xi32>], vector<16xi32>,
      %add3A_585 = arith.constant 53 : i32
      %add3A_586 = vector.broadcast %add3A_585 : i32 to vector<16xi32>
      %add3A_587 = arith.addi %mul3A_266, %add3A_586 : vector<16xi32>
      %add3A_588 = arith.constant 868352 : i32
      %add3A_589 = vector.broadcast %add3A_588 : i32 to vector<16xi32>
      %add3A_590 = arith.addi %add3A_259, %add3A_589 : vector<16xi32>
      tpu.vector_store_idx %arg9[%add3A_587], %add3A_590 : memref<16384xi32, #tpu.memory_space<vmem>>[vector<16xi32>], vector<16xi32>,
      %add3A_591 = arith.constant 54 : i32
      %add3A_592 = vector.broadcast %add3A_591 : i32 to vector<16xi32>
      %add3A_593 = arith.addi %mul3A_266, %add3A_592 : vector<16xi32>
      %add3A_594 = arith.constant 884736 : i32
      %add3A_595 = vector.broadcast %add3A_594 : i32 to vector<16xi32>
      %add3A_596 = arith.addi %add3A_259, %add3A_595 : vector<16xi32>
      tpu.vector_store_idx %arg9[%add3A_593], %add3A_596 : memref<16384xi32, #tpu.memory_space<vmem>>[vector<16xi32>], vector<16xi32>,
      %add3A_597 = arith.constant 55 : i32
      %add3A_598 = vector.broadcast %add3A_597 : i32 to vector<16xi32>
      %add3A_599 = arith.addi %mul3A_266, %add3A_598 : vector<16xi32>
      %add3A_600 = arith.constant 901120 : i32
      %add3A_601 = vector.broadcast %add3A_600 : i32 to vector<16xi32>
      %add3A_602 = arith.addi %add3A_259, %add3A_601 : vector<16xi32>
      tpu.vector_store_idx %arg9[%add3A_599], %add3A_602 : memref<16384xi32, #tpu.memory_space<vmem>>[vector<16xi32>], vector<16xi32>,
      %add3A_603 = arith.constant 56 : i32
      %add3A_604 = vector.broadcast %add3A_603 : i32 to vector<16xi32>
      %add3A_605 = arith.addi %mul3A_266, %add3A_604 : vector<16xi32>
      %add3A_606 = arith.constant 917504 : i32
      %add3A_607 = vector.broadcast %add3A_606 : i32 to vector<16xi32>
      %add3A_608 = arith.addi %add3A_259, %add3A_607 : vector<16xi32>
      tpu.vector_store_idx %arg9[%add3A_605], %add3A_608 : memref<16384xi32, #tpu.memory_space<vmem>>[vector<16xi32>], vector<16xi32>,
      %add3A_609 = arith.constant 57 : i32
      %add3A_610 = vector.broadcast %add3A_609 : i32 to vector<16xi32>
      %add3A_611 = arith.addi %mul3A_266, %add3A_610 : vector<16xi32>
      %add3A_612 = arith.constant 933888 : i32
      %add3A_613 = vector.broadcast %add3A_612 : i32 to vector<16xi32>
      %add3A_614 = arith.addi %add3A_259, %add3A_613 : vector<16xi32>
      tpu.vector_store_idx %arg9[%add3A_611], %add3A_614 : memref<16384xi32, #tpu.memory_space<vmem>>[vector<16xi32>], vector<16xi32>,
      %add3A_615 = arith.constant 58 : i32
      %add3A_616 = vector.broadcast %add3A_615 : i32 to vector<16xi32>
      %add3A_617 = arith.addi %mul3A_266, %add3A_616 : vector<16xi32>
      %add3A_618 = arith.constant 950272 : i32
      %add3A_619 = vector.broadcast %add3A_618 : i32 to vector<16xi32>
      %add3A_620 = arith.addi %add3A_259, %add3A_619 : vector<16xi32>
      tpu.vector_store_idx %arg9[%add3A_617], %add3A_620 : memref<16384xi32, #tpu.memory_space<vmem>>[vector<16xi32>], vector<16xi32>,
      %add3A_621 = arith.constant 59 : i32
      %add3A_622 = vector.broadcast %add3A_621 : i32 to vector<16xi32>
      %add3A_623 = arith.addi %mul3A_266, %add3A_622 : vector<16xi32>
      %add3A_624 = arith.constant 966656 : i32
      %add3A_625 = vector.broadcast %add3A_624 : i32 to vector<16xi32>
      %add3A_626 = arith.addi %add3A_259, %add3A_625 : vector<16xi32>
      tpu.vector_store_idx %arg9[%add3A_623], %add3A_626 : memref<16384xi32, #tpu.memory_space<vmem>>[vector<16xi32>], vector<16xi32>,
      %add3A_627 = arith.constant 60 : i32
      %add3A_628 = vector.broadcast %add3A_627 : i32 to vector<16xi32>
      %add3A_629 = arith.addi %mul3A_266, %add3A_628 : vector<16xi32>
      %add3A_630 = arith.constant 983040 : i32
      %add3A_631 = vector.broadcast %add3A_630 : i32 to vector<16xi32>
      %add3A_632 = arith.addi %add3A_259, %add3A_631 : vector<16xi32>
      tpu.vector_store_idx %arg9[%add3A_629], %add3A_632 : memref<16384xi32, #tpu.memory_space<vmem>>[vector<16xi32>], vector<16xi32>,
      %add3A_633 = arith.constant 61 : i32
      %add3A_634 = vector.broadcast %add3A_633 : i32 to vector<16xi32>
      %add3A_635 = arith.addi %mul3A_266, %add3A_634 : vector<16xi32>
      %add3A_636 = arith.constant 999424 : i32
      %add3A_637 = vector.broadcast %add3A_636 : i32 to vector<16xi32>
      %add3A_638 = arith.addi %add3A_259, %add3A_637 : vector<16xi32>
      tpu.vector_store_idx %arg9[%add3A_635], %add3A_638 : memref<16384xi32, #tpu.memory_space<vmem>>[vector<16xi32>], vector<16xi32>,
      %add3A_639 = arith.constant 62 : i32
      %add3A_640 = vector.broadcast %add3A_639 : i32 to vector<16xi32>
      %add3A_641 = arith.addi %mul3A_266, %add3A_640 : vector<16xi32>
      %add3A_642 = arith.constant 1015808 : i32
      %add3A_643 = vector.broadcast %add3A_642 : i32 to vector<16xi32>
      %add3A_644 = arith.addi %add3A_259, %add3A_643 : vector<16xi32>
      tpu.vector_store_idx %arg9[%add3A_641], %add3A_644 : memref<16384xi32, #tpu.memory_space<vmem>>[vector<16xi32>], vector<16xi32>,
      %add3A_645 = arith.constant 63 : i32
      %add3A_646 = vector.broadcast %add3A_645 : i32 to vector<16xi32>
      %add3A_647 = arith.addi %mul3A_266, %add3A_646 : vector<16xi32>
      %add3A_648 = arith.constant 1032192 : i32
      %add3A_649 = vector.broadcast %add3A_648 : i32 to vector<16xi32>
      %add3A_650 = arith.addi %add3A_259, %add3A_649 : vector<16xi32>
      tpu.vector_store_idx %arg9[%add3A_647], %add3A_650 : memref<16384xi32, #tpu.memory_space<vmem>>[vector<16xi32>], vector<16xi32>,
    }
    %scan3A_89 = arith.constant 2 : i32
    %dma_start3A_90 = arith.constant 12288 : i32
    %dma_start3A_91 = tpu.memref_slice %arg10[%dma_start3A_90] : memref<16384xf32, #tpu.memory_space<vmem>> -> memref<2048xf32, #tpu.memory_space<vmem>>
    %dma_start3A_92 = arith.constant 12288 : i32
    %dma_start3A_93 = tpu.memref_slice %arg9[%dma_start3A_92] : memref<16384xi32, #tpu.memory_space<vmem>> -> memref<2048xi32, #tpu.memory_space<vmem>>
    %dma_start3A_94 = arith.constant 0 : i32
    %dma_start3A_95 = tpu.memref_slice %arg2[%dma_start3A_94] : memref<16777216xf32, #tpu.memory_space<hbm>> -> memref<16777216xf32, #tpu.memory_space<hbm>>
    tpu.enqueue_indirect_dma source(%dma_start3A_95 : memref<16777216xf32, #tpu.memory_space<hbm>>) target(%dma_start3A_91 : memref<2048xf32, #tpu.memory_space<vmem>>) offsets(%dma_start3A_93 : memref<2048xi32, #tpu.memory_space<vmem>>) semaphore(%arg22 : memref<!tpu.dma_semaphore, #tpu.memory_space<semaphore_mem>>)
    %scan3A_96 = arith.constant 0 : i32
    %scan3A_97 = arith.constant 14 : i32
    %scan3A_98 = arith.constant 2 : i32
    %scan3A_99 = arith.addi %scan3A_97, %scan3A_98 : i32
    %scan3A_100 = arith.constant 1 : i32
    scf.for %scan3A_248 = %scan3A_97 to %scan3A_99 step %scan3A_100  : i32 {
      %mul3A_249 = arith.constant 16 : i32
      %mul3A_250 = arith.muli %scan3A_248, %mul3A_249 : i32
      %get3A = arith.index_cast %mul3A_250 : i32 to index
      %get3A_251 = tpu.vector_load %arg7[%get3A] {strides = array<i32>} : memref<256xi32, #tpu.memory_space<vmem>>, vector<16xi32>,
      %mul3A_252 = arith.constant 16 : i32
      %mul3A_253 = arith.muli %scan3A_248, %mul3A_252 : i32
      %get3A_254 = arith.index_cast %mul3A_253 : i32 to index
      %get3A_255 = tpu.vector_load %arg8[%get3A_254] {strides = array<i32>} : memref<256xi32, #tpu.memory_space<vmem>>, vector<16xi32>,
      %mul3A_256 = arith.constant 1048576 : i32
      %mul3A_257 = vector.broadcast %mul3A_256 : i32 to vector<16xi32>
      %mul3A_258 = arith.muli %get3A_255, %mul3A_257 : vector<16xi32>
      %add3A_259 = arith.addi %mul3A_258, %get3A_251 : vector<16xi32>
      %mul3A_260 = arith.constant 16 : i32
      %mul3A_261 = arith.muli %scan3A_248, %mul3A_260 : i32
      %add3A_262 = vector.broadcast %mul3A_261 : i32 to vector<16xi32>
      %add3A_263 = arith.addi %add3A_262, %iota3A : vector<16xi32>
      %mul3A_264 = arith.constant 64 : i32
      %mul3A_265 = vector.broadcast %mul3A_264 : i32 to vector<16xi32>
      %mul3A_266 = arith.muli %add3A_263, %mul3A_265 : vector<16xi32>
      %add3A_267 = arith.constant 0 : i32
      %add3A_268 = vector.broadcast %add3A_267 : i32 to vector<16xi32>
      %add3A_269 = arith.addi %mul3A_266, %add3A_268 : vector<16xi32>
      %add3A_270 = arith.constant 0 : i32
      %add3A_271 = vector.broadcast %add3A_270 : i32 to vector<16xi32>
      %add3A_272 = arith.addi %add3A_259, %add3A_271 : vector<16xi32>
      tpu.vector_store_idx %arg9[%add3A_269], %add3A_272 : memref<16384xi32, #tpu.memory_space<vmem>>[vector<16xi32>], vector<16xi32>,
      %add3A_273 = arith.constant 1 : i32
      %add3A_274 = vector.broadcast %add3A_273 : i32 to vector<16xi32>
      %add3A_275 = arith.addi %mul3A_266, %add3A_274 : vector<16xi32>
      %add3A_276 = arith.constant 16384 : i32
      %add3A_277 = vector.broadcast %add3A_276 : i32 to vector<16xi32>
      %add3A_278 = arith.addi %add3A_259, %add3A_277 : vector<16xi32>
      tpu.vector_store_idx %arg9[%add3A_275], %add3A_278 : memref<16384xi32, #tpu.memory_space<vmem>>[vector<16xi32>], vector<16xi32>,
      %add3A_279 = arith.constant 2 : i32
      %add3A_280 = vector.broadcast %add3A_279 : i32 to vector<16xi32>
      %add3A_281 = arith.addi %mul3A_266, %add3A_280 : vector<16xi32>
      %add3A_282 = arith.constant 32768 : i32
      %add3A_283 = vector.broadcast %add3A_282 : i32 to vector<16xi32>
      %add3A_284 = arith.addi %add3A_259, %add3A_283 : vector<16xi32>
      tpu.vector_store_idx %arg9[%add3A_281], %add3A_284 : memref<16384xi32, #tpu.memory_space<vmem>>[vector<16xi32>], vector<16xi32>,
      %add3A_285 = arith.constant 3 : i32
      %add3A_286 = vector.broadcast %add3A_285 : i32 to vector<16xi32>
      %add3A_287 = arith.addi %mul3A_266, %add3A_286 : vector<16xi32>
      %add3A_288 = arith.constant 49152 : i32
      %add3A_289 = vector.broadcast %add3A_288 : i32 to vector<16xi32>
      %add3A_290 = arith.addi %add3A_259, %add3A_289 : vector<16xi32>
      tpu.vector_store_idx %arg9[%add3A_287], %add3A_290 : memref<16384xi32, #tpu.memory_space<vmem>>[vector<16xi32>], vector<16xi32>,
      %add3A_291 = arith.constant 4 : i32
      %add3A_292 = vector.broadcast %add3A_291 : i32 to vector<16xi32>
      %add3A_293 = arith.addi %mul3A_266, %add3A_292 : vector<16xi32>
      %add3A_294 = arith.constant 65536 : i32
      %add3A_295 = vector.broadcast %add3A_294 : i32 to vector<16xi32>
      %add3A_296 = arith.addi %add3A_259, %add3A_295 : vector<16xi32>
      tpu.vector_store_idx %arg9[%add3A_293], %add3A_296 : memref<16384xi32, #tpu.memory_space<vmem>>[vector<16xi32>], vector<16xi32>,
      %add3A_297 = arith.constant 5 : i32
      %add3A_298 = vector.broadcast %add3A_297 : i32 to vector<16xi32>
      %add3A_299 = arith.addi %mul3A_266, %add3A_298 : vector<16xi32>
      %add3A_300 = arith.constant 81920 : i32
      %add3A_301 = vector.broadcast %add3A_300 : i32 to vector<16xi32>
      %add3A_302 = arith.addi %add3A_259, %add3A_301 : vector<16xi32>
      tpu.vector_store_idx %arg9[%add3A_299], %add3A_302 : memref<16384xi32, #tpu.memory_space<vmem>>[vector<16xi32>], vector<16xi32>,
      %add3A_303 = arith.constant 6 : i32
      %add3A_304 = vector.broadcast %add3A_303 : i32 to vector<16xi32>
      %add3A_305 = arith.addi %mul3A_266, %add3A_304 : vector<16xi32>
      %add3A_306 = arith.constant 98304 : i32
      %add3A_307 = vector.broadcast %add3A_306 : i32 to vector<16xi32>
      %add3A_308 = arith.addi %add3A_259, %add3A_307 : vector<16xi32>
      tpu.vector_store_idx %arg9[%add3A_305], %add3A_308 : memref<16384xi32, #tpu.memory_space<vmem>>[vector<16xi32>], vector<16xi32>,
      %add3A_309 = arith.constant 7 : i32
      %add3A_310 = vector.broadcast %add3A_309 : i32 to vector<16xi32>
      %add3A_311 = arith.addi %mul3A_266, %add3A_310 : vector<16xi32>
      %add3A_312 = arith.constant 114688 : i32
      %add3A_313 = vector.broadcast %add3A_312 : i32 to vector<16xi32>
      %add3A_314 = arith.addi %add3A_259, %add3A_313 : vector<16xi32>
      tpu.vector_store_idx %arg9[%add3A_311], %add3A_314 : memref<16384xi32, #tpu.memory_space<vmem>>[vector<16xi32>], vector<16xi32>,
      %add3A_315 = arith.constant 8 : i32
      %add3A_316 = vector.broadcast %add3A_315 : i32 to vector<16xi32>
      %add3A_317 = arith.addi %mul3A_266, %add3A_316 : vector<16xi32>
      %add3A_318 = arith.constant 131072 : i32
      %add3A_319 = vector.broadcast %add3A_318 : i32 to vector<16xi32>
      %add3A_320 = arith.addi %add3A_259, %add3A_319 : vector<16xi32>
      tpu.vector_store_idx %arg9[%add3A_317], %add3A_320 : memref<16384xi32, #tpu.memory_space<vmem>>[vector<16xi32>], vector<16xi32>,
      %add3A_321 = arith.constant 9 : i32
      %add3A_322 = vector.broadcast %add3A_321 : i32 to vector<16xi32>
      %add3A_323 = arith.addi %mul3A_266, %add3A_322 : vector<16xi32>
      %add3A_324 = arith.constant 147456 : i32
      %add3A_325 = vector.broadcast %add3A_324 : i32 to vector<16xi32>
      %add3A_326 = arith.addi %add3A_259, %add3A_325 : vector<16xi32>
      tpu.vector_store_idx %arg9[%add3A_323], %add3A_326 : memref<16384xi32, #tpu.memory_space<vmem>>[vector<16xi32>], vector<16xi32>,
      %add3A_327 = arith.constant 10 : i32
      %add3A_328 = vector.broadcast %add3A_327 : i32 to vector<16xi32>
      %add3A_329 = arith.addi %mul3A_266, %add3A_328 : vector<16xi32>
      %add3A_330 = arith.constant 163840 : i32
      %add3A_331 = vector.broadcast %add3A_330 : i32 to vector<16xi32>
      %add3A_332 = arith.addi %add3A_259, %add3A_331 : vector<16xi32>
      tpu.vector_store_idx %arg9[%add3A_329], %add3A_332 : memref<16384xi32, #tpu.memory_space<vmem>>[vector<16xi32>], vector<16xi32>,
      %add3A_333 = arith.constant 11 : i32
      %add3A_334 = vector.broadcast %add3A_333 : i32 to vector<16xi32>
      %add3A_335 = arith.addi %mul3A_266, %add3A_334 : vector<16xi32>
      %add3A_336 = arith.constant 180224 : i32
      %add3A_337 = vector.broadcast %add3A_336 : i32 to vector<16xi32>
      %add3A_338 = arith.addi %add3A_259, %add3A_337 : vector<16xi32>
      tpu.vector_store_idx %arg9[%add3A_335], %add3A_338 : memref<16384xi32, #tpu.memory_space<vmem>>[vector<16xi32>], vector<16xi32>,
      %add3A_339 = arith.constant 12 : i32
      %add3A_340 = vector.broadcast %add3A_339 : i32 to vector<16xi32>
      %add3A_341 = arith.addi %mul3A_266, %add3A_340 : vector<16xi32>
      %add3A_342 = arith.constant 196608 : i32
      %add3A_343 = vector.broadcast %add3A_342 : i32 to vector<16xi32>
      %add3A_344 = arith.addi %add3A_259, %add3A_343 : vector<16xi32>
      tpu.vector_store_idx %arg9[%add3A_341], %add3A_344 : memref<16384xi32, #tpu.memory_space<vmem>>[vector<16xi32>], vector<16xi32>,
      %add3A_345 = arith.constant 13 : i32
      %add3A_346 = vector.broadcast %add3A_345 : i32 to vector<16xi32>
      %add3A_347 = arith.addi %mul3A_266, %add3A_346 : vector<16xi32>
      %add3A_348 = arith.constant 212992 : i32
      %add3A_349 = vector.broadcast %add3A_348 : i32 to vector<16xi32>
      %add3A_350 = arith.addi %add3A_259, %add3A_349 : vector<16xi32>
      tpu.vector_store_idx %arg9[%add3A_347], %add3A_350 : memref<16384xi32, #tpu.memory_space<vmem>>[vector<16xi32>], vector<16xi32>,
      %add3A_351 = arith.constant 14 : i32
      %add3A_352 = vector.broadcast %add3A_351 : i32 to vector<16xi32>
      %add3A_353 = arith.addi %mul3A_266, %add3A_352 : vector<16xi32>
      %add3A_354 = arith.constant 229376 : i32
      %add3A_355 = vector.broadcast %add3A_354 : i32 to vector<16xi32>
      %add3A_356 = arith.addi %add3A_259, %add3A_355 : vector<16xi32>
      tpu.vector_store_idx %arg9[%add3A_353], %add3A_356 : memref<16384xi32, #tpu.memory_space<vmem>>[vector<16xi32>], vector<16xi32>,
      %add3A_357 = arith.constant 15 : i32
      %add3A_358 = vector.broadcast %add3A_357 : i32 to vector<16xi32>
      %add3A_359 = arith.addi %mul3A_266, %add3A_358 : vector<16xi32>
      %add3A_360 = arith.constant 245760 : i32
      %add3A_361 = vector.broadcast %add3A_360 : i32 to vector<16xi32>
      %add3A_362 = arith.addi %add3A_259, %add3A_361 : vector<16xi32>
      tpu.vector_store_idx %arg9[%add3A_359], %add3A_362 : memref<16384xi32, #tpu.memory_space<vmem>>[vector<16xi32>], vector<16xi32>,
      %add3A_363 = arith.constant 16 : i32
      %add3A_364 = vector.broadcast %add3A_363 : i32 to vector<16xi32>
      %add3A_365 = arith.addi %mul3A_266, %add3A_364 : vector<16xi32>
      %add3A_366 = arith.constant 262144 : i32
      %add3A_367 = vector.broadcast %add3A_366 : i32 to vector<16xi32>
      %add3A_368 = arith.addi %add3A_259, %add3A_367 : vector<16xi32>
      tpu.vector_store_idx %arg9[%add3A_365], %add3A_368 : memref<16384xi32, #tpu.memory_space<vmem>>[vector<16xi32>], vector<16xi32>,
      %add3A_369 = arith.constant 17 : i32
      %add3A_370 = vector.broadcast %add3A_369 : i32 to vector<16xi32>
      %add3A_371 = arith.addi %mul3A_266, %add3A_370 : vector<16xi32>
      %add3A_372 = arith.constant 278528 : i32
      %add3A_373 = vector.broadcast %add3A_372 : i32 to vector<16xi32>
      %add3A_374 = arith.addi %add3A_259, %add3A_373 : vector<16xi32>
      tpu.vector_store_idx %arg9[%add3A_371], %add3A_374 : memref<16384xi32, #tpu.memory_space<vmem>>[vector<16xi32>], vector<16xi32>,
      %add3A_375 = arith.constant 18 : i32
      %add3A_376 = vector.broadcast %add3A_375 : i32 to vector<16xi32>
      %add3A_377 = arith.addi %mul3A_266, %add3A_376 : vector<16xi32>
      %add3A_378 = arith.constant 294912 : i32
      %add3A_379 = vector.broadcast %add3A_378 : i32 to vector<16xi32>
      %add3A_380 = arith.addi %add3A_259, %add3A_379 : vector<16xi32>
      tpu.vector_store_idx %arg9[%add3A_377], %add3A_380 : memref<16384xi32, #tpu.memory_space<vmem>>[vector<16xi32>], vector<16xi32>,
      %add3A_381 = arith.constant 19 : i32
      %add3A_382 = vector.broadcast %add3A_381 : i32 to vector<16xi32>
      %add3A_383 = arith.addi %mul3A_266, %add3A_382 : vector<16xi32>
      %add3A_384 = arith.constant 311296 : i32
      %add3A_385 = vector.broadcast %add3A_384 : i32 to vector<16xi32>
      %add3A_386 = arith.addi %add3A_259, %add3A_385 : vector<16xi32>
      tpu.vector_store_idx %arg9[%add3A_383], %add3A_386 : memref<16384xi32, #tpu.memory_space<vmem>>[vector<16xi32>], vector<16xi32>,
      %add3A_387 = arith.constant 20 : i32
      %add3A_388 = vector.broadcast %add3A_387 : i32 to vector<16xi32>
      %add3A_389 = arith.addi %mul3A_266, %add3A_388 : vector<16xi32>
      %add3A_390 = arith.constant 327680 : i32
      %add3A_391 = vector.broadcast %add3A_390 : i32 to vector<16xi32>
      %add3A_392 = arith.addi %add3A_259, %add3A_391 : vector<16xi32>
      tpu.vector_store_idx %arg9[%add3A_389], %add3A_392 : memref<16384xi32, #tpu.memory_space<vmem>>[vector<16xi32>], vector<16xi32>,
      %add3A_393 = arith.constant 21 : i32
      %add3A_394 = vector.broadcast %add3A_393 : i32 to vector<16xi32>
      %add3A_395 = arith.addi %mul3A_266, %add3A_394 : vector<16xi32>
      %add3A_396 = arith.constant 344064 : i32
      %add3A_397 = vector.broadcast %add3A_396 : i32 to vector<16xi32>
      %add3A_398 = arith.addi %add3A_259, %add3A_397 : vector<16xi32>
      tpu.vector_store_idx %arg9[%add3A_395], %add3A_398 : memref<16384xi32, #tpu.memory_space<vmem>>[vector<16xi32>], vector<16xi32>,
      %add3A_399 = arith.constant 22 : i32
      %add3A_400 = vector.broadcast %add3A_399 : i32 to vector<16xi32>
      %add3A_401 = arith.addi %mul3A_266, %add3A_400 : vector<16xi32>
      %add3A_402 = arith.constant 360448 : i32
      %add3A_403 = vector.broadcast %add3A_402 : i32 to vector<16xi32>
      %add3A_404 = arith.addi %add3A_259, %add3A_403 : vector<16xi32>
      tpu.vector_store_idx %arg9[%add3A_401], %add3A_404 : memref<16384xi32, #tpu.memory_space<vmem>>[vector<16xi32>], vector<16xi32>,
      %add3A_405 = arith.constant 23 : i32
      %add3A_406 = vector.broadcast %add3A_405 : i32 to vector<16xi32>
      %add3A_407 = arith.addi %mul3A_266, %add3A_406 : vector<16xi32>
      %add3A_408 = arith.constant 376832 : i32
      %add3A_409 = vector.broadcast %add3A_408 : i32 to vector<16xi32>
      %add3A_410 = arith.addi %add3A_259, %add3A_409 : vector<16xi32>
      tpu.vector_store_idx %arg9[%add3A_407], %add3A_410 : memref<16384xi32, #tpu.memory_space<vmem>>[vector<16xi32>], vector<16xi32>,
      %add3A_411 = arith.constant 24 : i32
      %add3A_412 = vector.broadcast %add3A_411 : i32 to vector<16xi32>
      %add3A_413 = arith.addi %mul3A_266, %add3A_412 : vector<16xi32>
      %add3A_414 = arith.constant 393216 : i32
      %add3A_415 = vector.broadcast %add3A_414 : i32 to vector<16xi32>
      %add3A_416 = arith.addi %add3A_259, %add3A_415 : vector<16xi32>
      tpu.vector_store_idx %arg9[%add3A_413], %add3A_416 : memref<16384xi32, #tpu.memory_space<vmem>>[vector<16xi32>], vector<16xi32>,
      %add3A_417 = arith.constant 25 : i32
      %add3A_418 = vector.broadcast %add3A_417 : i32 to vector<16xi32>
      %add3A_419 = arith.addi %mul3A_266, %add3A_418 : vector<16xi32>
      %add3A_420 = arith.constant 409600 : i32
      %add3A_421 = vector.broadcast %add3A_420 : i32 to vector<16xi32>
      %add3A_422 = arith.addi %add3A_259, %add3A_421 : vector<16xi32>
      tpu.vector_store_idx %arg9[%add3A_419], %add3A_422 : memref<16384xi32, #tpu.memory_space<vmem>>[vector<16xi32>], vector<16xi32>,
      %add3A_423 = arith.constant 26 : i32
      %add3A_424 = vector.broadcast %add3A_423 : i32 to vector<16xi32>
      %add3A_425 = arith.addi %mul3A_266, %add3A_424 : vector<16xi32>
      %add3A_426 = arith.constant 425984 : i32
      %add3A_427 = vector.broadcast %add3A_426 : i32 to vector<16xi32>
      %add3A_428 = arith.addi %add3A_259, %add3A_427 : vector<16xi32>
      tpu.vector_store_idx %arg9[%add3A_425], %add3A_428 : memref<16384xi32, #tpu.memory_space<vmem>>[vector<16xi32>], vector<16xi32>,
      %add3A_429 = arith.constant 27 : i32
      %add3A_430 = vector.broadcast %add3A_429 : i32 to vector<16xi32>
      %add3A_431 = arith.addi %mul3A_266, %add3A_430 : vector<16xi32>
      %add3A_432 = arith.constant 442368 : i32
      %add3A_433 = vector.broadcast %add3A_432 : i32 to vector<16xi32>
      %add3A_434 = arith.addi %add3A_259, %add3A_433 : vector<16xi32>
      tpu.vector_store_idx %arg9[%add3A_431], %add3A_434 : memref<16384xi32, #tpu.memory_space<vmem>>[vector<16xi32>], vector<16xi32>,
      %add3A_435 = arith.constant 28 : i32
      %add3A_436 = vector.broadcast %add3A_435 : i32 to vector<16xi32>
      %add3A_437 = arith.addi %mul3A_266, %add3A_436 : vector<16xi32>
      %add3A_438 = arith.constant 458752 : i32
      %add3A_439 = vector.broadcast %add3A_438 : i32 to vector<16xi32>
      %add3A_440 = arith.addi %add3A_259, %add3A_439 : vector<16xi32>
      tpu.vector_store_idx %arg9[%add3A_437], %add3A_440 : memref<16384xi32, #tpu.memory_space<vmem>>[vector<16xi32>], vector<16xi32>,
      %add3A_441 = arith.constant 29 : i32
      %add3A_442 = vector.broadcast %add3A_441 : i32 to vector<16xi32>
      %add3A_443 = arith.addi %mul3A_266, %add3A_442 : vector<16xi32>
      %add3A_444 = arith.constant 475136 : i32
      %add3A_445 = vector.broadcast %add3A_444 : i32 to vector<16xi32>
      %add3A_446 = arith.addi %add3A_259, %add3A_445 : vector<16xi32>
      tpu.vector_store_idx %arg9[%add3A_443], %add3A_446 : memref<16384xi32, #tpu.memory_space<vmem>>[vector<16xi32>], vector<16xi32>,
      %add3A_447 = arith.constant 30 : i32
      %add3A_448 = vector.broadcast %add3A_447 : i32 to vector<16xi32>
      %add3A_449 = arith.addi %mul3A_266, %add3A_448 : vector<16xi32>
      %add3A_450 = arith.constant 491520 : i32
      %add3A_451 = vector.broadcast %add3A_450 : i32 to vector<16xi32>
      %add3A_452 = arith.addi %add3A_259, %add3A_451 : vector<16xi32>
      tpu.vector_store_idx %arg9[%add3A_449], %add3A_452 : memref<16384xi32, #tpu.memory_space<vmem>>[vector<16xi32>], vector<16xi32>,
      %add3A_453 = arith.constant 31 : i32
      %add3A_454 = vector.broadcast %add3A_453 : i32 to vector<16xi32>
      %add3A_455 = arith.addi %mul3A_266, %add3A_454 : vector<16xi32>
      %add3A_456 = arith.constant 507904 : i32
      %add3A_457 = vector.broadcast %add3A_456 : i32 to vector<16xi32>
      %add3A_458 = arith.addi %add3A_259, %add3A_457 : vector<16xi32>
      tpu.vector_store_idx %arg9[%add3A_455], %add3A_458 : memref<16384xi32, #tpu.memory_space<vmem>>[vector<16xi32>], vector<16xi32>,
      %add3A_459 = arith.constant 32 : i32
      %add3A_460 = vector.broadcast %add3A_459 : i32 to vector<16xi32>
      %add3A_461 = arith.addi %mul3A_266, %add3A_460 : vector<16xi32>
      %add3A_462 = arith.constant 524288 : i32
      %add3A_463 = vector.broadcast %add3A_462 : i32 to vector<16xi32>
      %add3A_464 = arith.addi %add3A_259, %add3A_463 : vector<16xi32>
      tpu.vector_store_idx %arg9[%add3A_461], %add3A_464 : memref<16384xi32, #tpu.memory_space<vmem>>[vector<16xi32>], vector<16xi32>,
      %add3A_465 = arith.constant 33 : i32
      %add3A_466 = vector.broadcast %add3A_465 : i32 to vector<16xi32>
      %add3A_467 = arith.addi %mul3A_266, %add3A_466 : vector<16xi32>
      %add3A_468 = arith.constant 540672 : i32
      %add3A_469 = vector.broadcast %add3A_468 : i32 to vector<16xi32>
      %add3A_470 = arith.addi %add3A_259, %add3A_469 : vector<16xi32>
      tpu.vector_store_idx %arg9[%add3A_467], %add3A_470 : memref<16384xi32, #tpu.memory_space<vmem>>[vector<16xi32>], vector<16xi32>,
      %add3A_471 = arith.constant 34 : i32
      %add3A_472 = vector.broadcast %add3A_471 : i32 to vector<16xi32>
      %add3A_473 = arith.addi %mul3A_266, %add3A_472 : vector<16xi32>
      %add3A_474 = arith.constant 557056 : i32
      %add3A_475 = vector.broadcast %add3A_474 : i32 to vector<16xi32>
      %add3A_476 = arith.addi %add3A_259, %add3A_475 : vector<16xi32>
      tpu.vector_store_idx %arg9[%add3A_473], %add3A_476 : memref<16384xi32, #tpu.memory_space<vmem>>[vector<16xi32>], vector<16xi32>,
      %add3A_477 = arith.constant 35 : i32
      %add3A_478 = vector.broadcast %add3A_477 : i32 to vector<16xi32>
      %add3A_479 = arith.addi %mul3A_266, %add3A_478 : vector<16xi32>
      %add3A_480 = arith.constant 573440 : i32
      %add3A_481 = vector.broadcast %add3A_480 : i32 to vector<16xi32>
      %add3A_482 = arith.addi %add3A_259, %add3A_481 : vector<16xi32>
      tpu.vector_store_idx %arg9[%add3A_479], %add3A_482 : memref<16384xi32, #tpu.memory_space<vmem>>[vector<16xi32>], vector<16xi32>,
      %add3A_483 = arith.constant 36 : i32
      %add3A_484 = vector.broadcast %add3A_483 : i32 to vector<16xi32>
      %add3A_485 = arith.addi %mul3A_266, %add3A_484 : vector<16xi32>
      %add3A_486 = arith.constant 589824 : i32
      %add3A_487 = vector.broadcast %add3A_486 : i32 to vector<16xi32>
      %add3A_488 = arith.addi %add3A_259, %add3A_487 : vector<16xi32>
      tpu.vector_store_idx %arg9[%add3A_485], %add3A_488 : memref<16384xi32, #tpu.memory_space<vmem>>[vector<16xi32>], vector<16xi32>,
      %add3A_489 = arith.constant 37 : i32
      %add3A_490 = vector.broadcast %add3A_489 : i32 to vector<16xi32>
      %add3A_491 = arith.addi %mul3A_266, %add3A_490 : vector<16xi32>
      %add3A_492 = arith.constant 606208 : i32
      %add3A_493 = vector.broadcast %add3A_492 : i32 to vector<16xi32>
      %add3A_494 = arith.addi %add3A_259, %add3A_493 : vector<16xi32>
      tpu.vector_store_idx %arg9[%add3A_491], %add3A_494 : memref<16384xi32, #tpu.memory_space<vmem>>[vector<16xi32>], vector<16xi32>,
      %add3A_495 = arith.constant 38 : i32
      %add3A_496 = vector.broadcast %add3A_495 : i32 to vector<16xi32>
      %add3A_497 = arith.addi %mul3A_266, %add3A_496 : vector<16xi32>
      %add3A_498 = arith.constant 622592 : i32
      %add3A_499 = vector.broadcast %add3A_498 : i32 to vector<16xi32>
      %add3A_500 = arith.addi %add3A_259, %add3A_499 : vector<16xi32>
      tpu.vector_store_idx %arg9[%add3A_497], %add3A_500 : memref<16384xi32, #tpu.memory_space<vmem>>[vector<16xi32>], vector<16xi32>,
      %add3A_501 = arith.constant 39 : i32
      %add3A_502 = vector.broadcast %add3A_501 : i32 to vector<16xi32>
      %add3A_503 = arith.addi %mul3A_266, %add3A_502 : vector<16xi32>
      %add3A_504 = arith.constant 638976 : i32
      %add3A_505 = vector.broadcast %add3A_504 : i32 to vector<16xi32>
      %add3A_506 = arith.addi %add3A_259, %add3A_505 : vector<16xi32>
      tpu.vector_store_idx %arg9[%add3A_503], %add3A_506 : memref<16384xi32, #tpu.memory_space<vmem>>[vector<16xi32>], vector<16xi32>,
      %add3A_507 = arith.constant 40 : i32
      %add3A_508 = vector.broadcast %add3A_507 : i32 to vector<16xi32>
      %add3A_509 = arith.addi %mul3A_266, %add3A_508 : vector<16xi32>
      %add3A_510 = arith.constant 655360 : i32
      %add3A_511 = vector.broadcast %add3A_510 : i32 to vector<16xi32>
      %add3A_512 = arith.addi %add3A_259, %add3A_511 : vector<16xi32>
      tpu.vector_store_idx %arg9[%add3A_509], %add3A_512 : memref<16384xi32, #tpu.memory_space<vmem>>[vector<16xi32>], vector<16xi32>,
      %add3A_513 = arith.constant 41 : i32
      %add3A_514 = vector.broadcast %add3A_513 : i32 to vector<16xi32>
      %add3A_515 = arith.addi %mul3A_266, %add3A_514 : vector<16xi32>
      %add3A_516 = arith.constant 671744 : i32
      %add3A_517 = vector.broadcast %add3A_516 : i32 to vector<16xi32>
      %add3A_518 = arith.addi %add3A_259, %add3A_517 : vector<16xi32>
      tpu.vector_store_idx %arg9[%add3A_515], %add3A_518 : memref<16384xi32, #tpu.memory_space<vmem>>[vector<16xi32>], vector<16xi32>,
      %add3A_519 = arith.constant 42 : i32
      %add3A_520 = vector.broadcast %add3A_519 : i32 to vector<16xi32>
      %add3A_521 = arith.addi %mul3A_266, %add3A_520 : vector<16xi32>
      %add3A_522 = arith.constant 688128 : i32
      %add3A_523 = vector.broadcast %add3A_522 : i32 to vector<16xi32>
      %add3A_524 = arith.addi %add3A_259, %add3A_523 : vector<16xi32>
      tpu.vector_store_idx %arg9[%add3A_521], %add3A_524 : memref<16384xi32, #tpu.memory_space<vmem>>[vector<16xi32>], vector<16xi32>,
      %add3A_525 = arith.constant 43 : i32
      %add3A_526 = vector.broadcast %add3A_525 : i32 to vector<16xi32>
      %add3A_527 = arith.addi %mul3A_266, %add3A_526 : vector<16xi32>
      %add3A_528 = arith.constant 704512 : i32
      %add3A_529 = vector.broadcast %add3A_528 : i32 to vector<16xi32>
      %add3A_530 = arith.addi %add3A_259, %add3A_529 : vector<16xi32>
      tpu.vector_store_idx %arg9[%add3A_527], %add3A_530 : memref<16384xi32, #tpu.memory_space<vmem>>[vector<16xi32>], vector<16xi32>,
      %add3A_531 = arith.constant 44 : i32
      %add3A_532 = vector.broadcast %add3A_531 : i32 to vector<16xi32>
      %add3A_533 = arith.addi %mul3A_266, %add3A_532 : vector<16xi32>
      %add3A_534 = arith.constant 720896 : i32
      %add3A_535 = vector.broadcast %add3A_534 : i32 to vector<16xi32>
      %add3A_536 = arith.addi %add3A_259, %add3A_535 : vector<16xi32>
      tpu.vector_store_idx %arg9[%add3A_533], %add3A_536 : memref<16384xi32, #tpu.memory_space<vmem>>[vector<16xi32>], vector<16xi32>,
      %add3A_537 = arith.constant 45 : i32
      %add3A_538 = vector.broadcast %add3A_537 : i32 to vector<16xi32>
      %add3A_539 = arith.addi %mul3A_266, %add3A_538 : vector<16xi32>
      %add3A_540 = arith.constant 737280 : i32
      %add3A_541 = vector.broadcast %add3A_540 : i32 to vector<16xi32>
      %add3A_542 = arith.addi %add3A_259, %add3A_541 : vector<16xi32>
      tpu.vector_store_idx %arg9[%add3A_539], %add3A_542 : memref<16384xi32, #tpu.memory_space<vmem>>[vector<16xi32>], vector<16xi32>,
      %add3A_543 = arith.constant 46 : i32
      %add3A_544 = vector.broadcast %add3A_543 : i32 to vector<16xi32>
      %add3A_545 = arith.addi %mul3A_266, %add3A_544 : vector<16xi32>
      %add3A_546 = arith.constant 753664 : i32
      %add3A_547 = vector.broadcast %add3A_546 : i32 to vector<16xi32>
      %add3A_548 = arith.addi %add3A_259, %add3A_547 : vector<16xi32>
      tpu.vector_store_idx %arg9[%add3A_545], %add3A_548 : memref<16384xi32, #tpu.memory_space<vmem>>[vector<16xi32>], vector<16xi32>,
      %add3A_549 = arith.constant 47 : i32
      %add3A_550 = vector.broadcast %add3A_549 : i32 to vector<16xi32>
      %add3A_551 = arith.addi %mul3A_266, %add3A_550 : vector<16xi32>
      %add3A_552 = arith.constant 770048 : i32
      %add3A_553 = vector.broadcast %add3A_552 : i32 to vector<16xi32>
      %add3A_554 = arith.addi %add3A_259, %add3A_553 : vector<16xi32>
      tpu.vector_store_idx %arg9[%add3A_551], %add3A_554 : memref<16384xi32, #tpu.memory_space<vmem>>[vector<16xi32>], vector<16xi32>,
      %add3A_555 = arith.constant 48 : i32
      %add3A_556 = vector.broadcast %add3A_555 : i32 to vector<16xi32>
      %add3A_557 = arith.addi %mul3A_266, %add3A_556 : vector<16xi32>
      %add3A_558 = arith.constant 786432 : i32
      %add3A_559 = vector.broadcast %add3A_558 : i32 to vector<16xi32>
      %add3A_560 = arith.addi %add3A_259, %add3A_559 : vector<16xi32>
      tpu.vector_store_idx %arg9[%add3A_557], %add3A_560 : memref<16384xi32, #tpu.memory_space<vmem>>[vector<16xi32>], vector<16xi32>,
      %add3A_561 = arith.constant 49 : i32
      %add3A_562 = vector.broadcast %add3A_561 : i32 to vector<16xi32>
      %add3A_563 = arith.addi %mul3A_266, %add3A_562 : vector<16xi32>
      %add3A_564 = arith.constant 802816 : i32
      %add3A_565 = vector.broadcast %add3A_564 : i32 to vector<16xi32>
      %add3A_566 = arith.addi %add3A_259, %add3A_565 : vector<16xi32>
      tpu.vector_store_idx %arg9[%add3A_563], %add3A_566 : memref<16384xi32, #tpu.memory_space<vmem>>[vector<16xi32>], vector<16xi32>,
      %add3A_567 = arith.constant 50 : i32
      %add3A_568 = vector.broadcast %add3A_567 : i32 to vector<16xi32>
      %add3A_569 = arith.addi %mul3A_266, %add3A_568 : vector<16xi32>
      %add3A_570 = arith.constant 819200 : i32
      %add3A_571 = vector.broadcast %add3A_570 : i32 to vector<16xi32>
      %add3A_572 = arith.addi %add3A_259, %add3A_571 : vector<16xi32>
      tpu.vector_store_idx %arg9[%add3A_569], %add3A_572 : memref<16384xi32, #tpu.memory_space<vmem>>[vector<16xi32>], vector<16xi32>,
      %add3A_573 = arith.constant 51 : i32
      %add3A_574 = vector.broadcast %add3A_573 : i32 to vector<16xi32>
      %add3A_575 = arith.addi %mul3A_266, %add3A_574 : vector<16xi32>
      %add3A_576 = arith.constant 835584 : i32
      %add3A_577 = vector.broadcast %add3A_576 : i32 to vector<16xi32>
      %add3A_578 = arith.addi %add3A_259, %add3A_577 : vector<16xi32>
      tpu.vector_store_idx %arg9[%add3A_575], %add3A_578 : memref<16384xi32, #tpu.memory_space<vmem>>[vector<16xi32>], vector<16xi32>,
      %add3A_579 = arith.constant 52 : i32
      %add3A_580 = vector.broadcast %add3A_579 : i32 to vector<16xi32>
      %add3A_581 = arith.addi %mul3A_266, %add3A_580 : vector<16xi32>
      %add3A_582 = arith.constant 851968 : i32
      %add3A_583 = vector.broadcast %add3A_582 : i32 to vector<16xi32>
      %add3A_584 = arith.addi %add3A_259, %add3A_583 : vector<16xi32>
      tpu.vector_store_idx %arg9[%add3A_581], %add3A_584 : memref<16384xi32, #tpu.memory_space<vmem>>[vector<16xi32>], vector<16xi32>,
      %add3A_585 = arith.constant 53 : i32
      %add3A_586 = vector.broadcast %add3A_585 : i32 to vector<16xi32>
      %add3A_587 = arith.addi %mul3A_266, %add3A_586 : vector<16xi32>
      %add3A_588 = arith.constant 868352 : i32
      %add3A_589 = vector.broadcast %add3A_588 : i32 to vector<16xi32>
      %add3A_590 = arith.addi %add3A_259, %add3A_589 : vector<16xi32>
      tpu.vector_store_idx %arg9[%add3A_587], %add3A_590 : memref<16384xi32, #tpu.memory_space<vmem>>[vector<16xi32>], vector<16xi32>,
      %add3A_591 = arith.constant 54 : i32
      %add3A_592 = vector.broadcast %add3A_591 : i32 to vector<16xi32>
      %add3A_593 = arith.addi %mul3A_266, %add3A_592 : vector<16xi32>
      %add3A_594 = arith.constant 884736 : i32
      %add3A_595 = vector.broadcast %add3A_594 : i32 to vector<16xi32>
      %add3A_596 = arith.addi %add3A_259, %add3A_595 : vector<16xi32>
      tpu.vector_store_idx %arg9[%add3A_593], %add3A_596 : memref<16384xi32, #tpu.memory_space<vmem>>[vector<16xi32>], vector<16xi32>,
      %add3A_597 = arith.constant 55 : i32
      %add3A_598 = vector.broadcast %add3A_597 : i32 to vector<16xi32>
      %add3A_599 = arith.addi %mul3A_266, %add3A_598 : vector<16xi32>
      %add3A_600 = arith.constant 901120 : i32
      %add3A_601 = vector.broadcast %add3A_600 : i32 to vector<16xi32>
      %add3A_602 = arith.addi %add3A_259, %add3A_601 : vector<16xi32>
      tpu.vector_store_idx %arg9[%add3A_599], %add3A_602 : memref<16384xi32, #tpu.memory_space<vmem>>[vector<16xi32>], vector<16xi32>,
      %add3A_603 = arith.constant 56 : i32
      %add3A_604 = vector.broadcast %add3A_603 : i32 to vector<16xi32>
      %add3A_605 = arith.addi %mul3A_266, %add3A_604 : vector<16xi32>
      %add3A_606 = arith.constant 917504 : i32
      %add3A_607 = vector.broadcast %add3A_606 : i32 to vector<16xi32>
      %add3A_608 = arith.addi %add3A_259, %add3A_607 : vector<16xi32>
      tpu.vector_store_idx %arg9[%add3A_605], %add3A_608 : memref<16384xi32, #tpu.memory_space<vmem>>[vector<16xi32>], vector<16xi32>,
      %add3A_609 = arith.constant 57 : i32
      %add3A_610 = vector.broadcast %add3A_609 : i32 to vector<16xi32>
      %add3A_611 = arith.addi %mul3A_266, %add3A_610 : vector<16xi32>
      %add3A_612 = arith.constant 933888 : i32
      %add3A_613 = vector.broadcast %add3A_612 : i32 to vector<16xi32>
      %add3A_614 = arith.addi %add3A_259, %add3A_613 : vector<16xi32>
      tpu.vector_store_idx %arg9[%add3A_611], %add3A_614 : memref<16384xi32, #tpu.memory_space<vmem>>[vector<16xi32>], vector<16xi32>,
      %add3A_615 = arith.constant 58 : i32
      %add3A_616 = vector.broadcast %add3A_615 : i32 to vector<16xi32>
      %add3A_617 = arith.addi %mul3A_266, %add3A_616 : vector<16xi32>
      %add3A_618 = arith.constant 950272 : i32
      %add3A_619 = vector.broadcast %add3A_618 : i32 to vector<16xi32>
      %add3A_620 = arith.addi %add3A_259, %add3A_619 : vector<16xi32>
      tpu.vector_store_idx %arg9[%add3A_617], %add3A_620 : memref<16384xi32, #tpu.memory_space<vmem>>[vector<16xi32>], vector<16xi32>,
      %add3A_621 = arith.constant 59 : i32
      %add3A_622 = vector.broadcast %add3A_621 : i32 to vector<16xi32>
      %add3A_623 = arith.addi %mul3A_266, %add3A_622 : vector<16xi32>
      %add3A_624 = arith.constant 966656 : i32
      %add3A_625 = vector.broadcast %add3A_624 : i32 to vector<16xi32>
      %add3A_626 = arith.addi %add3A_259, %add3A_625 : vector<16xi32>
      tpu.vector_store_idx %arg9[%add3A_623], %add3A_626 : memref<16384xi32, #tpu.memory_space<vmem>>[vector<16xi32>], vector<16xi32>,
      %add3A_627 = arith.constant 60 : i32
      %add3A_628 = vector.broadcast %add3A_627 : i32 to vector<16xi32>
      %add3A_629 = arith.addi %mul3A_266, %add3A_628 : vector<16xi32>
      %add3A_630 = arith.constant 983040 : i32
      %add3A_631 = vector.broadcast %add3A_630 : i32 to vector<16xi32>
      %add3A_632 = arith.addi %add3A_259, %add3A_631 : vector<16xi32>
      tpu.vector_store_idx %arg9[%add3A_629], %add3A_632 : memref<16384xi32, #tpu.memory_space<vmem>>[vector<16xi32>], vector<16xi32>,
      %add3A_633 = arith.constant 61 : i32
      %add3A_634 = vector.broadcast %add3A_633 : i32 to vector<16xi32>
      %add3A_635 = arith.addi %mul3A_266, %add3A_634 : vector<16xi32>
      %add3A_636 = arith.constant 999424 : i32
      %add3A_637 = vector.broadcast %add3A_636 : i32 to vector<16xi32>
      %add3A_638 = arith.addi %add3A_259, %add3A_637 : vector<16xi32>
      tpu.vector_store_idx %arg9[%add3A_635], %add3A_638 : memref<16384xi32, #tpu.memory_space<vmem>>[vector<16xi32>], vector<16xi32>,
      %add3A_639 = arith.constant 62 : i32
      %add3A_640 = vector.broadcast %add3A_639 : i32 to vector<16xi32>
      %add3A_641 = arith.addi %mul3A_266, %add3A_640 : vector<16xi32>
      %add3A_642 = arith.constant 1015808 : i32
      %add3A_643 = vector.broadcast %add3A_642 : i32 to vector<16xi32>
      %add3A_644 = arith.addi %add3A_259, %add3A_643 : vector<16xi32>
      tpu.vector_store_idx %arg9[%add3A_641], %add3A_644 : memref<16384xi32, #tpu.memory_space<vmem>>[vector<16xi32>], vector<16xi32>,
      %add3A_645 = arith.constant 63 : i32
      %add3A_646 = vector.broadcast %add3A_645 : i32 to vector<16xi32>
      %add3A_647 = arith.addi %mul3A_266, %add3A_646 : vector<16xi32>
      %add3A_648 = arith.constant 1032192 : i32
      %add3A_649 = vector.broadcast %add3A_648 : i32 to vector<16xi32>
      %add3A_650 = arith.addi %add3A_259, %add3A_649 : vector<16xi32>
      tpu.vector_store_idx %arg9[%add3A_647], %add3A_650 : memref<16384xi32, #tpu.memory_space<vmem>>[vector<16xi32>], vector<16xi32>,
    }
    %scan3A_101 = arith.constant 2 : i32
    %dma_start3A_102 = arith.constant 14336 : i32
    %dma_start3A_103 = tpu.memref_slice %arg10[%dma_start3A_102] : memref<16384xf32, #tpu.memory_space<vmem>> -> memref<2048xf32, #tpu.memory_space<vmem>>
    %dma_start3A_104 = arith.constant 14336 : i32
    %dma_start3A_105 = tpu.memref_slice %arg9[%dma_start3A_104] : memref<16384xi32, #tpu.memory_space<vmem>> -> memref<2048xi32, #tpu.memory_space<vmem>>
    %dma_start3A_106 = arith.constant 0 : i32
    %dma_start3A_107 = tpu.memref_slice %arg2[%dma_start3A_106] : memref<16777216xf32, #tpu.memory_space<hbm>> -> memref<16777216xf32, #tpu.memory_space<hbm>>
    tpu.enqueue_indirect_dma source(%dma_start3A_107 : memref<16777216xf32, #tpu.memory_space<hbm>>) target(%dma_start3A_103 : memref<2048xf32, #tpu.memory_space<vmem>>) offsets(%dma_start3A_105 : memref<2048xi32, #tpu.memory_space<vmem>>) semaphore(%arg23 : memref<!tpu.dma_semaphore, #tpu.memory_space<semaphore_mem>>)
    %dma_wait3A_108 = arith.constant 0 : i32
    %dma_wait3A_109 = tpu.memref_slice %arg3[%mul3A_2, %dma_wait3A_108] : memref<8192x64xf32, #tpu.memory_space<hbm>> -> memref<256x64xf32, #tpu.memory_space<hbm>>
    %dma_wait3A_110 = arith.constant 0 : i32
    %dma_wait3A_111 = tpu.memref_slice %arg3[%mul3A_2, %dma_wait3A_110] : memref<8192x64xf32, #tpu.memory_space<hbm>> -> memref<256x64xf32, #tpu.memory_space<hbm>>
    tpu.wait_dma2 semaphore(%arg15 : memref<!tpu.dma_semaphore, #tpu.memory_space<semaphore_mem>>) src(%dma_wait3A_111 : memref<256x64xf32, #tpu.memory_space<hbm>>) dst(%arg11 : memref<256x64xf32, #tpu.memory_space<vmem>>)
    %broadcast_in_dim3A = arith.constant 0.000000e+00 : f32
    %broadcast_in_dim3A_112 = vector.broadcast %broadcast_in_dim3A : f32 to vector<16xf32>
    %dma_wait3A_113 = arith.constant 0 : i32
    %dma_wait3A_114 = tpu.memref_slice %arg10[%dma_wait3A_113] : memref<16384xf32, #tpu.memory_space<vmem>> -> memref<2048xf32, #tpu.memory_space<vmem>>
    %dma_wait3A_115 = arith.constant 0 : i32
    %dma_wait3A_116 = tpu.memref_slice %arg2[%dma_wait3A_115] : memref<16777216xf32, #tpu.memory_space<hbm>> -> memref<2048xf32, #tpu.memory_space<hbm>>
    %dma_wait3A_117 = arith.constant 0 : i32
    %dma_wait3A_118 = tpu.memref_slice %arg10[%dma_wait3A_117] : memref<16384xf32, #tpu.memory_space<vmem>> -> memref<2048xf32, #tpu.memory_space<vmem>>
    %dma_wait3A_119 = arith.constant 0 : i32
    %dma_wait3A_120 = tpu.memref_slice %arg2[%dma_wait3A_119] : memref<16777216xf32, #tpu.memory_space<hbm>> -> memref<2048xf32, #tpu.memory_space<hbm>>
    tpu.wait_dma2 semaphore(%arg16 : memref<!tpu.dma_semaphore, #tpu.memory_space<semaphore_mem>>) src(%dma_wait3A_120 : memref<2048xf32, #tpu.memory_space<hbm>>) dst(%dma_wait3A_118 : memref<2048xf32, #tpu.memory_space<vmem>>)
    %scan3A_121 = arith.constant 0 : i32
    %scan3A_122 = arith.constant 16 : i32
    %scan3A_123 = arith.addi %scan3A_121, %scan3A_122 : i32
    %scan3A_124 = arith.constant 1 : i32
    %scan3A_125:4 = scf.for %scan3A_248 = %scan3A_121 to %scan3A_123 step %scan3A_124 iter_args(%scan3A_249 = %broadcast_in_dim3A_112, %scan3A_250 = %broadcast_in_dim3A_112, %scan3A_251 = %broadcast_in_dim3A_112, %scan3A_252 = %broadcast_in_dim3A_112) -> (vector<16xf32>, vector<16xf32>, vector<16xf32>, vector<16xf32>)  : i32 {
      %mul3A_253 = arith.constant 128 : i32
      %mul3A_254 = arith.muli %scan3A_248, %mul3A_253 : i32
      %add3A_255 = arith.constant 0 : i32
      %add3A_256 = arith.addi %mul3A_254, %add3A_255 : i32
      %get3A = arith.index_cast %add3A_256 : i32 to index
      %get3A_257 = tpu.vector_load %arg10[%get3A] {strides = array<i32>} : memref<16384xf32, #tpu.memory_space<vmem>>, vector<16xf32>,
      %mul3A_258 = arith.constant 2 : i32
      %mul3A_259 = arith.muli %scan3A_248, %mul3A_258 : i32
      %add3A_260 = arith.constant 0 : i32
      %add3A_261 = arith.addi %mul3A_259, %add3A_260 : i32
      %get3A_262 = arith.index_cast %add3A_261 : i32 to index
      %get3A_263 = arith.constant 0 : index
      %get3A_264 = tpu.vector_load %arg11[%get3A_262, %get3A_263] {strides = array<i32>} : memref<256x64xf32, #tpu.memory_space<vmem>>, vector<16xf32>,
      %sub3A = arith.subf %get3A_257, %get3A_264 : vector<16xf32>
      %abs3A = math.absf %sub3A : vector<16xf32>
      %add3A_265 = arith.constant 16 : i32
      %add3A_266 = arith.addi %mul3A_254, %add3A_265 : i32
      %get3A_267 = arith.index_cast %add3A_266 : i32 to index
      %get3A_268 = tpu.vector_load %arg10[%get3A_267] {strides = array<i32>} : memref<16384xf32, #tpu.memory_space<vmem>>, vector<16xf32>,
      %mul3A_269 = arith.constant 2 : i32
      %mul3A_270 = arith.muli %scan3A_248, %mul3A_269 : i32
      %add3A_271 = arith.constant 0 : i32
      %add3A_272 = arith.addi %mul3A_270, %add3A_271 : i32
      %get3A_273 = arith.index_cast %add3A_272 : i32 to index
      %get3A_274 = arith.constant 16 : index
      %get3A_275 = tpu.vector_load %arg11[%get3A_273, %get3A_274] {strides = array<i32>} : memref<256x64xf32, #tpu.memory_space<vmem>>, vector<16xf32>,
      %sub3A_276 = arith.subf %get3A_268, %get3A_275 : vector<16xf32>
      %abs3A_277 = math.absf %sub3A_276 : vector<16xf32>
      %add3A_278 = arith.constant 32 : i32
      %add3A_279 = arith.addi %mul3A_254, %add3A_278 : i32
      %get3A_280 = arith.index_cast %add3A_279 : i32 to index
      %get3A_281 = tpu.vector_load %arg10[%get3A_280] {strides = array<i32>} : memref<16384xf32, #tpu.memory_space<vmem>>, vector<16xf32>,
      %mul3A_282 = arith.constant 2 : i32
      %mul3A_283 = arith.muli %scan3A_248, %mul3A_282 : i32
      %add3A_284 = arith.constant 0 : i32
      %add3A_285 = arith.addi %mul3A_283, %add3A_284 : i32
      %get3A_286 = arith.index_cast %add3A_285 : i32 to index
      %get3A_287 = arith.constant 32 : index
      %get3A_288 = tpu.vector_load %arg11[%get3A_286, %get3A_287] {strides = array<i32>} : memref<256x64xf32, #tpu.memory_space<vmem>>, vector<16xf32>,
      %sub3A_289 = arith.subf %get3A_281, %get3A_288 : vector<16xf32>
      %abs3A_290 = math.absf %sub3A_289 : vector<16xf32>
      %add3A_291 = arith.constant 48 : i32
      %add3A_292 = arith.addi %mul3A_254, %add3A_291 : i32
      %get3A_293 = arith.index_cast %add3A_292 : i32 to index
      %get3A_294 = tpu.vector_load %arg10[%get3A_293] {strides = array<i32>} : memref<16384xf32, #tpu.memory_space<vmem>>, vector<16xf32>,
      %mul3A_295 = arith.constant 2 : i32
      %mul3A_296 = arith.muli %scan3A_248, %mul3A_295 : i32
      %add3A_297 = arith.constant 0 : i32
      %add3A_298 = arith.addi %mul3A_296, %add3A_297 : i32
      %get3A_299 = arith.index_cast %add3A_298 : i32 to index
      %get3A_300 = arith.constant 48 : index
      %get3A_301 = tpu.vector_load %arg11[%get3A_299, %get3A_300] {strides = array<i32>} : memref<256x64xf32, #tpu.memory_space<vmem>>, vector<16xf32>,
      %sub3A_302 = arith.subf %get3A_294, %get3A_301 : vector<16xf32>
      %abs3A_303 = math.absf %sub3A_302 : vector<16xf32>
      %add3A_304 = arith.constant 64 : i32
      %add3A_305 = arith.addi %mul3A_254, %add3A_304 : i32
      %get3A_306 = arith.index_cast %add3A_305 : i32 to index
      %get3A_307 = tpu.vector_load %arg10[%get3A_306] {strides = array<i32>} : memref<16384xf32, #tpu.memory_space<vmem>>, vector<16xf32>,
      %mul3A_308 = arith.constant 2 : i32
      %mul3A_309 = arith.muli %scan3A_248, %mul3A_308 : i32
      %add3A_310 = arith.constant 1 : i32
      %add3A_311 = arith.addi %mul3A_309, %add3A_310 : i32
      %get3A_312 = arith.index_cast %add3A_311 : i32 to index
      %get3A_313 = arith.constant 0 : index
      %get3A_314 = tpu.vector_load %arg11[%get3A_312, %get3A_313] {strides = array<i32>} : memref<256x64xf32, #tpu.memory_space<vmem>>, vector<16xf32>,
      %sub3A_315 = arith.subf %get3A_307, %get3A_314 : vector<16xf32>
      %abs3A_316 = math.absf %sub3A_315 : vector<16xf32>
      %add3A_317 = arith.constant 80 : i32
      %add3A_318 = arith.addi %mul3A_254, %add3A_317 : i32
      %get3A_319 = arith.index_cast %add3A_318 : i32 to index
      %get3A_320 = tpu.vector_load %arg10[%get3A_319] {strides = array<i32>} : memref<16384xf32, #tpu.memory_space<vmem>>, vector<16xf32>,
      %mul3A_321 = arith.constant 2 : i32
      %mul3A_322 = arith.muli %scan3A_248, %mul3A_321 : i32
      %add3A_323 = arith.constant 1 : i32
      %add3A_324 = arith.addi %mul3A_322, %add3A_323 : i32
      %get3A_325 = arith.index_cast %add3A_324 : i32 to index
      %get3A_326 = arith.constant 16 : index
      %get3A_327 = tpu.vector_load %arg11[%get3A_325, %get3A_326] {strides = array<i32>} : memref<256x64xf32, #tpu.memory_space<vmem>>, vector<16xf32>,
      %sub3A_328 = arith.subf %get3A_320, %get3A_327 : vector<16xf32>
      %abs3A_329 = math.absf %sub3A_328 : vector<16xf32>
      %add3A_330 = arith.constant 96 : i32
      %add3A_331 = arith.addi %mul3A_254, %add3A_330 : i32
      %get3A_332 = arith.index_cast %add3A_331 : i32 to index
      %get3A_333 = tpu.vector_load %arg10[%get3A_332] {strides = array<i32>} : memref<16384xf32, #tpu.memory_space<vmem>>, vector<16xf32>,
      %mul3A_334 = arith.constant 2 : i32
      %mul3A_335 = arith.muli %scan3A_248, %mul3A_334 : i32
      %add3A_336 = arith.constant 1 : i32
      %add3A_337 = arith.addi %mul3A_335, %add3A_336 : i32
      %get3A_338 = arith.index_cast %add3A_337 : i32 to index
      %get3A_339 = arith.constant 32 : index
      %get3A_340 = tpu.vector_load %arg11[%get3A_338, %get3A_339] {strides = array<i32>} : memref<256x64xf32, #tpu.memory_space<vmem>>, vector<16xf32>,
      %sub3A_341 = arith.subf %get3A_333, %get3A_340 : vector<16xf32>
      %abs3A_342 = math.absf %sub3A_341 : vector<16xf32>
      %add3A_343 = arith.constant 112 : i32
      %add3A_344 = arith.addi %mul3A_254, %add3A_343 : i32
      %get3A_345 = arith.index_cast %add3A_344 : i32 to index
      %get3A_346 = tpu.vector_load %arg10[%get3A_345] {strides = array<i32>} : memref<16384xf32, #tpu.memory_space<vmem>>, vector<16xf32>,
      %mul3A_347 = arith.constant 2 : i32
      %mul3A_348 = arith.muli %scan3A_248, %mul3A_347 : i32
      %add3A_349 = arith.constant 1 : i32
      %add3A_350 = arith.addi %mul3A_348, %add3A_349 : i32
      %get3A_351 = arith.index_cast %add3A_350 : i32 to index
      %get3A_352 = arith.constant 48 : index
      %get3A_353 = tpu.vector_load %arg11[%get3A_351, %get3A_352] {strides = array<i32>} : memref<256x64xf32, #tpu.memory_space<vmem>>, vector<16xf32>,
      %sub3A_354 = arith.subf %get3A_346, %get3A_353 : vector<16xf32>
      %abs3A_355 = math.absf %sub3A_354 : vector<16xf32>
      %add3A_356 = arith.addf %scan3A_249, %abs3A : vector<16xf32>
      %add3A_357 = arith.addf %add3A_356, %abs3A_316 : vector<16xf32>
      %add3A_358 = arith.addf %scan3A_250, %abs3A_277 : vector<16xf32>
      %add3A_359 = arith.addf %add3A_358, %abs3A_329 : vector<16xf32>
      %add3A_360 = arith.addf %scan3A_251, %abs3A_290 : vector<16xf32>
      %add3A_361 = arith.addf %add3A_360, %abs3A_342 : vector<16xf32>
      %add3A_362 = arith.addf %scan3A_252, %abs3A_303 : vector<16xf32>
      %add3A_363 = arith.addf %add3A_362, %abs3A_355 : vector<16xf32>
      scf.yield %add3A_357, %add3A_359, %add3A_361, %add3A_363 : vector<16xf32>, vector<16xf32>, vector<16xf32>, vector<16xf32>
    }
    %scan3A_126 = arith.constant 16 : i32
    %dma_wait3A_127 = arith.constant 2048 : i32
    %dma_wait3A_128 = tpu.memref_slice %arg10[%dma_wait3A_127] : memref<16384xf32, #tpu.memory_space<vmem>> -> memref<2048xf32, #tpu.memory_space<vmem>>
    %dma_wait3A_129 = arith.constant 0 : i32
    %dma_wait3A_130 = tpu.memref_slice %arg2[%dma_wait3A_129] : memref<16777216xf32, #tpu.memory_space<hbm>> -> memref<2048xf32, #tpu.memory_space<hbm>>
    %dma_wait3A_131 = arith.constant 2048 : i32
    %dma_wait3A_132 = tpu.memref_slice %arg10[%dma_wait3A_131] : memref<16384xf32, #tpu.memory_space<vmem>> -> memref<2048xf32, #tpu.memory_space<vmem>>
    %dma_wait3A_133 = arith.constant 0 : i32
    %dma_wait3A_134 = tpu.memref_slice %arg2[%dma_wait3A_133] : memref<16777216xf32, #tpu.memory_space<hbm>> -> memref<2048xf32, #tpu.memory_space<hbm>>
    tpu.wait_dma2 semaphore(%arg17 : memref<!tpu.dma_semaphore, #tpu.memory_space<semaphore_mem>>) src(%dma_wait3A_134 : memref<2048xf32, #tpu.memory_space<hbm>>) dst(%dma_wait3A_132 : memref<2048xf32, #tpu.memory_space<vmem>>)
    %scan3A_135 = arith.constant 16 : i32
    %scan3A_136 = arith.constant 16 : i32
    %scan3A_137 = arith.addi %scan3A_135, %scan3A_136 : i32
    %scan3A_138 = arith.constant 1 : i32
    %scan3A_139:4 = scf.for %scan3A_248 = %scan3A_135 to %scan3A_137 step %scan3A_138 iter_args(%scan3A_249 = %scan3A_125#0, %scan3A_250 = %scan3A_125#1, %scan3A_251 = %scan3A_125#2, %scan3A_252 = %scan3A_125#3) -> (vector<16xf32>, vector<16xf32>, vector<16xf32>, vector<16xf32>)  : i32 {
      %mul3A_253 = arith.constant 128 : i32
      %mul3A_254 = arith.muli %scan3A_248, %mul3A_253 : i32
      %add3A_255 = arith.constant 0 : i32
      %add3A_256 = arith.addi %mul3A_254, %add3A_255 : i32
      %get3A = arith.index_cast %add3A_256 : i32 to index
      %get3A_257 = tpu.vector_load %arg10[%get3A] {strides = array<i32>} : memref<16384xf32, #tpu.memory_space<vmem>>, vector<16xf32>,
      %mul3A_258 = arith.constant 2 : i32
      %mul3A_259 = arith.muli %scan3A_248, %mul3A_258 : i32
      %add3A_260 = arith.constant 0 : i32
      %add3A_261 = arith.addi %mul3A_259, %add3A_260 : i32
      %get3A_262 = arith.index_cast %add3A_261 : i32 to index
      %get3A_263 = arith.constant 0 : index
      %get3A_264 = tpu.vector_load %arg11[%get3A_262, %get3A_263] {strides = array<i32>} : memref<256x64xf32, #tpu.memory_space<vmem>>, vector<16xf32>,
      %sub3A = arith.subf %get3A_257, %get3A_264 : vector<16xf32>
      %abs3A = math.absf %sub3A : vector<16xf32>
      %add3A_265 = arith.constant 16 : i32
      %add3A_266 = arith.addi %mul3A_254, %add3A_265 : i32
      %get3A_267 = arith.index_cast %add3A_266 : i32 to index
      %get3A_268 = tpu.vector_load %arg10[%get3A_267] {strides = array<i32>} : memref<16384xf32, #tpu.memory_space<vmem>>, vector<16xf32>,
      %mul3A_269 = arith.constant 2 : i32
      %mul3A_270 = arith.muli %scan3A_248, %mul3A_269 : i32
      %add3A_271 = arith.constant 0 : i32
      %add3A_272 = arith.addi %mul3A_270, %add3A_271 : i32
      %get3A_273 = arith.index_cast %add3A_272 : i32 to index
      %get3A_274 = arith.constant 16 : index
      %get3A_275 = tpu.vector_load %arg11[%get3A_273, %get3A_274] {strides = array<i32>} : memref<256x64xf32, #tpu.memory_space<vmem>>, vector<16xf32>,
      %sub3A_276 = arith.subf %get3A_268, %get3A_275 : vector<16xf32>
      %abs3A_277 = math.absf %sub3A_276 : vector<16xf32>
      %add3A_278 = arith.constant 32 : i32
      %add3A_279 = arith.addi %mul3A_254, %add3A_278 : i32
      %get3A_280 = arith.index_cast %add3A_279 : i32 to index
      %get3A_281 = tpu.vector_load %arg10[%get3A_280] {strides = array<i32>} : memref<16384xf32, #tpu.memory_space<vmem>>, vector<16xf32>,
      %mul3A_282 = arith.constant 2 : i32
      %mul3A_283 = arith.muli %scan3A_248, %mul3A_282 : i32
      %add3A_284 = arith.constant 0 : i32
      %add3A_285 = arith.addi %mul3A_283, %add3A_284 : i32
      %get3A_286 = arith.index_cast %add3A_285 : i32 to index
      %get3A_287 = arith.constant 32 : index
      %get3A_288 = tpu.vector_load %arg11[%get3A_286, %get3A_287] {strides = array<i32>} : memref<256x64xf32, #tpu.memory_space<vmem>>, vector<16xf32>,
      %sub3A_289 = arith.subf %get3A_281, %get3A_288 : vector<16xf32>
      %abs3A_290 = math.absf %sub3A_289 : vector<16xf32>
      %add3A_291 = arith.constant 48 : i32
      %add3A_292 = arith.addi %mul3A_254, %add3A_291 : i32
      %get3A_293 = arith.index_cast %add3A_292 : i32 to index
      %get3A_294 = tpu.vector_load %arg10[%get3A_293] {strides = array<i32>} : memref<16384xf32, #tpu.memory_space<vmem>>, vector<16xf32>,
      %mul3A_295 = arith.constant 2 : i32
      %mul3A_296 = arith.muli %scan3A_248, %mul3A_295 : i32
      %add3A_297 = arith.constant 0 : i32
      %add3A_298 = arith.addi %mul3A_296, %add3A_297 : i32
      %get3A_299 = arith.index_cast %add3A_298 : i32 to index
      %get3A_300 = arith.constant 48 : index
      %get3A_301 = tpu.vector_load %arg11[%get3A_299, %get3A_300] {strides = array<i32>} : memref<256x64xf32, #tpu.memory_space<vmem>>, vector<16xf32>,
      %sub3A_302 = arith.subf %get3A_294, %get3A_301 : vector<16xf32>
      %abs3A_303 = math.absf %sub3A_302 : vector<16xf32>
      %add3A_304 = arith.constant 64 : i32
      %add3A_305 = arith.addi %mul3A_254, %add3A_304 : i32
      %get3A_306 = arith.index_cast %add3A_305 : i32 to index
      %get3A_307 = tpu.vector_load %arg10[%get3A_306] {strides = array<i32>} : memref<16384xf32, #tpu.memory_space<vmem>>, vector<16xf32>,
      %mul3A_308 = arith.constant 2 : i32
      %mul3A_309 = arith.muli %scan3A_248, %mul3A_308 : i32
      %add3A_310 = arith.constant 1 : i32
      %add3A_311 = arith.addi %mul3A_309, %add3A_310 : i32
      %get3A_312 = arith.index_cast %add3A_311 : i32 to index
      %get3A_313 = arith.constant 0 : index
      %get3A_314 = tpu.vector_load %arg11[%get3A_312, %get3A_313] {strides = array<i32>} : memref<256x64xf32, #tpu.memory_space<vmem>>, vector<16xf32>,
      %sub3A_315 = arith.subf %get3A_307, %get3A_314 : vector<16xf32>
      %abs3A_316 = math.absf %sub3A_315 : vector<16xf32>
      %add3A_317 = arith.constant 80 : i32
      %add3A_318 = arith.addi %mul3A_254, %add3A_317 : i32
      %get3A_319 = arith.index_cast %add3A_318 : i32 to index
      %get3A_320 = tpu.vector_load %arg10[%get3A_319] {strides = array<i32>} : memref<16384xf32, #tpu.memory_space<vmem>>, vector<16xf32>,
      %mul3A_321 = arith.constant 2 : i32
      %mul3A_322 = arith.muli %scan3A_248, %mul3A_321 : i32
      %add3A_323 = arith.constant 1 : i32
      %add3A_324 = arith.addi %mul3A_322, %add3A_323 : i32
      %get3A_325 = arith.index_cast %add3A_324 : i32 to index
      %get3A_326 = arith.constant 16 : index
      %get3A_327 = tpu.vector_load %arg11[%get3A_325, %get3A_326] {strides = array<i32>} : memref<256x64xf32, #tpu.memory_space<vmem>>, vector<16xf32>,
      %sub3A_328 = arith.subf %get3A_320, %get3A_327 : vector<16xf32>
      %abs3A_329 = math.absf %sub3A_328 : vector<16xf32>
      %add3A_330 = arith.constant 96 : i32
      %add3A_331 = arith.addi %mul3A_254, %add3A_330 : i32
      %get3A_332 = arith.index_cast %add3A_331 : i32 to index
      %get3A_333 = tpu.vector_load %arg10[%get3A_332] {strides = array<i32>} : memref<16384xf32, #tpu.memory_space<vmem>>, vector<16xf32>,
      %mul3A_334 = arith.constant 2 : i32
      %mul3A_335 = arith.muli %scan3A_248, %mul3A_334 : i32
      %add3A_336 = arith.constant 1 : i32
      %add3A_337 = arith.addi %mul3A_335, %add3A_336 : i32
      %get3A_338 = arith.index_cast %add3A_337 : i32 to index
      %get3A_339 = arith.constant 32 : index
      %get3A_340 = tpu.vector_load %arg11[%get3A_338, %get3A_339] {strides = array<i32>} : memref<256x64xf32, #tpu.memory_space<vmem>>, vector<16xf32>,
      %sub3A_341 = arith.subf %get3A_333, %get3A_340 : vector<16xf32>
      %abs3A_342 = math.absf %sub3A_341 : vector<16xf32>
      %add3A_343 = arith.constant 112 : i32
      %add3A_344 = arith.addi %mul3A_254, %add3A_343 : i32
      %get3A_345 = arith.index_cast %add3A_344 : i32 to index
      %get3A_346 = tpu.vector_load %arg10[%get3A_345] {strides = array<i32>} : memref<16384xf32, #tpu.memory_space<vmem>>, vector<16xf32>,
      %mul3A_347 = arith.constant 2 : i32
      %mul3A_348 = arith.muli %scan3A_248, %mul3A_347 : i32
      %add3A_349 = arith.constant 1 : i32
      %add3A_350 = arith.addi %mul3A_348, %add3A_349 : i32
      %get3A_351 = arith.index_cast %add3A_350 : i32 to index
      %get3A_352 = arith.constant 48 : index
      %get3A_353 = tpu.vector_load %arg11[%get3A_351, %get3A_352] {strides = array<i32>} : memref<256x64xf32, #tpu.memory_space<vmem>>, vector<16xf32>,
      %sub3A_354 = arith.subf %get3A_346, %get3A_353 : vector<16xf32>
      %abs3A_355 = math.absf %sub3A_354 : vector<16xf32>
      %add3A_356 = arith.addf %scan3A_249, %abs3A : vector<16xf32>
      %add3A_357 = arith.addf %add3A_356, %abs3A_316 : vector<16xf32>
      %add3A_358 = arith.addf %scan3A_250, %abs3A_277 : vector<16xf32>
      %add3A_359 = arith.addf %add3A_358, %abs3A_329 : vector<16xf32>
      %add3A_360 = arith.addf %scan3A_251, %abs3A_290 : vector<16xf32>
      %add3A_361 = arith.addf %add3A_360, %abs3A_342 : vector<16xf32>
      %add3A_362 = arith.addf %scan3A_252, %abs3A_303 : vector<16xf32>
      %add3A_363 = arith.addf %add3A_362, %abs3A_355 : vector<16xf32>
      scf.yield %add3A_357, %add3A_359, %add3A_361, %add3A_363 : vector<16xf32>, vector<16xf32>, vector<16xf32>, vector<16xf32>
    }
    %scan3A_140 = arith.constant 16 : i32
    %dma_wait3A_141 = arith.constant 4096 : i32
    %dma_wait3A_142 = tpu.memref_slice %arg10[%dma_wait3A_141] : memref<16384xf32, #tpu.memory_space<vmem>> -> memref<2048xf32, #tpu.memory_space<vmem>>
    %dma_wait3A_143 = arith.constant 0 : i32
    %dma_wait3A_144 = tpu.memref_slice %arg2[%dma_wait3A_143] : memref<16777216xf32, #tpu.memory_space<hbm>> -> memref<2048xf32, #tpu.memory_space<hbm>>
    %dma_wait3A_145 = arith.constant 4096 : i32
    %dma_wait3A_146 = tpu.memref_slice %arg10[%dma_wait3A_145] : memref<16384xf32, #tpu.memory_space<vmem>> -> memref<2048xf32, #tpu.memory_space<vmem>>
    %dma_wait3A_147 = arith.constant 0 : i32
    %dma_wait3A_148 = tpu.memref_slice %arg2[%dma_wait3A_147] : memref<16777216xf32, #tpu.memory_space<hbm>> -> memref<2048xf32, #tpu.memory_space<hbm>>
    tpu.wait_dma2 semaphore(%arg18 : memref<!tpu.dma_semaphore, #tpu.memory_space<semaphore_mem>>) src(%dma_wait3A_148 : memref<2048xf32, #tpu.memory_space<hbm>>) dst(%dma_wait3A_146 : memref<2048xf32, #tpu.memory_space<vmem>>)
    %scan3A_149 = arith.constant 32 : i32
    %scan3A_150 = arith.constant 16 : i32
    %scan3A_151 = arith.addi %scan3A_149, %scan3A_150 : i32
    %scan3A_152 = arith.constant 1 : i32
    %scan3A_153:4 = scf.for %scan3A_248 = %scan3A_149 to %scan3A_151 step %scan3A_152 iter_args(%scan3A_249 = %scan3A_139#0, %scan3A_250 = %scan3A_139#1, %scan3A_251 = %scan3A_139#2, %scan3A_252 = %scan3A_139#3) -> (vector<16xf32>, vector<16xf32>, vector<16xf32>, vector<16xf32>)  : i32 {
      %mul3A_253 = arith.constant 128 : i32
      %mul3A_254 = arith.muli %scan3A_248, %mul3A_253 : i32
      %add3A_255 = arith.constant 0 : i32
      %add3A_256 = arith.addi %mul3A_254, %add3A_255 : i32
      %get3A = arith.index_cast %add3A_256 : i32 to index
      %get3A_257 = tpu.vector_load %arg10[%get3A] {strides = array<i32>} : memref<16384xf32, #tpu.memory_space<vmem>>, vector<16xf32>,
      %mul3A_258 = arith.constant 2 : i32
      %mul3A_259 = arith.muli %scan3A_248, %mul3A_258 : i32
      %add3A_260 = arith.constant 0 : i32
      %add3A_261 = arith.addi %mul3A_259, %add3A_260 : i32
      %get3A_262 = arith.index_cast %add3A_261 : i32 to index
      %get3A_263 = arith.constant 0 : index
      %get3A_264 = tpu.vector_load %arg11[%get3A_262, %get3A_263] {strides = array<i32>} : memref<256x64xf32, #tpu.memory_space<vmem>>, vector<16xf32>,
      %sub3A = arith.subf %get3A_257, %get3A_264 : vector<16xf32>
      %abs3A = math.absf %sub3A : vector<16xf32>
      %add3A_265 = arith.constant 16 : i32
      %add3A_266 = arith.addi %mul3A_254, %add3A_265 : i32
      %get3A_267 = arith.index_cast %add3A_266 : i32 to index
      %get3A_268 = tpu.vector_load %arg10[%get3A_267] {strides = array<i32>} : memref<16384xf32, #tpu.memory_space<vmem>>, vector<16xf32>,
      %mul3A_269 = arith.constant 2 : i32
      %mul3A_270 = arith.muli %scan3A_248, %mul3A_269 : i32
      %add3A_271 = arith.constant 0 : i32
      %add3A_272 = arith.addi %mul3A_270, %add3A_271 : i32
      %get3A_273 = arith.index_cast %add3A_272 : i32 to index
      %get3A_274 = arith.constant 16 : index
      %get3A_275 = tpu.vector_load %arg11[%get3A_273, %get3A_274] {strides = array<i32>} : memref<256x64xf32, #tpu.memory_space<vmem>>, vector<16xf32>,
      %sub3A_276 = arith.subf %get3A_268, %get3A_275 : vector<16xf32>
      %abs3A_277 = math.absf %sub3A_276 : vector<16xf32>
      %add3A_278 = arith.constant 32 : i32
      %add3A_279 = arith.addi %mul3A_254, %add3A_278 : i32
      %get3A_280 = arith.index_cast %add3A_279 : i32 to index
      %get3A_281 = tpu.vector_load %arg10[%get3A_280] {strides = array<i32>} : memref<16384xf32, #tpu.memory_space<vmem>>, vector<16xf32>,
      %mul3A_282 = arith.constant 2 : i32
      %mul3A_283 = arith.muli %scan3A_248, %mul3A_282 : i32
      %add3A_284 = arith.constant 0 : i32
      %add3A_285 = arith.addi %mul3A_283, %add3A_284 : i32
      %get3A_286 = arith.index_cast %add3A_285 : i32 to index
      %get3A_287 = arith.constant 32 : index
      %get3A_288 = tpu.vector_load %arg11[%get3A_286, %get3A_287] {strides = array<i32>} : memref<256x64xf32, #tpu.memory_space<vmem>>, vector<16xf32>,
      %sub3A_289 = arith.subf %get3A_281, %get3A_288 : vector<16xf32>
      %abs3A_290 = math.absf %sub3A_289 : vector<16xf32>
      %add3A_291 = arith.constant 48 : i32
      %add3A_292 = arith.addi %mul3A_254, %add3A_291 : i32
      %get3A_293 = arith.index_cast %add3A_292 : i32 to index
      %get3A_294 = tpu.vector_load %arg10[%get3A_293] {strides = array<i32>} : memref<16384xf32, #tpu.memory_space<vmem>>, vector<16xf32>,
      %mul3A_295 = arith.constant 2 : i32
      %mul3A_296 = arith.muli %scan3A_248, %mul3A_295 : i32
      %add3A_297 = arith.constant 0 : i32
      %add3A_298 = arith.addi %mul3A_296, %add3A_297 : i32
      %get3A_299 = arith.index_cast %add3A_298 : i32 to index
      %get3A_300 = arith.constant 48 : index
      %get3A_301 = tpu.vector_load %arg11[%get3A_299, %get3A_300] {strides = array<i32>} : memref<256x64xf32, #tpu.memory_space<vmem>>, vector<16xf32>,
      %sub3A_302 = arith.subf %get3A_294, %get3A_301 : vector<16xf32>
      %abs3A_303 = math.absf %sub3A_302 : vector<16xf32>
      %add3A_304 = arith.constant 64 : i32
      %add3A_305 = arith.addi %mul3A_254, %add3A_304 : i32
      %get3A_306 = arith.index_cast %add3A_305 : i32 to index
      %get3A_307 = tpu.vector_load %arg10[%get3A_306] {strides = array<i32>} : memref<16384xf32, #tpu.memory_space<vmem>>, vector<16xf32>,
      %mul3A_308 = arith.constant 2 : i32
      %mul3A_309 = arith.muli %scan3A_248, %mul3A_308 : i32
      %add3A_310 = arith.constant 1 : i32
      %add3A_311 = arith.addi %mul3A_309, %add3A_310 : i32
      %get3A_312 = arith.index_cast %add3A_311 : i32 to index
      %get3A_313 = arith.constant 0 : index
      %get3A_314 = tpu.vector_load %arg11[%get3A_312, %get3A_313] {strides = array<i32>} : memref<256x64xf32, #tpu.memory_space<vmem>>, vector<16xf32>,
      %sub3A_315 = arith.subf %get3A_307, %get3A_314 : vector<16xf32>
      %abs3A_316 = math.absf %sub3A_315 : vector<16xf32>
      %add3A_317 = arith.constant 80 : i32
      %add3A_318 = arith.addi %mul3A_254, %add3A_317 : i32
      %get3A_319 = arith.index_cast %add3A_318 : i32 to index
      %get3A_320 = tpu.vector_load %arg10[%get3A_319] {strides = array<i32>} : memref<16384xf32, #tpu.memory_space<vmem>>, vector<16xf32>,
      %mul3A_321 = arith.constant 2 : i32
      %mul3A_322 = arith.muli %scan3A_248, %mul3A_321 : i32
      %add3A_323 = arith.constant 1 : i32
      %add3A_324 = arith.addi %mul3A_322, %add3A_323 : i32
      %get3A_325 = arith.index_cast %add3A_324 : i32 to index
      %get3A_326 = arith.constant 16 : index
      %get3A_327 = tpu.vector_load %arg11[%get3A_325, %get3A_326] {strides = array<i32>} : memref<256x64xf32, #tpu.memory_space<vmem>>, vector<16xf32>,
      %sub3A_328 = arith.subf %get3A_320, %get3A_327 : vector<16xf32>
      %abs3A_329 = math.absf %sub3A_328 : vector<16xf32>
      %add3A_330 = arith.constant 96 : i32
      %add3A_331 = arith.addi %mul3A_254, %add3A_330 : i32
      %get3A_332 = arith.index_cast %add3A_331 : i32 to index
      %get3A_333 = tpu.vector_load %arg10[%get3A_332] {strides = array<i32>} : memref<16384xf32, #tpu.memory_space<vmem>>, vector<16xf32>,
      %mul3A_334 = arith.constant 2 : i32
      %mul3A_335 = arith.muli %scan3A_248, %mul3A_334 : i32
      %add3A_336 = arith.constant 1 : i32
      %add3A_337 = arith.addi %mul3A_335, %add3A_336 : i32
      %get3A_338 = arith.index_cast %add3A_337 : i32 to index
      %get3A_339 = arith.constant 32 : index
      %get3A_340 = tpu.vector_load %arg11[%get3A_338, %get3A_339] {strides = array<i32>} : memref<256x64xf32, #tpu.memory_space<vmem>>, vector<16xf32>,
      %sub3A_341 = arith.subf %get3A_333, %get3A_340 : vector<16xf32>
      %abs3A_342 = math.absf %sub3A_341 : vector<16xf32>
      %add3A_343 = arith.constant 112 : i32
      %add3A_344 = arith.addi %mul3A_254, %add3A_343 : i32
      %get3A_345 = arith.index_cast %add3A_344 : i32 to index
      %get3A_346 = tpu.vector_load %arg10[%get3A_345] {strides = array<i32>} : memref<16384xf32, #tpu.memory_space<vmem>>, vector<16xf32>,
      %mul3A_347 = arith.constant 2 : i32
      %mul3A_348 = arith.muli %scan3A_248, %mul3A_347 : i32
      %add3A_349 = arith.constant 1 : i32
      %add3A_350 = arith.addi %mul3A_348, %add3A_349 : i32
      %get3A_351 = arith.index_cast %add3A_350 : i32 to index
      %get3A_352 = arith.constant 48 : index
      %get3A_353 = tpu.vector_load %arg11[%get3A_351, %get3A_352] {strides = array<i32>} : memref<256x64xf32, #tpu.memory_space<vmem>>, vector<16xf32>,
      %sub3A_354 = arith.subf %get3A_346, %get3A_353 : vector<16xf32>
      %abs3A_355 = math.absf %sub3A_354 : vector<16xf32>
      %add3A_356 = arith.addf %scan3A_249, %abs3A : vector<16xf32>
      %add3A_357 = arith.addf %add3A_356, %abs3A_316 : vector<16xf32>
      %add3A_358 = arith.addf %scan3A_250, %abs3A_277 : vector<16xf32>
      %add3A_359 = arith.addf %add3A_358, %abs3A_329 : vector<16xf32>
      %add3A_360 = arith.addf %scan3A_251, %abs3A_290 : vector<16xf32>
      %add3A_361 = arith.addf %add3A_360, %abs3A_342 : vector<16xf32>
      %add3A_362 = arith.addf %scan3A_252, %abs3A_303 : vector<16xf32>
      %add3A_363 = arith.addf %add3A_362, %abs3A_355 : vector<16xf32>
      scf.yield %add3A_357, %add3A_359, %add3A_361, %add3A_363 : vector<16xf32>, vector<16xf32>, vector<16xf32>, vector<16xf32>
    }
    %scan3A_154 = arith.constant 16 : i32
    %dma_wait3A_155 = arith.constant 6144 : i32
    %dma_wait3A_156 = tpu.memref_slice %arg10[%dma_wait3A_155] : memref<16384xf32, #tpu.memory_space<vmem>> -> memref<2048xf32, #tpu.memory_space<vmem>>
    %dma_wait3A_157 = arith.constant 0 : i32
    %dma_wait3A_158 = tpu.memref_slice %arg2[%dma_wait3A_157] : memref<16777216xf32, #tpu.memory_space<hbm>> -> memref<2048xf32, #tpu.memory_space<hbm>>
    %dma_wait3A_159 = arith.constant 6144 : i32
    %dma_wait3A_160 = tpu.memref_slice %arg10[%dma_wait3A_159] : memref<16384xf32, #tpu.memory_space<vmem>> -> memref<2048xf32, #tpu.memory_space<vmem>>
    %dma_wait3A_161 = arith.constant 0 : i32
    %dma_wait3A_162 = tpu.memref_slice %arg2[%dma_wait3A_161] : memref<16777216xf32, #tpu.memory_space<hbm>> -> memref<2048xf32, #tpu.memory_space<hbm>>
    tpu.wait_dma2 semaphore(%arg19 : memref<!tpu.dma_semaphore, #tpu.memory_space<semaphore_mem>>) src(%dma_wait3A_162 : memref<2048xf32, #tpu.memory_space<hbm>>) dst(%dma_wait3A_160 : memref<2048xf32, #tpu.memory_space<vmem>>)
    %scan3A_163 = arith.constant 48 : i32
    %scan3A_164 = arith.constant 16 : i32
    %scan3A_165 = arith.addi %scan3A_163, %scan3A_164 : i32
    %scan3A_166 = arith.constant 1 : i32
    %scan3A_167:4 = scf.for %scan3A_248 = %scan3A_163 to %scan3A_165 step %scan3A_166 iter_args(%scan3A_249 = %scan3A_153#0, %scan3A_250 = %scan3A_153#1, %scan3A_251 = %scan3A_153#2, %scan3A_252 = %scan3A_153#3) -> (vector<16xf32>, vector<16xf32>, vector<16xf32>, vector<16xf32>)  : i32 {
      %mul3A_253 = arith.constant 128 : i32
      %mul3A_254 = arith.muli %scan3A_248, %mul3A_253 : i32
      %add3A_255 = arith.constant 0 : i32
      %add3A_256 = arith.addi %mul3A_254, %add3A_255 : i32
      %get3A = arith.index_cast %add3A_256 : i32 to index
      %get3A_257 = tpu.vector_load %arg10[%get3A] {strides = array<i32>} : memref<16384xf32, #tpu.memory_space<vmem>>, vector<16xf32>,
      %mul3A_258 = arith.constant 2 : i32
      %mul3A_259 = arith.muli %scan3A_248, %mul3A_258 : i32
      %add3A_260 = arith.constant 0 : i32
      %add3A_261 = arith.addi %mul3A_259, %add3A_260 : i32
      %get3A_262 = arith.index_cast %add3A_261 : i32 to index
      %get3A_263 = arith.constant 0 : index
      %get3A_264 = tpu.vector_load %arg11[%get3A_262, %get3A_263] {strides = array<i32>} : memref<256x64xf32, #tpu.memory_space<vmem>>, vector<16xf32>,
      %sub3A = arith.subf %get3A_257, %get3A_264 : vector<16xf32>
      %abs3A = math.absf %sub3A : vector<16xf32>
      %add3A_265 = arith.constant 16 : i32
      %add3A_266 = arith.addi %mul3A_254, %add3A_265 : i32
      %get3A_267 = arith.index_cast %add3A_266 : i32 to index
      %get3A_268 = tpu.vector_load %arg10[%get3A_267] {strides = array<i32>} : memref<16384xf32, #tpu.memory_space<vmem>>, vector<16xf32>,
      %mul3A_269 = arith.constant 2 : i32
      %mul3A_270 = arith.muli %scan3A_248, %mul3A_269 : i32
      %add3A_271 = arith.constant 0 : i32
      %add3A_272 = arith.addi %mul3A_270, %add3A_271 : i32
      %get3A_273 = arith.index_cast %add3A_272 : i32 to index
      %get3A_274 = arith.constant 16 : index
      %get3A_275 = tpu.vector_load %arg11[%get3A_273, %get3A_274] {strides = array<i32>} : memref<256x64xf32, #tpu.memory_space<vmem>>, vector<16xf32>,
      %sub3A_276 = arith.subf %get3A_268, %get3A_275 : vector<16xf32>
      %abs3A_277 = math.absf %sub3A_276 : vector<16xf32>
      %add3A_278 = arith.constant 32 : i32
      %add3A_279 = arith.addi %mul3A_254, %add3A_278 : i32
      %get3A_280 = arith.index_cast %add3A_279 : i32 to index
      %get3A_281 = tpu.vector_load %arg10[%get3A_280] {strides = array<i32>} : memref<16384xf32, #tpu.memory_space<vmem>>, vector<16xf32>,
      %mul3A_282 = arith.constant 2 : i32
      %mul3A_283 = arith.muli %scan3A_248, %mul3A_282 : i32
      %add3A_284 = arith.constant 0 : i32
      %add3A_285 = arith.addi %mul3A_283, %add3A_284 : i32
      %get3A_286 = arith.index_cast %add3A_285 : i32 to index
      %get3A_287 = arith.constant 32 : index
      %get3A_288 = tpu.vector_load %arg11[%get3A_286, %get3A_287] {strides = array<i32>} : memref<256x64xf32, #tpu.memory_space<vmem>>, vector<16xf32>,
      %sub3A_289 = arith.subf %get3A_281, %get3A_288 : vector<16xf32>
      %abs3A_290 = math.absf %sub3A_289 : vector<16xf32>
      %add3A_291 = arith.constant 48 : i32
      %add3A_292 = arith.addi %mul3A_254, %add3A_291 : i32
      %get3A_293 = arith.index_cast %add3A_292 : i32 to index
      %get3A_294 = tpu.vector_load %arg10[%get3A_293] {strides = array<i32>} : memref<16384xf32, #tpu.memory_space<vmem>>, vector<16xf32>,
      %mul3A_295 = arith.constant 2 : i32
      %mul3A_296 = arith.muli %scan3A_248, %mul3A_295 : i32
      %add3A_297 = arith.constant 0 : i32
      %add3A_298 = arith.addi %mul3A_296, %add3A_297 : i32
      %get3A_299 = arith.index_cast %add3A_298 : i32 to index
      %get3A_300 = arith.constant 48 : index
      %get3A_301 = tpu.vector_load %arg11[%get3A_299, %get3A_300] {strides = array<i32>} : memref<256x64xf32, #tpu.memory_space<vmem>>, vector<16xf32>,
      %sub3A_302 = arith.subf %get3A_294, %get3A_301 : vector<16xf32>
      %abs3A_303 = math.absf %sub3A_302 : vector<16xf32>
      %add3A_304 = arith.constant 64 : i32
      %add3A_305 = arith.addi %mul3A_254, %add3A_304 : i32
      %get3A_306 = arith.index_cast %add3A_305 : i32 to index
      %get3A_307 = tpu.vector_load %arg10[%get3A_306] {strides = array<i32>} : memref<16384xf32, #tpu.memory_space<vmem>>, vector<16xf32>,
      %mul3A_308 = arith.constant 2 : i32
      %mul3A_309 = arith.muli %scan3A_248, %mul3A_308 : i32
      %add3A_310 = arith.constant 1 : i32
      %add3A_311 = arith.addi %mul3A_309, %add3A_310 : i32
      %get3A_312 = arith.index_cast %add3A_311 : i32 to index
      %get3A_313 = arith.constant 0 : index
      %get3A_314 = tpu.vector_load %arg11[%get3A_312, %get3A_313] {strides = array<i32>} : memref<256x64xf32, #tpu.memory_space<vmem>>, vector<16xf32>,
      %sub3A_315 = arith.subf %get3A_307, %get3A_314 : vector<16xf32>
      %abs3A_316 = math.absf %sub3A_315 : vector<16xf32>
      %add3A_317 = arith.constant 80 : i32
      %add3A_318 = arith.addi %mul3A_254, %add3A_317 : i32
      %get3A_319 = arith.index_cast %add3A_318 : i32 to index
      %get3A_320 = tpu.vector_load %arg10[%get3A_319] {strides = array<i32>} : memref<16384xf32, #tpu.memory_space<vmem>>, vector<16xf32>,
      %mul3A_321 = arith.constant 2 : i32
      %mul3A_322 = arith.muli %scan3A_248, %mul3A_321 : i32
      %add3A_323 = arith.constant 1 : i32
      %add3A_324 = arith.addi %mul3A_322, %add3A_323 : i32
      %get3A_325 = arith.index_cast %add3A_324 : i32 to index
      %get3A_326 = arith.constant 16 : index
      %get3A_327 = tpu.vector_load %arg11[%get3A_325, %get3A_326] {strides = array<i32>} : memref<256x64xf32, #tpu.memory_space<vmem>>, vector<16xf32>,
      %sub3A_328 = arith.subf %get3A_320, %get3A_327 : vector<16xf32>
      %abs3A_329 = math.absf %sub3A_328 : vector<16xf32>
      %add3A_330 = arith.constant 96 : i32
      %add3A_331 = arith.addi %mul3A_254, %add3A_330 : i32
      %get3A_332 = arith.index_cast %add3A_331 : i32 to index
      %get3A_333 = tpu.vector_load %arg10[%get3A_332] {strides = array<i32>} : memref<16384xf32, #tpu.memory_space<vmem>>, vector<16xf32>,
      %mul3A_334 = arith.constant 2 : i32
      %mul3A_335 = arith.muli %scan3A_248, %mul3A_334 : i32
      %add3A_336 = arith.constant 1 : i32
      %add3A_337 = arith.addi %mul3A_335, %add3A_336 : i32
      %get3A_338 = arith.index_cast %add3A_337 : i32 to index
      %get3A_339 = arith.constant 32 : index
      %get3A_340 = tpu.vector_load %arg11[%get3A_338, %get3A_339] {strides = array<i32>} : memref<256x64xf32, #tpu.memory_space<vmem>>, vector<16xf32>,
      %sub3A_341 = arith.subf %get3A_333, %get3A_340 : vector<16xf32>
      %abs3A_342 = math.absf %sub3A_341 : vector<16xf32>
      %add3A_343 = arith.constant 112 : i32
      %add3A_344 = arith.addi %mul3A_254, %add3A_343 : i32
      %get3A_345 = arith.index_cast %add3A_344 : i32 to index
      %get3A_346 = tpu.vector_load %arg10[%get3A_345] {strides = array<i32>} : memref<16384xf32, #tpu.memory_space<vmem>>, vector<16xf32>,
      %mul3A_347 = arith.constant 2 : i32
      %mul3A_348 = arith.muli %scan3A_248, %mul3A_347 : i32
      %add3A_349 = arith.constant 1 : i32
      %add3A_350 = arith.addi %mul3A_348, %add3A_349 : i32
      %get3A_351 = arith.index_cast %add3A_350 : i32 to index
      %get3A_352 = arith.constant 48 : index
      %get3A_353 = tpu.vector_load %arg11[%get3A_351, %get3A_352] {strides = array<i32>} : memref<256x64xf32, #tpu.memory_space<vmem>>, vector<16xf32>,
      %sub3A_354 = arith.subf %get3A_346, %get3A_353 : vector<16xf32>
      %abs3A_355 = math.absf %sub3A_354 : vector<16xf32>
      %add3A_356 = arith.addf %scan3A_249, %abs3A : vector<16xf32>
      %add3A_357 = arith.addf %add3A_356, %abs3A_316 : vector<16xf32>
      %add3A_358 = arith.addf %scan3A_250, %abs3A_277 : vector<16xf32>
      %add3A_359 = arith.addf %add3A_358, %abs3A_329 : vector<16xf32>
      %add3A_360 = arith.addf %scan3A_251, %abs3A_290 : vector<16xf32>
      %add3A_361 = arith.addf %add3A_360, %abs3A_342 : vector<16xf32>
      %add3A_362 = arith.addf %scan3A_252, %abs3A_303 : vector<16xf32>
      %add3A_363 = arith.addf %add3A_362, %abs3A_355 : vector<16xf32>
      scf.yield %add3A_357, %add3A_359, %add3A_361, %add3A_363 : vector<16xf32>, vector<16xf32>, vector<16xf32>, vector<16xf32>
    }
    %scan3A_168 = arith.constant 16 : i32
    %dma_wait3A_169 = arith.constant 8192 : i32
    %dma_wait3A_170 = tpu.memref_slice %arg10[%dma_wait3A_169] : memref<16384xf32, #tpu.memory_space<vmem>> -> memref<2048xf32, #tpu.memory_space<vmem>>
    %dma_wait3A_171 = arith.constant 0 : i32
    %dma_wait3A_172 = tpu.memref_slice %arg2[%dma_wait3A_171] : memref<16777216xf32, #tpu.memory_space<hbm>> -> memref<2048xf32, #tpu.memory_space<hbm>>
    %dma_wait3A_173 = arith.constant 8192 : i32
    %dma_wait3A_174 = tpu.memref_slice %arg10[%dma_wait3A_173] : memref<16384xf32, #tpu.memory_space<vmem>> -> memref<2048xf32, #tpu.memory_space<vmem>>
    %dma_wait3A_175 = arith.constant 0 : i32
    %dma_wait3A_176 = tpu.memref_slice %arg2[%dma_wait3A_175] : memref<16777216xf32, #tpu.memory_space<hbm>> -> memref<2048xf32, #tpu.memory_space<hbm>>
    tpu.wait_dma2 semaphore(%arg20 : memref<!tpu.dma_semaphore, #tpu.memory_space<semaphore_mem>>) src(%dma_wait3A_176 : memref<2048xf32, #tpu.memory_space<hbm>>) dst(%dma_wait3A_174 : memref<2048xf32, #tpu.memory_space<vmem>>)
    %scan3A_177 = arith.constant 64 : i32
    %scan3A_178 = arith.constant 16 : i32
    %scan3A_179 = arith.addi %scan3A_177, %scan3A_178 : i32
    %scan3A_180 = arith.constant 1 : i32
    %scan3A_181:4 = scf.for %scan3A_248 = %scan3A_177 to %scan3A_179 step %scan3A_180 iter_args(%scan3A_249 = %scan3A_167#0, %scan3A_250 = %scan3A_167#1, %scan3A_251 = %scan3A_167#2, %scan3A_252 = %scan3A_167#3) -> (vector<16xf32>, vector<16xf32>, vector<16xf32>, vector<16xf32>)  : i32 {
      %mul3A_253 = arith.constant 128 : i32
      %mul3A_254 = arith.muli %scan3A_248, %mul3A_253 : i32
      %add3A_255 = arith.constant 0 : i32
      %add3A_256 = arith.addi %mul3A_254, %add3A_255 : i32
      %get3A = arith.index_cast %add3A_256 : i32 to index
      %get3A_257 = tpu.vector_load %arg10[%get3A] {strides = array<i32>} : memref<16384xf32, #tpu.memory_space<vmem>>, vector<16xf32>,
      %mul3A_258 = arith.constant 2 : i32
      %mul3A_259 = arith.muli %scan3A_248, %mul3A_258 : i32
      %add3A_260 = arith.constant 0 : i32
      %add3A_261 = arith.addi %mul3A_259, %add3A_260 : i32
      %get3A_262 = arith.index_cast %add3A_261 : i32 to index
      %get3A_263 = arith.constant 0 : index
      %get3A_264 = tpu.vector_load %arg11[%get3A_262, %get3A_263] {strides = array<i32>} : memref<256x64xf32, #tpu.memory_space<vmem>>, vector<16xf32>,
      %sub3A = arith.subf %get3A_257, %get3A_264 : vector<16xf32>
      %abs3A = math.absf %sub3A : vector<16xf32>
      %add3A_265 = arith.constant 16 : i32
      %add3A_266 = arith.addi %mul3A_254, %add3A_265 : i32
      %get3A_267 = arith.index_cast %add3A_266 : i32 to index
      %get3A_268 = tpu.vector_load %arg10[%get3A_267] {strides = array<i32>} : memref<16384xf32, #tpu.memory_space<vmem>>, vector<16xf32>,
      %mul3A_269 = arith.constant 2 : i32
      %mul3A_270 = arith.muli %scan3A_248, %mul3A_269 : i32
      %add3A_271 = arith.constant 0 : i32
      %add3A_272 = arith.addi %mul3A_270, %add3A_271 : i32
      %get3A_273 = arith.index_cast %add3A_272 : i32 to index
      %get3A_274 = arith.constant 16 : index
      %get3A_275 = tpu.vector_load %arg11[%get3A_273, %get3A_274] {strides = array<i32>} : memref<256x64xf32, #tpu.memory_space<vmem>>, vector<16xf32>,
      %sub3A_276 = arith.subf %get3A_268, %get3A_275 : vector<16xf32>
      %abs3A_277 = math.absf %sub3A_276 : vector<16xf32>
      %add3A_278 = arith.constant 32 : i32
      %add3A_279 = arith.addi %mul3A_254, %add3A_278 : i32
      %get3A_280 = arith.index_cast %add3A_279 : i32 to index
      %get3A_281 = tpu.vector_load %arg10[%get3A_280] {strides = array<i32>} : memref<16384xf32, #tpu.memory_space<vmem>>, vector<16xf32>,
      %mul3A_282 = arith.constant 2 : i32
      %mul3A_283 = arith.muli %scan3A_248, %mul3A_282 : i32
      %add3A_284 = arith.constant 0 : i32
      %add3A_285 = arith.addi %mul3A_283, %add3A_284 : i32
      %get3A_286 = arith.index_cast %add3A_285 : i32 to index
      %get3A_287 = arith.constant 32 : index
      %get3A_288 = tpu.vector_load %arg11[%get3A_286, %get3A_287] {strides = array<i32>} : memref<256x64xf32, #tpu.memory_space<vmem>>, vector<16xf32>,
      %sub3A_289 = arith.subf %get3A_281, %get3A_288 : vector<16xf32>
      %abs3A_290 = math.absf %sub3A_289 : vector<16xf32>
      %add3A_291 = arith.constant 48 : i32
      %add3A_292 = arith.addi %mul3A_254, %add3A_291 : i32
      %get3A_293 = arith.index_cast %add3A_292 : i32 to index
      %get3A_294 = tpu.vector_load %arg10[%get3A_293] {strides = array<i32>} : memref<16384xf32, #tpu.memory_space<vmem>>, vector<16xf32>,
      %mul3A_295 = arith.constant 2 : i32
      %mul3A_296 = arith.muli %scan3A_248, %mul3A_295 : i32
      %add3A_297 = arith.constant 0 : i32
      %add3A_298 = arith.addi %mul3A_296, %add3A_297 : i32
      %get3A_299 = arith.index_cast %add3A_298 : i32 to index
      %get3A_300 = arith.constant 48 : index
      %get3A_301 = tpu.vector_load %arg11[%get3A_299, %get3A_300] {strides = array<i32>} : memref<256x64xf32, #tpu.memory_space<vmem>>, vector<16xf32>,
      %sub3A_302 = arith.subf %get3A_294, %get3A_301 : vector<16xf32>
      %abs3A_303 = math.absf %sub3A_302 : vector<16xf32>
      %add3A_304 = arith.constant 64 : i32
      %add3A_305 = arith.addi %mul3A_254, %add3A_304 : i32
      %get3A_306 = arith.index_cast %add3A_305 : i32 to index
      %get3A_307 = tpu.vector_load %arg10[%get3A_306] {strides = array<i32>} : memref<16384xf32, #tpu.memory_space<vmem>>, vector<16xf32>,
      %mul3A_308 = arith.constant 2 : i32
      %mul3A_309 = arith.muli %scan3A_248, %mul3A_308 : i32
      %add3A_310 = arith.constant 1 : i32
      %add3A_311 = arith.addi %mul3A_309, %add3A_310 : i32
      %get3A_312 = arith.index_cast %add3A_311 : i32 to index
      %get3A_313 = arith.constant 0 : index
      %get3A_314 = tpu.vector_load %arg11[%get3A_312, %get3A_313] {strides = array<i32>} : memref<256x64xf32, #tpu.memory_space<vmem>>, vector<16xf32>,
      %sub3A_315 = arith.subf %get3A_307, %get3A_314 : vector<16xf32>
      %abs3A_316 = math.absf %sub3A_315 : vector<16xf32>
      %add3A_317 = arith.constant 80 : i32
      %add3A_318 = arith.addi %mul3A_254, %add3A_317 : i32
      %get3A_319 = arith.index_cast %add3A_318 : i32 to index
      %get3A_320 = tpu.vector_load %arg10[%get3A_319] {strides = array<i32>} : memref<16384xf32, #tpu.memory_space<vmem>>, vector<16xf32>,
      %mul3A_321 = arith.constant 2 : i32
      %mul3A_322 = arith.muli %scan3A_248, %mul3A_321 : i32
      %add3A_323 = arith.constant 1 : i32
      %add3A_324 = arith.addi %mul3A_322, %add3A_323 : i32
      %get3A_325 = arith.index_cast %add3A_324 : i32 to index
      %get3A_326 = arith.constant 16 : index
      %get3A_327 = tpu.vector_load %arg11[%get3A_325, %get3A_326] {strides = array<i32>} : memref<256x64xf32, #tpu.memory_space<vmem>>, vector<16xf32>,
      %sub3A_328 = arith.subf %get3A_320, %get3A_327 : vector<16xf32>
      %abs3A_329 = math.absf %sub3A_328 : vector<16xf32>
      %add3A_330 = arith.constant 96 : i32
      %add3A_331 = arith.addi %mul3A_254, %add3A_330 : i32
      %get3A_332 = arith.index_cast %add3A_331 : i32 to index
      %get3A_333 = tpu.vector_load %arg10[%get3A_332] {strides = array<i32>} : memref<16384xf32, #tpu.memory_space<vmem>>, vector<16xf32>,
      %mul3A_334 = arith.constant 2 : i32
      %mul3A_335 = arith.muli %scan3A_248, %mul3A_334 : i32
      %add3A_336 = arith.constant 1 : i32
      %add3A_337 = arith.addi %mul3A_335, %add3A_336 : i32
      %get3A_338 = arith.index_cast %add3A_337 : i32 to index
      %get3A_339 = arith.constant 32 : index
      %get3A_340 = tpu.vector_load %arg11[%get3A_338, %get3A_339] {strides = array<i32>} : memref<256x64xf32, #tpu.memory_space<vmem>>, vector<16xf32>,
      %sub3A_341 = arith.subf %get3A_333, %get3A_340 : vector<16xf32>
      %abs3A_342 = math.absf %sub3A_341 : vector<16xf32>
      %add3A_343 = arith.constant 112 : i32
      %add3A_344 = arith.addi %mul3A_254, %add3A_343 : i32
      %get3A_345 = arith.index_cast %add3A_344 : i32 to index
      %get3A_346 = tpu.vector_load %arg10[%get3A_345] {strides = array<i32>} : memref<16384xf32, #tpu.memory_space<vmem>>, vector<16xf32>,
      %mul3A_347 = arith.constant 2 : i32
      %mul3A_348 = arith.muli %scan3A_248, %mul3A_347 : i32
      %add3A_349 = arith.constant 1 : i32
      %add3A_350 = arith.addi %mul3A_348, %add3A_349 : i32
      %get3A_351 = arith.index_cast %add3A_350 : i32 to index
      %get3A_352 = arith.constant 48 : index
      %get3A_353 = tpu.vector_load %arg11[%get3A_351, %get3A_352] {strides = array<i32>} : memref<256x64xf32, #tpu.memory_space<vmem>>, vector<16xf32>,
      %sub3A_354 = arith.subf %get3A_346, %get3A_353 : vector<16xf32>
      %abs3A_355 = math.absf %sub3A_354 : vector<16xf32>
      %add3A_356 = arith.addf %scan3A_249, %abs3A : vector<16xf32>
      %add3A_357 = arith.addf %add3A_356, %abs3A_316 : vector<16xf32>
      %add3A_358 = arith.addf %scan3A_250, %abs3A_277 : vector<16xf32>
      %add3A_359 = arith.addf %add3A_358, %abs3A_329 : vector<16xf32>
      %add3A_360 = arith.addf %scan3A_251, %abs3A_290 : vector<16xf32>
      %add3A_361 = arith.addf %add3A_360, %abs3A_342 : vector<16xf32>
      %add3A_362 = arith.addf %scan3A_252, %abs3A_303 : vector<16xf32>
      %add3A_363 = arith.addf %add3A_362, %abs3A_355 : vector<16xf32>
      scf.yield %add3A_357, %add3A_359, %add3A_361, %add3A_363 : vector<16xf32>, vector<16xf32>, vector<16xf32>, vector<16xf32>
    }
    %scan3A_182 = arith.constant 16 : i32
    %dma_wait3A_183 = arith.constant 10240 : i32
    %dma_wait3A_184 = tpu.memref_slice %arg10[%dma_wait3A_183] : memref<16384xf32, #tpu.memory_space<vmem>> -> memref<2048xf32, #tpu.memory_space<vmem>>
    %dma_wait3A_185 = arith.constant 0 : i32
    %dma_wait3A_186 = tpu.memref_slice %arg2[%dma_wait3A_185] : memref<16777216xf32, #tpu.memory_space<hbm>> -> memref<2048xf32, #tpu.memory_space<hbm>>
    %dma_wait3A_187 = arith.constant 10240 : i32
    %dma_wait3A_188 = tpu.memref_slice %arg10[%dma_wait3A_187] : memref<16384xf32, #tpu.memory_space<vmem>> -> memref<2048xf32, #tpu.memory_space<vmem>>
    %dma_wait3A_189 = arith.constant 0 : i32
    %dma_wait3A_190 = tpu.memref_slice %arg2[%dma_wait3A_189] : memref<16777216xf32, #tpu.memory_space<hbm>> -> memref<2048xf32, #tpu.memory_space<hbm>>
    tpu.wait_dma2 semaphore(%arg21 : memref<!tpu.dma_semaphore, #tpu.memory_space<semaphore_mem>>) src(%dma_wait3A_190 : memref<2048xf32, #tpu.memory_space<hbm>>) dst(%dma_wait3A_188 : memref<2048xf32, #tpu.memory_space<vmem>>)
    %scan3A_191 = arith.constant 80 : i32
    %scan3A_192 = arith.constant 16 : i32
    %scan3A_193 = arith.addi %scan3A_191, %scan3A_192 : i32
    %scan3A_194 = arith.constant 1 : i32
    %scan3A_195:4 = scf.for %scan3A_248 = %scan3A_191 to %scan3A_193 step %scan3A_194 iter_args(%scan3A_249 = %scan3A_181#0, %scan3A_250 = %scan3A_181#1, %scan3A_251 = %scan3A_181#2, %scan3A_252 = %scan3A_181#3) -> (vector<16xf32>, vector<16xf32>, vector<16xf32>, vector<16xf32>)  : i32 {
      %mul3A_253 = arith.constant 128 : i32
      %mul3A_254 = arith.muli %scan3A_248, %mul3A_253 : i32
      %add3A_255 = arith.constant 0 : i32
      %add3A_256 = arith.addi %mul3A_254, %add3A_255 : i32
      %get3A = arith.index_cast %add3A_256 : i32 to index
      %get3A_257 = tpu.vector_load %arg10[%get3A] {strides = array<i32>} : memref<16384xf32, #tpu.memory_space<vmem>>, vector<16xf32>,
      %mul3A_258 = arith.constant 2 : i32
      %mul3A_259 = arith.muli %scan3A_248, %mul3A_258 : i32
      %add3A_260 = arith.constant 0 : i32
      %add3A_261 = arith.addi %mul3A_259, %add3A_260 : i32
      %get3A_262 = arith.index_cast %add3A_261 : i32 to index
      %get3A_263 = arith.constant 0 : index
      %get3A_264 = tpu.vector_load %arg11[%get3A_262, %get3A_263] {strides = array<i32>} : memref<256x64xf32, #tpu.memory_space<vmem>>, vector<16xf32>,
      %sub3A = arith.subf %get3A_257, %get3A_264 : vector<16xf32>
      %abs3A = math.absf %sub3A : vector<16xf32>
      %add3A_265 = arith.constant 16 : i32
      %add3A_266 = arith.addi %mul3A_254, %add3A_265 : i32
      %get3A_267 = arith.index_cast %add3A_266 : i32 to index
      %get3A_268 = tpu.vector_load %arg10[%get3A_267] {strides = array<i32>} : memref<16384xf32, #tpu.memory_space<vmem>>, vector<16xf32>,
      %mul3A_269 = arith.constant 2 : i32
      %mul3A_270 = arith.muli %scan3A_248, %mul3A_269 : i32
      %add3A_271 = arith.constant 0 : i32
      %add3A_272 = arith.addi %mul3A_270, %add3A_271 : i32
      %get3A_273 = arith.index_cast %add3A_272 : i32 to index
      %get3A_274 = arith.constant 16 : index
      %get3A_275 = tpu.vector_load %arg11[%get3A_273, %get3A_274] {strides = array<i32>} : memref<256x64xf32, #tpu.memory_space<vmem>>, vector<16xf32>,
      %sub3A_276 = arith.subf %get3A_268, %get3A_275 : vector<16xf32>
      %abs3A_277 = math.absf %sub3A_276 : vector<16xf32>
      %add3A_278 = arith.constant 32 : i32
      %add3A_279 = arith.addi %mul3A_254, %add3A_278 : i32
      %get3A_280 = arith.index_cast %add3A_279 : i32 to index
      %get3A_281 = tpu.vector_load %arg10[%get3A_280] {strides = array<i32>} : memref<16384xf32, #tpu.memory_space<vmem>>, vector<16xf32>,
      %mul3A_282 = arith.constant 2 : i32
      %mul3A_283 = arith.muli %scan3A_248, %mul3A_282 : i32
      %add3A_284 = arith.constant 0 : i32
      %add3A_285 = arith.addi %mul3A_283, %add3A_284 : i32
      %get3A_286 = arith.index_cast %add3A_285 : i32 to index
      %get3A_287 = arith.constant 32 : index
      %get3A_288 = tpu.vector_load %arg11[%get3A_286, %get3A_287] {strides = array<i32>} : memref<256x64xf32, #tpu.memory_space<vmem>>, vector<16xf32>,
      %sub3A_289 = arith.subf %get3A_281, %get3A_288 : vector<16xf32>
      %abs3A_290 = math.absf %sub3A_289 : vector<16xf32>
      %add3A_291 = arith.constant 48 : i32
      %add3A_292 = arith.addi %mul3A_254, %add3A_291 : i32
      %get3A_293 = arith.index_cast %add3A_292 : i32 to index
      %get3A_294 = tpu.vector_load %arg10[%get3A_293] {strides = array<i32>} : memref<16384xf32, #tpu.memory_space<vmem>>, vector<16xf32>,
      %mul3A_295 = arith.constant 2 : i32
      %mul3A_296 = arith.muli %scan3A_248, %mul3A_295 : i32
      %add3A_297 = arith.constant 0 : i32
      %add3A_298 = arith.addi %mul3A_296, %add3A_297 : i32
      %get3A_299 = arith.index_cast %add3A_298 : i32 to index
      %get3A_300 = arith.constant 48 : index
      %get3A_301 = tpu.vector_load %arg11[%get3A_299, %get3A_300] {strides = array<i32>} : memref<256x64xf32, #tpu.memory_space<vmem>>, vector<16xf32>,
      %sub3A_302 = arith.subf %get3A_294, %get3A_301 : vector<16xf32>
      %abs3A_303 = math.absf %sub3A_302 : vector<16xf32>
      %add3A_304 = arith.constant 64 : i32
      %add3A_305 = arith.addi %mul3A_254, %add3A_304 : i32
      %get3A_306 = arith.index_cast %add3A_305 : i32 to index
      %get3A_307 = tpu.vector_load %arg10[%get3A_306] {strides = array<i32>} : memref<16384xf32, #tpu.memory_space<vmem>>, vector<16xf32>,
      %mul3A_308 = arith.constant 2 : i32
      %mul3A_309 = arith.muli %scan3A_248, %mul3A_308 : i32
      %add3A_310 = arith.constant 1 : i32
      %add3A_311 = arith.addi %mul3A_309, %add3A_310 : i32
      %get3A_312 = arith.index_cast %add3A_311 : i32 to index
      %get3A_313 = arith.constant 0 : index
      %get3A_314 = tpu.vector_load %arg11[%get3A_312, %get3A_313] {strides = array<i32>} : memref<256x64xf32, #tpu.memory_space<vmem>>, vector<16xf32>,
      %sub3A_315 = arith.subf %get3A_307, %get3A_314 : vector<16xf32>
      %abs3A_316 = math.absf %sub3A_315 : vector<16xf32>
      %add3A_317 = arith.constant 80 : i32
      %add3A_318 = arith.addi %mul3A_254, %add3A_317 : i32
      %get3A_319 = arith.index_cast %add3A_318 : i32 to index
      %get3A_320 = tpu.vector_load %arg10[%get3A_319] {strides = array<i32>} : memref<16384xf32, #tpu.memory_space<vmem>>, vector<16xf32>,
      %mul3A_321 = arith.constant 2 : i32
      %mul3A_322 = arith.muli %scan3A_248, %mul3A_321 : i32
      %add3A_323 = arith.constant 1 : i32
      %add3A_324 = arith.addi %mul3A_322, %add3A_323 : i32
      %get3A_325 = arith.index_cast %add3A_324 : i32 to index
      %get3A_326 = arith.constant 16 : index
      %get3A_327 = tpu.vector_load %arg11[%get3A_325, %get3A_326] {strides = array<i32>} : memref<256x64xf32, #tpu.memory_space<vmem>>, vector<16xf32>,
      %sub3A_328 = arith.subf %get3A_320, %get3A_327 : vector<16xf32>
      %abs3A_329 = math.absf %sub3A_328 : vector<16xf32>
      %add3A_330 = arith.constant 96 : i32
      %add3A_331 = arith.addi %mul3A_254, %add3A_330 : i32
      %get3A_332 = arith.index_cast %add3A_331 : i32 to index
      %get3A_333 = tpu.vector_load %arg10[%get3A_332] {strides = array<i32>} : memref<16384xf32, #tpu.memory_space<vmem>>, vector<16xf32>,
      %mul3A_334 = arith.constant 2 : i32
      %mul3A_335 = arith.muli %scan3A_248, %mul3A_334 : i32
      %add3A_336 = arith.constant 1 : i32
      %add3A_337 = arith.addi %mul3A_335, %add3A_336 : i32
      %get3A_338 = arith.index_cast %add3A_337 : i32 to index
      %get3A_339 = arith.constant 32 : index
      %get3A_340 = tpu.vector_load %arg11[%get3A_338, %get3A_339] {strides = array<i32>} : memref<256x64xf32, #tpu.memory_space<vmem>>, vector<16xf32>,
      %sub3A_341 = arith.subf %get3A_333, %get3A_340 : vector<16xf32>
      %abs3A_342 = math.absf %sub3A_341 : vector<16xf32>
      %add3A_343 = arith.constant 112 : i32
      %add3A_344 = arith.addi %mul3A_254, %add3A_343 : i32
      %get3A_345 = arith.index_cast %add3A_344 : i32 to index
      %get3A_346 = tpu.vector_load %arg10[%get3A_345] {strides = array<i32>} : memref<16384xf32, #tpu.memory_space<vmem>>, vector<16xf32>,
      %mul3A_347 = arith.constant 2 : i32
      %mul3A_348 = arith.muli %scan3A_248, %mul3A_347 : i32
      %add3A_349 = arith.constant 1 : i32
      %add3A_350 = arith.addi %mul3A_348, %add3A_349 : i32
      %get3A_351 = arith.index_cast %add3A_350 : i32 to index
      %get3A_352 = arith.constant 48 : index
      %get3A_353 = tpu.vector_load %arg11[%get3A_351, %get3A_352] {strides = array<i32>} : memref<256x64xf32, #tpu.memory_space<vmem>>, vector<16xf32>,
      %sub3A_354 = arith.subf %get3A_346, %get3A_353 : vector<16xf32>
      %abs3A_355 = math.absf %sub3A_354 : vector<16xf32>
      %add3A_356 = arith.addf %scan3A_249, %abs3A : vector<16xf32>
      %add3A_357 = arith.addf %add3A_356, %abs3A_316 : vector<16xf32>
      %add3A_358 = arith.addf %scan3A_250, %abs3A_277 : vector<16xf32>
      %add3A_359 = arith.addf %add3A_358, %abs3A_329 : vector<16xf32>
      %add3A_360 = arith.addf %scan3A_251, %abs3A_290 : vector<16xf32>
      %add3A_361 = arith.addf %add3A_360, %abs3A_342 : vector<16xf32>
      %add3A_362 = arith.addf %scan3A_252, %abs3A_303 : vector<16xf32>
      %add3A_363 = arith.addf %add3A_362, %abs3A_355 : vector<16xf32>
      scf.yield %add3A_357, %add3A_359, %add3A_361, %add3A_363 : vector<16xf32>, vector<16xf32>, vector<16xf32>, vector<16xf32>
    }
    %scan3A_196 = arith.constant 16 : i32
    %dma_wait3A_197 = arith.constant 12288 : i32
    %dma_wait3A_198 = tpu.memref_slice %arg10[%dma_wait3A_197] : memref<16384xf32, #tpu.memory_space<vmem>> -> memref<2048xf32, #tpu.memory_space<vmem>>
    %dma_wait3A_199 = arith.constant 0 : i32
    %dma_wait3A_200 = tpu.memref_slice %arg2[%dma_wait3A_199] : memref<16777216xf32, #tpu.memory_space<hbm>> -> memref<2048xf32, #tpu.memory_space<hbm>>
    %dma_wait3A_201 = arith.constant 12288 : i32
    %dma_wait3A_202 = tpu.memref_slice %arg10[%dma_wait3A_201] : memref<16384xf32, #tpu.memory_space<vmem>> -> memref<2048xf32, #tpu.memory_space<vmem>>
    %dma_wait3A_203 = arith.constant 0 : i32
    %dma_wait3A_204 = tpu.memref_slice %arg2[%dma_wait3A_203] : memref<16777216xf32, #tpu.memory_space<hbm>> -> memref<2048xf32, #tpu.memory_space<hbm>>
    tpu.wait_dma2 semaphore(%arg22 : memref<!tpu.dma_semaphore, #tpu.memory_space<semaphore_mem>>) src(%dma_wait3A_204 : memref<2048xf32, #tpu.memory_space<hbm>>) dst(%dma_wait3A_202 : memref<2048xf32, #tpu.memory_space<vmem>>)
    %scan3A_205 = arith.constant 96 : i32
    %scan3A_206 = arith.constant 16 : i32
    %scan3A_207 = arith.addi %scan3A_205, %scan3A_206 : i32
    %scan3A_208 = arith.constant 1 : i32
    %scan3A_209:4 = scf.for %scan3A_248 = %scan3A_205 to %scan3A_207 step %scan3A_208 iter_args(%scan3A_249 = %scan3A_195#0, %scan3A_250 = %scan3A_195#1, %scan3A_251 = %scan3A_195#2, %scan3A_252 = %scan3A_195#3) -> (vector<16xf32>, vector<16xf32>, vector<16xf32>, vector<16xf32>)  : i32 {
      %mul3A_253 = arith.constant 128 : i32
      %mul3A_254 = arith.muli %scan3A_248, %mul3A_253 : i32
      %add3A_255 = arith.constant 0 : i32
      %add3A_256 = arith.addi %mul3A_254, %add3A_255 : i32
      %get3A = arith.index_cast %add3A_256 : i32 to index
      %get3A_257 = tpu.vector_load %arg10[%get3A] {strides = array<i32>} : memref<16384xf32, #tpu.memory_space<vmem>>, vector<16xf32>,
      %mul3A_258 = arith.constant 2 : i32
      %mul3A_259 = arith.muli %scan3A_248, %mul3A_258 : i32
      %add3A_260 = arith.constant 0 : i32
      %add3A_261 = arith.addi %mul3A_259, %add3A_260 : i32
      %get3A_262 = arith.index_cast %add3A_261 : i32 to index
      %get3A_263 = arith.constant 0 : index
      %get3A_264 = tpu.vector_load %arg11[%get3A_262, %get3A_263] {strides = array<i32>} : memref<256x64xf32, #tpu.memory_space<vmem>>, vector<16xf32>,
      %sub3A = arith.subf %get3A_257, %get3A_264 : vector<16xf32>
      %abs3A = math.absf %sub3A : vector<16xf32>
      %add3A_265 = arith.constant 16 : i32
      %add3A_266 = arith.addi %mul3A_254, %add3A_265 : i32
      %get3A_267 = arith.index_cast %add3A_266 : i32 to index
      %get3A_268 = tpu.vector_load %arg10[%get3A_267] {strides = array<i32>} : memref<16384xf32, #tpu.memory_space<vmem>>, vector<16xf32>,
      %mul3A_269 = arith.constant 2 : i32
      %mul3A_270 = arith.muli %scan3A_248, %mul3A_269 : i32
      %add3A_271 = arith.constant 0 : i32
      %add3A_272 = arith.addi %mul3A_270, %add3A_271 : i32
      %get3A_273 = arith.index_cast %add3A_272 : i32 to index
      %get3A_274 = arith.constant 16 : index
      %get3A_275 = tpu.vector_load %arg11[%get3A_273, %get3A_274] {strides = array<i32>} : memref<256x64xf32, #tpu.memory_space<vmem>>, vector<16xf32>,
      %sub3A_276 = arith.subf %get3A_268, %get3A_275 : vector<16xf32>
      %abs3A_277 = math.absf %sub3A_276 : vector<16xf32>
      %add3A_278 = arith.constant 32 : i32
      %add3A_279 = arith.addi %mul3A_254, %add3A_278 : i32
      %get3A_280 = arith.index_cast %add3A_279 : i32 to index
      %get3A_281 = tpu.vector_load %arg10[%get3A_280] {strides = array<i32>} : memref<16384xf32, #tpu.memory_space<vmem>>, vector<16xf32>,
      %mul3A_282 = arith.constant 2 : i32
      %mul3A_283 = arith.muli %scan3A_248, %mul3A_282 : i32
      %add3A_284 = arith.constant 0 : i32
      %add3A_285 = arith.addi %mul3A_283, %add3A_284 : i32
      %get3A_286 = arith.index_cast %add3A_285 : i32 to index
      %get3A_287 = arith.constant 32 : index
      %get3A_288 = tpu.vector_load %arg11[%get3A_286, %get3A_287] {strides = array<i32>} : memref<256x64xf32, #tpu.memory_space<vmem>>, vector<16xf32>,
      %sub3A_289 = arith.subf %get3A_281, %get3A_288 : vector<16xf32>
      %abs3A_290 = math.absf %sub3A_289 : vector<16xf32>
      %add3A_291 = arith.constant 48 : i32
      %add3A_292 = arith.addi %mul3A_254, %add3A_291 : i32
      %get3A_293 = arith.index_cast %add3A_292 : i32 to index
      %get3A_294 = tpu.vector_load %arg10[%get3A_293] {strides = array<i32>} : memref<16384xf32, #tpu.memory_space<vmem>>, vector<16xf32>,
      %mul3A_295 = arith.constant 2 : i32
      %mul3A_296 = arith.muli %scan3A_248, %mul3A_295 : i32
      %add3A_297 = arith.constant 0 : i32
      %add3A_298 = arith.addi %mul3A_296, %add3A_297 : i32
      %get3A_299 = arith.index_cast %add3A_298 : i32 to index
      %get3A_300 = arith.constant 48 : index
      %get3A_301 = tpu.vector_load %arg11[%get3A_299, %get3A_300] {strides = array<i32>} : memref<256x64xf32, #tpu.memory_space<vmem>>, vector<16xf32>,
      %sub3A_302 = arith.subf %get3A_294, %get3A_301 : vector<16xf32>
      %abs3A_303 = math.absf %sub3A_302 : vector<16xf32>
      %add3A_304 = arith.constant 64 : i32
      %add3A_305 = arith.addi %mul3A_254, %add3A_304 : i32
      %get3A_306 = arith.index_cast %add3A_305 : i32 to index
      %get3A_307 = tpu.vector_load %arg10[%get3A_306] {strides = array<i32>} : memref<16384xf32, #tpu.memory_space<vmem>>, vector<16xf32>,
      %mul3A_308 = arith.constant 2 : i32
      %mul3A_309 = arith.muli %scan3A_248, %mul3A_308 : i32
      %add3A_310 = arith.constant 1 : i32
      %add3A_311 = arith.addi %mul3A_309, %add3A_310 : i32
      %get3A_312 = arith.index_cast %add3A_311 : i32 to index
      %get3A_313 = arith.constant 0 : index
      %get3A_314 = tpu.vector_load %arg11[%get3A_312, %get3A_313] {strides = array<i32>} : memref<256x64xf32, #tpu.memory_space<vmem>>, vector<16xf32>,
      %sub3A_315 = arith.subf %get3A_307, %get3A_314 : vector<16xf32>
      %abs3A_316 = math.absf %sub3A_315 : vector<16xf32>
      %add3A_317 = arith.constant 80 : i32
      %add3A_318 = arith.addi %mul3A_254, %add3A_317 : i32
      %get3A_319 = arith.index_cast %add3A_318 : i32 to index
      %get3A_320 = tpu.vector_load %arg10[%get3A_319] {strides = array<i32>} : memref<16384xf32, #tpu.memory_space<vmem>>, vector<16xf32>,
      %mul3A_321 = arith.constant 2 : i32
      %mul3A_322 = arith.muli %scan3A_248, %mul3A_321 : i32
      %add3A_323 = arith.constant 1 : i32
      %add3A_324 = arith.addi %mul3A_322, %add3A_323 : i32
      %get3A_325 = arith.index_cast %add3A_324 : i32 to index
      %get3A_326 = arith.constant 16 : index
      %get3A_327 = tpu.vector_load %arg11[%get3A_325, %get3A_326] {strides = array<i32>} : memref<256x64xf32, #tpu.memory_space<vmem>>, vector<16xf32>,
      %sub3A_328 = arith.subf %get3A_320, %get3A_327 : vector<16xf32>
      %abs3A_329 = math.absf %sub3A_328 : vector<16xf32>
      %add3A_330 = arith.constant 96 : i32
      %add3A_331 = arith.addi %mul3A_254, %add3A_330 : i32
      %get3A_332 = arith.index_cast %add3A_331 : i32 to index
      %get3A_333 = tpu.vector_load %arg10[%get3A_332] {strides = array<i32>} : memref<16384xf32, #tpu.memory_space<vmem>>, vector<16xf32>,
      %mul3A_334 = arith.constant 2 : i32
      %mul3A_335 = arith.muli %scan3A_248, %mul3A_334 : i32
      %add3A_336 = arith.constant 1 : i32
      %add3A_337 = arith.addi %mul3A_335, %add3A_336 : i32
      %get3A_338 = arith.index_cast %add3A_337 : i32 to index
      %get3A_339 = arith.constant 32 : index
      %get3A_340 = tpu.vector_load %arg11[%get3A_338, %get3A_339] {strides = array<i32>} : memref<256x64xf32, #tpu.memory_space<vmem>>, vector<16xf32>,
      %sub3A_341 = arith.subf %get3A_333, %get3A_340 : vector<16xf32>
      %abs3A_342 = math.absf %sub3A_341 : vector<16xf32>
      %add3A_343 = arith.constant 112 : i32
      %add3A_344 = arith.addi %mul3A_254, %add3A_343 : i32
      %get3A_345 = arith.index_cast %add3A_344 : i32 to index
      %get3A_346 = tpu.vector_load %arg10[%get3A_345] {strides = array<i32>} : memref<16384xf32, #tpu.memory_space<vmem>>, vector<16xf32>,
      %mul3A_347 = arith.constant 2 : i32
      %mul3A_348 = arith.muli %scan3A_248, %mul3A_347 : i32
      %add3A_349 = arith.constant 1 : i32
      %add3A_350 = arith.addi %mul3A_348, %add3A_349 : i32
      %get3A_351 = arith.index_cast %add3A_350 : i32 to index
      %get3A_352 = arith.constant 48 : index
      %get3A_353 = tpu.vector_load %arg11[%get3A_351, %get3A_352] {strides = array<i32>} : memref<256x64xf32, #tpu.memory_space<vmem>>, vector<16xf32>,
      %sub3A_354 = arith.subf %get3A_346, %get3A_353 : vector<16xf32>
      %abs3A_355 = math.absf %sub3A_354 : vector<16xf32>
      %add3A_356 = arith.addf %scan3A_249, %abs3A : vector<16xf32>
      %add3A_357 = arith.addf %add3A_356, %abs3A_316 : vector<16xf32>
      %add3A_358 = arith.addf %scan3A_250, %abs3A_277 : vector<16xf32>
      %add3A_359 = arith.addf %add3A_358, %abs3A_329 : vector<16xf32>
      %add3A_360 = arith.addf %scan3A_251, %abs3A_290 : vector<16xf32>
      %add3A_361 = arith.addf %add3A_360, %abs3A_342 : vector<16xf32>
      %add3A_362 = arith.addf %scan3A_252, %abs3A_303 : vector<16xf32>
      %add3A_363 = arith.addf %add3A_362, %abs3A_355 : vector<16xf32>
      scf.yield %add3A_357, %add3A_359, %add3A_361, %add3A_363 : vector<16xf32>, vector<16xf32>, vector<16xf32>, vector<16xf32>
    }
    %scan3A_210 = arith.constant 16 : i32
    %dma_wait3A_211 = arith.constant 14336 : i32
    %dma_wait3A_212 = tpu.memref_slice %arg10[%dma_wait3A_211] : memref<16384xf32, #tpu.memory_space<vmem>> -> memref<2048xf32, #tpu.memory_space<vmem>>
    %dma_wait3A_213 = arith.constant 0 : i32
    %dma_wait3A_214 = tpu.memref_slice %arg2[%dma_wait3A_213] : memref<16777216xf32, #tpu.memory_space<hbm>> -> memref<2048xf32, #tpu.memory_space<hbm>>
    %dma_wait3A_215 = arith.constant 14336 : i32
    %dma_wait3A_216 = tpu.memref_slice %arg10[%dma_wait3A_215] : memref<16384xf32, #tpu.memory_space<vmem>> -> memref<2048xf32, #tpu.memory_space<vmem>>
    %dma_wait3A_217 = arith.constant 0 : i32
    %dma_wait3A_218 = tpu.memref_slice %arg2[%dma_wait3A_217] : memref<16777216xf32, #tpu.memory_space<hbm>> -> memref<2048xf32, #tpu.memory_space<hbm>>
    tpu.wait_dma2 semaphore(%arg23 : memref<!tpu.dma_semaphore, #tpu.memory_space<semaphore_mem>>) src(%dma_wait3A_218 : memref<2048xf32, #tpu.memory_space<hbm>>) dst(%dma_wait3A_216 : memref<2048xf32, #tpu.memory_space<vmem>>)
    %scan3A_219 = arith.constant 112 : i32
    %scan3A_220 = arith.constant 16 : i32
    %scan3A_221 = arith.addi %scan3A_219, %scan3A_220 : i32
    %scan3A_222 = arith.constant 1 : i32
    %scan3A_223:4 = scf.for %scan3A_248 = %scan3A_219 to %scan3A_221 step %scan3A_222 iter_args(%scan3A_249 = %scan3A_209#0, %scan3A_250 = %scan3A_209#1, %scan3A_251 = %scan3A_209#2, %scan3A_252 = %scan3A_209#3) -> (vector<16xf32>, vector<16xf32>, vector<16xf32>, vector<16xf32>)  : i32 {
      %mul3A_253 = arith.constant 128 : i32
      %mul3A_254 = arith.muli %scan3A_248, %mul3A_253 : i32
      %add3A_255 = arith.constant 0 : i32
      %add3A_256 = arith.addi %mul3A_254, %add3A_255 : i32
      %get3A = arith.index_cast %add3A_256 : i32 to index
      %get3A_257 = tpu.vector_load %arg10[%get3A] {strides = array<i32>} : memref<16384xf32, #tpu.memory_space<vmem>>, vector<16xf32>,
      %mul3A_258 = arith.constant 2 : i32
      %mul3A_259 = arith.muli %scan3A_248, %mul3A_258 : i32
      %add3A_260 = arith.constant 0 : i32
      %add3A_261 = arith.addi %mul3A_259, %add3A_260 : i32
      %get3A_262 = arith.index_cast %add3A_261 : i32 to index
      %get3A_263 = arith.constant 0 : index
      %get3A_264 = tpu.vector_load %arg11[%get3A_262, %get3A_263] {strides = array<i32>} : memref<256x64xf32, #tpu.memory_space<vmem>>, vector<16xf32>,
      %sub3A = arith.subf %get3A_257, %get3A_264 : vector<16xf32>
      %abs3A = math.absf %sub3A : vector<16xf32>
      %add3A_265 = arith.constant 16 : i32
      %add3A_266 = arith.addi %mul3A_254, %add3A_265 : i32
      %get3A_267 = arith.index_cast %add3A_266 : i32 to index
      %get3A_268 = tpu.vector_load %arg10[%get3A_267] {strides = array<i32>} : memref<16384xf32, #tpu.memory_space<vmem>>, vector<16xf32>,
      %mul3A_269 = arith.constant 2 : i32
      %mul3A_270 = arith.muli %scan3A_248, %mul3A_269 : i32
      %add3A_271 = arith.constant 0 : i32
      %add3A_272 = arith.addi %mul3A_270, %add3A_271 : i32
      %get3A_273 = arith.index_cast %add3A_272 : i32 to index
      %get3A_274 = arith.constant 16 : index
      %get3A_275 = tpu.vector_load %arg11[%get3A_273, %get3A_274] {strides = array<i32>} : memref<256x64xf32, #tpu.memory_space<vmem>>, vector<16xf32>,
      %sub3A_276 = arith.subf %get3A_268, %get3A_275 : vector<16xf32>
      %abs3A_277 = math.absf %sub3A_276 : vector<16xf32>
      %add3A_278 = arith.constant 32 : i32
      %add3A_279 = arith.addi %mul3A_254, %add3A_278 : i32
      %get3A_280 = arith.index_cast %add3A_279 : i32 to index
      %get3A_281 = tpu.vector_load %arg10[%get3A_280] {strides = array<i32>} : memref<16384xf32, #tpu.memory_space<vmem>>, vector<16xf32>,
      %mul3A_282 = arith.constant 2 : i32
      %mul3A_283 = arith.muli %scan3A_248, %mul3A_282 : i32
      %add3A_284 = arith.constant 0 : i32
      %add3A_285 = arith.addi %mul3A_283, %add3A_284 : i32
      %get3A_286 = arith.index_cast %add3A_285 : i32 to index
      %get3A_287 = arith.constant 32 : index
      %get3A_288 = tpu.vector_load %arg11[%get3A_286, %get3A_287] {strides = array<i32>} : memref<256x64xf32, #tpu.memory_space<vmem>>, vector<16xf32>,
      %sub3A_289 = arith.subf %get3A_281, %get3A_288 : vector<16xf32>
      %abs3A_290 = math.absf %sub3A_289 : vector<16xf32>
      %add3A_291 = arith.constant 48 : i32
      %add3A_292 = arith.addi %mul3A_254, %add3A_291 : i32
      %get3A_293 = arith.index_cast %add3A_292 : i32 to index
      %get3A_294 = tpu.vector_load %arg10[%get3A_293] {strides = array<i32>} : memref<16384xf32, #tpu.memory_space<vmem>>, vector<16xf32>,
      %mul3A_295 = arith.constant 2 : i32
      %mul3A_296 = arith.muli %scan3A_248, %mul3A_295 : i32
      %add3A_297 = arith.constant 0 : i32
      %add3A_298 = arith.addi %mul3A_296, %add3A_297 : i32
      %get3A_299 = arith.index_cast %add3A_298 : i32 to index
      %get3A_300 = arith.constant 48 : index
      %get3A_301 = tpu.vector_load %arg11[%get3A_299, %get3A_300] {strides = array<i32>} : memref<256x64xf32, #tpu.memory_space<vmem>>, vector<16xf32>,
      %sub3A_302 = arith.subf %get3A_294, %get3A_301 : vector<16xf32>
      %abs3A_303 = math.absf %sub3A_302 : vector<16xf32>
      %add3A_304 = arith.constant 64 : i32
      %add3A_305 = arith.addi %mul3A_254, %add3A_304 : i32
      %get3A_306 = arith.index_cast %add3A_305 : i32 to index
      %get3A_307 = tpu.vector_load %arg10[%get3A_306] {strides = array<i32>} : memref<16384xf32, #tpu.memory_space<vmem>>, vector<16xf32>,
      %mul3A_308 = arith.constant 2 : i32
      %mul3A_309 = arith.muli %scan3A_248, %mul3A_308 : i32
      %add3A_310 = arith.constant 1 : i32
      %add3A_311 = arith.addi %mul3A_309, %add3A_310 : i32
      %get3A_312 = arith.index_cast %add3A_311 : i32 to index
      %get3A_313 = arith.constant 0 : index
      %get3A_314 = tpu.vector_load %arg11[%get3A_312, %get3A_313] {strides = array<i32>} : memref<256x64xf32, #tpu.memory_space<vmem>>, vector<16xf32>,
      %sub3A_315 = arith.subf %get3A_307, %get3A_314 : vector<16xf32>
      %abs3A_316 = math.absf %sub3A_315 : vector<16xf32>
      %add3A_317 = arith.constant 80 : i32
      %add3A_318 = arith.addi %mul3A_254, %add3A_317 : i32
      %get3A_319 = arith.index_cast %add3A_318 : i32 to index
      %get3A_320 = tpu.vector_load %arg10[%get3A_319] {strides = array<i32>} : memref<16384xf32, #tpu.memory_space<vmem>>, vector<16xf32>,
      %mul3A_321 = arith.constant 2 : i32
      %mul3A_322 = arith.muli %scan3A_248, %mul3A_321 : i32
      %add3A_323 = arith.constant 1 : i32
      %add3A_324 = arith.addi %mul3A_322, %add3A_323 : i32
      %get3A_325 = arith.index_cast %add3A_324 : i32 to index
      %get3A_326 = arith.constant 16 : index
      %get3A_327 = tpu.vector_load %arg11[%get3A_325, %get3A_326] {strides = array<i32>} : memref<256x64xf32, #tpu.memory_space<vmem>>, vector<16xf32>,
      %sub3A_328 = arith.subf %get3A_320, %get3A_327 : vector<16xf32>
      %abs3A_329 = math.absf %sub3A_328 : vector<16xf32>
      %add3A_330 = arith.constant 96 : i32
      %add3A_331 = arith.addi %mul3A_254, %add3A_330 : i32
      %get3A_332 = arith.index_cast %add3A_331 : i32 to index
      %get3A_333 = tpu.vector_load %arg10[%get3A_332] {strides = array<i32>} : memref<16384xf32, #tpu.memory_space<vmem>>, vector<16xf32>,
      %mul3A_334 = arith.constant 2 : i32
      %mul3A_335 = arith.muli %scan3A_248, %mul3A_334 : i32
      %add3A_336 = arith.constant 1 : i32
      %add3A_337 = arith.addi %mul3A_335, %add3A_336 : i32
      %get3A_338 = arith.index_cast %add3A_337 : i32 to index
      %get3A_339 = arith.constant 32 : index
      %get3A_340 = tpu.vector_load %arg11[%get3A_338, %get3A_339] {strides = array<i32>} : memref<256x64xf32, #tpu.memory_space<vmem>>, vector<16xf32>,
      %sub3A_341 = arith.subf %get3A_333, %get3A_340 : vector<16xf32>
      %abs3A_342 = math.absf %sub3A_341 : vector<16xf32>
      %add3A_343 = arith.constant 112 : i32
      %add3A_344 = arith.addi %mul3A_254, %add3A_343 : i32
      %get3A_345 = arith.index_cast %add3A_344 : i32 to index
      %get3A_346 = tpu.vector_load %arg10[%get3A_345] {strides = array<i32>} : memref<16384xf32, #tpu.memory_space<vmem>>, vector<16xf32>,
      %mul3A_347 = arith.constant 2 : i32
      %mul3A_348 = arith.muli %scan3A_248, %mul3A_347 : i32
      %add3A_349 = arith.constant 1 : i32
      %add3A_350 = arith.addi %mul3A_348, %add3A_349 : i32
      %get3A_351 = arith.index_cast %add3A_350 : i32 to index
      %get3A_352 = arith.constant 48 : index
      %get3A_353 = tpu.vector_load %arg11[%get3A_351, %get3A_352] {strides = array<i32>} : memref<256x64xf32, #tpu.memory_space<vmem>>, vector<16xf32>,
      %sub3A_354 = arith.subf %get3A_346, %get3A_353 : vector<16xf32>
      %abs3A_355 = math.absf %sub3A_354 : vector<16xf32>
      %add3A_356 = arith.addf %scan3A_249, %abs3A : vector<16xf32>
      %add3A_357 = arith.addf %add3A_356, %abs3A_316 : vector<16xf32>
      %add3A_358 = arith.addf %scan3A_250, %abs3A_277 : vector<16xf32>
      %add3A_359 = arith.addf %add3A_358, %abs3A_329 : vector<16xf32>
      %add3A_360 = arith.addf %scan3A_251, %abs3A_290 : vector<16xf32>
      %add3A_361 = arith.addf %add3A_360, %abs3A_342 : vector<16xf32>
      %add3A_362 = arith.addf %scan3A_252, %abs3A_303 : vector<16xf32>
      %add3A_363 = arith.addf %add3A_362, %abs3A_355 : vector<16xf32>
      scf.yield %add3A_357, %add3A_359, %add3A_361, %add3A_363 : vector<16xf32>, vector<16xf32>, vector<16xf32>, vector<16xf32>
    }
    %scan3A_224 = arith.constant 16 : i32
    %mul3A_225 = arith.constant 1.22070313E-4 : f32
    %mul3A_226 = vector.broadcast %mul3A_225 : f32 to vector<16xf32>
    %mul3A_227 = arith.mulf %scan3A_223#0, %mul3A_226 : vector<16xf32>
    %swap3A = arith.constant 0 : index
    %swap3A_228 = tpu.vector_load %arg12[%swap3A] {strides = array<i32>} : memref<64xf32, #tpu.memory_space<vmem>>, vector<16xf32>,
    tpu.vector_store %arg12[%swap3A], %mul3A_227 {strides = array<i32>} : memref<64xf32, #tpu.memory_space<vmem>>, vector<16xf32>,
    %mul3A_229 = arith.constant 1.22070313E-4 : f32
    %mul3A_230 = vector.broadcast %mul3A_229 : f32 to vector<16xf32>
    %mul3A_231 = arith.mulf %scan3A_223#1, %mul3A_230 : vector<16xf32>
    %swap3A_232 = arith.constant 16 : index
    %swap3A_233 = tpu.vector_load %arg12[%swap3A_232] {strides = array<i32>} : memref<64xf32, #tpu.memory_space<vmem>>, vector<16xf32>,
    tpu.vector_store %arg12[%swap3A_232], %mul3A_231 {strides = array<i32>} : memref<64xf32, #tpu.memory_space<vmem>>, vector<16xf32>,
    %mul3A_234 = arith.constant 1.22070313E-4 : f32
    %mul3A_235 = vector.broadcast %mul3A_234 : f32 to vector<16xf32>
    %mul3A_236 = arith.mulf %scan3A_223#2, %mul3A_235 : vector<16xf32>
    %swap3A_237 = arith.constant 32 : index
    %swap3A_238 = tpu.vector_load %arg12[%swap3A_237] {strides = array<i32>} : memref<64xf32, #tpu.memory_space<vmem>>, vector<16xf32>,
    tpu.vector_store %arg12[%swap3A_237], %mul3A_236 {strides = array<i32>} : memref<64xf32, #tpu.memory_space<vmem>>, vector<16xf32>,
    %mul3A_239 = arith.constant 1.22070313E-4 : f32
    %mul3A_240 = vector.broadcast %mul3A_239 : f32 to vector<16xf32>
    %mul3A_241 = arith.mulf %scan3A_223#3, %mul3A_240 : vector<16xf32>
    %swap3A_242 = arith.constant 48 : index
    %swap3A_243 = tpu.vector_load %arg12[%swap3A_242] {strides = array<i32>} : memref<64xf32, #tpu.memory_space<vmem>>, vector<16xf32>,
    tpu.vector_store %arg12[%swap3A_242], %mul3A_241 {strides = array<i32>} : memref<64xf32, #tpu.memory_space<vmem>>, vector<16xf32>,
    %mul3A_244 = arith.constant 64 : i32
    %mul3A_245 = arith.muli %arg1, %mul3A_244 : i32
    "tpu.region"() ({
      %run_scoped3A = tpu.sem_alloc : memref<!tpu.dma_semaphore, #tpu.memory_space<semaphore_mem>>
      %dma_start3A_248 = tpu.memref_slice %arg14[%mul3A_245] : memref<1024xf32, #tpu.memory_space<vmem_shared>> -> memref<64xf32, #tpu.memory_space<vmem_shared>>
      %dma_start3A_249 = tpu.memref_slice %arg14[%mul3A_245] : memref<1024xf32, #tpu.memory_space<vmem_shared>> -> memref<64xf32, #tpu.memory_space<vmem_shared>>
      tpu.enqueue_dma source(%arg12 : memref<64xf32, #tpu.memory_space<vmem>>) target(%dma_start3A_249 : memref<64xf32, #tpu.memory_space<vmem_shared>>) target_semaphore(%run_scoped3A : memref<!tpu.dma_semaphore, #tpu.memory_space<semaphore_mem>>)
      %dma_wait3A_250 = tpu.memref_slice %arg14[%mul3A_245] : memref<1024xf32, #tpu.memory_space<vmem_shared>> -> memref<64xf32, #tpu.memory_space<vmem_shared>>
      %dma_wait3A_251 = tpu.memref_slice %arg14[%mul3A_245] : memref<1024xf32, #tpu.memory_space<vmem_shared>> -> memref<64xf32, #tpu.memory_space<vmem_shared>>
      tpu.wait_dma2 semaphore(%run_scoped3A : memref<!tpu.dma_semaphore, #tpu.memory_space<semaphore_mem>>) src(%arg12 : memref<64xf32, #tpu.memory_space<vmem>>) dst(%dma_wait3A_251 : memref<64xf32, #tpu.memory_space<vmem_shared>>)
      tpu.yield
    }) : () -> ()
    %barrier3A = arith.constant 0 : index
    tpu.barrier barrier_id(%barrier3A)
    %eq3A = arith.constant 0 : i32
    %eq3A_246 = arith.cmpi eq, %arg1, %eq3A : i32
    %convert_element_type3A = arith.extui %eq3A_246 : i1 to i32
    %cond3A = arith.constant 0 : i32
    %cond3A_247 = arith.cmpi ne, %convert_element_type3A, %cond3A : i32
    scf.if %cond3A_247 {
      "tpu.region"() ({
        %run_scoped3A = tpu.sem_alloc : memref<!tpu.dma_semaphore, #tpu.memory_space<semaphore_mem>>
        tpu.enqueue_dma source(%arg14 : memref<1024xf32, #tpu.memory_space<vmem_shared>>) target(%arg13 : memref<1024xf32, #tpu.memory_space<vmem>>) target_semaphore(%run_scoped3A : memref<!tpu.dma_semaphore, #tpu.memory_space<semaphore_mem>>)
        tpu.wait_dma2 semaphore(%run_scoped3A : memref<!tpu.dma_semaphore, #tpu.memory_space<semaphore_mem>>) src(%arg14 : memref<1024xf32, #tpu.memory_space<vmem_shared>>) dst(%arg13 : memref<1024xf32, #tpu.memory_space<vmem>>)
        tpu.yield
      }) : () -> ()
      %scan3A_248 = arith.constant 0 : i32
      %scan3A_249 = arith.constant 16 : i32
      %scan3A_250 = arith.addi %scan3A_248, %scan3A_249 : i32
      %scan3A_251 = arith.constant 1 : i32
      %scan3A_252:4 = scf.for %scan3A_262 = %scan3A_248 to %scan3A_250 step %scan3A_251 iter_args(%scan3A_263 = %broadcast_in_dim3A_112, %scan3A_264 = %broadcast_in_dim3A_112, %scan3A_265 = %broadcast_in_dim3A_112, %scan3A_266 = %broadcast_in_dim3A_112) -> (vector<16xf32>, vector<16xf32>, vector<16xf32>, vector<16xf32>)  : i32 {
        %mul3A_267 = arith.constant 64 : i32
        %mul3A_268 = arith.muli %scan3A_262, %mul3A_267 : i32
        %get3A = arith.index_cast %mul3A_268 : i32 to index
        %get3A_269 = tpu.vector_load %arg13[%get3A] {strides = array<i32>} : memref<1024xf32, #tpu.memory_space<vmem>>, vector<16xf32>,
        %add3A_270 = arith.addf %scan3A_263, %get3A_269 : vector<16xf32>
        %add3A_271 = arith.constant 16 : i32
        %add3A_272 = arith.addi %mul3A_268, %add3A_271 : i32
        %get3A_273 = arith.index_cast %add3A_272 : i32 to index
        %get3A_274 = tpu.vector_load %arg13[%get3A_273] {strides = array<i32>} : memref<1024xf32, #tpu.memory_space<vmem>>, vector<16xf32>,
        %add3A_275 = arith.addf %scan3A_264, %get3A_274 : vector<16xf32>
        %add3A_276 = arith.constant 32 : i32
        %add3A_277 = arith.addi %mul3A_268, %add3A_276 : i32
        %get3A_278 = arith.index_cast %add3A_277 : i32 to index
        %get3A_279 = tpu.vector_load %arg13[%get3A_278] {strides = array<i32>} : memref<1024xf32, #tpu.memory_space<vmem>>, vector<16xf32>,
        %add3A_280 = arith.addf %scan3A_265, %get3A_279 : vector<16xf32>
        %add3A_281 = arith.constant 48 : i32
        %add3A_282 = arith.addi %mul3A_268, %add3A_281 : i32
        %get3A_283 = arith.index_cast %add3A_282 : i32 to index
        %get3A_284 = tpu.vector_load %arg13[%get3A_283] {strides = array<i32>} : memref<1024xf32, #tpu.memory_space<vmem>>, vector<16xf32>,
        %add3A_285 = arith.addf %scan3A_266, %get3A_284 : vector<16xf32>
        scf.yield %add3A_270, %add3A_275, %add3A_280, %add3A_285 : vector<16xf32>, vector<16xf32>, vector<16xf32>, vector<16xf32>
      }
      %scan3A_253 = arith.constant 16 : i32
      %swap3A_254 = arith.constant 0 : index
      %swap3A_255 = tpu.vector_load %arg12[%swap3A_254] {strides = array<i32>} : memref<64xf32, #tpu.memory_space<vmem>>, vector<16xf32>,
      tpu.vector_store %arg12[%swap3A_254], %scan3A_252#0 {strides = array<i32>} : memref<64xf32, #tpu.memory_space<vmem>>, vector<16xf32>,
      %swap3A_256 = arith.constant 16 : index
      %swap3A_257 = tpu.vector_load %arg12[%swap3A_256] {strides = array<i32>} : memref<64xf32, #tpu.memory_space<vmem>>, vector<16xf32>,
      tpu.vector_store %arg12[%swap3A_256], %scan3A_252#1 {strides = array<i32>} : memref<64xf32, #tpu.memory_space<vmem>>, vector<16xf32>,
      %swap3A_258 = arith.constant 32 : index
      %swap3A_259 = tpu.vector_load %arg12[%swap3A_258] {strides = array<i32>} : memref<64xf32, #tpu.memory_space<vmem>>, vector<16xf32>,
      tpu.vector_store %arg12[%swap3A_258], %scan3A_252#2 {strides = array<i32>} : memref<64xf32, #tpu.memory_space<vmem>>, vector<16xf32>,
      %swap3A_260 = arith.constant 48 : index
      %swap3A_261 = tpu.vector_load %arg12[%swap3A_260] {strides = array<i32>} : memref<64xf32, #tpu.memory_space<vmem>>, vector<16xf32>,
      tpu.vector_store %arg12[%swap3A_260], %scan3A_252#3 {strides = array<i32>} : memref<64xf32, #tpu.memory_space<vmem>>, vector<16xf32>,
      "tpu.region"() ({
        %run_scoped3A = tpu.sem_alloc : memref<!tpu.dma_semaphore, #tpu.memory_space<semaphore_mem>>
        %dma_start3A_262 = arith.constant 0 : i32
        %dma_start3A_263 = tpu.memref_slice %arg6[%arg0, %dma_start3A_262] : memref<2x64xf32, #tpu.memory_space<hbm>> -> memref<1x64xf32, #tpu.memory_space<hbm>>
        %dma_start3A_264 = tpu.memref_squeeze %dma_start3A_263 : memref<1x64xf32, #tpu.memory_space<hbm>> -> memref<64xf32, #tpu.memory_space<hbm>>
        %dma_start3A_265 = arith.constant 0 : i32
        %dma_start3A_266 = tpu.memref_slice %arg6[%arg0, %dma_start3A_265] : memref<2x64xf32, #tpu.memory_space<hbm>> -> memref<1x64xf32, #tpu.memory_space<hbm>>
        %dma_start3A_267 = tpu.memref_squeeze %dma_start3A_266 : memref<1x64xf32, #tpu.memory_space<hbm>> -> memref<64xf32, #tpu.memory_space<hbm>>
        tpu.enqueue_dma source(%arg12 : memref<64xf32, #tpu.memory_space<vmem>>) target(%dma_start3A_267 : memref<64xf32, #tpu.memory_space<hbm>>) target_semaphore(%run_scoped3A : memref<!tpu.dma_semaphore, #tpu.memory_space<semaphore_mem>>)
        %dma_wait3A_268 = arith.constant 0 : i32
        %dma_wait3A_269 = tpu.memref_slice %arg6[%arg0, %dma_wait3A_268] : memref<2x64xf32, #tpu.memory_space<hbm>> -> memref<1x64xf32, #tpu.memory_space<hbm>>
        %dma_wait3A_270 = tpu.memref_squeeze %dma_wait3A_269 : memref<1x64xf32, #tpu.memory_space<hbm>> -> memref<64xf32, #tpu.memory_space<hbm>>
        %dma_wait3A_271 = arith.constant 0 : i32
        %dma_wait3A_272 = tpu.memref_slice %arg6[%arg0, %dma_wait3A_271] : memref<2x64xf32, #tpu.memory_space<hbm>> -> memref<1x64xf32, #tpu.memory_space<hbm>>
        %dma_wait3A_273 = tpu.memref_squeeze %dma_wait3A_272 : memref<1x64xf32, #tpu.memory_space<hbm>> -> memref<64xf32, #tpu.memory_space<hbm>>
        tpu.wait_dma2 semaphore(%run_scoped3A : memref<!tpu.dma_semaphore, #tpu.memory_space<semaphore_mem>>) src(%arg12 : memref<64xf32, #tpu.memory_space<vmem>>) dst(%dma_wait3A_273 : memref<64xf32, #tpu.memory_space<hbm>>)
        tpu.yield
      }) : () -> ()
    } else {
    }
    return
  }
}

</mosaic_0001>

<sc_bundles>
// kernel: kernel.3.cloned.1.call-start
scs
__scs_entry_jumppad:
0x0: {  	(pc) =	sbr.rel $0x88, $3  }
0x1: {  	(tag) =	ssettag $0x0;
	lr =	simm.s32 $0x1  }
0x2: {  	[smem:$0x3F9D] =	sst lr;
	_ =	strace $0xD0000000  }
0x3: {  	_ = 	snop  }
0x4: {  	_ = 	snop  }
0x5: {  	_ = 	snop  }
0x6: {  	_ = 	snop  }
0x7: {  	_ = 	snop  }
__scs_overlays_trampoline_lowered:
0x8: {  	[smem:$0x3FAC] =	sst s0  }
0x9: {  	[smem:$0x3FAD] =	sst s1  }
0xa: {  	[smem:$0x3FAE] =	sst s2  }
0xb: {  	[smem:$0x3FAF] =	sst s3  }
0xc: {  	[smem:$0x3FB0] =	sst s4  }
0xd: {  	[smem:$0x3FB1] =	sst s5  }
0xe: {  	[smem:$0x3FB2] =	sst s6  }
0xf: {  	[smem:$0x3FB3] =	sst s7  }
0x10: {  	[smem:$0x3FB4] =	sst s8  }
0x11: {  	[smem:$0x3FB5] =	sst s9;
	s0 =	simm.s32 @!p0 $0x0  }
0x12: {  	s1 =	sld [smem:$0x3F9B];
	s0 =	simm.s32 @p0 $0x1  }
0x13: {  	[smem:$0x3FB6] =	sst s0;
	s0 =	simm.s32 @!p1 $0x0  }
0x14: {  	s2 =	sld [smem:$0x3F9A];
	s0 =	simm.s32 @p1 $0x1  }
0x15: {  	[smem:$0x3FB7] =	sst s0;
	s0 =	simm.s32 @!p2 $0x0  }
0x16: {  	s3 =	sld [smem:$0x3FDB];
	s0 =	simm.s32 @p2 $0x1  }
0x17: {  	s4 =	simm.s32 $0x1BF5;
	[smem:$0x3FB9] =	sst s0  }
0x18: {  	s0 =	sld [smem:$0x3F9C];
	_ =	swait.ge [sflag:s4], $0x0  }
0x19: {  	s7 =	sld [smem:$0x3F9D]  }
0x1a: {  	s8 =	sadd.s32 $0xFFFFE003, lr  }
0x1b: {  	s9 =	sadd.s32 $0xFFFFFEF7, lr;
	s5 =	simm.s32 $0xFFFFFFFF;
	p2 =	slt.u32 s8, $0xFFFFF086  }
0x1c: {  	p1 =	slt.u32 s9, $0xF7A;
	s5 =	simm.s32 @!p2 $0x0  }
0x1d: {  	s5 =	simm.s32 @p1 $0x1;
	p0 =	seq.s32 s7, s2  }
0x1e: {  	s7 =	smul.u32 @!p0 $0xF7A, s2;
	p2 =	seq.s32 @!p0 s5, $0x0  }
0x1f: {  	s9 =	smul.u32 $0xF7A, s1;
	s8 =	simm.s32 @!p0 $0x1BF5;
	p2 =	por !p2, p0  }
0x20: {  	[sflag:s8] =	ssyncset.s32 @!p0 $0xFFFFF086;
	s6 =	sadd.s32 @!p0 s3, s7;
	s7 =	simm.s32 @!p0 $0x108  }
0x21: {  	s3 =	sadd.s32 s3, s9;
	s6 =	sadd.s32 @!p0 $0x88, s6;
	s7 =	simm.s32 @p2 $0x1082  }
0x22: {  	[simem:s7], [sflag:s8] =	dma.local @!p0 [hbm:s6], $0xF7A  }
0x23: {  	s9 =	sor.u32 $0xD0000000, s2;
	s6 =	simm.s32 $0x108;
	_ =	swait.ge @!p0 [sflag:s8], $0x0  }
0x24: {  	s3 =	sadd.s32 $0x88, s3;
	s6 =	simm.s32 @!p1 $0x1082;
	[sflag:s4] =	ssyncset.s32 $0xFFFFF086  }
0x25: {  	[simem:s6], [sflag:s4] =	dma.local [hbm:s3], $0xF7A  }
0x26: {  	[smem:$0x3F9D] =	sst s1;
	(tag) =	ssettag s2;
	_ =	strace s9  }
0x27: {  	s1 =	sld [smem:$0x3FAD]  }
0x28: {  	s2 =	sld [smem:$0x3FAE]  }
0x29: {  	s4 =	sld [smem:$0x3FB0]  }
0x2a: {  	p0 =	seq.s32 s5, $0x0;
	s5 =	sld [smem:$0x3FB1]  }
0x2b: {  	s6 =	sld [smem:$0x3FB2]  }
0x2c: {  	s7 =	sld [smem:$0x3FB3]  }
0x2d: {  	s3 =	simm.s32 $0x108;
	s8 =	sld [smem:$0x3FB4]  }
0x2e: {  	s3 =	simm.s32 @!p0 $0x1082;
	s9 =	sld [smem:$0x3FB5]  }
0x2f: {  	lr =	sadd.s32 s0, s3;
	s0 =	sld [smem:$0x3FAC]  }
0x30: {  	s3 =	sld [smem:$0x3FAF]  }
0x31: {  	[smem:$0x3FB8] =	sst s10  }
0x32: {  	s10 =	sld [smem:$0x3FB6];
	_ =	sdelay $0x3  }
0x33: {  	p0 =	seq.s32 s10, $0x1;
	s10 =	sld [smem:$0x3FB8];
	_ =	sdelay $0x3  }
0x34: {  	[smem:$0x3FB8] =	sst s10  }
0x35: {  	s10 =	sld [smem:$0x3FB7];
	_ =	sdelay $0x3  }
0x36: {  	p1 =	seq.s32 s10, $0x1;
	s10 =	sld [smem:$0x3FB8];
	_ =	sdelay $0x3  }
0x37: {  	[smem:$0x3FB8] =	sst s10  }
0x38: {  	s10 =	sld [smem:$0x3FB9]  }
0x39: {  	_ = 	snop;
	(pc) =	sbr.ind lr, $3  }
0x3a: {  	_ = 	snop  }
0x3b: {  	_ = 	snop  }
0x3c: {  	p2 =	seq.s32 s10, $0x1;
	s10 =	sld [smem:$0x3FB8]  }
0x3d: {  	_ =	shalt  }
0x3e: {  	_ =	shalt  }
0x3f: {  	_ =	shalt  }
0x40: {  	_ =	shalt  }
0x41: {  	_ =	shalt  }
0x42: {  	_ =	shalt  }
0x43: {  	_ =	shalt  }
0x44: {  	_ =	shalt  }
0x45: {  	_ =	shalt  }
0x46: {  	_ =	shalt  }
0x47: {  	_ =	shalt  }
0x48: {  	_ =	shalt  }
0x49: {  	_ =	shalt  }
0x4a: {  	_ =	shalt  }
0x4b: {  	_ =	shalt  }
0x4c: {  	_ =	shalt  }
0x4d: {  	_ =	shalt  }
0x4e: {  	_ =	shalt  }
0x4f: {  	_ =	shalt  }
0x50: {  	_ =	shalt  }
0x51: {  	_ =	shalt  }
0x52: {  	_ =	shalt  }
0x53: {  	_ =	shalt  }
0x54: {  	_ =	shalt  }
0x55: {  	_ =	shalt  }
0x56: {  	_ =	shalt  }
0x57: {  	_ =	shalt  }
0x58: {  	_ =	shalt  }
0x59: {  	_ =	shalt  }
0x5a: {  	_ =	shalt  }
0x5b: {  	_ =	shalt  }
0x5c: {  	_ =	shalt  }
0x5d: {  	_ =	shalt  }
0x5e: {  	_ =	shalt  }
0x5f: {  	_ =	shalt  }
0x60: {  	_ =	shalt  }
0x61: {  	_ =	shalt  }
0x62: {  	_ =	shalt  }
0x63: {  	_ =	shalt  }
0x64: {  	_ =	shalt  }
0x65: {  	_ =	shalt  }
0x66: {  	_ =	shalt  }
0x67: {  	_ =	shalt  }
0x68: {  	_ =	shalt  }
0x69: {  	_ =	shalt  }
0x6a: {  	_ =	shalt  }
0x6b: {  	_ =	shalt  }
0x6c: {  	_ =	shalt  }
0x6d: {  	_ =	shalt  }
0x6e: {  	_ =	shalt  }
0x6f: {  	_ =	shalt  }
0x70: {  	_ =	shalt  }
0x71: {  	_ =	shalt  }
0x72: {  	_ =	shalt  }
0x73: {  	_ =	shalt  }
0x74: {  	_ =	shalt  }
0x75: {  	_ =	shalt  }
0x76: {  	_ =	shalt  }
0x77: {  	_ =	shalt  }
0x78: {  	_ =	shalt  }
0x79: {  	_ =	shalt  }
0x7a: {  	_ =	shalt  }
0x7b: {  	_ =	shalt  }
0x7c: {  	_ =	shalt  }
0x7d: {  	_ =	shalt  }
0x7e: {  	_ =	shalt  }
0x7f: {  	_ =	shalt  }
0x80: {  	_ =	shalt  }
0x81: {  	_ =	shalt  }
0x82: {  	_ =	shalt  }
0x83: {  	_ =	shalt  }
0x84: {  	_ =	shalt  }
0x85: {  	_ =	shalt  }
0x86: {  	_ =	shalt  }
0x87: {  	_ =	shalt  }
.Lfunc_end0:
.L_simem_size_0:
called_computation_lowered:
.L_overlay_start_0:
0x88: {  	s2 =	sld [smem:$0x3FD9]  }
0x89: {  	s3 =	sld [smem:$0x3FFE];
	_ =	sdelay $0x1  }
0x8a: {  	s1 =	srdreg.scid  }
0x8b: {  	s0 =	sand.u32 $0x1, s1  }
0x8c: {  	s17 =	sshll.u32 s0, $0xA;
	s2 =	sadd.s32 s3, s2  }
0x8d: {  	s2 =	sadd.s32 s2, s17  }
0x8e: {  	[smem:$0x3FC4] =	sst s2  }
0x8f: {  	_ = 	snop  }
0x90: {  	s2 =	sld [smem:$0x3FC9]  }
0x91: {  	s18 =	sld [smem:$0x3FC7]  }
0x92: {  	s4 =	sld [smem:$0x3FC6];
	(tm) =	ssettm $0x1  }
0x93: {  	s5 =	sld [smem:$0x3FFB];
	_ =	sdelay $0x3  }
0x94: {  	_ =	strace s5  }
0x95: {  	s5 =	sld [smem:$0x3FFC];
	_ =	sdelay $0x3  }
0x96: {  	_ =	strace s5  }
0x97: {  	s5 =	sld [smem:$0x3FFD];
	_ =	sdelay $0x3  }
0x98: {  	_ =	strace s5  }
0x99: {  	_ =	strace $0x8FFFFFFF  }
0x9a: {  	s19 =	sld [smem:$0x3FDB];
	_ =	sdelay $0x1  }
0x9b: {  	s6 =	simm.s32 $_scs_section_size  }
0x9c: {  	s7 =	simm.s32 $_size__tile_overlayer_lowered;
	s8 =	simm.s32 $_tile_overlayer_lowered  }
0x9d: {  	s22 =	simm.s32 $0x1BFF;
	s21 =	sshll.u32 s8, $0x1;
	s5 =	sadd.s32 s6, s19  }
0x9e: {  	s9 =	simm.s32 $0x0;
	s20 =	sshll.u32 s7, $0x1;
	s7 =	sadd.s32 s21, s5  }
0x9f: {  	[timem:s9], [sflag:s22] =	dma.local [hbm:s7], s20  }
0xa0: {  	_ =	swait.ge [sflag:s22], s20  }
0xa1: {  	s6 =	ssub.s32 $0x0, s20;
	[sflag:s22] =	ssyncset.done $0x0  }
0xa2: {  	[sflag:s22] =	ssyncadd.s32 s6;
	_ =	sdelay $0x1  }
0xa3: {  	s23 =	simm.s32 $0x1B8B  }
0xa4: {  	_ =	swait.ge [sflag:s23], $0x1  }
0xa5: {  	[sflag:s23] =	ssyncset.done $0x0  }
0xa6: {  	s25 =	simm.s32 $0x1B8E;
	s24 =	sld [smem:$0x3FFE];
	[sflag:s23] =	ssyncadd.s32 $0xFFFFFFFF  }
0xa7: {  	s26 =	simm.s32 $execute0_lowered;
	[smem:$0x3FD2] =	sst s25  }
0xa8: {  	s7 =	sshll.u32 s26, $0x1;
	_ =	strace $0x80000046;
	[dreg:$0x1] =	wrdreg $0xFFFFFFFF  }
0xa9: {  	s28 =	simm.s32 $_size_execute0_lowered;
	s5 =	sadd.s32 s5, s7;
	[dreg:$0x0] =	wrdreg $0x0  }
0xaa: {  	s7 =	sshll.u32 s28, $0x1;
	[dreg:$0x2] =	wrdreg s5  }
0xab: {  	[dreg:$0x3] =	wrdreg s7  }
0xac: {  	[dreg:$0x4] =	wrdreg $0xC0  }
0xad: {  	_ =	task [dreg:s9], $0x5FFFF  }
0xae: {  	[dreg:$0x1] =	wrdreg $0xFFFFFFFF  }
0xaf: {  	[dreg:$0x0] =	wrdreg $0x60  }
0xb0: {  	[dreg:$0x2] =	wrdreg s2  }
0xb1: {  	[dreg:$0x3] =	wrdreg s24  }
0xb2: {  	[dreg:$0x4] =	wrdreg s18  }
0xb3: {  	[dreg:$0x5] =	wrdreg s4  }
0xb4: {  	[dreg:$0x6] =	wrdreg $0x106800  }
0xb5: {  	[dreg:$0x7] =	wrdreg $0x9  }
0xb6: {  	_ =	task.clear_ibuf [dreg:s9], $0x8FFFF;
	_ =	strace $0x90000046  }
0xb7: {  	s29 =	simm.s32 $0x9;
	_ =	strace $0x80000048  }
0xb8: {  	_ =	swait.ge [sflag:s29], $0x1  }
0xb9: {  	[sflag:s29] =	ssyncadd.s32 $0xFFFFFFFF  }
0xba: {  	_ =	strace $0x90000048  }
0xbb: {  	_ =	sfence  }
0xbc: {  	s30 =	sld [smem:$0x0];
	_ =	sdelay $0x2  }
0xbd: {  	s31 =	sshll.u32 s1, $0xD;
	s1 =	sshrl.u32 s1, $0x2  }
0xbe: {  	s3 =	sand.u32 $0x4000, s31;
	s1 =	sadd.s32 s1, s30  }
0xbf: {  	s0 =	sor.u32 s3, s0;
	s1 =	sshll.u32 s1, $0x11  }
0xc0: {  	s0 =	sor.u32 s1, s0  }
0xc1: {  	s0 =	sadd.s32 $0x8F2B, s0  }
0xc2: {  	[sflag:s0] =	ssyncadd.remote.s32 $0x1  }
0xc3: {  	_ =	sfence.sel $0xFFFF  }
0xc4: {  	[dreg:$0x0] =	wrdreg $0xFFFFFFFF;
	(pc) =	sbr.abs _section_cstart, $3  }
0xc5: {  	[dreg:$0x1] =	wrdreg $0xFFFFFFFF  }
0xc6: {  	_ =	task.clear_ibuf [dreg:s9], $0x2FFFF;
	_ =	strace $0x9FFFFFFF  }
0xc7: {  	(tm) =	ssettm $0x7FFFFFFF  }
tec
execute0_lowered:
.L_overlay_start_1:
0x0: {  	(tag) =	ssettag $0x1  }
0x1: {  	s1 =	rddreg [dreg:$0x0]  }
0x2: {  	s0 =	rddreg [dreg:$0x1]  }
0x3: {  	s2 =	rddreg [dreg:$0x2]  }
0x4: {  	s6 =	rddreg [dreg:$0x3]  }
0x5: {  	s11 =	rddreg [dreg:$0x4]  }
0x6: {  	s4 =	srdreg.scid;
	s3 =	simm.s32 $0x0;
	s8 =	stileid.u32  }
0x7: {  	s12 =	simm.s32 $0x2;
	s13 =	simm.s32 $0x200;
	s14 =	simm.s32 $0x800  }
0x8: {  	s23 =	simm.s32 $0x6200;
	s28 =	simm.s32 $0x7200;
	s29 =	simm.s32 $0x3A00  }
0x9: {  	s30 =	simm.s32 $0x7A00;
	s31 =	simm.s32 $0x1;
	s15 =	simm.s32 $0x8  }
0xa: {  	s16 =	simm.s32 $0x9;
	s17 =	simm.s32 $0x10200;
	s18 =	simm.s32 $0xA  }
0xb: {  	s19 =	simm.s32 $0x0;
	s4 =	sand.u32 $0x1, s4;
	[smem:$0x7FF] =	sst s3  }
0xc: {  	s7 =	sshll.u32 s8, $0x8;
	p0 =	sne.s32 s8, $0x0;
	s8 =	simm.s32 $0x5  }
0xd: {  	s5 =	sshll.u32 s4, $0xC;
	_ =	strace $0x80000047;
	s10 =	sshll.u32 s4, $0x4  }
0xe: {  	s4 =	ssub.s32 $0x2, s4;
	s26 =	sshrl.u32 s7, $0x2;
	s5 =	sor.u32 s7, s5  }
0xf: {  	s24 =	sshrl.u32 s4, $0x1;
	s7 =	sadd.s32 s26, s11;
	s26 =	simm.s32 $0x3200  }
0x10: {  	s11 =	simm.s32 $0x7;
	s9 =	sshll.u32 s5, $0x4;
	s25 =	sshrl.u32 s5, $0x3  }
.Ltmp0:
0x11: {  	s9 =	sadd.s32 s9, s0;
	s0 =	sadd.s32 s10, s0;
	(pc) =	sbr.rel .LBB2_1-.Ltmp0, $4  }
0x12: {  	s10 =	ssub.s32 s4, s24;
	s5 =	sadd.s32 s2, s25;
	s6 =	sadd.s32 s6, s25  }
0x13: {  	s24 =	simm.s32 $0x2A00;
	s25 =	simm.s32 $0x6A00;
	s2 =	simm.s32 $0x4  }
0x14: {  	v0 =	vlaneseq.u32;
	s4 =	sadd.s32 $0x400, s9;
	s0 =	sadd.s32 $0x20400, s0;
	s9 =	smax.u32 s10, $0x1  }
0x15: {  	v0 =	vmul.u32 $0x40, v0;
	s10 =	simm.s32 $0x6;
	[dreg:$0x6] =	wrdreg s0;
	s0 =	simm.s32 $0x3  }
.LBB2_36:
0x16: {  	v3 =	vadd.f32 v3, v6  }
0x17: {  	v4 =	vadd.f32 v4, v7  }
0x18: {  	v5 =	vadd.f32 v5, v8;
	[tilespmem:$0x10200] =	vst v3  }
0x19: {  	v1 =	vadd.f32 v2, v1;
	[tilespmem:$0x10210] =	vst v4  }
0x1a: {  	[tilespmem:$0x10220] =	vst v5  }
0x1b: {  	s20 =	rddreg [dreg:$0x6];
	[tilespmem:$0x10230] =	vst v1  }
0x1c: {  	[hbm4b:s20+s3] =	stream.linear.scatter [tilespmem:s17], [sflag:$0xA], $0x80, $0x38;
	[tilespmem:$0x106C0] =	vst v63  }
0x1d: {  	_ =	swait.ge [sflag:s18], $0x80  }
0x1e: {  	[sflag:s18] =	ssyncset.done $0x0  }
0x1f: {  	[sflag:s18] =	ssyncadd.s32 $0xFFFFFF80  }
.LBB2_37:
0x20: {  	s19 =	sadd.s32 $0x1, s19  }
0x21: {  	p1 =	sne.s32 s19, s9  }
.Ltmp1:
0x22: {  	_ = 	snop;
	(pc) =	sbr.rel @!p1 .LBB2_38-.Ltmp1, $1  }
0x23: {  	_ =	sdelay $0x3  }
.LBB2_1:
0x24: {  	s20 =	simm.s32 $0x8200  }
0x25: {  	[tilespmem:s20], [sflag:$0x1] =	stream.linear.gather [hbm4b:s4+s3], $0x8000, $0x38;
	[tilespmem:$0x106C0] =	vst v63  }
0x26: {  	_ = 	snop  }
0x27: {  	[tilespmem:s3], [sflag:$0x2] =	stream.linear.gather [hbm4b:s5+s3], $0x100, $0x38;
	[tilespmem:$0x106C0] =	vst v63  }
0x28: {  	s22 =	simm.s32 $0x100  }
0x29: {  	[tilespmem:s22], [sflag:$0x2] =	stream.linear.gather [hbm4b:s6+s3], $0x100, $0x38;
	[tilespmem:$0x106C0] =	vst v63  }
0x2a: {  	_ =	swait.ge [sflag:s12], $0x100  }
0x2b: {  	[sflag:s12] =	ssyncset.done $0x0  }
0x2c: {  	[sflag:s12] =	ssyncadd.s32 $0xFFFFFF00  }
0x2d: {  	_ =	swait.ge [sflag:s12], $0x100  }
0x2e: {  	[sflag:s12] =	ssyncset.done $0x0  }
0x2f: {  	p1 =	por $0x1, $0x1;
	s20 =	simm.s32 $0x0;
	[sflag:s12] =	ssyncadd.s32 $0xFFFFFF00  }
.LBB2_2:
0x30: {  	v1 =	vld [tilespmem:s20+$0x100];
	v2 =	vmov s20  }
0x31: {  	v3 =	vld [tilespmem:s20+$0x0];
	v2 =	vshll.u32 v2, $0x6  }
0x32: {  	v2 =	vor.u32 v0, v2  }
0x33: {  	v4 =	vor.u32 $0x1, v2  }
0x34: {  	v5 =	vor.u32 $0x2, v2  }
0x35: {  	v6 =	vor.u32 $0x3, v2;
	v1 =	vshll.u32 v1, $0x14  }
0x36: {  	v1 =	vadd.s32 v3, v1;
	v3 =	vor.u32 $0x4, v2  }
0x37: {  	v8 =	vor.u32 $0x5, v2;
	[tilespmem:v2+s13+$0x0] =	vst.idx.msk $0xffff, v1;
	v7 =	vadd.s32 $0x4000, v1  }
0x38: {  	v57 =	vor.u32 $0x6, v2;
	v56 =	vadd.s32 $0x8000, v1;
	[tilespmem:v4+s13+$0x0] =	vst.idx.msk $0xffff, v7  }
0x39: {  	v59 =	vor.u32 $0x7, v2;
	v58 =	vadd.s32 $0xC000, v1;
	[tilespmem:v5+s13+$0x0] =	vst.idx.msk $0xffff, v56  }
0x3a: {  	v61 =	vor.u32 $0x8, v2;
	v60 =	vadd.s32 $0x10000, v1;
	[tilespmem:v6+s13+$0x0] =	vst.idx.msk $0xffff, v58  }
0x3b: {  	v62 =	vor.u32 $0x9, v2;
	[tilespmem:v3+s13+$0x0] =	vst.idx.msk $0xffff, v60;
	v3 =	vadd.s32 $0x14000, v1  }
0x3c: {  	v63 =	vor.u32 $0xA, v2;
	[tilespmem:v8+s13+$0x0] =	vst.idx.msk $0xffff, v3;
	v3 =	vadd.s32 $0x18000, v1  }
0x3d: {  	v12 =	vor.u32 $0xB, v2;
	[tilespmem:v57+s13+$0x0] =	vst.idx.msk $0xffff, v3;
	v3 =	vadd.s32 $0x1C000, v1  }
0x3e: {  	v13 =	vor.u32 $0xC, v2;
	[tilespmem:v59+s13+$0x0] =	vst.idx.msk $0xffff, v3;
	v3 =	vadd.s32 $0x20000, v1  }
0x3f: {  	v14 =	vor.u32 $0xD, v2;
	[tilespmem:v61+s13+$0x0] =	vst.idx.msk $0xffff, v3;
	v3 =	vadd.s32 $0x24000, v1  }
0x40: {  	v15 =	vor.u32 $0xE, v2;
	[tilespmem:v62+s13+$0x0] =	vst.idx.msk $0xffff, v3;
	v3 =	vadd.s32 $0x28000, v1  }
0x41: {  	v16 =	vor.u32 $0xF, v2;
	[tilespmem:v63+s13+$0x0] =	vst.idx.msk $0xffff, v3;
	v3 =	vadd.s32 $0x2C000, v1  }
0x42: {  	v17 =	vor.u32 $0x10, v2;
	[tilespmem:v12+s13+$0x0] =	vst.idx.msk $0xffff, v3;
	v3 =	vadd.s32 $0x30000, v1  }
0x43: {  	v18 =	vor.u32 $0x11, v2;
	[tilespmem:v13+s13+$0x0] =	vst.idx.msk $0xffff, v3;
	v3 =	vadd.s32 $0x34000, v1  }
0x44: {  	v19 =	vor.u32 $0x12, v2;
	[tilespmem:v14+s13+$0x0] =	vst.idx.msk $0xffff, v3;
	v3 =	vadd.s32 $0x38000, v1  }
0x45: {  	v20 =	vor.u32 $0x13, v2;
	[tilespmem:v15+s13+$0x0] =	vst.idx.msk $0xffff, v3;
	v3 =	vadd.s32 $0x3C000, v1  }
0x46: {  	v21 =	vor.u32 $0x14, v2;
	[tilespmem:v16+s13+$0x0] =	vst.idx.msk $0xffff, v3;
	v3 =	vadd.s32 $0x40000, v1  }
0x47: {  	v22 =	vor.u32 $0x15, v2;
	[tilespmem:v17+s13+$0x0] =	vst.idx.msk $0xffff, v3;
	v3 =	vadd.s32 $0x44000, v1  }
0x48: {  	v23 =	vor.u32 $0x16, v2;
	[tilespmem:v18+s13+$0x0] =	vst.idx.msk $0xffff, v3;
	v3 =	vadd.s32 $0x48000, v1  }
0x49: {  	v24 =	vor.u32 $0x17, v2;
	[tilespmem:v19+s13+$0x0] =	vst.idx.msk $0xffff, v3;
	v3 =	vadd.s32 $0x4C000, v1  }
0x4a: {  	v25 =	vor.u32 $0x18, v2;
	[tilespmem:v20+s13+$0x0] =	vst.idx.msk $0xffff, v3;
	v3 =	vadd.s32 $0x50000, v1  }
0x4b: {  	v26 =	vor.u32 $0x19, v2;
	[tilespmem:v21+s13+$0x0] =	vst.idx.msk $0xffff, v3;
	v3 =	vadd.s32 $0x54000, v1  }
0x4c: {  	v27 =	vor.u32 $0x1A, v2;
	[tilespmem:v22+s13+$0x0] =	vst.idx.msk $0xffff, v3;
	v3 =	vadd.s32 $0x58000, v1  }
0x4d: {  	v28 =	vor.u32 $0x1B, v2;
	[tilespmem:v23+s13+$0x0] =	vst.idx.msk $0xffff, v3;
	v3 =	vadd.s32 $0x5C000, v1  }
0x4e: {  	v29 =	vor.u32 $0x1C, v2;
	[tilespmem:v24+s13+$0x0] =	vst.idx.msk $0xffff, v3;
	v3 =	vadd.s32 $0x60000, v1  }
0x4f: {  	v30 =	vor.u32 $0x1D, v2;
	[tilespmem:v25+s13+$0x0] =	vst.idx.msk $0xffff, v3;
	v3 =	vadd.s32 $0x64000, v1  }
0x50: {  	v31 =	vor.u32 $0x1E, v2;
	[tilespmem:v26+s13+$0x0] =	vst.idx.msk $0xffff, v3;
	v3 =	vadd.s32 $0x68000, v1  }
0x51: {  	v32 =	vor.u32 $0x1F, v2;
	[tilespmem:v27+s13+$0x0] =	vst.idx.msk $0xffff, v3;
	v3 =	vadd.s32 $0x6C000, v1  }
0x52: {  	v33 =	vor.u32 $0x20, v2;
	[tilespmem:v28+s13+$0x0] =	vst.idx.msk $0xffff, v3;
	v3 =	vadd.s32 $0x70000, v1  }
0x53: {  	v34 =	vor.u32 $0x21, v2;
	[tilespmem:v29+s13+$0x0] =	vst.idx.msk $0xffff, v3;
	v3 =	vadd.s32 $0x74000, v1  }
0x54: {  	v35 =	vor.u32 $0x22, v2;
	[tilespmem:v30+s13+$0x0] =	vst.idx.msk $0xffff, v3;
	v3 =	vadd.s32 $0x78000, v1  }
0x55: {  	v36 =	vor.u32 $0x23, v2;
	[tilespmem:v31+s13+$0x0] =	vst.idx.msk $0xffff, v3;
	v3 =	vadd.s32 $0x7C000, v1  }
0x56: {  	v37 =	vor.u32 $0x24, v2;
	[tilespmem:v32+s13+$0x0] =	vst.idx.msk $0xffff, v3;
	v3 =	vadd.s32 $0x80000, v1  }
0x57: {  	v38 =	vor.u32 $0x25, v2;
	[tilespmem:v33+s13+$0x0] =	vst.idx.msk $0xffff, v3;
	v3 =	vadd.s32 $0x84000, v1  }
0x58: {  	v39 =	vor.u32 $0x26, v2;
	[tilespmem:v34+s13+$0x0] =	vst.idx.msk $0xffff, v3;
	v3 =	vadd.s32 $0x88000, v1  }
0x59: {  	v40 =	vor.u32 $0x27, v2;
	[tilespmem:v35+s13+$0x0] =	vst.idx.msk $0xffff, v3;
	v3 =	vadd.s32 $0x8C000, v1  }
0x5a: {  	v41 =	vor.u32 $0x28, v2;
	[tilespmem:v36+s13+$0x0] =	vst.idx.msk $0xffff, v3;
	v3 =	vadd.s32 $0x90000, v1  }
0x5b: {  	v42 =	vor.u32 $0x29, v2;
	[tilespmem:v37+s13+$0x0] =	vst.idx.msk $0xffff, v3;
	v3 =	vadd.s32 $0x94000, v1  }
0x5c: {  	v43 =	vor.u32 $0x2A, v2;
	[tilespmem:v38+s13+$0x0] =	vst.idx.msk $0xffff, v3;
	v3 =	vadd.s32 $0x98000, v1  }
0x5d: {  	v44 =	vor.u32 $0x2B, v2;
	[tilespmem:v39+s13+$0x0] =	vst.idx.msk $0xffff, v3;
	v3 =	vadd.s32 $0x9C000, v1  }
0x5e: {  	v45 =	vor.u32 $0x2C, v2;
	[tilespmem:v40+s13+$0x0] =	vst.idx.msk $0xffff, v3;
	v3 =	vadd.s32 $0xA0000, v1  }
0x5f: {  	v46 =	vor.u32 $0x2D, v2;
	[tilespmem:v41+s13+$0x0] =	vst.idx.msk $0xffff, v3;
	v3 =	vadd.s32 $0xA4000, v1  }
0x60: {  	v47 =	vor.u32 $0x2E, v2;
	[tilespmem:v42+s13+$0x0] =	vst.idx.msk $0xffff, v3;
	v3 =	vadd.s32 $0xA8000, v1  }
0x61: {  	v48 =	vor.u32 $0x2F, v2;
	[tilespmem:v43+s13+$0x0] =	vst.idx.msk $0xffff, v3;
	v3 =	vadd.s32 $0xAC000, v1  }
0x62: {  	v49 =	vor.u32 $0x30, v2;
	[tilespmem:v44+s13+$0x0] =	vst.idx.msk $0xffff, v3;
	v3 =	vadd.s32 $0xB0000, v1  }
0x63: {  	v50 =	vor.u32 $0x31, v2;
	[tilespmem:v45+s13+$0x0] =	vst.idx.msk $0xffff, v3;
	v3 =	vadd.s32 $0xB4000, v1  }
0x64: {  	v51 =	vor.u32 $0x32, v2;
	[tilespmem:v46+s13+$0x0] =	vst.idx.msk $0xffff, v3;
	v3 =	vadd.s32 $0xB8000, v1  }
0x65: {  	v52 =	vor.u32 $0x33, v2;
	[tilespmem:v47+s13+$0x0] =	vst.idx.msk $0xffff, v3;
	v3 =	vadd.s32 $0xBC000, v1  }
0x66: {  	v53 =	vor.u32 $0x34, v2;
	[tilespmem:v48+s13+$0x0] =	vst.idx.msk $0xffff, v3;
	v3 =	vadd.s32 $0xC0000, v1  }
0x67: {  	v54 =	vor.u32 $0x35, v2;
	[tilespmem:v49+s13+$0x0] =	vst.idx.msk $0xffff, v3;
	v3 =	vadd.s32 $0xC4000, v1  }
0x68: {  	v55 =	vor.u32 $0x36, v2;
	[tilespmem:v50+s13+$0x0] =	vst.idx.msk $0xffff, v3;
	v3 =	vadd.s32 $0xC8000, v1  }
0x69: {  	v56 =	vor.u32 $0x37, v2;
	[tilespmem:v51+s13+$0x0] =	vst.idx.msk $0xffff, v3;
	v3 =	vadd.s32 $0xCC000, v1  }
0x6a: {  	v57 =	vor.u32 $0x38, v2;
	[tilespmem:v52+s13+$0x0] =	vst.idx.msk $0xffff, v3;
	v3 =	vadd.s32 $0xD0000, v1  }
0x6b: {  	v58 =	vor.u32 $0x39, v2;
	[tilespmem:v53+s13+$0x0] =	vst.idx.msk $0xffff, v3;
	v3 =	vadd.s32 $0xD4000, v1  }
0x6c: {  	v59 =	vor.u32 $0x3A, v2;
	[tilespmem:v54+s13+$0x0] =	vst.idx.msk $0xffff, v3;
	v3 =	vadd.s32 $0xD8000, v1  }
0x6d: {  	v60 =	vor.u32 $0x3B, v2;
	[tilespmem:v55+s13+$0x0] =	vst.idx.msk $0xffff, v3;
	v3 =	vadd.s32 $0xDC000, v1  }
0x6e: {  	v61 =	vor.u32 $0x3C, v2;
	[tilespmem:v56+s13+$0x0] =	vst.idx.msk $0xffff, v3;
	v3 =	vadd.s32 $0xE0000, v1  }
0x6f: {  	v62 =	vor.u32 $0x3D, v2;
	[tilespmem:v57+s13+$0x0] =	vst.idx.msk $0xffff, v3;
	v3 =	vadd.s32 $0xE4000, v1  }
0x70: {  	v63 =	vor.u32 $0x3E, v2;
	[tilespmem:v58+s13+$0x0] =	vst.idx.msk $0xffff, v3;
	v3 =	vadd.s32 $0xE8000, v1  }
0x71: {  	p2 =	por p1, p1;
	v2 =	vor.u32 $0x3F, v2;
	[tilespmem:v59+s13+$0x0] =	vst.idx.msk $0xffff, v3;
	v3 =	vadd.s32 $0xEC000, v1  }
.Ltmp2:
0x72: {  	[tilespmem:v60+s13+$0x0] =	vst.idx.msk $0xffff, v3;
	v3 =	vadd.s32 $0xF0000, v1;
	(pc) =	sbr.rel @p2 .LBB2_2-.Ltmp2, $4  }
0x73: {  	[tilespmem:v61+s13+$0x0] =	vst.idx.msk $0xffff, v3;
	v3 =	vadd.s32 $0xF4000, v1  }
0x74: {  	[tilespmem:v62+s13+$0x0] =	vst.idx.msk $0xffff, v3;
	v3 =	vadd.s32 $0xF8000, v1  }
0x75: {  	v1 =	vadd.s32 $0xFC000, v1;
	[tilespmem:v63+s13+$0x0] =	vst.idx.msk $0xffff, v3  }
0x76: {  	s20 =	simm.s32 $0x10;
	p1 =	por $0x0, $0x0;
	[tilespmem:v2+s13+$0x0] =	vst.idx.msk $0xffff, v1  }
0x77: {  	s20 =	simm.s32 $0x4200  }
0x78: {  	[tilespmem:s20], [sflag:$0x2] =	stream.indirect.gather [hbm4b:s1+s14], $0x1, s13, s14, $0xb8;
	[tilespmem:$0x106C0] =	vst v63  }
0x79: {  	s21 =	simm.s32 $0x120;
	s22 =	simm.s32 $0x20;
	s20 =	simm.s32 $0x20  }
.LBB2_4:
0x7a: {  	v1 =	vld [tilespmem:s21+$0x0];
	v2 =	vmov s22  }
0x7b: {  	v3 =	vld [tilespmem:s20+$0x0];
	v2 =	vshll.u32 v2, $0x6  }
0x7c: {  	v2 =	vor.u32 v0, v2  }
0x7d: {  	v4 =	vor.u32 $0x1, v2  }
0x7e: {  	v5 =	vor.u32 $0x2, v2  }
0x7f: {  	v6 =	vor.u32 $0x3, v2;
	v1 =	vshll.u32 v1, $0x14  }
0x80: {  	v1 =	vadd.s32 v3, v1;
	v3 =	vor.u32 $0x4, v2  }
0x81: {  	v8 =	vor.u32 $0x5, v2;
	[tilespmem:v2+s13+$0x0] =	vst.idx.msk $0xffff, v1;
	v7 =	vadd.s32 $0x4000, v1  }
0x82: {  	v57 =	vor.u32 $0x6, v2;
	v56 =	vadd.s32 $0x8000, v1;
	[tilespmem:v4+s13+$0x0] =	vst.idx.msk $0xffff, v7  }
0x83: {  	v59 =	vor.u32 $0x7, v2;
	v58 =	vadd.s32 $0xC000, v1;
	[tilespmem:v5+s13+$0x0] =	vst.idx.msk $0xffff, v56  }
0x84: {  	v61 =	vor.u32 $0x8, v2;
	v60 =	vadd.s32 $0x10000, v1;
	[tilespmem:v6+s13+$0x0] =	vst.idx.msk $0xffff, v58  }
0x85: {  	v62 =	vor.u32 $0x9, v2;
	[tilespmem:v3+s13+$0x0] =	vst.idx.msk $0xffff, v60;
	v3 =	vadd.s32 $0x14000, v1  }
0x86: {  	v63 =	vor.u32 $0xA, v2;
	[tilespmem:v8+s13+$0x0] =	vst.idx.msk $0xffff, v3;
	v3 =	vadd.s32 $0x18000, v1  }
0x87: {  	v12 =	vor.u32 $0xB, v2;
	[tilespmem:v57+s13+$0x0] =	vst.idx.msk $0xffff, v3;
	v3 =	vadd.s32 $0x1C000, v1  }
0x88: {  	v13 =	vor.u32 $0xC, v2;
	[tilespmem:v59+s13+$0x0] =	vst.idx.msk $0xffff, v3;
	v3 =	vadd.s32 $0x20000, v1  }
0x89: {  	v14 =	vor.u32 $0xD, v2;
	[tilespmem:v61+s13+$0x0] =	vst.idx.msk $0xffff, v3;
	v3 =	vadd.s32 $0x24000, v1  }
0x8a: {  	v15 =	vor.u32 $0xE, v2;
	[tilespmem:v62+s13+$0x0] =	vst.idx.msk $0xffff, v3;
	v3 =	vadd.s32 $0x28000, v1  }
0x8b: {  	v16 =	vor.u32 $0xF, v2;
	[tilespmem:v63+s13+$0x0] =	vst.idx.msk $0xffff, v3;
	v3 =	vadd.s32 $0x2C000, v1  }
0x8c: {  	v17 =	vor.u32 $0x10, v2;
	[tilespmem:v12+s13+$0x0] =	vst.idx.msk $0xffff, v3;
	v3 =	vadd.s32 $0x30000, v1  }
0x8d: {  	v18 =	vor.u32 $0x11, v2;
	[tilespmem:v13+s13+$0x0] =	vst.idx.msk $0xffff, v3;
	v3 =	vadd.s32 $0x34000, v1  }
0x8e: {  	v19 =	vor.u32 $0x12, v2;
	[tilespmem:v14+s13+$0x0] =	vst.idx.msk $0xffff, v3;
	v3 =	vadd.s32 $0x38000, v1  }
0x8f: {  	v20 =	vor.u32 $0x13, v2;
	[tilespmem:v15+s13+$0x0] =	vst.idx.msk $0xffff, v3;
	v3 =	vadd.s32 $0x3C000, v1  }
0x90: {  	v21 =	vor.u32 $0x14, v2;
	[tilespmem:v16+s13+$0x0] =	vst.idx.msk $0xffff, v3;
	v3 =	vadd.s32 $0x40000, v1  }
0x91: {  	v22 =	vor.u32 $0x15, v2;
	[tilespmem:v17+s13+$0x0] =	vst.idx.msk $0xffff, v3;
	v3 =	vadd.s32 $0x44000, v1  }
0x92: {  	v23 =	vor.u32 $0x16, v2;
	[tilespmem:v18+s13+$0x0] =	vst.idx.msk $0xffff, v3;
	v3 =	vadd.s32 $0x48000, v1  }
0x93: {  	v24 =	vor.u32 $0x17, v2;
	[tilespmem:v19+s13+$0x0] =	vst.idx.msk $0xffff, v3;
	v3 =	vadd.s32 $0x4C000, v1  }
0x94: {  	v25 =	vor.u32 $0x18, v2;
	[tilespmem:v20+s13+$0x0] =	vst.idx.msk $0xffff, v3;
	v3 =	vadd.s32 $0x50000, v1  }
0x95: {  	v26 =	vor.u32 $0x19, v2;
	[tilespmem:v21+s13+$0x0] =	vst.idx.msk $0xffff, v3;
	v3 =	vadd.s32 $0x54000, v1  }
0x96: {  	v27 =	vor.u32 $0x1A, v2;
	[tilespmem:v22+s13+$0x0] =	vst.idx.msk $0xffff, v3;
	v3 =	vadd.s32 $0x58000, v1  }
0x97: {  	v28 =	vor.u32 $0x1B, v2;
	[tilespmem:v23+s13+$0x0] =	vst.idx.msk $0xffff, v3;
	v3 =	vadd.s32 $0x5C000, v1  }
0x98: {  	v29 =	vor.u32 $0x1C, v2;
	[tilespmem:v24+s13+$0x0] =	vst.idx.msk $0xffff, v3;
	v3 =	vadd.s32 $0x60000, v1  }
0x99: {  	v30 =	vor.u32 $0x1D, v2;
	[tilespmem:v25+s13+$0x0] =	vst.idx.msk $0xffff, v3;
	v3 =	vadd.s32 $0x64000, v1  }
0x9a: {  	v31 =	vor.u32 $0x1E, v2;
	[tilespmem:v26+s13+$0x0] =	vst.idx.msk $0xffff, v3;
	v3 =	vadd.s32 $0x68000, v1  }
0x9b: {  	v32 =	vor.u32 $0x1F, v2;
	[tilespmem:v27+s13+$0x0] =	vst.idx.msk $0xffff, v3;
	v3 =	vadd.s32 $0x6C000, v1  }
0x9c: {  	v33 =	vor.u32 $0x20, v2;
	[tilespmem:v28+s13+$0x0] =	vst.idx.msk $0xffff, v3;
	v3 =	vadd.s32 $0x70000, v1  }
0x9d: {  	v34 =	vor.u32 $0x21, v2;
	[tilespmem:v29+s13+$0x0] =	vst.idx.msk $0xffff, v3;
	v3 =	vadd.s32 $0x74000, v1  }
0x9e: {  	v35 =	vor.u32 $0x22, v2;
	[tilespmem:v30+s13+$0x0] =	vst.idx.msk $0xffff, v3;
	v3 =	vadd.s32 $0x78000, v1  }
0x9f: {  	v36 =	vor.u32 $0x23, v2;
	[tilespmem:v31+s13+$0x0] =	vst.idx.msk $0xffff, v3;
	v3 =	vadd.s32 $0x7C000, v1  }
0xa0: {  	v37 =	vor.u32 $0x24, v2;
	[tilespmem:v32+s13+$0x0] =	vst.idx.msk $0xffff, v3;
	v3 =	vadd.s32 $0x80000, v1  }
0xa1: {  	v38 =	vor.u32 $0x25, v2;
	[tilespmem:v33+s13+$0x0] =	vst.idx.msk $0xffff, v3;
	v3 =	vadd.s32 $0x84000, v1  }
0xa2: {  	v39 =	vor.u32 $0x26, v2;
	[tilespmem:v34+s13+$0x0] =	vst.idx.msk $0xffff, v3;
	v3 =	vadd.s32 $0x88000, v1  }
0xa3: {  	v40 =	vor.u32 $0x27, v2;
	[tilespmem:v35+s13+$0x0] =	vst.idx.msk $0xffff, v3;
	v3 =	vadd.s32 $0x8C000, v1  }
0xa4: {  	v41 =	vor.u32 $0x28, v2;
	[tilespmem:v36+s13+$0x0] =	vst.idx.msk $0xffff, v3;
	v3 =	vadd.s32 $0x90000, v1  }
0xa5: {  	v42 =	vor.u32 $0x29, v2;
	[tilespmem:v37+s13+$0x0] =	vst.idx.msk $0xffff, v3;
	v3 =	vadd.s32 $0x94000, v1  }
0xa6: {  	v43 =	vor.u32 $0x2A, v2;
	[tilespmem:v38+s13+$0x0] =	vst.idx.msk $0xffff, v3;
	v3 =	vadd.s32 $0x98000, v1  }
0xa7: {  	v44 =	vor.u32 $0x2B, v2;
	[tilespmem:v39+s13+$0x0] =	vst.idx.msk $0xffff, v3;
	v3 =	vadd.s32 $0x9C000, v1  }
0xa8: {  	v45 =	vor.u32 $0x2C, v2;
	[tilespmem:v40+s13+$0x0] =	vst.idx.msk $0xffff, v3;
	v3 =	vadd.s32 $0xA0000, v1  }
0xa9: {  	v46 =	vor.u32 $0x2D, v2;
	[tilespmem:v41+s13+$0x0] =	vst.idx.msk $0xffff, v3;
	v3 =	vadd.s32 $0xA4000, v1  }
0xaa: {  	v47 =	vor.u32 $0x2E, v2;
	[tilespmem:v42+s13+$0x0] =	vst.idx.msk $0xffff, v3;
	v3 =	vadd.s32 $0xA8000, v1  }
0xab: {  	v48 =	vor.u32 $0x2F, v2;
	[tilespmem:v43+s13+$0x0] =	vst.idx.msk $0xffff, v3;
	v3 =	vadd.s32 $0xAC000, v1  }
0xac: {  	v49 =	vor.u32 $0x30, v2;
	[tilespmem:v44+s13+$0x0] =	vst.idx.msk $0xffff, v3;
	v3 =	vadd.s32 $0xB0000, v1  }
0xad: {  	v50 =	vor.u32 $0x31, v2;
	[tilespmem:v45+s13+$0x0] =	vst.idx.msk $0xffff, v3;
	v3 =	vadd.s32 $0xB4000, v1  }
0xae: {  	v51 =	vor.u32 $0x32, v2;
	[tilespmem:v46+s13+$0x0] =	vst.idx.msk $0xffff, v3;
	v3 =	vadd.s32 $0xB8000, v1  }
0xaf: {  	v52 =	vor.u32 $0x33, v2;
	[tilespmem:v47+s13+$0x0] =	vst.idx.msk $0xffff, v3;
	v3 =	vadd.s32 $0xBC000, v1  }
0xb0: {  	v53 =	vor.u32 $0x34, v2;
	[tilespmem:v48+s13+$0x0] =	vst.idx.msk $0xffff, v3;
	v3 =	vadd.s32 $0xC0000, v1  }
0xb1: {  	v54 =	vor.u32 $0x35, v2;
	[tilespmem:v49+s13+$0x0] =	vst.idx.msk $0xffff, v3;
	v3 =	vadd.s32 $0xC4000, v1  }
0xb2: {  	v55 =	vor.u32 $0x36, v2;
	[tilespmem:v50+s13+$0x0] =	vst.idx.msk $0xffff, v3;
	v3 =	vadd.s32 $0xC8000, v1  }
0xb3: {  	v56 =	vor.u32 $0x37, v2;
	[tilespmem:v51+s13+$0x0] =	vst.idx.msk $0xffff, v3;
	v3 =	vadd.s32 $0xCC000, v1  }
0xb4: {  	v57 =	vor.u32 $0x38, v2;
	[tilespmem:v52+s13+$0x0] =	vst.idx.msk $0xffff, v3;
	v3 =	vadd.s32 $0xD0000, v1  }
0xb5: {  	v58 =	vor.u32 $0x39, v2;
	[tilespmem:v53+s13+$0x0] =	vst.idx.msk $0xffff, v3;
	v3 =	vadd.s32 $0xD4000, v1  }
0xb6: {  	v59 =	vor.u32 $0x3A, v2;
	[tilespmem:v54+s13+$0x0] =	vst.idx.msk $0xffff, v3;
	v3 =	vadd.s32 $0xD8000, v1  }
0xb7: {  	v60 =	vor.u32 $0x3B, v2;
	[tilespmem:v55+s13+$0x0] =	vst.idx.msk $0xffff, v3;
	v3 =	vadd.s32 $0xDC000, v1  }
0xb8: {  	v61 =	vor.u32 $0x3C, v2;
	[tilespmem:v56+s13+$0x0] =	vst.idx.msk $0xffff, v3;
	v3 =	vadd.s32 $0xE0000, v1  }
0xb9: {  	v62 =	vor.u32 $0x3D, v2;
	[tilespmem:v57+s13+$0x0] =	vst.idx.msk $0xffff, v3;
	v3 =	vadd.s32 $0xE4000, v1  }
0xba: {  	v63 =	vor.u32 $0x3E, v2;
	[tilespmem:v58+s13+$0x0] =	vst.idx.msk $0xffff, v3;
	v3 =	vadd.s32 $0xE8000, v1  }
0xbb: {  	p1 =	sne.s32 s22, $0x30;
	v2 =	vor.u32 $0x3F, v2;
	[tilespmem:v59+s13+$0x0] =	vst.idx.msk $0xffff, v3;
	v3 =	vadd.s32 $0xEC000, v1  }
.Ltmp3:
0xbc: {  	[tilespmem:v60+s13+$0x0] =	vst.idx.msk $0xffff, v3;
	v3 =	vadd.s32 $0xF0000, v1;
	(pc) =	sbr.rel @p1 .LBB2_4-.Ltmp3, $4  }
0xbd: {  	[tilespmem:v61+s13+$0x0] =	vst.idx.msk $0xffff, v3;
	v3 =	vadd.s32 $0xF4000, v1  }
0xbe: {  	[tilespmem:v62+s13+$0x0] =	vst.idx.msk $0xffff, v3;
	v3 =	vadd.s32 $0xF8000, v1  }
0xbf: {  	v1 =	vadd.s32 $0xFC000, v1;
	[tilespmem:v63+s13+$0x0] =	vst.idx.msk $0xffff, v3  }
0xc0: {  	s20 =	sadd.s32 $0x10, s20;
	s21 =	sadd.s32 $0x10, s21;
	s22 =	sadd.s32 $0x10, s22;
	[tilespmem:v2+s13+$0x0] =	vst.idx.msk $0xffff, v1  }
0xc1: {  	s20 =	simm.s32 $0xA00;
	s21 =	simm.s32 $0x4A00  }
0xc2: {  	[tilespmem:s21], [sflag:$0x3] =	stream.indirect.gather [hbm4b:s1+s14], $0x1, s20, s14, $0xb8;
	[tilespmem:$0x106C0] =	vst v63  }
0xc3: {  	s22 =	simm.s32 $0x40;
	s20 =	simm.s32 $0x40;
	s21 =	simm.s32 $0x140  }
.LBB2_6:
0xc4: {  	v1 =	vld [tilespmem:s21+$0x0];
	v2 =	vmov s22  }
0xc5: {  	v3 =	vld [tilespmem:s20+$0x0];
	v2 =	vshll.u32 v2, $0x6  }
0xc6: {  	v2 =	vor.u32 v0, v2  }
0xc7: {  	v4 =	vor.u32 $0x1, v2  }
0xc8: {  	v5 =	vor.u32 $0x2, v2  }
0xc9: {  	v6 =	vor.u32 $0x3, v2;
	v1 =	vshll.u32 v1, $0x14  }
0xca: {  	v1 =	vadd.s32 v3, v1;
	v3 =	vor.u32 $0x4, v2  }
0xcb: {  	v8 =	vor.u32 $0x5, v2;
	[tilespmem:v2+s13+$0x0] =	vst.idx.msk $0xffff, v1;
	v7 =	vadd.s32 $0x4000, v1  }
0xcc: {  	v57 =	vor.u32 $0x6, v2;
	v56 =	vadd.s32 $0x8000, v1;
	[tilespmem:v4+s13+$0x0] =	vst.idx.msk $0xffff, v7  }
0xcd: {  	v59 =	vor.u32 $0x7, v2;
	v58 =	vadd.s32 $0xC000, v1;
	[tilespmem:v5+s13+$0x0] =	vst.idx.msk $0xffff, v56  }
0xce: {  	v61 =	vor.u32 $0x8, v2;
	v60 =	vadd.s32 $0x10000, v1;
	[tilespmem:v6+s13+$0x0] =	vst.idx.msk $0xffff, v58  }
0xcf: {  	v62 =	vor.u32 $0x9, v2;
	[tilespmem:v3+s13+$0x0] =	vst.idx.msk $0xffff, v60;
	v3 =	vadd.s32 $0x14000, v1  }
0xd0: {  	v63 =	vor.u32 $0xA, v2;
	[tilespmem:v8+s13+$0x0] =	vst.idx.msk $0xffff, v3;
	v3 =	vadd.s32 $0x18000, v1  }
0xd1: {  	v12 =	vor.u32 $0xB, v2;
	[tilespmem:v57+s13+$0x0] =	vst.idx.msk $0xffff, v3;
	v3 =	vadd.s32 $0x1C000, v1  }
0xd2: {  	v13 =	vor.u32 $0xC, v2;
	[tilespmem:v59+s13+$0x0] =	vst.idx.msk $0xffff, v3;
	v3 =	vadd.s32 $0x20000, v1  }
0xd3: {  	v14 =	vor.u32 $0xD, v2;
	[tilespmem:v61+s13+$0x0] =	vst.idx.msk $0xffff, v3;
	v3 =	vadd.s32 $0x24000, v1  }
0xd4: {  	v15 =	vor.u32 $0xE, v2;
	[tilespmem:v62+s13+$0x0] =	vst.idx.msk $0xffff, v3;
	v3 =	vadd.s32 $0x28000, v1  }
0xd5: {  	v16 =	vor.u32 $0xF, v2;
	[tilespmem:v63+s13+$0x0] =	vst.idx.msk $0xffff, v3;
	v3 =	vadd.s32 $0x2C000, v1  }
0xd6: {  	v17 =	vor.u32 $0x10, v2;
	[tilespmem:v12+s13+$0x0] =	vst.idx.msk $0xffff, v3;
	v3 =	vadd.s32 $0x30000, v1  }
0xd7: {  	v18 =	vor.u32 $0x11, v2;
	[tilespmem:v13+s13+$0x0] =	vst.idx.msk $0xffff, v3;
	v3 =	vadd.s32 $0x34000, v1  }
0xd8: {  	v19 =	vor.u32 $0x12, v2;
	[tilespmem:v14+s13+$0x0] =	vst.idx.msk $0xffff, v3;
	v3 =	vadd.s32 $0x38000, v1  }
0xd9: {  	v20 =	vor.u32 $0x13, v2;
	[tilespmem:v15+s13+$0x0] =	vst.idx.msk $0xffff, v3;
	v3 =	vadd.s32 $0x3C000, v1  }
0xda: {  	v21 =	vor.u32 $0x14, v2;
	[tilespmem:v16+s13+$0x0] =	vst.idx.msk $0xffff, v3;
	v3 =	vadd.s32 $0x40000, v1  }
0xdb: {  	v22 =	vor.u32 $0x15, v2;
	[tilespmem:v17+s13+$0x0] =	vst.idx.msk $0xffff, v3;
	v3 =	vadd.s32 $0x44000, v1  }
0xdc: {  	v23 =	vor.u32 $0x16, v2;
	[tilespmem:v18+s13+$0x0] =	vst.idx.msk $0xffff, v3;
	v3 =	vadd.s32 $0x48000, v1  }
0xdd: {  	v24 =	vor.u32 $0x17, v2;
	[tilespmem:v19+s13+$0x0] =	vst.idx.msk $0xffff, v3;
	v3 =	vadd.s32 $0x4C000, v1  }
0xde: {  	v25 =	vor.u32 $0x18, v2;
	[tilespmem:v20+s13+$0x0] =	vst.idx.msk $0xffff, v3;
	v3 =	vadd.s32 $0x50000, v1  }
0xdf: {  	v26 =	vor.u32 $0x19, v2;
	[tilespmem:v21+s13+$0x0] =	vst.idx.msk $0xffff, v3;
	v3 =	vadd.s32 $0x54000, v1  }
0xe0: {  	v27 =	vor.u32 $0x1A, v2;
	[tilespmem:v22+s13+$0x0] =	vst.idx.msk $0xffff, v3;
	v3 =	vadd.s32 $0x58000, v1  }
0xe1: {  	v28 =	vor.u32 $0x1B, v2;
	[tilespmem:v23+s13+$0x0] =	vst.idx.msk $0xffff, v3;
	v3 =	vadd.s32 $0x5C000, v1  }
0xe2: {  	v29 =	vor.u32 $0x1C, v2;
	[tilespmem:v24+s13+$0x0] =	vst.idx.msk $0xffff, v3;
	v3 =	vadd.s32 $0x60000, v1  }
0xe3: {  	v30 =	vor.u32 $0x1D, v2;
	[tilespmem:v25+s13+$0x0] =	vst.idx.msk $0xffff, v3;
	v3 =	vadd.s32 $0x64000, v1  }
0xe4: {  	v31 =	vor.u32 $0x1E, v2;
	[tilespmem:v26+s13+$0x0] =	vst.idx.msk $0xffff, v3;
	v3 =	vadd.s32 $0x68000, v1  }
0xe5: {  	v32 =	vor.u32 $0x1F, v2;
	[tilespmem:v27+s13+$0x0] =	vst.idx.msk $0xffff, v3;
	v3 =	vadd.s32 $0x6C000, v1  }
0xe6: {  	v33 =	vor.u32 $0x20, v2;
	[tilespmem:v28+s13+$0x0] =	vst.idx.msk $0xffff, v3;
	v3 =	vadd.s32 $0x70000, v1  }
0xe7: {  	v34 =	vor.u32 $0x21, v2;
	[tilespmem:v29+s13+$0x0] =	vst.idx.msk $0xffff, v3;
	v3 =	vadd.s32 $0x74000, v1  }
0xe8: {  	v35 =	vor.u32 $0x22, v2;
	[tilespmem:v30+s13+$0x0] =	vst.idx.msk $0xffff, v3;
	v3 =	vadd.s32 $0x78000, v1  }
0xe9: {  	v36 =	vor.u32 $0x23, v2;
	[tilespmem:v31+s13+$0x0] =	vst.idx.msk $0xffff, v3;
	v3 =	vadd.s32 $0x7C000, v1  }
0xea: {  	v37 =	vor.u32 $0x24, v2;
	[tilespmem:v32+s13+$0x0] =	vst.idx.msk $0xffff, v3;
	v3 =	vadd.s32 $0x80000, v1  }
0xeb: {  	v38 =	vor.u32 $0x25, v2;
	[tilespmem:v33+s13+$0x0] =	vst.idx.msk $0xffff, v3;
	v3 =	vadd.s32 $0x84000, v1  }
0xec: {  	v39 =	vor.u32 $0x26, v2;
	[tilespmem:v34+s13+$0x0] =	vst.idx.msk $0xffff, v3;
	v3 =	vadd.s32 $0x88000, v1  }
0xed: {  	v40 =	vor.u32 $0x27, v2;
	[tilespmem:v35+s13+$0x0] =	vst.idx.msk $0xffff, v3;
	v3 =	vadd.s32 $0x8C000, v1  }
0xee: {  	v41 =	vor.u32 $0x28, v2;
	[tilespmem:v36+s13+$0x0] =	vst.idx.msk $0xffff, v3;
	v3 =	vadd.s32 $0x90000, v1  }
0xef: {  	v42 =	vor.u32 $0x29, v2;
	[tilespmem:v37+s13+$0x0] =	vst.idx.msk $0xffff, v3;
	v3 =	vadd.s32 $0x94000, v1  }
0xf0: {  	v43 =	vor.u32 $0x2A, v2;
	[tilespmem:v38+s13+$0x0] =	vst.idx.msk $0xffff, v3;
	v3 =	vadd.s32 $0x98000, v1  }
0xf1: {  	v44 =	vor.u32 $0x2B, v2;
	[tilespmem:v39+s13+$0x0] =	vst.idx.msk $0xffff, v3;
	v3 =	vadd.s32 $0x9C000, v1  }
0xf2: {  	v45 =	vor.u32 $0x2C, v2;
	[tilespmem:v40+s13+$0x0] =	vst.idx.msk $0xffff, v3;
	v3 =	vadd.s32 $0xA0000, v1  }
0xf3: {  	v46 =	vor.u32 $0x2D, v2;
	[tilespmem:v41+s13+$0x0] =	vst.idx.msk $0xffff, v3;
	v3 =	vadd.s32 $0xA4000, v1  }
0xf4: {  	v47 =	vor.u32 $0x2E, v2;
	[tilespmem:v42+s13+$0x0] =	vst.idx.msk $0xffff, v3;
	v3 =	vadd.s32 $0xA8000, v1  }
0xf5: {  	v48 =	vor.u32 $0x2F, v2;
	[tilespmem:v43+s13+$0x0] =	vst.idx.msk $0xffff, v3;
	v3 =	vadd.s32 $0xAC000, v1  }
0xf6: {  	v49 =	vor.u32 $0x30, v2;
	[tilespmem:v44+s13+$0x0] =	vst.idx.msk $0xffff, v3;
	v3 =	vadd.s32 $0xB0000, v1  }
0xf7: {  	v50 =	vor.u32 $0x31, v2;
	[tilespmem:v45+s13+$0x0] =	vst.idx.msk $0xffff, v3;
	v3 =	vadd.s32 $0xB4000, v1  }
0xf8: {  	v51 =	vor.u32 $0x32, v2;
	[tilespmem:v46+s13+$0x0] =	vst.idx.msk $0xffff, v3;
	v3 =	vadd.s32 $0xB8000, v1  }
0xf9: {  	v52 =	vor.u32 $0x33, v2;
	[tilespmem:v47+s13+$0x0] =	vst.idx.msk $0xffff, v3;
	v3 =	vadd.s32 $0xBC000, v1  }
0xfa: {  	v53 =	vor.u32 $0x34, v2;
	[tilespmem:v48+s13+$0x0] =	vst.idx.msk $0xffff, v3;
	v3 =	vadd.s32 $0xC0000, v1  }
0xfb: {  	v54 =	vor.u32 $0x35, v2;
	[tilespmem:v49+s13+$0x0] =	vst.idx.msk $0xffff, v3;
	v3 =	vadd.s32 $0xC4000, v1  }
0xfc: {  	v55 =	vor.u32 $0x36, v2;
	[tilespmem:v50+s13+$0x0] =	vst.idx.msk $0xffff, v3;
	v3 =	vadd.s32 $0xC8000, v1  }
0xfd: {  	v56 =	vor.u32 $0x37, v2;
	[tilespmem:v51+s13+$0x0] =	vst.idx.msk $0xffff, v3;
	v3 =	vadd.s32 $0xCC000, v1  }
0xfe: {  	v57 =	vor.u32 $0x38, v2;
	[tilespmem:v52+s13+$0x0] =	vst.idx.msk $0xffff, v3;
	v3 =	vadd.s32 $0xD0000, v1  }
0xff: {  	v58 =	vor.u32 $0x39, v2;
	[tilespmem:v53+s13+$0x0] =	vst.idx.msk $0xffff, v3;
	v3 =	vadd.s32 $0xD4000, v1  }
0x100: {  	v59 =	vor.u32 $0x3A, v2;
	[tilespmem:v54+s13+$0x0] =	vst.idx.msk $0xffff, v3;
	v3 =	vadd.s32 $0xD8000, v1  }
0x101: {  	v60 =	vor.u32 $0x3B, v2;
	[tilespmem:v55+s13+$0x0] =	vst.idx.msk $0xffff, v3;
	v3 =	vadd.s32 $0xDC000, v1  }
0x102: {  	v61 =	vor.u32 $0x3C, v2;
	[tilespmem:v56+s13+$0x0] =	vst.idx.msk $0xffff, v3;
	v3 =	vadd.s32 $0xE0000, v1  }
0x103: {  	v62 =	vor.u32 $0x3D, v2;
	[tilespmem:v57+s13+$0x0] =	vst.idx.msk $0xffff, v3;
	v3 =	vadd.s32 $0xE4000, v1  }
0x104: {  	v63 =	vor.u32 $0x3E, v2;
	[tilespmem:v58+s13+$0x0] =	vst.idx.msk $0xffff, v3;
	v3 =	vadd.s32 $0xE8000, v1  }
0x105: {  	p1 =	sne.s32 s22, $0x50;
	v2 =	vor.u32 $0x3F, v2;
	[tilespmem:v59+s13+$0x0] =	vst.idx.msk $0xffff, v3;
	v3 =	vadd.s32 $0xEC000, v1  }
.Ltmp4:
0x106: {  	[tilespmem:v60+s13+$0x0] =	vst.idx.msk $0xffff, v3;
	v3 =	vadd.s32 $0xF0000, v1;
	(pc) =	sbr.rel @p1 .LBB2_6-.Ltmp4, $4  }
0x107: {  	[tilespmem:v61+s13+$0x0] =	vst.idx.msk $0xffff, v3;
	v3 =	vadd.s32 $0xF4000, v1  }
0x108: {  	[tilespmem:v62+s13+$0x0] =	vst.idx.msk $0xffff, v3;
	v3 =	vadd.s32 $0xF8000, v1  }
0x109: {  	v1 =	vadd.s32 $0xFC000, v1;
	[tilespmem:v63+s13+$0x0] =	vst.idx.msk $0xffff, v3  }
0x10a: {  	s20 =	sadd.s32 $0x10, s20;
	s21 =	sadd.s32 $0x10, s21;
	s22 =	sadd.s32 $0x10, s22;
	[tilespmem:v2+s13+$0x0] =	vst.idx.msk $0xffff, v1  }
0x10b: {  	s20 =	simm.s32 $0x1200;
	s21 =	simm.s32 $0x5200  }
0x10c: {  	[tilespmem:s21], [sflag:$0x4] =	stream.indirect.gather [hbm4b:s1+s14], $0x1, s20, s14, $0xb8;
	[tilespmem:$0x106C0] =	vst v63  }
0x10d: {  	s22 =	simm.s32 $0x60;
	s20 =	simm.s32 $0x60;
	s21 =	simm.s32 $0x160  }
.LBB2_8:
0x10e: {  	v1 =	vld [tilespmem:s21+$0x0];
	v2 =	vmov s22  }
0x10f: {  	v3 =	vld [tilespmem:s20+$0x0];
	v2 =	vshll.u32 v2, $0x6  }
0x110: {  	v2 =	vor.u32 v0, v2  }
0x111: {  	v4 =	vor.u32 $0x1, v2  }
0x112: {  	v5 =	vor.u32 $0x2, v2  }
0x113: {  	v6 =	vor.u32 $0x3, v2;
	v1 =	vshll.u32 v1, $0x14  }
0x114: {  	v1 =	vadd.s32 v3, v1;
	v3 =	vor.u32 $0x4, v2  }
0x115: {  	v8 =	vor.u32 $0x5, v2;
	[tilespmem:v2+s13+$0x0] =	vst.idx.msk $0xffff, v1;
	v7 =	vadd.s32 $0x4000, v1  }
0x116: {  	v57 =	vor.u32 $0x6, v2;
	v56 =	vadd.s32 $0x8000, v1;
	[tilespmem:v4+s13+$0x0] =	vst.idx.msk $0xffff, v7  }
0x117: {  	v59 =	vor.u32 $0x7, v2;
	v58 =	vadd.s32 $0xC000, v1;
	[tilespmem:v5+s13+$0x0] =	vst.idx.msk $0xffff, v56  }
0x118: {  	v61 =	vor.u32 $0x8, v2;
	v60 =	vadd.s32 $0x10000, v1;
	[tilespmem:v6+s13+$0x0] =	vst.idx.msk $0xffff, v58  }
0x119: {  	v62 =	vor.u32 $0x9, v2;
	[tilespmem:v3+s13+$0x0] =	vst.idx.msk $0xffff, v60;
	v3 =	vadd.s32 $0x14000, v1  }
0x11a: {  	v63 =	vor.u32 $0xA, v2;
	[tilespmem:v8+s13+$0x0] =	vst.idx.msk $0xffff, v3;
	v3 =	vadd.s32 $0x18000, v1  }
0x11b: {  	v12 =	vor.u32 $0xB, v2;
	[tilespmem:v57+s13+$0x0] =	vst.idx.msk $0xffff, v3;
	v3 =	vadd.s32 $0x1C000, v1  }
0x11c: {  	v13 =	vor.u32 $0xC, v2;
	[tilespmem:v59+s13+$0x0] =	vst.idx.msk $0xffff, v3;
	v3 =	vadd.s32 $0x20000, v1  }
0x11d: {  	v14 =	vor.u32 $0xD, v2;
	[tilespmem:v61+s13+$0x0] =	vst.idx.msk $0xffff, v3;
	v3 =	vadd.s32 $0x24000, v1  }
0x11e: {  	v15 =	vor.u32 $0xE, v2;
	[tilespmem:v62+s13+$0x0] =	vst.idx.msk $0xffff, v3;
	v3 =	vadd.s32 $0x28000, v1  }
0x11f: {  	v16 =	vor.u32 $0xF, v2;
	[tilespmem:v63+s13+$0x0] =	vst.idx.msk $0xffff, v3;
	v3 =	vadd.s32 $0x2C000, v1  }
0x120: {  	v17 =	vor.u32 $0x10, v2;
	[tilespmem:v12+s13+$0x0] =	vst.idx.msk $0xffff, v3;
	v3 =	vadd.s32 $0x30000, v1  }
0x121: {  	v18 =	vor.u32 $0x11, v2;
	[tilespmem:v13+s13+$0x0] =	vst.idx.msk $0xffff, v3;
	v3 =	vadd.s32 $0x34000, v1  }
0x122: {  	v19 =	vor.u32 $0x12, v2;
	[tilespmem:v14+s13+$0x0] =	vst.idx.msk $0xffff, v3;
	v3 =	vadd.s32 $0x38000, v1  }
0x123: {  	v20 =	vor.u32 $0x13, v2;
	[tilespmem:v15+s13+$0x0] =	vst.idx.msk $0xffff, v3;
	v3 =	vadd.s32 $0x3C000, v1  }
0x124: {  	v21 =	vor.u32 $0x14, v2;
	[tilespmem:v16+s13+$0x0] =	vst.idx.msk $0xffff, v3;
	v3 =	vadd.s32 $0x40000, v1  }
0x125: {  	v22 =	vor.u32 $0x15, v2;
	[tilespmem:v17+s13+$0x0] =	vst.idx.msk $0xffff, v3;
	v3 =	vadd.s32 $0x44000, v1  }
0x126: {  	v23 =	vor.u32 $0x16, v2;
	[tilespmem:v18+s13+$0x0] =	vst.idx.msk $0xffff, v3;
	v3 =	vadd.s32 $0x48000, v1  }
0x127: {  	v24 =	vor.u32 $0x17, v2;
	[tilespmem:v19+s13+$0x0] =	vst.idx.msk $0xffff, v3;
	v3 =	vadd.s32 $0x4C000, v1  }
0x128: {  	v25 =	vor.u32 $0x18, v2;
	[tilespmem:v20+s13+$0x0] =	vst.idx.msk $0xffff, v3;
	v3 =	vadd.s32 $0x50000, v1  }
0x129: {  	v26 =	vor.u32 $0x19, v2;
	[tilespmem:v21+s13+$0x0] =	vst.idx.msk $0xffff, v3;
	v3 =	vadd.s32 $0x54000, v1  }
0x12a: {  	v27 =	vor.u32 $0x1A, v2;
	[tilespmem:v22+s13+$0x0] =	vst.idx.msk $0xffff, v3;
	v3 =	vadd.s32 $0x58000, v1  }
0x12b: {  	v28 =	vor.u32 $0x1B, v2;
	[tilespmem:v23+s13+$0x0] =	vst.idx.msk $0xffff, v3;
	v3 =	vadd.s32 $0x5C000, v1  }
0x12c: {  	v29 =	vor.u32 $0x1C, v2;
	[tilespmem:v24+s13+$0x0] =	vst.idx.msk $0xffff, v3;
	v3 =	vadd.s32 $0x60000, v1  }
0x12d: {  	v30 =	vor.u32 $0x1D, v2;
	[tilespmem:v25+s13+$0x0] =	vst.idx.msk $0xffff, v3;
	v3 =	vadd.s32 $0x64000, v1  }
0x12e: {  	v31 =	vor.u32 $0x1E, v2;
	[tilespmem:v26+s13+$0x0] =	vst.idx.msk $0xffff, v3;
	v3 =	vadd.s32 $0x68000, v1  }
0x12f: {  	v32 =	vor.u32 $0x1F, v2;
	[tilespmem:v27+s13+$0x0] =	vst.idx.msk $0xffff, v3;
	v3 =	vadd.s32 $0x6C000, v1  }
0x130: {  	v33 =	vor.u32 $0x20, v2;
	[tilespmem:v28+s13+$0x0] =	vst.idx.msk $0xffff, v3;
	v3 =	vadd.s32 $0x70000, v1  }
0x131: {  	v34 =	vor.u32 $0x21, v2;
	[tilespmem:v29+s13+$0x0] =	vst.idx.msk $0xffff, v3;
	v3 =	vadd.s32 $0x74000, v1  }
0x132: {  	v35 =	vor.u32 $0x22, v2;
	[tilespmem:v30+s13+$0x0] =	vst.idx.msk $0xffff, v3;
	v3 =	vadd.s32 $0x78000, v1  }
0x133: {  	v36 =	vor.u32 $0x23, v2;
	[tilespmem:v31+s13+$0x0] =	vst.idx.msk $0xffff, v3;
	v3 =	vadd.s32 $0x7C000, v1  }
0x134: {  	v37 =	vor.u32 $0x24, v2;
	[tilespmem:v32+s13+$0x0] =	vst.idx.msk $0xffff, v3;
	v3 =	vadd.s32 $0x80000, v1  }
0x135: {  	v38 =	vor.u32 $0x25, v2;
	[tilespmem:v33+s13+$0x0] =	vst.idx.msk $0xffff, v3;
	v3 =	vadd.s32 $0x84000, v1  }
0x136: {  	v39 =	vor.u32 $0x26, v2;
	[tilespmem:v34+s13+$0x0] =	vst.idx.msk $0xffff, v3;
	v3 =	vadd.s32 $0x88000, v1  }
0x137: {  	v40 =	vor.u32 $0x27, v2;
	[tilespmem:v35+s13+$0x0] =	vst.idx.msk $0xffff, v3;
	v3 =	vadd.s32 $0x8C000, v1  }
0x138: {  	v41 =	vor.u32 $0x28, v2;
	[tilespmem:v36+s13+$0x0] =	vst.idx.msk $0xffff, v3;
	v3 =	vadd.s32 $0x90000, v1  }
0x139: {  	v42 =	vor.u32 $0x29, v2;
	[tilespmem:v37+s13+$0x0] =	vst.idx.msk $0xffff, v3;
	v3 =	vadd.s32 $0x94000, v1  }
0x13a: {  	v43 =	vor.u32 $0x2A, v2;
	[tilespmem:v38+s13+$0x0] =	vst.idx.msk $0xffff, v3;
	v3 =	vadd.s32 $0x98000, v1  }
0x13b: {  	v44 =	vor.u32 $0x2B, v2;
	[tilespmem:v39+s13+$0x0] =	vst.idx.msk $0xffff, v3;
	v3 =	vadd.s32 $0x9C000, v1  }
0x13c: {  	v45 =	vor.u32 $0x2C, v2;
	[tilespmem:v40+s13+$0x0] =	vst.idx.msk $0xffff, v3;
	v3 =	vadd.s32 $0xA0000, v1  }
0x13d: {  	v46 =	vor.u32 $0x2D, v2;
	[tilespmem:v41+s13+$0x0] =	vst.idx.msk $0xffff, v3;
	v3 =	vadd.s32 $0xA4000, v1  }
0x13e: {  	v47 =	vor.u32 $0x2E, v2;
	[tilespmem:v42+s13+$0x0] =	vst.idx.msk $0xffff, v3;
	v3 =	vadd.s32 $0xA8000, v1  }
0x13f: {  	v48 =	vor.u32 $0x2F, v2;
	[tilespmem:v43+s13+$0x0] =	vst.idx.msk $0xffff, v3;
	v3 =	vadd.s32 $0xAC000, v1  }
0x140: {  	v49 =	vor.u32 $0x30, v2;
	[tilespmem:v44+s13+$0x0] =	vst.idx.msk $0xffff, v3;
	v3 =	vadd.s32 $0xB0000, v1  }
0x141: {  	v50 =	vor.u32 $0x31, v2;
	[tilespmem:v45+s13+$0x0] =	vst.idx.msk $0xffff, v3;
	v3 =	vadd.s32 $0xB4000, v1  }
0x142: {  	v51 =	vor.u32 $0x32, v2;
	[tilespmem:v46+s13+$0x0] =	vst.idx.msk $0xffff, v3;
	v3 =	vadd.s32 $0xB8000, v1  }
0x143: {  	v52 =	vor.u32 $0x33, v2;
	[tilespmem:v47+s13+$0x0] =	vst.idx.msk $0xffff, v3;
	v3 =	vadd.s32 $0xBC000, v1  }
0x144: {  	v53 =	vor.u32 $0x34, v2;
	[tilespmem:v48+s13+$0x0] =	vst.idx.msk $0xffff, v3;
	v3 =	vadd.s32 $0xC0000, v1  }
0x145: {  	v54 =	vor.u32 $0x35, v2;
	[tilespmem:v49+s13+$0x0] =	vst.idx.msk $0xffff, v3;
	v3 =	vadd.s32 $0xC4000, v1  }
0x146: {  	v55 =	vor.u32 $0x36, v2;
	[tilespmem:v50+s13+$0x0] =	vst.idx.msk $0xffff, v3;
	v3 =	vadd.s32 $0xC8000, v1  }
0x147: {  	v56 =	vor.u32 $0x37, v2;
	[tilespmem:v51+s13+$0x0] =	vst.idx.msk $0xffff, v3;
	v3 =	vadd.s32 $0xCC000, v1  }
0x148: {  	v57 =	vor.u32 $0x38, v2;
	[tilespmem:v52+s13+$0x0] =	vst.idx.msk $0xffff, v3;
	v3 =	vadd.s32 $0xD0000, v1  }
0x149: {  	v58 =	vor.u32 $0x39, v2;
	[tilespmem:v53+s13+$0x0] =	vst.idx.msk $0xffff, v3;
	v3 =	vadd.s32 $0xD4000, v1  }
0x14a: {  	v59 =	vor.u32 $0x3A, v2;
	[tilespmem:v54+s13+$0x0] =	vst.idx.msk $0xffff, v3;
	v3 =	vadd.s32 $0xD8000, v1  }
0x14b: {  	v60 =	vor.u32 $0x3B, v2;
	[tilespmem:v55+s13+$0x0] =	vst.idx.msk $0xffff, v3;
	v3 =	vadd.s32 $0xDC000, v1  }
0x14c: {  	v61 =	vor.u32 $0x3C, v2;
	[tilespmem:v56+s13+$0x0] =	vst.idx.msk $0xffff, v3;
	v3 =	vadd.s32 $0xE0000, v1  }
0x14d: {  	v62 =	vor.u32 $0x3D, v2;
	[tilespmem:v57+s13+$0x0] =	vst.idx.msk $0xffff, v3;
	v3 =	vadd.s32 $0xE4000, v1  }
0x14e: {  	v63 =	vor.u32 $0x3E, v2;
	[tilespmem:v58+s13+$0x0] =	vst.idx.msk $0xffff, v3;
	v3 =	vadd.s32 $0xE8000, v1  }
0x14f: {  	p1 =	sne.s32 s22, $0x70;
	v2 =	vor.u32 $0x3F, v2;
	[tilespmem:v59+s13+$0x0] =	vst.idx.msk $0xffff, v3;
	v3 =	vadd.s32 $0xEC000, v1  }
.Ltmp5:
0x150: {  	[tilespmem:v60+s13+$0x0] =	vst.idx.msk $0xffff, v3;
	v3 =	vadd.s32 $0xF0000, v1;
	(pc) =	sbr.rel @p1 .LBB2_8-.Ltmp5, $4  }
0x151: {  	[tilespmem:v61+s13+$0x0] =	vst.idx.msk $0xffff, v3;
	v3 =	vadd.s32 $0xF4000, v1  }
0x152: {  	[tilespmem:v62+s13+$0x0] =	vst.idx.msk $0xffff, v3;
	v3 =	vadd.s32 $0xF8000, v1  }
0x153: {  	v1 =	vadd.s32 $0xFC000, v1;
	[tilespmem:v63+s13+$0x0] =	vst.idx.msk $0xffff, v3  }
0x154: {  	s20 =	sadd.s32 $0x10, s20;
	s21 =	sadd.s32 $0x10, s21;
	s22 =	sadd.s32 $0x10, s22;
	[tilespmem:v2+s13+$0x0] =	vst.idx.msk $0xffff, v1  }
0x155: {  	s20 =	simm.s32 $0x1A00;
	s21 =	simm.s32 $0x5A00  }
0x156: {  	[tilespmem:s21], [sflag:$0x5] =	stream.indirect.gather [hbm4b:s1+s14], $0x1, s20, s14, $0xb8;
	[tilespmem:$0x106C0] =	vst v63  }
0x157: {  	s22 =	simm.s32 $0x80;
	s20 =	simm.s32 $0x80;
	s21 =	simm.s32 $0x180  }
.LBB2_10:
0x158: {  	v1 =	vld [tilespmem:s21+$0x0];
	v2 =	vmov s22  }
0x159: {  	v3 =	vld [tilespmem:s20+$0x0];
	v2 =	vshll.u32 v2, $0x6  }
0x15a: {  	v2 =	vor.u32 v0, v2  }
0x15b: {  	v4 =	vor.u32 $0x1, v2  }
0x15c: {  	v5 =	vor.u32 $0x2, v2  }
0x15d: {  	v6 =	vor.u32 $0x3, v2;
	v1 =	vshll.u32 v1, $0x14  }
0x15e: {  	v1 =	vadd.s32 v3, v1;
	v3 =	vor.u32 $0x4, v2  }
0x15f: {  	v8 =	vor.u32 $0x5, v2;
	[tilespmem:v2+s13+$0x0] =	vst.idx.msk $0xffff, v1;
	v7 =	vadd.s32 $0x4000, v1  }
0x160: {  	v57 =	vor.u32 $0x6, v2;
	v56 =	vadd.s32 $0x8000, v1;
	[tilespmem:v4+s13+$0x0] =	vst.idx.msk $0xffff, v7  }
0x161: {  	v59 =	vor.u32 $0x7, v2;
	v58 =	vadd.s32 $0xC000, v1;
	[tilespmem:v5+s13+$0x0] =	vst.idx.msk $0xffff, v56  }
0x162: {  	v61 =	vor.u32 $0x8, v2;
	v60 =	vadd.s32 $0x10000, v1;
	[tilespmem:v6+s13+$0x0] =	vst.idx.msk $0xffff, v58  }
0x163: {  	v62 =	vor.u32 $0x9, v2;
	[tilespmem:v3+s13+$0x0] =	vst.idx.msk $0xffff, v60;
	v3 =	vadd.s32 $0x14000, v1  }
0x164: {  	v63 =	vor.u32 $0xA, v2;
	[tilespmem:v8+s13+$0x0] =	vst.idx.msk $0xffff, v3;
	v3 =	vadd.s32 $0x18000, v1  }
0x165: {  	v12 =	vor.u32 $0xB, v2;
	[tilespmem:v57+s13+$0x0] =	vst.idx.msk $0xffff, v3;
	v3 =	vadd.s32 $0x1C000, v1  }
0x166: {  	v13 =	vor.u32 $0xC, v2;
	[tilespmem:v59+s13+$0x0] =	vst.idx.msk $0xffff, v3;
	v3 =	vadd.s32 $0x20000, v1  }
0x167: {  	v14 =	vor.u32 $0xD, v2;
	[tilespmem:v61+s13+$0x0] =	vst.idx.msk $0xffff, v3;
	v3 =	vadd.s32 $0x24000, v1  }
0x168: {  	v15 =	vor.u32 $0xE, v2;
	[tilespmem:v62+s13+$0x0] =	vst.idx.msk $0xffff, v3;
	v3 =	vadd.s32 $0x28000, v1  }
0x169: {  	v16 =	vor.u32 $0xF, v2;
	[tilespmem:v63+s13+$0x0] =	vst.idx.msk $0xffff, v3;
	v3 =	vadd.s32 $0x2C000, v1  }
0x16a: {  	v17 =	vor.u32 $0x10, v2;
	[tilespmem:v12+s13+$0x0] =	vst.idx.msk $0xffff, v3;
	v3 =	vadd.s32 $0x30000, v1  }
0x16b: {  	v18 =	vor.u32 $0x11, v2;
	[tilespmem:v13+s13+$0x0] =	vst.idx.msk $0xffff, v3;
	v3 =	vadd.s32 $0x34000, v1  }
0x16c: {  	v19 =	vor.u32 $0x12, v2;
	[tilespmem:v14+s13+$0x0] =	vst.idx.msk $0xffff, v3;
	v3 =	vadd.s32 $0x38000, v1  }
0x16d: {  	v20 =	vor.u32 $0x13, v2;
	[tilespmem:v15+s13+$0x0] =	vst.idx.msk $0xffff, v3;
	v3 =	vadd.s32 $0x3C000, v1  }
0x16e: {  	v21 =	vor.u32 $0x14, v2;
	[tilespmem:v16+s13+$0x0] =	vst.idx.msk $0xffff, v3;
	v3 =	vadd.s32 $0x40000, v1  }
0x16f: {  	v22 =	vor.u32 $0x15, v2;
	[tilespmem:v17+s13+$0x0] =	vst.idx.msk $0xffff, v3;
	v3 =	vadd.s32 $0x44000, v1  }
0x170: {  	v23 =	vor.u32 $0x16, v2;
	[tilespmem:v18+s13+$0x0] =	vst.idx.msk $0xffff, v3;
	v3 =	vadd.s32 $0x48000, v1  }
0x171: {  	v24 =	vor.u32 $0x17, v2;
	[tilespmem:v19+s13+$0x0] =	vst.idx.msk $0xffff, v3;
	v3 =	vadd.s32 $0x4C000, v1  }
0x172: {  	v25 =	vor.u32 $0x18, v2;
	[tilespmem:v20+s13+$0x0] =	vst.idx.msk $0xffff, v3;
	v3 =	vadd.s32 $0x50000, v1  }
0x173: {  	v26 =	vor.u32 $0x19, v2;
	[tilespmem:v21+s13+$0x0] =	vst.idx.msk $0xffff, v3;
	v3 =	vadd.s32 $0x54000, v1  }
0x174: {  	v27 =	vor.u32 $0x1A, v2;
	[tilespmem:v22+s13+$0x0] =	vst.idx.msk $0xffff, v3;
	v3 =	vadd.s32 $0x58000, v1  }
0x175: {  	v28 =	vor.u32 $0x1B, v2;
	[tilespmem:v23+s13+$0x0] =	vst.idx.msk $0xffff, v3;
	v3 =	vadd.s32 $0x5C000, v1  }
0x176: {  	v29 =	vor.u32 $0x1C, v2;
	[tilespmem:v24+s13+$0x0] =	vst.idx.msk $0xffff, v3;
	v3 =	vadd.s32 $0x60000, v1  }
0x177: {  	v30 =	vor.u32 $0x1D, v2;
	[tilespmem:v25+s13+$0x0] =	vst.idx.msk $0xffff, v3;
	v3 =	vadd.s32 $0x64000, v1  }
0x178: {  	v31 =	vor.u32 $0x1E, v2;
	[tilespmem:v26+s13+$0x0] =	vst.idx.msk $0xffff, v3;
	v3 =	vadd.s32 $0x68000, v1  }
0x179: {  	v32 =	vor.u32 $0x1F, v2;
	[tilespmem:v27+s13+$0x0] =	vst.idx.msk $0xffff, v3;
	v3 =	vadd.s32 $0x6C000, v1  }
0x17a: {  	v33 =	vor.u32 $0x20, v2;
	[tilespmem:v28+s13+$0x0] =	vst.idx.msk $0xffff, v3;
	v3 =	vadd.s32 $0x70000, v1  }
0x17b: {  	v34 =	vor.u32 $0x21, v2;
	[tilespmem:v29+s13+$0x0] =	vst.idx.msk $0xffff, v3;
	v3 =	vadd.s32 $0x74000, v1  }
0x17c: {  	v35 =	vor.u32 $0x22, v2;
	[tilespmem:v30+s13+$0x0] =	vst.idx.msk $0xffff, v3;
	v3 =	vadd.s32 $0x78000, v1  }
0x17d: {  	v36 =	vor.u32 $0x23, v2;
	[tilespmem:v31+s13+$0x0] =	vst.idx.msk $0xffff, v3;
	v3 =	vadd.s32 $0x7C000, v1  }
0x17e: {  	v37 =	vor.u32 $0x24, v2;
	[tilespmem:v32+s13+$0x0] =	vst.idx.msk $0xffff, v3;
	v3 =	vadd.s32 $0x80000, v1  }
0x17f: {  	v38 =	vor.u32 $0x25, v2;
	[tilespmem:v33+s13+$0x0] =	vst.idx.msk $0xffff, v3;
	v3 =	vadd.s32 $0x84000, v1  }
0x180: {  	v39 =	vor.u32 $0x26, v2;
	[tilespmem:v34+s13+$0x0] =	vst.idx.msk $0xffff, v3;
	v3 =	vadd.s32 $0x88000, v1  }
0x181: {  	v40 =	vor.u32 $0x27, v2;
	[tilespmem:v35+s13+$0x0] =	vst.idx.msk $0xffff, v3;
	v3 =	vadd.s32 $0x8C000, v1  }
0x182: {  	v41 =	vor.u32 $0x28, v2;
	[tilespmem:v36+s13+$0x0] =	vst.idx.msk $0xffff, v3;
	v3 =	vadd.s32 $0x90000, v1  }
0x183: {  	v42 =	vor.u32 $0x29, v2;
	[tilespmem:v37+s13+$0x0] =	vst.idx.msk $0xffff, v3;
	v3 =	vadd.s32 $0x94000, v1  }
0x184: {  	v43 =	vor.u32 $0x2A, v2;
	[tilespmem:v38+s13+$0x0] =	vst.idx.msk $0xffff, v3;
	v3 =	vadd.s32 $0x98000, v1  }
0x185: {  	v44 =	vor.u32 $0x2B, v2;
	[tilespmem:v39+s13+$0x0] =	vst.idx.msk $0xffff, v3;
	v3 =	vadd.s32 $0x9C000, v1  }
0x186: {  	v45 =	vor.u32 $0x2C, v2;
	[tilespmem:v40+s13+$0x0] =	vst.idx.msk $0xffff, v3;
	v3 =	vadd.s32 $0xA0000, v1  }
0x187: {  	v46 =	vor.u32 $0x2D, v2;
	[tilespmem:v41+s13+$0x0] =	vst.idx.msk $0xffff, v3;
	v3 =	vadd.s32 $0xA4000, v1  }
0x188: {  	v47 =	vor.u32 $0x2E, v2;
	[tilespmem:v42+s13+$0x0] =	vst.idx.msk $0xffff, v3;
	v3 =	vadd.s32 $0xA8000, v1  }
0x189: {  	v48 =	vor.u32 $0x2F, v2;
	[tilespmem:v43+s13+$0x0] =	vst.idx.msk $0xffff, v3;
	v3 =	vadd.s32 $0xAC000, v1  }
0x18a: {  	v49 =	vor.u32 $0x30, v2;
	[tilespmem:v44+s13+$0x0] =	vst.idx.msk $0xffff, v3;
	v3 =	vadd.s32 $0xB0000, v1  }
0x18b: {  	v50 =	vor.u32 $0x31, v2;
	[tilespmem:v45+s13+$0x0] =	vst.idx.msk $0xffff, v3;
	v3 =	vadd.s32 $0xB4000, v1  }
0x18c: {  	v51 =	vor.u32 $0x32, v2;
	[tilespmem:v46+s13+$0x0] =	vst.idx.msk $0xffff, v3;
	v3 =	vadd.s32 $0xB8000, v1  }
0x18d: {  	v52 =	vor.u32 $0x33, v2;
	[tilespmem:v47+s13+$0x0] =	vst.idx.msk $0xffff, v3;
	v3 =	vadd.s32 $0xBC000, v1  }
0x18e: {  	v53 =	vor.u32 $0x34, v2;
	[tilespmem:v48+s13+$0x0] =	vst.idx.msk $0xffff, v3;
	v3 =	vadd.s32 $0xC0000, v1  }
0x18f: {  	v54 =	vor.u32 $0x35, v2;
	[tilespmem:v49+s13+$0x0] =	vst.idx.msk $0xffff, v3;
	v3 =	vadd.s32 $0xC4000, v1  }
0x190: {  	v55 =	vor.u32 $0x36, v2;
	[tilespmem:v50+s13+$0x0] =	vst.idx.msk $0xffff, v3;
	v3 =	vadd.s32 $0xC8000, v1  }
0x191: {  	v56 =	vor.u32 $0x37, v2;
	[tilespmem:v51+s13+$0x0] =	vst.idx.msk $0xffff, v3;
	v3 =	vadd.s32 $0xCC000, v1  }
0x192: {  	v57 =	vor.u32 $0x38, v2;
	[tilespmem:v52+s13+$0x0] =	vst.idx.msk $0xffff, v3;
	v3 =	vadd.s32 $0xD0000, v1  }
0x193: {  	v58 =	vor.u32 $0x39, v2;
	[tilespmem:v53+s13+$0x0] =	vst.idx.msk $0xffff, v3;
	v3 =	vadd.s32 $0xD4000, v1  }
0x194: {  	v59 =	vor.u32 $0x3A, v2;
	[tilespmem:v54+s13+$0x0] =	vst.idx.msk $0xffff, v3;
	v3 =	vadd.s32 $0xD8000, v1  }
0x195: {  	v60 =	vor.u32 $0x3B, v2;
	[tilespmem:v55+s13+$0x0] =	vst.idx.msk $0xffff, v3;
	v3 =	vadd.s32 $0xDC000, v1  }
0x196: {  	v61 =	vor.u32 $0x3C, v2;
	[tilespmem:v56+s13+$0x0] =	vst.idx.msk $0xffff, v3;
	v3 =	vadd.s32 $0xE0000, v1  }
0x197: {  	v62 =	vor.u32 $0x3D, v2;
	[tilespmem:v57+s13+$0x0] =	vst.idx.msk $0xffff, v3;
	v3 =	vadd.s32 $0xE4000, v1  }
0x198: {  	v63 =	vor.u32 $0x3E, v2;
	[tilespmem:v58+s13+$0x0] =	vst.idx.msk $0xffff, v3;
	v3 =	vadd.s32 $0xE8000, v1  }
0x199: {  	p1 =	sne.s32 s22, $0x90;
	v2 =	vor.u32 $0x3F, v2;
	[tilespmem:v59+s13+$0x0] =	vst.idx.msk $0xffff, v3;
	v3 =	vadd.s32 $0xEC000, v1  }
.Ltmp6:
0x19a: {  	[tilespmem:v60+s13+$0x0] =	vst.idx.msk $0xffff, v3;
	v3 =	vadd.s32 $0xF0000, v1;
	(pc) =	sbr.rel @p1 .LBB2_10-.Ltmp6, $4  }
0x19b: {  	[tilespmem:v61+s13+$0x0] =	vst.idx.msk $0xffff, v3;
	v3 =	vadd.s32 $0xF4000, v1  }
0x19c: {  	[tilespmem:v62+s13+$0x0] =	vst.idx.msk $0xffff, v3;
	v3 =	vadd.s32 $0xF8000, v1  }
0x19d: {  	v1 =	vadd.s32 $0xFC000, v1;
	[tilespmem:v63+s13+$0x0] =	vst.idx.msk $0xffff, v3  }
0x19e: {  	s20 =	sadd.s32 $0x10, s20;
	s21 =	sadd.s32 $0x10, s21;
	s22 =	sadd.s32 $0x10, s22;
	[tilespmem:v2+s13+$0x0] =	vst.idx.msk $0xffff, v1  }
0x19f: {  	s20 =	simm.s32 $0x2200  }
0x1a0: {  	[tilespmem:s23], [sflag:$0x6] =	stream.indirect.gather [hbm4b:s1+s14], $0x1, s20, s14, $0xb8;
	[tilespmem:$0x106C0] =	vst v63  }
0x1a1: {  	s21 =	simm.s32 $0x1A0;
	s22 =	simm.s32 $0xA0;
	s20 =	simm.s32 $0xA0  }
.LBB2_12:
0x1a2: {  	v1 =	vld [tilespmem:s21+$0x0];
	v2 =	vmov s22  }
0x1a3: {  	v3 =	vld [tilespmem:s20+$0x0];
	v2 =	vshll.u32 v2, $0x6  }
0x1a4: {  	v2 =	vor.u32 v0, v2  }
0x1a5: {  	v4 =	vor.u32 $0x1, v2  }
0x1a6: {  	v5 =	vor.u32 $0x2, v2  }
0x1a7: {  	v6 =	vor.u32 $0x3, v2;
	v1 =	vshll.u32 v1, $0x14  }
0x1a8: {  	v1 =	vadd.s32 v3, v1;
	v3 =	vor.u32 $0x4, v2  }
0x1a9: {  	v8 =	vor.u32 $0x5, v2;
	[tilespmem:v2+s13+$0x0] =	vst.idx.msk $0xffff, v1;
	v7 =	vadd.s32 $0x4000, v1  }
0x1aa: {  	v57 =	vor.u32 $0x6, v2;
	v56 =	vadd.s32 $0x8000, v1;
	[tilespmem:v4+s13+$0x0] =	vst.idx.msk $0xffff, v7  }
0x1ab: {  	v59 =	vor.u32 $0x7, v2;
	v58 =	vadd.s32 $0xC000, v1;
	[tilespmem:v5+s13+$0x0] =	vst.idx.msk $0xffff, v56  }
0x1ac: {  	v61 =	vor.u32 $0x8, v2;
	v60 =	vadd.s32 $0x10000, v1;
	[tilespmem:v6+s13+$0x0] =	vst.idx.msk $0xffff, v58  }
0x1ad: {  	v62 =	vor.u32 $0x9, v2;
	[tilespmem:v3+s13+$0x0] =	vst.idx.msk $0xffff, v60;
	v3 =	vadd.s32 $0x14000, v1  }
0x1ae: {  	v63 =	vor.u32 $0xA, v2;
	[tilespmem:v8+s13+$0x0] =	vst.idx.msk $0xffff, v3;
	v3 =	vadd.s32 $0x18000, v1  }
0x1af: {  	v12 =	vor.u32 $0xB, v2;
	[tilespmem:v57+s13+$0x0] =	vst.idx.msk $0xffff, v3;
	v3 =	vadd.s32 $0x1C000, v1  }
0x1b0: {  	v13 =	vor.u32 $0xC, v2;
	[tilespmem:v59+s13+$0x0] =	vst.idx.msk $0xffff, v3;
	v3 =	vadd.s32 $0x20000, v1  }
0x1b1: {  	v14 =	vor.u32 $0xD, v2;
	[tilespmem:v61+s13+$0x0] =	vst.idx.msk $0xffff, v3;
	v3 =	vadd.s32 $0x24000, v1  }
0x1b2: {  	v15 =	vor.u32 $0xE, v2;
	[tilespmem:v62+s13+$0x0] =	vst.idx.msk $0xffff, v3;
	v3 =	vadd.s32 $0x28000, v1  }
0x1b3: {  	v16 =	vor.u32 $0xF, v2;
	[tilespmem:v63+s13+$0x0] =	vst.idx.msk $0xffff, v3;
	v3 =	vadd.s32 $0x2C000, v1  }
0x1b4: {  	v17 =	vor.u32 $0x10, v2;
	[tilespmem:v12+s13+$0x0] =	vst.idx.msk $0xffff, v3;
	v3 =	vadd.s32 $0x30000, v1  }
0x1b5: {  	v18 =	vor.u32 $0x11, v2;
	[tilespmem:v13+s13+$0x0] =	vst.idx.msk $0xffff, v3;
	v3 =	vadd.s32 $0x34000, v1  }
0x1b6: {  	v19 =	vor.u32 $0x12, v2;
	[tilespmem:v14+s13+$0x0] =	vst.idx.msk $0xffff, v3;
	v3 =	vadd.s32 $0x38000, v1  }
0x1b7: {  	v20 =	vor.u32 $0x13, v2;
	[tilespmem:v15+s13+$0x0] =	vst.idx.msk $0xffff, v3;
	v3 =	vadd.s32 $0x3C000, v1  }
0x1b8: {  	v21 =	vor.u32 $0x14, v2;
	[tilespmem:v16+s13+$0x0] =	vst.idx.msk $0xffff, v3;
	v3 =	vadd.s32 $0x40000, v1  }
0x1b9: {  	v22 =	vor.u32 $0x15, v2;
	[tilespmem:v17+s13+$0x0] =	vst.idx.msk $0xffff, v3;
	v3 =	vadd.s32 $0x44000, v1  }
0x1ba: {  	v23 =	vor.u32 $0x16, v2;
	[tilespmem:v18+s13+$0x0] =	vst.idx.msk $0xffff, v3;
	v3 =	vadd.s32 $0x48000, v1  }
0x1bb: {  	v24 =	vor.u32 $0x17, v2;
	[tilespmem:v19+s13+$0x0] =	vst.idx.msk $0xffff, v3;
	v3 =	vadd.s32 $0x4C000, v1  }
0x1bc: {  	v25 =	vor.u32 $0x18, v2;
	[tilespmem:v20+s13+$0x0] =	vst.idx.msk $0xffff, v3;
	v3 =	vadd.s32 $0x50000, v1  }
0x1bd: {  	v26 =	vor.u32 $0x19, v2;
	[tilespmem:v21+s13+$0x0] =	vst.idx.msk $0xffff, v3;
	v3 =	vadd.s32 $0x54000, v1  }
0x1be: {  	v27 =	vor.u32 $0x1A, v2;
	[tilespmem:v22+s13+$0x0] =	vst.idx.msk $0xffff, v3;
	v3 =	vadd.s32 $0x58000, v1  }
0x1bf: {  	v28 =	vor.u32 $0x1B, v2;
	[tilespmem:v23+s13+$0x0] =	vst.idx.msk $0xffff, v3;
	v3 =	vadd.s32 $0x5C000, v1  }
0x1c0: {  	v29 =	vor.u32 $0x1C, v2;
	[tilespmem:v24+s13+$0x0] =	vst.idx.msk $0xffff, v3;
	v3 =	vadd.s32 $0x60000, v1  }
0x1c1: {  	v30 =	vor.u32 $0x1D, v2;
	[tilespmem:v25+s13+$0x0] =	vst.idx.msk $0xffff, v3;
	v3 =	vadd.s32 $0x64000, v1  }
0x1c2: {  	v31 =	vor.u32 $0x1E, v2;
	[tilespmem:v26+s13+$0x0] =	vst.idx.msk $0xffff, v3;
	v3 =	vadd.s32 $0x68000, v1  }
0x1c3: {  	v32 =	vor.u32 $0x1F, v2;
	[tilespmem:v27+s13+$0x0] =	vst.idx.msk $0xffff, v3;
	v3 =	vadd.s32 $0x6C000, v1  }
0x1c4: {  	v33 =	vor.u32 $0x20, v2;
	[tilespmem:v28+s13+$0x0] =	vst.idx.msk $0xffff, v3;
	v3 =	vadd.s32 $0x70000, v1  }
0x1c5: {  	v34 =	vor.u32 $0x21, v2;
	[tilespmem:v29+s13+$0x0] =	vst.idx.msk $0xffff, v3;
	v3 =	vadd.s32 $0x74000, v1  }
0x1c6: {  	v35 =	vor.u32 $0x22, v2;
	[tilespmem:v30+s13+$0x0] =	vst.idx.msk $0xffff, v3;
	v3 =	vadd.s32 $0x78000, v1  }
0x1c7: {  	v36 =	vor.u32 $0x23, v2;
	[tilespmem:v31+s13+$0x0] =	vst.idx.msk $0xffff, v3;
	v3 =	vadd.s32 $0x7C000, v1  }
0x1c8: {  	v37 =	vor.u32 $0x24, v2;
	[tilespmem:v32+s13+$0x0] =	vst.idx.msk $0xffff, v3;
	v3 =	vadd.s32 $0x80000, v1  }
0x1c9: {  	v38 =	vor.u32 $0x25, v2;
	[tilespmem:v33+s13+$0x0] =	vst.idx.msk $0xffff, v3;
	v3 =	vadd.s32 $0x84000, v1  }
0x1ca: {  	v39 =	vor.u32 $0x26, v2;
	[tilespmem:v34+s13+$0x0] =	vst.idx.msk $0xffff, v3;
	v3 =	vadd.s32 $0x88000, v1  }
0x1cb: {  	v40 =	vor.u32 $0x27, v2;
	[tilespmem:v35+s13+$0x0] =	vst.idx.msk $0xffff, v3;
	v3 =	vadd.s32 $0x8C000, v1  }
0x1cc: {  	v41 =	vor.u32 $0x28, v2;
	[tilespmem:v36+s13+$0x0] =	vst.idx.msk $0xffff, v3;
	v3 =	vadd.s32 $0x90000, v1  }
0x1cd: {  	v42 =	vor.u32 $0x29, v2;
	[tilespmem:v37+s13+$0x0] =	vst.idx.msk $0xffff, v3;
	v3 =	vadd.s32 $0x94000, v1  }
0x1ce: {  	v43 =	vor.u32 $0x2A, v2;
	[tilespmem:v38+s13+$0x0] =	vst.idx.msk $0xffff, v3;
	v3 =	vadd.s32 $0x98000, v1  }
0x1cf: {  	v44 =	vor.u32 $0x2B, v2;
	[tilespmem:v39+s13+$0x0] =	vst.idx.msk $0xffff, v3;
	v3 =	vadd.s32 $0x9C000, v1  }
0x1d0: {  	v45 =	vor.u32 $0x2C, v2;
	[tilespmem:v40+s13+$0x0] =	vst.idx.msk $0xffff, v3;
	v3 =	vadd.s32 $0xA0000, v1  }
0x1d1: {  	v46 =	vor.u32 $0x2D, v2;
	[tilespmem:v41+s13+$0x0] =	vst.idx.msk $0xffff, v3;
	v3 =	vadd.s32 $0xA4000, v1  }
0x1d2: {  	v47 =	vor.u32 $0x2E, v2;
	[tilespmem:v42+s13+$0x0] =	vst.idx.msk $0xffff, v3;
	v3 =	vadd.s32 $0xA8000, v1  }
0x1d3: {  	v48 =	vor.u32 $0x2F, v2;
	[tilespmem:v43+s13+$0x0] =	vst.idx.msk $0xffff, v3;
	v3 =	vadd.s32 $0xAC000, v1  }
0x1d4: {  	v49 =	vor.u32 $0x30, v2;
	[tilespmem:v44+s13+$0x0] =	vst.idx.msk $0xffff, v3;
	v3 =	vadd.s32 $0xB0000, v1  }
0x1d5: {  	v50 =	vor.u32 $0x31, v2;
	[tilespmem:v45+s13+$0x0] =	vst.idx.msk $0xffff, v3;
	v3 =	vadd.s32 $0xB4000, v1  }
0x1d6: {  	v51 =	vor.u32 $0x32, v2;
	[tilespmem:v46+s13+$0x0] =	vst.idx.msk $0xffff, v3;
	v3 =	vadd.s32 $0xB8000, v1  }
0x1d7: {  	v52 =	vor.u32 $0x33, v2;
	[tilespmem:v47+s13+$0x0] =	vst.idx.msk $0xffff, v3;
	v3 =	vadd.s32 $0xBC000, v1  }
0x1d8: {  	v53 =	vor.u32 $0x34, v2;
	[tilespmem:v48+s13+$0x0] =	vst.idx.msk $0xffff, v3;
	v3 =	vadd.s32 $0xC0000, v1  }
0x1d9: {  	v54 =	vor.u32 $0x35, v2;
	[tilespmem:v49+s13+$0x0] =	vst.idx.msk $0xffff, v3;
	v3 =	vadd.s32 $0xC4000, v1  }
0x1da: {  	v55 =	vor.u32 $0x36, v2;
	[tilespmem:v50+s13+$0x0] =	vst.idx.msk $0xffff, v3;
	v3 =	vadd.s32 $0xC8000, v1  }
0x1db: {  	v56 =	vor.u32 $0x37, v2;
	[tilespmem:v51+s13+$0x0] =	vst.idx.msk $0xffff, v3;
	v3 =	vadd.s32 $0xCC000, v1  }
0x1dc: {  	v57 =	vor.u32 $0x38, v2;
	[tilespmem:v52+s13+$0x0] =	vst.idx.msk $0xffff, v3;
	v3 =	vadd.s32 $0xD0000, v1  }
0x1dd: {  	v58 =	vor.u32 $0x39, v2;
	[tilespmem:v53+s13+$0x0] =	vst.idx.msk $0xffff, v3;
	v3 =	vadd.s32 $0xD4000, v1  }
0x1de: {  	v59 =	vor.u32 $0x3A, v2;
	[tilespmem:v54+s13+$0x0] =	vst.idx.msk $0xffff, v3;
	v3 =	vadd.s32 $0xD8000, v1  }
0x1df: {  	v60 =	vor.u32 $0x3B, v2;
	[tilespmem:v55+s13+$0x0] =	vst.idx.msk $0xffff, v3;
	v3 =	vadd.s32 $0xDC000, v1  }
0x1e0: {  	v61 =	vor.u32 $0x3C, v2;
	[tilespmem:v56+s13+$0x0] =	vst.idx.msk $0xffff, v3;
	v3 =	vadd.s32 $0xE0000, v1  }
0x1e1: {  	v62 =	vor.u32 $0x3D, v2;
	[tilespmem:v57+s13+$0x0] =	vst.idx.msk $0xffff, v3;
	v3 =	vadd.s32 $0xE4000, v1  }
0x1e2: {  	v63 =	vor.u32 $0x3E, v2;
	[tilespmem:v58+s13+$0x0] =	vst.idx.msk $0xffff, v3;
	v3 =	vadd.s32 $0xE8000, v1  }
0x1e3: {  	p1 =	sne.s32 s22, $0xB0;
	v2 =	vor.u32 $0x3F, v2;
	[tilespmem:v59+s13+$0x0] =	vst.idx.msk $0xffff, v3;
	v3 =	vadd.s32 $0xEC000, v1  }
.Ltmp7:
0x1e4: {  	[tilespmem:v60+s13+$0x0] =	vst.idx.msk $0xffff, v3;
	v3 =	vadd.s32 $0xF0000, v1;
	(pc) =	sbr.rel @p1 .LBB2_12-.Ltmp7, $4  }
0x1e5: {  	[tilespmem:v61+s13+$0x0] =	vst.idx.msk $0xffff, v3;
	v3 =	vadd.s32 $0xF4000, v1  }
0x1e6: {  	[tilespmem:v62+s13+$0x0] =	vst.idx.msk $0xffff, v3;
	v3 =	vadd.s32 $0xF8000, v1  }
0x1e7: {  	v1 =	vadd.s32 $0xFC000, v1;
	[tilespmem:v63+s13+$0x0] =	vst.idx.msk $0xffff, v3  }
0x1e8: {  	s20 =	sadd.s32 $0x10, s20;
	s21 =	sadd.s32 $0x10, s21;
	s22 =	sadd.s32 $0x10, s22;
	[tilespmem:v2+s13+$0x0] =	vst.idx.msk $0xffff, v1  }
0x1e9: {  	[tilespmem:s25], [sflag:$0x7] =	stream.indirect.gather [hbm4b:s1+s14], $0x1, s24, s14, $0xb8;
	[tilespmem:$0x106C0] =	vst v63  }
0x1ea: {  	s20 =	simm.s32 $0xC0;
	s21 =	simm.s32 $0x1C0;
	s22 =	simm.s32 $0xC0  }
.LBB2_14:
0x1eb: {  	v1 =	vld [tilespmem:s21+$0x0];
	v2 =	vmov s22  }
0x1ec: {  	v3 =	vld [tilespmem:s20+$0x0];
	v2 =	vshll.u32 v2, $0x6  }
0x1ed: {  	v2 =	vor.u32 v0, v2  }
0x1ee: {  	v4 =	vor.u32 $0x1, v2  }
0x1ef: {  	v5 =	vor.u32 $0x2, v2  }
0x1f0: {  	v6 =	vor.u32 $0x3, v2;
	v1 =	vshll.u32 v1, $0x14  }
0x1f1: {  	v1 =	vadd.s32 v3, v1;
	v3 =	vor.u32 $0x4, v2  }
0x1f2: {  	v8 =	vor.u32 $0x5, v2;
	[tilespmem:v2+s13+$0x0] =	vst.idx.msk $0xffff, v1;
	v7 =	vadd.s32 $0x4000, v1  }
0x1f3: {  	v57 =	vor.u32 $0x6, v2;
	v56 =	vadd.s32 $0x8000, v1;
	[tilespmem:v4+s13+$0x0] =	vst.idx.msk $0xffff, v7  }
0x1f4: {  	v59 =	vor.u32 $0x7, v2;
	v58 =	vadd.s32 $0xC000, v1;
	[tilespmem:v5+s13+$0x0] =	vst.idx.msk $0xffff, v56  }
0x1f5: {  	v61 =	vor.u32 $0x8, v2;
	v60 =	vadd.s32 $0x10000, v1;
	[tilespmem:v6+s13+$0x0] =	vst.idx.msk $0xffff, v58  }
0x1f6: {  	v62 =	vor.u32 $0x9, v2;
	[tilespmem:v3+s13+$0x0] =	vst.idx.msk $0xffff, v60;
	v3 =	vadd.s32 $0x14000, v1  }
0x1f7: {  	v63 =	vor.u32 $0xA, v2;
	[tilespmem:v8+s13+$0x0] =	vst.idx.msk $0xffff, v3;
	v3 =	vadd.s32 $0x18000, v1  }
0x1f8: {  	v12 =	vor.u32 $0xB, v2;
	[tilespmem:v57+s13+$0x0] =	vst.idx.msk $0xffff, v3;
	v3 =	vadd.s32 $0x1C000, v1  }
0x1f9: {  	v13 =	vor.u32 $0xC, v2;
	[tilespmem:v59+s13+$0x0] =	vst.idx.msk $0xffff, v3;
	v3 =	vadd.s32 $0x20000, v1  }
0x1fa: {  	v14 =	vor.u32 $0xD, v2;
	[tilespmem:v61+s13+$0x0] =	vst.idx.msk $0xffff, v3;
	v3 =	vadd.s32 $0x24000, v1  }
0x1fb: {  	v15 =	vor.u32 $0xE, v2;
	[tilespmem:v62+s13+$0x0] =	vst.idx.msk $0xffff, v3;
	v3 =	vadd.s32 $0x28000, v1  }
0x1fc: {  	v16 =	vor.u32 $0xF, v2;
	[tilespmem:v63+s13+$0x0] =	vst.idx.msk $0xffff, v3;
	v3 =	vadd.s32 $0x2C000, v1  }
0x1fd: {  	v17 =	vor.u32 $0x10, v2;
	[tilespmem:v12+s13+$0x0] =	vst.idx.msk $0xffff, v3;
	v3 =	vadd.s32 $0x30000, v1  }
0x1fe: {  	v18 =	vor.u32 $0x11, v2;
	[tilespmem:v13+s13+$0x0] =	vst.idx.msk $0xffff, v3;
	v3 =	vadd.s32 $0x34000, v1  }
0x1ff: {  	v19 =	vor.u32 $0x12, v2;
	[tilespmem:v14+s13+$0x0] =	vst.idx.msk $0xffff, v3;
	v3 =	vadd.s32 $0x38000, v1  }
0x200: {  	v20 =	vor.u32 $0x13, v2;
	[tilespmem:v15+s13+$0x0] =	vst.idx.msk $0xffff, v3;
	v3 =	vadd.s32 $0x3C000, v1  }
0x201: {  	v21 =	vor.u32 $0x14, v2;
	[tilespmem:v16+s13+$0x0] =	vst.idx.msk $0xffff, v3;
	v3 =	vadd.s32 $0x40000, v1  }
0x202: {  	v22 =	vor.u32 $0x15, v2;
	[tilespmem:v17+s13+$0x0] =	vst.idx.msk $0xffff, v3;
	v3 =	vadd.s32 $0x44000, v1  }
0x203: {  	v23 =	vor.u32 $0x16, v2;
	[tilespmem:v18+s13+$0x0] =	vst.idx.msk $0xffff, v3;
	v3 =	vadd.s32 $0x48000, v1  }
0x204: {  	v24 =	vor.u32 $0x17, v2;
	[tilespmem:v19+s13+$0x0] =	vst.idx.msk $0xffff, v3;
	v3 =	vadd.s32 $0x4C000, v1  }
0x205: {  	v25 =	vor.u32 $0x18, v2;
	[tilespmem:v20+s13+$0x0] =	vst.idx.msk $0xffff, v3;
	v3 =	vadd.s32 $0x50000, v1  }
0x206: {  	v26 =	vor.u32 $0x19, v2;
	[tilespmem:v21+s13+$0x0] =	vst.idx.msk $0xffff, v3;
	v3 =	vadd.s32 $0x54000, v1  }
0x207: {  	v27 =	vor.u32 $0x1A, v2;
	[tilespmem:v22+s13+$0x0] =	vst.idx.msk $0xffff, v3;
	v3 =	vadd.s32 $0x58000, v1  }
0x208: {  	v28 =	vor.u32 $0x1B, v2;
	[tilespmem:v23+s13+$0x0] =	vst.idx.msk $0xffff, v3;
	v3 =	vadd.s32 $0x5C000, v1  }
0x209: {  	v29 =	vor.u32 $0x1C, v2;
	[tilespmem:v24+s13+$0x0] =	vst.idx.msk $0xffff, v3;
	v3 =	vadd.s32 $0x60000, v1  }
0x20a: {  	v30 =	vor.u32 $0x1D, v2;
	[tilespmem:v25+s13+$0x0] =	vst.idx.msk $0xffff, v3;
	v3 =	vadd.s32 $0x64000, v1  }
0x20b: {  	v31 =	vor.u32 $0x1E, v2;
	[tilespmem:v26+s13+$0x0] =	vst.idx.msk $0xffff, v3;
	v3 =	vadd.s32 $0x68000, v1  }
0x20c: {  	v32 =	vor.u32 $0x1F, v2;
	[tilespmem:v27+s13+$0x0] =	vst.idx.msk $0xffff, v3;
	v3 =	vadd.s32 $0x6C000, v1  }
0x20d: {  	v33 =	vor.u32 $0x20, v2;
	[tilespmem:v28+s13+$0x0] =	vst.idx.msk $0xffff, v3;
	v3 =	vadd.s32 $0x70000, v1  }
0x20e: {  	v34 =	vor.u32 $0x21, v2;
	[tilespmem:v29+s13+$0x0] =	vst.idx.msk $0xffff, v3;
	v3 =	vadd.s32 $0x74000, v1  }
0x20f: {  	v35 =	vor.u32 $0x22, v2;
	[tilespmem:v30+s13+$0x0] =	vst.idx.msk $0xffff, v3;
	v3 =	vadd.s32 $0x78000, v1  }
0x210: {  	v36 =	vor.u32 $0x23, v2;
	[tilespmem:v31+s13+$0x0] =	vst.idx.msk $0xffff, v3;
	v3 =	vadd.s32 $0x7C000, v1  }
0x211: {  	v37 =	vor.u32 $0x24, v2;
	[tilespmem:v32+s13+$0x0] =	vst.idx.msk $0xffff, v3;
	v3 =	vadd.s32 $0x80000, v1  }
0x212: {  	v38 =	vor.u32 $0x25, v2;
	[tilespmem:v33+s13+$0x0] =	vst.idx.msk $0xffff, v3;
	v3 =	vadd.s32 $0x84000, v1  }
0x213: {  	v39 =	vor.u32 $0x26, v2;
	[tilespmem:v34+s13+$0x0] =	vst.idx.msk $0xffff, v3;
	v3 =	vadd.s32 $0x88000, v1  }
0x214: {  	v40 =	vor.u32 $0x27, v2;
	[tilespmem:v35+s13+$0x0] =	vst.idx.msk $0xffff, v3;
	v3 =	vadd.s32 $0x8C000, v1  }
0x215: {  	v41 =	vor.u32 $0x28, v2;
	[tilespmem:v36+s13+$0x0] =	vst.idx.msk $0xffff, v3;
	v3 =	vadd.s32 $0x90000, v1  }
0x216: {  	v42 =	vor.u32 $0x29, v2;
	[tilespmem:v37+s13+$0x0] =	vst.idx.msk $0xffff, v3;
	v3 =	vadd.s32 $0x94000, v1  }
0x217: {  	v43 =	vor.u32 $0x2A, v2;
	[tilespmem:v38+s13+$0x0] =	vst.idx.msk $0xffff, v3;
	v3 =	vadd.s32 $0x98000, v1  }
0x218: {  	v44 =	vor.u32 $0x2B, v2;
	[tilespmem:v39+s13+$0x0] =	vst.idx.msk $0xffff, v3;
	v3 =	vadd.s32 $0x9C000, v1  }
0x219: {  	v45 =	vor.u32 $0x2C, v2;
	[tilespmem:v40+s13+$0x0] =	vst.idx.msk $0xffff, v3;
	v3 =	vadd.s32 $0xA0000, v1  }
0x21a: {  	v46 =	vor.u32 $0x2D, v2;
	[tilespmem:v41+s13+$0x0] =	vst.idx.msk $0xffff, v3;
	v3 =	vadd.s32 $0xA4000, v1  }
0x21b: {  	v47 =	vor.u32 $0x2E, v2;
	[tilespmem:v42+s13+$0x0] =	vst.idx.msk $0xffff, v3;
	v3 =	vadd.s32 $0xA8000, v1  }
0x21c: {  	v48 =	vor.u32 $0x2F, v2;
	[tilespmem:v43+s13+$0x0] =	vst.idx.msk $0xffff, v3;
	v3 =	vadd.s32 $0xAC000, v1  }
0x21d: {  	v49 =	vor.u32 $0x30, v2;
	[tilespmem:v44+s13+$0x0] =	vst.idx.msk $0xffff, v3;
	v3 =	vadd.s32 $0xB0000, v1  }
0x21e: {  	v50 =	vor.u32 $0x31, v2;
	[tilespmem:v45+s13+$0x0] =	vst.idx.msk $0xffff, v3;
	v3 =	vadd.s32 $0xB4000, v1  }
0x21f: {  	v51 =	vor.u32 $0x32, v2;
	[tilespmem:v46+s13+$0x0] =	vst.idx.msk $0xffff, v3;
	v3 =	vadd.s32 $0xB8000, v1  }
0x220: {  	v52 =	vor.u32 $0x33, v2;
	[tilespmem:v47+s13+$0x0] =	vst.idx.msk $0xffff, v3;
	v3 =	vadd.s32 $0xBC000, v1  }
0x221: {  	v53 =	vor.u32 $0x34, v2;
	[tilespmem:v48+s13+$0x0] =	vst.idx.msk $0xffff, v3;
	v3 =	vadd.s32 $0xC0000, v1  }
0x222: {  	v54 =	vor.u32 $0x35, v2;
	[tilespmem:v49+s13+$0x0] =	vst.idx.msk $0xffff, v3;
	v3 =	vadd.s32 $0xC4000, v1  }
0x223: {  	v55 =	vor.u32 $0x36, v2;
	[tilespmem:v50+s13+$0x0] =	vst.idx.msk $0xffff, v3;
	v3 =	vadd.s32 $0xC8000, v1  }
0x224: {  	v56 =	vor.u32 $0x37, v2;
	[tilespmem:v51+s13+$0x0] =	vst.idx.msk $0xffff, v3;
	v3 =	vadd.s32 $0xCC000, v1  }
0x225: {  	v57 =	vor.u32 $0x38, v2;
	[tilespmem:v52+s13+$0x0] =	vst.idx.msk $0xffff, v3;
	v3 =	vadd.s32 $0xD0000, v1  }
0x226: {  	v58 =	vor.u32 $0x39, v2;
	[tilespmem:v53+s13+$0x0] =	vst.idx.msk $0xffff, v3;
	v3 =	vadd.s32 $0xD4000, v1  }
0x227: {  	v59 =	vor.u32 $0x3A, v2;
	[tilespmem:v54+s13+$0x0] =	vst.idx.msk $0xffff, v3;
	v3 =	vadd.s32 $0xD8000, v1  }
0x228: {  	v60 =	vor.u32 $0x3B, v2;
	[tilespmem:v55+s13+$0x0] =	vst.idx.msk $0xffff, v3;
	v3 =	vadd.s32 $0xDC000, v1  }
0x229: {  	v61 =	vor.u32 $0x3C, v2;
	[tilespmem:v56+s13+$0x0] =	vst.idx.msk $0xffff, v3;
	v3 =	vadd.s32 $0xE0000, v1  }
0x22a: {  	v62 =	vor.u32 $0x3D, v2;
	[tilespmem:v57+s13+$0x0] =	vst.idx.msk $0xffff, v3;
	v3 =	vadd.s32 $0xE4000, v1  }
0x22b: {  	v63 =	vor.u32 $0x3E, v2;
	[tilespmem:v58+s13+$0x0] =	vst.idx.msk $0xffff, v3;
	v3 =	vadd.s32 $0xE8000, v1  }
0x22c: {  	p1 =	sne.s32 s22, $0xD0;
	v2 =	vor.u32 $0x3F, v2;
	[tilespmem:v59+s13+$0x0] =	vst.idx.msk $0xffff, v3;
	v3 =	vadd.s32 $0xEC000, v1  }
.Ltmp8:
0x22d: {  	[tilespmem:v60+s13+$0x0] =	vst.idx.msk $0xffff, v3;
	v3 =	vadd.s32 $0xF0000, v1;
	(pc) =	sbr.rel @p1 .LBB2_14-.Ltmp8, $4  }
0x22e: {  	[tilespmem:v61+s13+$0x0] =	vst.idx.msk $0xffff, v3;
	v3 =	vadd.s32 $0xF4000, v1  }
0x22f: {  	[tilespmem:v62+s13+$0x0] =	vst.idx.msk $0xffff, v3;
	v3 =	vadd.s32 $0xF8000, v1  }
0x230: {  	v1 =	vadd.s32 $0xFC000, v1;
	[tilespmem:v63+s13+$0x0] =	vst.idx.msk $0xffff, v3  }
0x231: {  	s20 =	sadd.s32 $0x10, s20;
	s21 =	sadd.s32 $0x10, s21;
	s22 =	sadd.s32 $0x10, s22;
	[tilespmem:v2+s13+$0x0] =	vst.idx.msk $0xffff, v1  }
0x232: {  	[tilespmem:s28], [sflag:$0x8] =	stream.indirect.gather [hbm4b:s1+s14], $0x1, s26, s14, $0xb8;
	[tilespmem:$0x106C0] =	vst v63  }
0x233: {  	s20 =	simm.s32 $0xE0;
	s21 =	simm.s32 $0x1E0;
	s22 =	simm.s32 $0xE0  }
.LBB2_16:
0x234: {  	v1 =	vld [tilespmem:s21+$0x0];
	v2 =	vmov s22  }
0x235: {  	v3 =	vld [tilespmem:s20+$0x0];
	v2 =	vshll.u32 v2, $0x6  }
0x236: {  	v2 =	vor.u32 v0, v2  }
0x237: {  	v4 =	vor.u32 $0x1, v2  }
0x238: {  	v5 =	vor.u32 $0x2, v2  }
0x239: {  	v6 =	vor.u32 $0x3, v2;
	v1 =	vshll.u32 v1, $0x14  }
0x23a: {  	v1 =	vadd.s32 v3, v1;
	v3 =	vor.u32 $0x4, v2  }
0x23b: {  	v8 =	vor.u32 $0x5, v2;
	[tilespmem:v2+s13+$0x0] =	vst.idx.msk $0xffff, v1;
	v7 =	vadd.s32 $0x4000, v1  }
0x23c: {  	v57 =	vor.u32 $0x6, v2;
	v56 =	vadd.s32 $0x8000, v1;
	[tilespmem:v4+s13+$0x0] =	vst.idx.msk $0xffff, v7  }
0x23d: {  	v59 =	vor.u32 $0x7, v2;
	v58 =	vadd.s32 $0xC000, v1;
	[tilespmem:v5+s13+$0x0] =	vst.idx.msk $0xffff, v56  }
0x23e: {  	v61 =	vor.u32 $0x8, v2;
	v60 =	vadd.s32 $0x10000, v1;
	[tilespmem:v6+s13+$0x0] =	vst.idx.msk $0xffff, v58  }
0x23f: {  	v62 =	vor.u32 $0x9, v2;
	[tilespmem:v3+s13+$0x0] =	vst.idx.msk $0xffff, v60;
	v3 =	vadd.s32 $0x14000, v1  }
0x240: {  	v63 =	vor.u32 $0xA, v2;
	[tilespmem:v8+s13+$0x0] =	vst.idx.msk $0xffff, v3;
	v3 =	vadd.s32 $0x18000, v1  }
0x241: {  	v12 =	vor.u32 $0xB, v2;
	[tilespmem:v57+s13+$0x0] =	vst.idx.msk $0xffff, v3;
	v3 =	vadd.s32 $0x1C000, v1  }
0x242: {  	v13 =	vor.u32 $0xC, v2;
	[tilespmem:v59+s13+$0x0] =	vst.idx.msk $0xffff, v3;
	v3 =	vadd.s32 $0x20000, v1  }
0x243: {  	v14 =	vor.u32 $0xD, v2;
	[tilespmem:v61+s13+$0x0] =	vst.idx.msk $0xffff, v3;
	v3 =	vadd.s32 $0x24000, v1  }
0x244: {  	v15 =	vor.u32 $0xE, v2;
	[tilespmem:v62+s13+$0x0] =	vst.idx.msk $0xffff, v3;
	v3 =	vadd.s32 $0x28000, v1  }
0x245: {  	v16 =	vor.u32 $0xF, v2;
	[tilespmem:v63+s13+$0x0] =	vst.idx.msk $0xffff, v3;
	v3 =	vadd.s32 $0x2C000, v1  }
0x246: {  	v17 =	vor.u32 $0x10, v2;
	[tilespmem:v12+s13+$0x0] =	vst.idx.msk $0xffff, v3;
	v3 =	vadd.s32 $0x30000, v1  }
0x247: {  	v18 =	vor.u32 $0x11, v2;
	[tilespmem:v13+s13+$0x0] =	vst.idx.msk $0xffff, v3;
	v3 =	vadd.s32 $0x34000, v1  }
0x248: {  	v19 =	vor.u32 $0x12, v2;
	[tilespmem:v14+s13+$0x0] =	vst.idx.msk $0xffff, v3;
	v3 =	vadd.s32 $0x38000, v1  }
0x249: {  	v20 =	vor.u32 $0x13, v2;
	[tilespmem:v15+s13+$0x0] =	vst.idx.msk $0xffff, v3;
	v3 =	vadd.s32 $0x3C000, v1  }
0x24a: {  	v21 =	vor.u32 $0x14, v2;
	[tilespmem:v16+s13+$0x0] =	vst.idx.msk $0xffff, v3;
	v3 =	vadd.s32 $0x40000, v1  }
0x24b: {  	v22 =	vor.u32 $0x15, v2;
	[tilespmem:v17+s13+$0x0] =	vst.idx.msk $0xffff, v3;
	v3 =	vadd.s32 $0x44000, v1  }
0x24c: {  	v23 =	vor.u32 $0x16, v2;
	[tilespmem:v18+s13+$0x0] =	vst.idx.msk $0xffff, v3;
	v3 =	vadd.s32 $0x48000, v1  }
0x24d: {  	v24 =	vor.u32 $0x17, v2;
	[tilespmem:v19+s13+$0x0] =	vst.idx.msk $0xffff, v3;
	v3 =	vadd.s32 $0x4C000, v1  }
0x24e: {  	v25 =	vor.u32 $0x18, v2;
	[tilespmem:v20+s13+$0x0] =	vst.idx.msk $0xffff, v3;
	v3 =	vadd.s32 $0x50000, v1  }
0x24f: {  	v26 =	vor.u32 $0x19, v2;
	[tilespmem:v21+s13+$0x0] =	vst.idx.msk $0xffff, v3;
	v3 =	vadd.s32 $0x54000, v1  }
0x250: {  	v27 =	vor.u32 $0x1A, v2;
	[tilespmem:v22+s13+$0x0] =	vst.idx.msk $0xffff, v3;
	v3 =	vadd.s32 $0x58000, v1  }
0x251: {  	v28 =	vor.u32 $0x1B, v2;
	[tilespmem:v23+s13+$0x0] =	vst.idx.msk $0xffff, v3;
	v3 =	vadd.s32 $0x5C000, v1  }
0x252: {  	v29 =	vor.u32 $0x1C, v2;
	[tilespmem:v24+s13+$0x0] =	vst.idx.msk $0xffff, v3;
	v3 =	vadd.s32 $0x60000, v1  }
0x253: {  	v30 =	vor.u32 $0x1D, v2;
	[tilespmem:v25+s13+$0x0] =	vst.idx.msk $0xffff, v3;
	v3 =	vadd.s32 $0x64000, v1  }
0x254: {  	v31 =	vor.u32 $0x1E, v2;
	[tilespmem:v26+s13+$0x0] =	vst.idx.msk $0xffff, v3;
	v3 =	vadd.s32 $0x68000, v1  }
0x255: {  	v32 =	vor.u32 $0x1F, v2;
	[tilespmem:v27+s13+$0x0] =	vst.idx.msk $0xffff, v3;
	v3 =	vadd.s32 $0x6C000, v1  }
0x256: {  	v33 =	vor.u32 $0x20, v2;
	[tilespmem:v28+s13+$0x0] =	vst.idx.msk $0xffff, v3;
	v3 =	vadd.s32 $0x70000, v1  }
0x257: {  	v34 =	vor.u32 $0x21, v2;
	[tilespmem:v29+s13+$0x0] =	vst.idx.msk $0xffff, v3;
	v3 =	vadd.s32 $0x74000, v1  }
0x258: {  	v35 =	vor.u32 $0x22, v2;
	[tilespmem:v30+s13+$0x0] =	vst.idx.msk $0xffff, v3;
	v3 =	vadd.s32 $0x78000, v1  }
0x259: {  	v36 =	vor.u32 $0x23, v2;
	[tilespmem:v31+s13+$0x0] =	vst.idx.msk $0xffff, v3;
	v3 =	vadd.s32 $0x7C000, v1  }
0x25a: {  	v37 =	vor.u32 $0x24, v2;
	[tilespmem:v32+s13+$0x0] =	vst.idx.msk $0xffff, v3;
	v3 =	vadd.s32 $0x80000, v1  }
0x25b: {  	v38 =	vor.u32 $0x25, v2;
	[tilespmem:v33+s13+$0x0] =	vst.idx.msk $0xffff, v3;
	v3 =	vadd.s32 $0x84000, v1  }
0x25c: {  	v39 =	vor.u32 $0x26, v2;
	[tilespmem:v34+s13+$0x0] =	vst.idx.msk $0xffff, v3;
	v3 =	vadd.s32 $0x88000, v1  }
0x25d: {  	v40 =	vor.u32 $0x27, v2;
	[tilespmem:v35+s13+$0x0] =	vst.idx.msk $0xffff, v3;
	v3 =	vadd.s32 $0x8C000, v1  }
0x25e: {  	v41 =	vor.u32 $0x28, v2;
	[tilespmem:v36+s13+$0x0] =	vst.idx.msk $0xffff, v3;
	v3 =	vadd.s32 $0x90000, v1  }
0x25f: {  	v42 =	vor.u32 $0x29, v2;
	[tilespmem:v37+s13+$0x0] =	vst.idx.msk $0xffff, v3;
	v3 =	vadd.s32 $0x94000, v1  }
0x260: {  	v43 =	vor.u32 $0x2A, v2;
	[tilespmem:v38+s13+$0x0] =	vst.idx.msk $0xffff, v3;
	v3 =	vadd.s32 $0x98000, v1  }
0x261: {  	v44 =	vor.u32 $0x2B, v2;
	[tilespmem:v39+s13+$0x0] =	vst.idx.msk $0xffff, v3;
	v3 =	vadd.s32 $0x9C000, v1  }
0x262: {  	v45 =	vor.u32 $0x2C, v2;
	[tilespmem:v40+s13+$0x0] =	vst.idx.msk $0xffff, v3;
	v3 =	vadd.s32 $0xA0000, v1  }
0x263: {  	v46 =	vor.u32 $0x2D, v2;
	[tilespmem:v41+s13+$0x0] =	vst.idx.msk $0xffff, v3;
	v3 =	vadd.s32 $0xA4000, v1  }
0x264: {  	v47 =	vor.u32 $0x2E, v2;
	[tilespmem:v42+s13+$0x0] =	vst.idx.msk $0xffff, v3;
	v3 =	vadd.s32 $0xA8000, v1  }
0x265: {  	v48 =	vor.u32 $0x2F, v2;
	[tilespmem:v43+s13+$0x0] =	vst.idx.msk $0xffff, v3;
	v3 =	vadd.s32 $0xAC000, v1  }
0x266: {  	v49 =	vor.u32 $0x30, v2;
	[tilespmem:v44+s13+$0x0] =	vst.idx.msk $0xffff, v3;
	v3 =	vadd.s32 $0xB0000, v1  }
0x267: {  	v50 =	vor.u32 $0x31, v2;
	[tilespmem:v45+s13+$0x0] =	vst.idx.msk $0xffff, v3;
	v3 =	vadd.s32 $0xB4000, v1  }
0x268: {  	v51 =	vor.u32 $0x32, v2;
	[tilespmem:v46+s13+$0x0] =	vst.idx.msk $0xffff, v3;
	v3 =	vadd.s32 $0xB8000, v1  }
0x269: {  	v52 =	vor.u32 $0x33, v2;
	[tilespmem:v47+s13+$0x0] =	vst.idx.msk $0xffff, v3;
	v3 =	vadd.s32 $0xBC000, v1  }
0x26a: {  	v53 =	vor.u32 $0x34, v2;
	[tilespmem:v48+s13+$0x0] =	vst.idx.msk $0xffff, v3;
	v3 =	vadd.s32 $0xC0000, v1  }
0x26b: {  	v54 =	vor.u32 $0x35, v2;
	[tilespmem:v49+s13+$0x0] =	vst.idx.msk $0xffff, v3;
	v3 =	vadd.s32 $0xC4000, v1  }
0x26c: {  	v55 =	vor.u32 $0x36, v2;
	[tilespmem:v50+s13+$0x0] =	vst.idx.msk $0xffff, v3;
	v3 =	vadd.s32 $0xC8000, v1  }
0x26d: {  	v56 =	vor.u32 $0x37, v2;
	[tilespmem:v51+s13+$0x0] =	vst.idx.msk $0xffff, v3;
	v3 =	vadd.s32 $0xCC000, v1  }
0x26e: {  	v57 =	vor.u32 $0x38, v2;
	[tilespmem:v52+s13+$0x0] =	vst.idx.msk $0xffff, v3;
	v3 =	vadd.s32 $0xD0000, v1  }
0x26f: {  	v58 =	vor.u32 $0x39, v2;
	[tilespmem:v53+s13+$0x0] =	vst.idx.msk $0xffff, v3;
	v3 =	vadd.s32 $0xD4000, v1  }
0x270: {  	v59 =	vor.u32 $0x3A, v2;
	[tilespmem:v54+s13+$0x0] =	vst.idx.msk $0xffff, v3;
	v3 =	vadd.s32 $0xD8000, v1  }
0x271: {  	v60 =	vor.u32 $0x3B, v2;
	[tilespmem:v55+s13+$0x0] =	vst.idx.msk $0xffff, v3;
	v3 =	vadd.s32 $0xDC000, v1  }
0x272: {  	v61 =	vor.u32 $0x3C, v2;
	[tilespmem:v56+s13+$0x0] =	vst.idx.msk $0xffff, v3;
	v3 =	vadd.s32 $0xE0000, v1  }
0x273: {  	v62 =	vor.u32 $0x3D, v2;
	[tilespmem:v57+s13+$0x0] =	vst.idx.msk $0xffff, v3;
	v3 =	vadd.s32 $0xE4000, v1  }
0x274: {  	v63 =	vor.u32 $0x3E, v2;
	[tilespmem:v58+s13+$0x0] =	vst.idx.msk $0xffff, v3;
	v3 =	vadd.s32 $0xE8000, v1  }
0x275: {  	p1 =	sne.s32 s22, $0xF0;
	v2 =	vor.u32 $0x3F, v2;
	[tilespmem:v59+s13+$0x0] =	vst.idx.msk $0xffff, v3;
	v3 =	vadd.s32 $0xEC000, v1  }
.Ltmp9:
0x276: {  	[tilespmem:v60+s13+$0x0] =	vst.idx.msk $0xffff, v3;
	v3 =	vadd.s32 $0xF0000, v1;
	(pc) =	sbr.rel @p1 .LBB2_16-.Ltmp9, $4  }
0x277: {  	[tilespmem:v61+s13+$0x0] =	vst.idx.msk $0xffff, v3;
	v3 =	vadd.s32 $0xF4000, v1  }
0x278: {  	[tilespmem:v62+s13+$0x0] =	vst.idx.msk $0xffff, v3;
	v3 =	vadd.s32 $0xF8000, v1  }
0x279: {  	v1 =	vadd.s32 $0xFC000, v1;
	[tilespmem:v63+s13+$0x0] =	vst.idx.msk $0xffff, v3  }
0x27a: {  	s20 =	sadd.s32 $0x10, s20;
	s21 =	sadd.s32 $0x10, s21;
	s22 =	sadd.s32 $0x10, s22;
	[tilespmem:v2+s13+$0x0] =	vst.idx.msk $0xffff, v1  }
0x27b: {  	[tilespmem:s30], [sflag:$0x9] =	stream.indirect.gather [hbm4b:s1+s14], $0x1, s29, s14, $0xb8;
	[tilespmem:$0x106C0] =	vst v63  }
0x27c: {  	_ =	swait.ge [sflag:s31], $0x8000  }
0x27d: {  	[sflag:s31] =	ssyncset.done $0x0  }
0x27e: {  	[sflag:s31] =	ssyncadd.s32 $0xFFFF8000  }
0x27f: {  	_ =	swait.ge [sflag:s12], $0x800  }
0x280: {  	[sflag:s12] =	ssyncset.done $0x0  }
0x281: {  	s20 =	simm.s32 $0x8280;
	[sflag:s12] =	ssyncadd.s32 $0xFFFFF800  }
0x282: {  	v7 =	vld [tilespmem:s20+$0x0]  }
0x283: {  	v4 =	vld [tilespmem:s20+$0x10]  }
0x284: {  	v8 =	vld [tilespmem:s20+$0x20]  }
0x285: {  	s21 =	simm.s32 $0x0;
	v2 =	vld [tilespmem:s20+$0x30]  }
0x286: {  	v11 =	vld [tilespmem:s21+$0x4240]  }
0x287: {  	v15 =	vld [tilespmem:s21+$0x4250]  }
0x288: {  	v16 =	vld [tilespmem:s21+$0x4260]  }
0x289: {  	v18 =	vld [tilespmem:s21+$0x4270]  }
0x28a: {  	v20 =	vld [tilespmem:s20+$0xFFFFFF80]  }
0x28b: {  	v21 =	vld [tilespmem:s20+$0xFFFFFF90]  }
0x28c: {  	v22 =	vld [tilespmem:s20+$0xFFFFFFA0]  }
0x28d: {  	v19 =	vld [tilespmem:s20+$0xFFFFFFB0]  }
0x28e: {  	v25 =	vld [tilespmem:s21+$0x4200]  }
0x28f: {  	v13 =	vimm.f32 $0.0e+00;
	v24 =	vld [tilespmem:s21+$0x4210]  }
0x290: {  	s22 =	simm.s32 $0x200;
	v14 =	vimm.f32 $0.0e+00;
	v12 =	vimm.f32 $0.0e+00;
	v10 =	vimm.f32 $0.0e+00;
	v23 =	vld [tilespmem:s21+$0x4220]  }
.LBB2_18:
0x291: {  	p1 =	sne.s32 s22, $0x1E00;
	v1 =	vld [tilespmem:s21+$0x4230];
	s20 =	sadd.s32 $0x100, s20  }
0x292: {  	v3 =	vsub.f32 v11, v7;
	v7 =	vld [tilespmem:s20+$0x0]  }
0x293: {  	v5 =	vsub.f32 v15, v4;
	v6 =	vsub.f32 v16, v8;
	v4 =	vld [tilespmem:s20+$0x10]  }
0x294: {  	v17 =	vsub.f32 v18, v2;
	v9 =	vsub.f32 v25, v20;
	v8 =	vld [tilespmem:s20+$0x20]  }
0x295: {  	s21 =	sshra.s32 s22, $0x2;
	v16 =	vsub.f32 v24, v21;
	v2 =	vld [tilespmem:s20+$0x30];
	v18 =	vsub.f32 v23, v22  }
0x296: {  	v3 =	vand.u32 $0x7FFFFFFF, v3;
	v5 =	vand.u32 $0x7FFFFFFF, v5;
	v11 =	vld [tilespmem:s21+$0x4240];
	v1 =	vsub.f32 v1, v19  }
0x297: {  	v9 =	vand.u32 $0x7FFFFFFF, v9;
	v19 =	vand.u32 $0x7FFFFFFF, v16;
	v15 =	vld [tilespmem:s21+$0x4250];
	v20 =	vand.u32 $0x7FFFFFFF, v18  }
0x298: {  	v9 =	vadd.f32 v9, v13;
	v14 =	vadd.f32 v19, v14;
	v16 =	vld [tilespmem:s21+$0x4260];
	v1 =	vand.u32 $0x7FFFFFFF, v1  }
0x299: {  	v6 =	vand.u32 $0x7FFFFFFF, v6;
	v12 =	vadd.f32 v20, v12;
	v18 =	vld [tilespmem:s21+$0x4270];
	v1 =	vadd.f32 v1, v10  }
0x29a: {  	v13 =	vadd.f32 v3, v9;
	v10 =	vand.u32 $0x7FFFFFFF, v17;
	v14 =	vadd.f32 v5, v14;
	v20 =	vld [tilespmem:s20+$0xFFFFFF80]  }
0x29b: {  	v12 =	vadd.f32 v6, v12;
	v21 =	vld [tilespmem:s20+$0xFFFFFF90];
	v10 =	vadd.f32 v10, v1  }
.Ltmp10:
0x29c: {  	v22 =	vld [tilespmem:s20+$0xFFFFFFA0];
	(pc) =	sbr.rel @p1 .LBB2_18-.Ltmp10, $4  }
0x29d: {  	v19 =	vld [tilespmem:s20+$0xFFFFFFB0]  }
0x29e: {  	v25 =	vld [tilespmem:s21+$0x4200]  }
0x29f: {  	v24 =	vld [tilespmem:s21+$0x4210]  }
0x2a0: {  	s22 =	sadd.s32 $0x200, s22;
	v23 =	vld [tilespmem:s21+$0x4220]  }
0x2a1: {  	v26 =	vld [tilespmem:s21+$0x4230];
	_ =	swait.ge [sflag:s0], $0x800  }
0x2a2: {  	[sflag:s0] =	ssyncset.done $0x0  }
0x2a3: {  	s20 =	simm.s32 $0x92B0;
	[sflag:s0] =	ssyncadd.s32 $0xFFFFF800  }
0x2a4: {  	v5 =	vld [tilespmem:s20+$0xFFFFFFD0]  }
0x2a5: {  	v3 =	vld [tilespmem:s20+$0xFFFFFFE0]  }
0x2a6: {  	v6 =	vld [tilespmem:s20+$0xFFFFFFF0]  }
0x2a7: {  	s21 =	simm.s32 $0x0;
	v1 =	vld [tilespmem:s20+$0x0]  }
0x2a8: {  	v9 =	vld [tilespmem:s21+$0x4A40]  }
0x2a9: {  	v7 =	vsub.f32 v11, v7;
	v11 =	vld [tilespmem:s21+$0x4A50]  }
0x2aa: {  	v4 =	vsub.f32 v15, v4;
	v17 =	vld [tilespmem:s21+$0x4A60]  }
0x2ab: {  	v8 =	vsub.f32 v16, v8;
	v15 =	vsub.f32 v25, v20;
	v16 =	vld [tilespmem:s21+$0x4A70]  }
0x2ac: {  	v2 =	vsub.f32 v18, v2;
	v7 =	vand.u32 $0x7FFFFFFF, v7;
	v21 =	vsub.f32 v24, v21;
	v20 =	vld [tilespmem:s20+$0xFFFFFF50]  }
0x2ad: {  	v24 =	vld [tilespmem:s21+$0x4A00];
	v18 =	vsub.f32 v23, v22;
	v15 =	vand.u32 $0x7FFFFFFF, v15;
	v19 =	vsub.f32 v26, v19  }
0x2ae: {  	v4 =	vand.u32 $0x7FFFFFFF, v4;
	v25 =	vld [tilespmem:s21+$0x4A10];
	v22 =	vand.u32 $0x7FFFFFFF, v21;
	v13 =	vadd.f32 v15, v13  }
0x2af: {  	v23 =	vld [tilespmem:s20+$0xFFFFFF80];
	v15 =	vand.u32 $0x7FFFFFFF, v18;
	v14 =	vadd.f32 v22, v14;
	v18 =	vand.u32 $0x7FFFFFFF, v19  }
0x2b0: {  	v2 =	vand.u32 $0x7FFFFFFF, v2;
	v21 =	vld [tilespmem:s20+$0xFFFFFF60];
	v12 =	vadd.f32 v15, v12;
	v10 =	vadd.f32 v18, v10  }
0x2b1: {  	v26 =	vld [tilespmem:s21+$0x4A20];
	v15 =	vadd.f32 v7, v13;
	v7 =	vand.u32 $0x7FFFFFFF, v8;
	v18 =	vadd.f32 v4, v14  }
0x2b2: {  	s22 =	simm.s32 $0x200;
	v22 =	vld [tilespmem:s20+$0xFFFFFF70];
	v14 =	vadd.f32 v7, v12;
	v13 =	vadd.f32 v2, v10  }
.LBB2_20:
0x2b3: {  	p1 =	sne.s32 s22, $0x1E00;
	v2 =	vld [tilespmem:s21+$0x4A30];
	s20 =	sadd.s32 $0x100, s20  }
0x2b4: {  	v4 =	vsub.f32 v9, v5;
	v5 =	vld [tilespmem:s20+$0xFFFFFFD0]  }
0x2b5: {  	v7 =	vsub.f32 v11, v3;
	v8 =	vsub.f32 v17, v6;
	v3 =	vld [tilespmem:s20+$0xFFFFFFE0]  }
0x2b6: {  	v12 =	vsub.f32 v16, v1;
	v10 =	vsub.f32 v24, v20;
	v6 =	vld [tilespmem:s20+$0xFFFFFFF0]  }
0x2b7: {  	s21 =	sshra.s32 s22, $0x2;
	v16 =	vsub.f32 v25, v21;
	v1 =	vld [tilespmem:s20+$0x0];
	v17 =	vsub.f32 v26, v22  }
0x2b8: {  	v4 =	vand.u32 $0x7FFFFFFF, v4;
	v7 =	vand.u32 $0x7FFFFFFF, v7;
	v9 =	vld [tilespmem:s21+$0x4A40];
	v2 =	vsub.f32 v2, v23  }
0x2b9: {  	v10 =	vand.u32 $0x7FFFFFFF, v10;
	v16 =	vand.u32 $0x7FFFFFFF, v16;
	v11 =	vld [tilespmem:s21+$0x4A50];
	v19 =	vand.u32 $0x7FFFFFFF, v17  }
0x2ba: {  	v10 =	vadd.f32 v10, v15;
	v18 =	vadd.f32 v16, v18;
	v17 =	vld [tilespmem:s21+$0x4A60];
	v2 =	vand.u32 $0x7FFFFFFF, v2  }
0x2bb: {  	v8 =	vand.u32 $0x7FFFFFFF, v8;
	v14 =	vadd.f32 v19, v14;
	v16 =	vld [tilespmem:s21+$0x4A70];
	v2 =	vadd.f32 v2, v13  }
0x2bc: {  	v12 =	vand.u32 $0x7FFFFFFF, v12;
	v15 =	vadd.f32 v4, v10;
	v18 =	vadd.f32 v7, v18;
	v20 =	vld [tilespmem:s20+$0xFFFFFF50]  }
0x2bd: {  	v14 =	vadd.f32 v8, v14;
	v21 =	vld [tilespmem:s20+$0xFFFFFF60];
	v13 =	vadd.f32 v12, v2  }
.Ltmp11:
0x2be: {  	v22 =	vld [tilespmem:s20+$0xFFFFFF70];
	(pc) =	sbr.rel @p1 .LBB2_20-.Ltmp11, $4  }
0x2bf: {  	v23 =	vld [tilespmem:s20+$0xFFFFFF80]  }
0x2c0: {  	v24 =	vld [tilespmem:s21+$0x4A00]  }
0x2c1: {  	v25 =	vld [tilespmem:s21+$0x4A10]  }
0x2c2: {  	s22 =	sadd.s32 $0x200, s22;
	v26 =	vld [tilespmem:s21+$0x4A20]  }
0x2c3: {  	v27 =	vld [tilespmem:s21+$0x4A30];
	_ =	swait.ge [sflag:s2], $0x800  }
0x2c4: {  	[sflag:s2] =	ssyncset.done $0x0  }
0x2c5: {  	s20 =	simm.s32 $0xA2B0;
	[sflag:s2] =	ssyncadd.s32 $0xFFFFF800  }
0x2c6: {  	v7 =	vld [tilespmem:s20+$0xFFFFFFD0]  }
0x2c7: {  	v4 =	vld [tilespmem:s20+$0xFFFFFFE0]  }
0x2c8: {  	v8 =	vld [tilespmem:s20+$0xFFFFFFF0]  }
0x2c9: {  	s21 =	simm.s32 $0x0;
	v2 =	vld [tilespmem:s20+$0x0]  }
0x2ca: {  	v10 =	vld [tilespmem:s21+$0x5240]  }
0x2cb: {  	v12 =	vld [tilespmem:s21+$0x5250]  }
0x2cc: {  	v5 =	vsub.f32 v9, v5;
	v3 =	vsub.f32 v11, v3;
	v19 =	vld [tilespmem:s21+$0x5260]  }
0x2cd: {  	v6 =	vsub.f32 v17, v6;
	v9 =	vsub.f32 v24, v20;
	v17 =	vld [tilespmem:s21+$0x5270]  }
0x2ce: {  	v1 =	vsub.f32 v16, v1;
	v5 =	vand.u32 $0x7FFFFFFF, v5;
	v11 =	vsub.f32 v25, v21;
	v16 =	vld [tilespmem:s20+$0xFFFFFF50]  }
0x2cf: {  	v20 =	vld [tilespmem:s20+$0xFFFFFF60];
	v21 =	vsub.f32 v26, v22;
	v9 =	vand.u32 $0x7FFFFFFF, v9;
	v22 =	vsub.f32 v27, v23  }
0x2d0: {  	v3 =	vand.u32 $0x7FFFFFFF, v3;
	v24 =	vld [tilespmem:s21+$0x5210];
	v11 =	vand.u32 $0x7FFFFFFF, v11;
	v9 =	vadd.f32 v9, v15  }
0x2d1: {  	v25 =	vld [tilespmem:s21+$0x5220];
	v15 =	vand.u32 $0x7FFFFFFF, v21;
	v11 =	vadd.f32 v11, v18;
	v18 =	vand.u32 $0x7FFFFFFF, v22  }
0x2d2: {  	v1 =	vand.u32 $0x7FFFFFFF, v1;
	v23 =	vld [tilespmem:s21+$0x5200];
	v14 =	vadd.f32 v15, v14;
	v13 =	vadd.f32 v18, v13  }
0x2d3: {  	v21 =	vld [tilespmem:s20+$0xFFFFFF70];
	v15 =	vadd.f32 v5, v9;
	v5 =	vand.u32 $0x7FFFFFFF, v6;
	v18 =	vadd.f32 v3, v11  }
0x2d4: {  	s22 =	simm.s32 $0x200;
	v22 =	vld [tilespmem:s20+$0xFFFFFF80];
	v14 =	vadd.f32 v5, v14;
	v13 =	vadd.f32 v1, v13  }
.LBB2_22:
0x2d5: {  	p1 =	sne.s32 s22, $0x1E00;
	v1 =	vld [tilespmem:s21+$0x5230];
	s20 =	sadd.s32 $0x100, s20  }
0x2d6: {  	v3 =	vsub.f32 v10, v7;
	v7 =	vld [tilespmem:s20+$0xFFFFFFD0]  }
0x2d7: {  	v5 =	vsub.f32 v12, v4;
	v6 =	vsub.f32 v19, v8;
	v4 =	vld [tilespmem:s20+$0xFFFFFFE0]  }
0x2d8: {  	v11 =	vsub.f32 v17, v2;
	v9 =	vsub.f32 v23, v16;
	v8 =	vld [tilespmem:s20+$0xFFFFFFF0]  }
0x2d9: {  	s21 =	sshra.s32 s22, $0x2;
	v16 =	vsub.f32 v24, v20;
	v2 =	vld [tilespmem:s20+$0x0];
	v17 =	vsub.f32 v25, v21  }
0x2da: {  	v3 =	vand.u32 $0x7FFFFFFF, v3;
	v5 =	vand.u32 $0x7FFFFFFF, v5;
	v10 =	vld [tilespmem:s21+$0x5240];
	v1 =	vsub.f32 v1, v22  }
0x2db: {  	v9 =	vand.u32 $0x7FFFFFFF, v9;
	v16 =	vand.u32 $0x7FFFFFFF, v16;
	v12 =	vld [tilespmem:s21+$0x5250];
	v20 =	vand.u32 $0x7FFFFFFF, v17  }
0x2dc: {  	v9 =	vadd.f32 v9, v15;
	v18 =	vadd.f32 v16, v18;
	v19 =	vld [tilespmem:s21+$0x5260];
	v1 =	vand.u32 $0x7FFFFFFF, v1  }
0x2dd: {  	v6 =	vand.u32 $0x7FFFFFFF, v6;
	v14 =	vadd.f32 v20, v14;
	v17 =	vld [tilespmem:s21+$0x5270];
	v1 =	vadd.f32 v1, v13  }
0x2de: {  	v11 =	vand.u32 $0x7FFFFFFF, v11;
	v15 =	vadd.f32 v3, v9;
	v18 =	vadd.f32 v5, v18;
	v16 =	vld [tilespmem:s20+$0xFFFFFF50]  }
0x2df: {  	v14 =	vadd.f32 v6, v14;
	v20 =	vld [tilespmem:s20+$0xFFFFFF60];
	v13 =	vadd.f32 v11, v1  }
.Ltmp12:
0x2e0: {  	v21 =	vld [tilespmem:s20+$0xFFFFFF70];
	(pc) =	sbr.rel @p1 .LBB2_22-.Ltmp12, $4  }
0x2e1: {  	v22 =	vld [tilespmem:s20+$0xFFFFFF80]  }
0x2e2: {  	v23 =	vld [tilespmem:s21+$0x5200]  }
0x2e3: {  	v24 =	vld [tilespmem:s21+$0x5210]  }
0x2e4: {  	s22 =	sadd.s32 $0x200, s22;
	v25 =	vld [tilespmem:s21+$0x5220]  }
0x2e5: {  	v26 =	vld [tilespmem:s21+$0x5230];
	_ =	swait.ge [sflag:s8], $0x800  }
0x2e6: {  	[sflag:s8] =	ssyncset.done $0x0  }
0x2e7: {  	s20 =	simm.s32 $0xB2B0;
	[sflag:s8] =	ssyncadd.s32 $0xFFFFF800  }
0x2e8: {  	v5 =	vld [tilespmem:s20+$0xFFFFFFD0]  }
0x2e9: {  	v3 =	vld [tilespmem:s20+$0xFFFFFFE0]  }
0x2ea: {  	v6 =	vld [tilespmem:s20+$0xFFFFFFF0]  }
0x2eb: {  	s21 =	simm.s32 $0x0;
	v1 =	vld [tilespmem:s20+$0x0]  }
0x2ec: {  	v9 =	vld [tilespmem:s21+$0x5A40]  }
0x2ed: {  	v11 =	vld [tilespmem:s21+$0x5A50]  }
0x2ee: {  	v7 =	vsub.f32 v10, v7;
	v8 =	vsub.f32 v19, v8;
	v19 =	vld [tilespmem:s21+$0x5A60]  }
0x2ef: {  	v4 =	vsub.f32 v12, v4;
	v10 =	vsub.f32 v23, v16;
	v16 =	vld [tilespmem:s21+$0x5A70]  }
0x2f0: {  	v2 =	vsub.f32 v17, v2;
	v7 =	vand.u32 $0x7FFFFFFF, v7;
	v12 =	vsub.f32 v24, v20;
	v17 =	vld [tilespmem:s20+$0xFFFFFF50]  }
0x2f1: {  	v20 =	vld [tilespmem:s20+$0xFFFFFF60];
	v21 =	vsub.f32 v25, v21;
	v10 =	vand.u32 $0x7FFFFFFF, v10;
	v22 =	vsub.f32 v26, v22  }
0x2f2: {  	v4 =	vand.u32 $0x7FFFFFFF, v4;
	v23 =	vld [tilespmem:s21+$0x5A00];
	v12 =	vand.u32 $0x7FFFFFFF, v12;
	v10 =	vadd.f32 v10, v15  }
0x2f3: {  	v24 =	vld [tilespmem:s21+$0x5A10];
	v15 =	vand.u32 $0x7FFFFFFF, v21;
	v12 =	vadd.f32 v12, v18;
	v18 =	vand.u32 $0x7FFFFFFF, v22  }
0x2f4: {  	v2 =	vand.u32 $0x7FFFFFFF, v2;
	v25 =	vld [tilespmem:s21+$0x5A20];
	v14 =	vadd.f32 v15, v14;
	v13 =	vadd.f32 v18, v13  }
0x2f5: {  	v21 =	vld [tilespmem:s20+$0xFFFFFF70];
	v15 =	vadd.f32 v7, v10;
	v7 =	vand.u32 $0x7FFFFFFF, v8;
	v18 =	vadd.f32 v4, v12  }
0x2f6: {  	s22 =	simm.s32 $0x200;
	v22 =	vld [tilespmem:s20+$0xFFFFFF80];
	v14 =	vadd.f32 v7, v14;
	v13 =	vadd.f32 v2, v13  }
.LBB2_24:
0x2f7: {  	p1 =	sne.s32 s22, $0x1E00;
	v2 =	vld [tilespmem:s21+$0x5A30];
	s20 =	sadd.s32 $0x100, s20  }
0x2f8: {  	v4 =	vsub.f32 v9, v5;
	v5 =	vld [tilespmem:s20+$0xFFFFFFD0]  }
0x2f9: {  	v7 =	vsub.f32 v11, v3;
	v8 =	vsub.f32 v19, v6;
	v3 =	vld [tilespmem:s20+$0xFFFFFFE0]  }
0x2fa: {  	v12 =	vsub.f32 v16, v1;
	v10 =	vsub.f32 v23, v17;
	v6 =	vld [tilespmem:s20+$0xFFFFFFF0]  }
0x2fb: {  	s21 =	sshra.s32 s22, $0x2;
	v16 =	vsub.f32 v24, v20;
	v1 =	vld [tilespmem:s20+$0x0];
	v17 =	vsub.f32 v25, v21  }
0x2fc: {  	v4 =	vand.u32 $0x7FFFFFFF, v4;
	v7 =	vand.u32 $0x7FFFFFFF, v7;
	v9 =	vld [tilespmem:s21+$0x5A40];
	v2 =	vsub.f32 v2, v22  }
0x2fd: {  	v10 =	vand.u32 $0x7FFFFFFF, v10;
	v16 =	vand.u32 $0x7FFFFFFF, v16;
	v11 =	vld [tilespmem:s21+$0x5A50];
	v17 =	vand.u32 $0x7FFFFFFF, v17  }
0x2fe: {  	v10 =	vadd.f32 v10, v15;
	v18 =	vadd.f32 v16, v18;
	v19 =	vld [tilespmem:s21+$0x5A60];
	v2 =	vand.u32 $0x7FFFFFFF, v2  }
0x2ff: {  	v8 =	vand.u32 $0x7FFFFFFF, v8;
	v14 =	vadd.f32 v17, v14;
	v16 =	vld [tilespmem:s21+$0x5A70];
	v2 =	vadd.f32 v2, v13  }
0x300: {  	v12 =	vand.u32 $0x7FFFFFFF, v12;
	v15 =	vadd.f32 v4, v10;
	v18 =	vadd.f32 v7, v18;
	v17 =	vld [tilespmem:s20+$0xFFFFFF50]  }
0x301: {  	v14 =	vadd.f32 v8, v14;
	v20 =	vld [tilespmem:s20+$0xFFFFFF60];
	v13 =	vadd.f32 v12, v2  }
.Ltmp13:
0x302: {  	v21 =	vld [tilespmem:s20+$0xFFFFFF70];
	(pc) =	sbr.rel @p1 .LBB2_24-.Ltmp13, $4  }
0x303: {  	v22 =	vld [tilespmem:s20+$0xFFFFFF80]  }
0x304: {  	v23 =	vld [tilespmem:s21+$0x5A00]  }
0x305: {  	v24 =	vld [tilespmem:s21+$0x5A10]  }
0x306: {  	s22 =	sadd.s32 $0x200, s22;
	v25 =	vld [tilespmem:s21+$0x5A20]  }
0x307: {  	v26 =	vld [tilespmem:s21+$0x5A30];
	_ =	swait.ge [sflag:s10], $0x800  }
0x308: {  	[sflag:s10] =	ssyncset.done $0x0  }
0x309: {  	s20 =	simm.s32 $0x6270;
	[sflag:s10] =	ssyncadd.s32 $0xFFFFF800  }
0x30a: {  	v7 =	vld [tilespmem:s20+$0xFFFFFFD0]  }
0x30b: {  	v4 =	vld [tilespmem:s20+$0xFFFFFFE0]  }
0x30c: {  	v8 =	vld [tilespmem:s20+$0xFFFFFFF0]  }
0x30d: {  	s21 =	simm.s32 $0x0;
	v2 =	vld [tilespmem:s20+$0x0]  }
0x30e: {  	v10 =	vld [tilespmem:s21+$0xC280]  }
0x30f: {  	v12 =	vld [tilespmem:s21+$0xC290]  }
0x310: {  	v5 =	vsub.f32 v9, v5;
	v6 =	vsub.f32 v19, v6;
	v19 =	vld [tilespmem:s21+$0xC2A0]  }
0x311: {  	v3 =	vsub.f32 v11, v3;
	v9 =	vsub.f32 v23, v17;
	v17 =	vld [tilespmem:s21+$0xC2B0]  }
0x312: {  	v1 =	vsub.f32 v16, v1;
	v5 =	vand.u32 $0x7FFFFFFF, v5;
	v11 =	vsub.f32 v24, v20;
	v16 =	vld [tilespmem:s20+$0xFFFFFF90]  }
0x313: {  	v20 =	vld [tilespmem:s20+$0xFFFFFFA0];
	v21 =	vsub.f32 v25, v21;
	v9 =	vand.u32 $0x7FFFFFFF, v9;
	v22 =	vsub.f32 v26, v22  }
0x314: {  	v3 =	vand.u32 $0x7FFFFFFF, v3;
	v23 =	vld [tilespmem:s21+$0xC200];
	v11 =	vand.u32 $0x7FFFFFFF, v11;
	v9 =	vadd.f32 v9, v15  }
0x315: {  	v24 =	vld [tilespmem:s21+$0xC210];
	v15 =	vand.u32 $0x7FFFFFFF, v21;
	v11 =	vadd.f32 v11, v18;
	v18 =	vand.u32 $0x7FFFFFFF, v22  }
0x316: {  	v1 =	vand.u32 $0x7FFFFFFF, v1;
	v25 =	vld [tilespmem:s21+$0xC220];
	v14 =	vadd.f32 v15, v14;
	v13 =	vadd.f32 v18, v13  }
0x317: {  	v21 =	vld [tilespmem:s20+$0xFFFFFFB0];
	v15 =	vadd.f32 v5, v9;
	v5 =	vand.u32 $0x7FFFFFFF, v6;
	v18 =	vadd.f32 v3, v11  }
0x318: {  	s22 =	simm.s32 $0x400;
	v22 =	vld [tilespmem:s20+$0xFFFFFFC0];
	v14 =	vadd.f32 v5, v14;
	v13 =	vadd.f32 v1, v13  }
.LBB2_26:
0x319: {  	p1 =	sne.s32 s22, $0x3C00;
	v1 =	vld [tilespmem:s21+$0xC230];
	s20 =	sadd.s32 $0x80, s20  }
0x31a: {  	v3 =	vsub.f32 v7, v10;
	v7 =	vld [tilespmem:s20+$0xFFFFFFD0]  }
0x31b: {  	v5 =	vsub.f32 v4, v12;
	v6 =	vsub.f32 v8, v19;
	v4 =	vld [tilespmem:s20+$0xFFFFFFE0]  }
0x31c: {  	v11 =	vsub.f32 v2, v17;
	v9 =	vsub.f32 v16, v23;
	v8 =	vld [tilespmem:s20+$0xFFFFFFF0]  }
0x31d: {  	s21 =	sshra.s32 s22, $0x2;
	v16 =	vsub.f32 v20, v24;
	v2 =	vld [tilespmem:s20+$0x0];
	v17 =	vsub.f32 v21, v25  }
0x31e: {  	v3 =	vand.u32 $0x7FFFFFFF, v3;
	v5 =	vand.u32 $0x7FFFFFFF, v5;
	v10 =	vld [tilespmem:s21+$0xC280];
	v1 =	vsub.f32 v22, v1  }
0x31f: {  	v9 =	vand.u32 $0x7FFFFFFF, v9;
	v16 =	vand.u32 $0x7FFFFFFF, v16;
	v12 =	vld [tilespmem:s21+$0xC290];
	v20 =	vand.u32 $0x7FFFFFFF, v17  }
0x320: {  	v9 =	vadd.f32 v9, v15;
	v18 =	vadd.f32 v16, v18;
	v19 =	vld [tilespmem:s21+$0xC2A0];
	v1 =	vand.u32 $0x7FFFFFFF, v1  }
0x321: {  	v6 =	vand.u32 $0x7FFFFFFF, v6;
	v14 =	vadd.f32 v20, v14;
	v17 =	vld [tilespmem:s21+$0xC2B0];
	v1 =	vadd.f32 v1, v13  }
0x322: {  	v11 =	vand.u32 $0x7FFFFFFF, v11;
	v15 =	vadd.f32 v3, v9;
	v18 =	vadd.f32 v5, v18;
	v16 =	vld [tilespmem:s20+$0xFFFFFF90]  }
0x323: {  	v14 =	vadd.f32 v6, v14;
	v20 =	vld [tilespmem:s20+$0xFFFFFFA0];
	v13 =	vadd.f32 v11, v1  }
.Ltmp14:
0x324: {  	v21 =	vld [tilespmem:s20+$0xFFFFFFB0];
	(pc) =	sbr.rel @p1 .LBB2_26-.Ltmp14, $4  }
0x325: {  	v22 =	vld [tilespmem:s20+$0xFFFFFFC0]  }
0x326: {  	v23 =	vld [tilespmem:s21+$0xC200]  }
0x327: {  	v24 =	vld [tilespmem:s21+$0xC210]  }
0x328: {  	s22 =	sadd.s32 $0x400, s22;
	v25 =	vld [tilespmem:s21+$0xC220]  }
0x329: {  	v26 =	vld [tilespmem:s21+$0xC230];
	_ =	swait.ge [sflag:s11], $0x800  }
0x32a: {  	[sflag:s11] =	ssyncset.done $0x0  }
0x32b: {  	s20 =	simm.s32 $0x6A70;
	[sflag:s11] =	ssyncadd.s32 $0xFFFFF800  }
0x32c: {  	v5 =	vld [tilespmem:s20+$0xFFFFFFD0]  }
0x32d: {  	v3 =	vld [tilespmem:s20+$0xFFFFFFE0]  }
0x32e: {  	v6 =	vld [tilespmem:s20+$0xFFFFFFF0]  }
0x32f: {  	s21 =	simm.s32 $0x0;
	v1 =	vld [tilespmem:s20+$0x0]  }
0x330: {  	v9 =	vld [tilespmem:s21+$0xD280]  }
0x331: {  	v11 =	vld [tilespmem:s21+$0xD290]  }
0x332: {  	v7 =	vsub.f32 v7, v10;
	v8 =	vsub.f32 v8, v19;
	v19 =	vld [tilespmem:s21+$0xD2A0]  }
0x333: {  	v4 =	vsub.f32 v4, v12;
	v10 =	vsub.f32 v16, v23;
	v16 =	vld [tilespmem:s21+$0xD2B0]  }
0x334: {  	v2 =	vsub.f32 v2, v17;
	v7 =	vand.u32 $0x7FFFFFFF, v7;
	v12 =	vsub.f32 v20, v24;
	v20 =	vld [tilespmem:s20+$0xFFFFFF90]  }
0x335: {  	v24 =	vld [tilespmem:s21+$0xD210];
	v17 =	vsub.f32 v21, v25;
	v10 =	vand.u32 $0x7FFFFFFF, v10;
	v23 =	vsub.f32 v22, v26  }
0x336: {  	v4 =	vand.u32 $0x7FFFFFFF, v4;
	v21 =	vld [tilespmem:s20+$0xFFFFFFA0];
	v12 =	vand.u32 $0x7FFFFFFF, v12;
	v10 =	vadd.f32 v10, v15  }
0x337: {  	v22 =	vld [tilespmem:s20+$0xFFFFFFB0];
	v15 =	vand.u32 $0x7FFFFFFF, v17;
	v12 =	vadd.f32 v12, v18;
	v17 =	vand.u32 $0x7FFFFFFF, v23  }
0x338: {  	v2 =	vand.u32 $0x7FFFFFFF, v2;
	v18 =	vadd.f32 v15, v14;
	v23 =	vld [tilespmem:s20+$0xFFFFFFC0];
	v25 =	vadd.f32 v17, v13  }
0x339: {  	v14 =	vadd.f32 v7, v10;
	v15 =	vld [tilespmem:s21+$0xD200];
	v7 =	vand.u32 $0x7FFFFFFF, v8;
	v17 =	vadd.f32 v4, v12  }
0x33a: {  	s22 =	simm.s32 $0x400;
	v13 =	vadd.f32 v7, v18;
	v12 =	vadd.f32 v2, v25;
	v25 =	vld [tilespmem:s21+$0xD220]  }
.LBB2_28:
0x33b: {  	p1 =	sne.s32 s22, $0x3C00;
	v2 =	vld [tilespmem:s21+$0xD230];
	s20 =	sadd.s32 $0x80, s20  }
0x33c: {  	v4 =	vsub.f32 v5, v9;
	v5 =	vld [tilespmem:s20+$0xFFFFFFD0]  }
0x33d: {  	v7 =	vsub.f32 v3, v11;
	v8 =	vsub.f32 v6, v19;
	v3 =	vld [tilespmem:s20+$0xFFFFFFE0]  }
0x33e: {  	v10 =	vsub.f32 v20, v15;
	v15 =	vsub.f32 v1, v16;
	v6 =	vld [tilespmem:s20+$0xFFFFFFF0]  }
0x33f: {  	s21 =	sshra.s32 s22, $0x2;
	v16 =	vsub.f32 v21, v24;
	v1 =	vld [tilespmem:s20+$0x0];
	v18 =	vsub.f32 v22, v25  }
0x340: {  	v4 =	vand.u32 $0x7FFFFFFF, v4;
	v7 =	vand.u32 $0x7FFFFFFF, v7;
	v9 =	vld [tilespmem:s21+$0xD280];
	v2 =	vsub.f32 v23, v2  }
0x341: {  	v10 =	vand.u32 $0x7FFFFFFF, v10;
	v16 =	vand.u32 $0x7FFFFFFF, v16;
	v11 =	vld [tilespmem:s21+$0xD290];
	v18 =	vand.u32 $0x7FFFFFFF, v18  }
0x342: {  	v10 =	vadd.f32 v10, v14;
	v17 =	vadd.f32 v16, v17;
	v19 =	vld [tilespmem:s21+$0xD2A0];
	v2 =	vand.u32 $0x7FFFFFFF, v2  }
0x343: {  	v8 =	vand.u32 $0x7FFFFFFF, v8;
	v13 =	vadd.f32 v18, v13;
	v16 =	vld [tilespmem:s21+$0xD2B0];
	v2 =	vadd.f32 v2, v12  }
0x344: {  	v14 =	vadd.f32 v4, v10;
	v12 =	vand.u32 $0x7FFFFFFF, v15;
	v17 =	vadd.f32 v7, v17;
	v20 =	vld [tilespmem:s20+$0xFFFFFF90]  }
0x345: {  	v13 =	vadd.f32 v8, v13;
	v21 =	vld [tilespmem:s20+$0xFFFFFFA0];
	v12 =	vadd.f32 v12, v2  }
.Ltmp15:
0x346: {  	v22 =	vld [tilespmem:s20+$0xFFFFFFB0];
	(pc) =	sbr.rel @p1 .LBB2_28-.Ltmp15, $4  }
0x347: {  	v23 =	vld [tilespmem:s20+$0xFFFFFFC0]  }
0x348: {  	v15 =	vld [tilespmem:s21+$0xD200]  }
0x349: {  	v24 =	vld [tilespmem:s21+$0xD210]  }
0x34a: {  	s22 =	sadd.s32 $0x400, s22;
	v25 =	vld [tilespmem:s21+$0xD220]  }
0x34b: {  	v26 =	vld [tilespmem:s21+$0xD230];
	_ =	swait.ge [sflag:s15], $0x800  }
0x34c: {  	[sflag:s15] =	ssyncset.done $0x0  }
0x34d: {  	s20 =	simm.s32 $0x7270;
	[sflag:s15] =	ssyncadd.s32 $0xFFFFF800  }
0x34e: {  	v7 =	vld [tilespmem:s20+$0xFFFFFFD0]  }
0x34f: {  	v4 =	vld [tilespmem:s20+$0xFFFFFFE0]  }
0x350: {  	v8 =	vld [tilespmem:s20+$0xFFFFFFF0]  }
0x351: {  	s21 =	simm.s32 $0x0;
	v2 =	vld [tilespmem:s20+$0x0]  }
0x352: {  	v10 =	vld [tilespmem:s21+$0xE280]  }
0x353: {  	v5 =	vsub.f32 v5, v9;
	v9 =	vld [tilespmem:s21+$0xE290]  }
0x354: {  	v3 =	vsub.f32 v3, v11;
	v6 =	vsub.f32 v6, v19;
	v18 =	vld [tilespmem:s21+$0xE2A0]  }
0x355: {  	v11 =	vsub.f32 v20, v15;
	v20 =	vsub.f32 v21, v24;
	v15 =	vld [tilespmem:s21+$0xE2B0]  }
0x356: {  	v1 =	vsub.f32 v1, v16;
	v19 =	vld [tilespmem:s20+$0xFFFFFF90];
	v16 =	vsub.f32 v22, v25  }
0x357: {  	v11 =	vand.u32 $0x7FFFFFFF, v11;
	v21 =	vsub.f32 v23, v26;
	v22 =	vand.u32 $0x7FFFFFFF, v20;
	v20 =	vld [tilespmem:s20+$0xFFFFFFA0]  }
0x358: {  	v5 =	vand.u32 $0x7FFFFFFF, v5;
	v3 =	vand.u32 $0x7FFFFFFF, v3;
	v11 =	vadd.f32 v11, v14;
	v23 =	vld [tilespmem:s21+$0xE210]  }
0x359: {  	v14 =	vand.u32 $0x7FFFFFFF, v16;
	v16 =	vadd.f32 v22, v17;
	v17 =	vld [tilespmem:s20+$0xFFFFFFB0];
	v22 =	vand.u32 $0x7FFFFFFF, v21  }
0x35a: {  	v1 =	vand.u32 $0x7FFFFFFF, v1;
	v24 =	vadd.f32 v14, v13;
	v21 =	vld [tilespmem:s20+$0xFFFFFFC0];
	v25 =	vadd.f32 v22, v12  }
0x35b: {  	v13 =	vadd.f32 v5, v11;
	v5 =	vand.u32 $0x7FFFFFFF, v6;
	v22 =	vld [tilespmem:s21+$0xE200];
	v14 =	vadd.f32 v3, v16  }
0x35c: {  	s22 =	simm.s32 $0x400;
	v12 =	vadd.f32 v5, v24;
	v24 =	vld [tilespmem:s21+$0xE220];
	v11 =	vadd.f32 v1, v25  }
.LBB2_30:
0x35d: {  	p1 =	sne.s32 s22, $0x3C00;
	v1 =	vld [tilespmem:s21+$0xE230];
	s20 =	sadd.s32 $0x80, s20  }
0x35e: {  	v3 =	vsub.f32 v7, v10;
	v7 =	vld [tilespmem:s20+$0xFFFFFFD0]  }
0x35f: {  	v5 =	vsub.f32 v4, v9;
	v6 =	vsub.f32 v8, v18;
	v4 =	vld [tilespmem:s20+$0xFFFFFFE0]  }
0x360: {  	v16 =	vsub.f32 v19, v22;
	v22 =	vsub.f32 v2, v15;
	v8 =	vld [tilespmem:s20+$0xFFFFFFF0]  }
0x361: {  	s21 =	sshra.s32 s22, $0x2;
	v15 =	vsub.f32 v20, v23;
	v2 =	vld [tilespmem:s20+$0x0];
	v17 =	vsub.f32 v17, v24  }
0x362: {  	v3 =	vand.u32 $0x7FFFFFFF, v3;
	v5 =	vand.u32 $0x7FFFFFFF, v5;
	v10 =	vld [tilespmem:s21+$0xE280];
	v1 =	vsub.f32 v21, v1  }
0x363: {  	v16 =	vand.u32 $0x7FFFFFFF, v16;
	v15 =	vand.u32 $0x7FFFFFFF, v15;
	v9 =	vld [tilespmem:s21+$0xE290];
	v17 =	vand.u32 $0x7FFFFFFF, v17  }
0x364: {  	v13 =	vadd.f32 v16, v13;
	v14 =	vadd.f32 v15, v14;
	v18 =	vld [tilespmem:s21+$0xE2A0];
	v1 =	vand.u32 $0x7FFFFFFF, v1  }
0x365: {  	v6 =	vand.u32 $0x7FFFFFFF, v6;
	v12 =	vadd.f32 v17, v12;
	v15 =	vld [tilespmem:s21+$0xE2B0];
	v1 =	vadd.f32 v1, v11  }
0x366: {  	v13 =	vadd.f32 v3, v13;
	v11 =	vand.u32 $0x7FFFFFFF, v22;
	v14 =	vadd.f32 v5, v14;
	v19 =	vld [tilespmem:s20+$0xFFFFFF90]  }
0x367: {  	v12 =	vadd.f32 v6, v12;
	v20 =	vld [tilespmem:s20+$0xFFFFFFA0];
	v11 =	vadd.f32 v11, v1  }
.Ltmp16:
0x368: {  	v17 =	vld [tilespmem:s20+$0xFFFFFFB0];
	(pc) =	sbr.rel @p1 .LBB2_30-.Ltmp16, $4  }
0x369: {  	v21 =	vld [tilespmem:s20+$0xFFFFFFC0]  }
0x36a: {  	v22 =	vld [tilespmem:s21+$0xE200]  }
0x36b: {  	v23 =	vld [tilespmem:s21+$0xE210]  }
0x36c: {  	s22 =	sadd.s32 $0x400, s22;
	v24 =	vld [tilespmem:s21+$0xE220]  }
0x36d: {  	v25 =	vld [tilespmem:s21+$0xE230];
	_ =	swait.ge [sflag:s16], $0x800  }
0x36e: {  	[sflag:s16] =	ssyncset.done $0x0  }
0x36f: {  	s20 =	simm.s32 $0x7A70;
	[sflag:s16] =	ssyncadd.s32 $0xFFFFF800  }
0x370: {  	v1 =	vld [tilespmem:s20+$0xFFFFFFD0]  }
0x371: {  	v3 =	vld [tilespmem:s20+$0xFFFFFFE0]  }
0x372: {  	v5 =	vld [tilespmem:s20+$0xFFFFFFF0]  }
0x373: {  	s21 =	simm.s32 $0x0;
	v6 =	vld [tilespmem:s20+$0x0]  }
0x374: {  	v16 =	vld [tilespmem:s21+$0xF280]  }
0x375: {  	v26 =	vsub.f32 v7, v10;
	v7 =	vld [tilespmem:s21+$0xF290]  }
0x376: {  	v9 =	vsub.f32 v4, v9;
	v27 =	vsub.f32 v8, v18;
	v4 =	vld [tilespmem:s21+$0xF2A0]  }
0x377: {  	v8 =	vsub.f32 v19, v22;
	v18 =	vsub.f32 v20, v23;
	v10 =	vld [tilespmem:s21+$0xF2B0]  }
0x378: {  	v2 =	vsub.f32 v2, v15;
	v15 =	vld [tilespmem:s20+$0xFFFFFF90];
	v19 =	vsub.f32 v17, v24  }
0x379: {  	v8 =	vand.u32 $0x7FFFFFFF, v8;
	v17 =	vld [tilespmem:s20+$0xFFFFFFA0];
	v20 =	vsub.f32 v21, v25;
	v18 =	vand.u32 $0x7FFFFFFF, v18  }
0x37a: {  	v8 =	vadd.f32 v8, v13;
	v13 =	vld [tilespmem:s20+$0xFFFFFFB0];
	v19 =	vand.u32 $0x7FFFFFFF, v19;
	v14 =	vadd.f32 v18, v14  }
0x37b: {  	v18 =	vand.u32 $0x7FFFFFFF, v26;
	v20 =	vand.u32 $0x7FFFFFFF, v20;
	v19 =	vadd.f32 v19, v12;
	v12 =	vld [tilespmem:s20+$0xFFFFFFC0]  }
0x37c: {  	v9 =	vand.u32 $0x7FFFFFFF, v9;
	v8 =	vadd.f32 v18, v8;
	v18 =	vld [tilespmem:s21+$0xF200];
	v20 =	vadd.f32 v20, v11  }
0x37d: {  	v63 =	vand.u32 $0x7FFFFFFF, v27;
	v2 =	vand.u32 $0x7FFFFFFF, v2;
	v11 =	vadd.f32 v9, v14;
	v14 =	vld [tilespmem:s21+$0xF210]  }
0x37e: {  	s22 =	simm.s32 $0x400;
	v9 =	vadd.f32 v63, v19;
	v19 =	vld [tilespmem:s21+$0xF220];
	v2 =	vadd.f32 v2, v20  }
.LBB2_32:
0x37f: {  	p1 =	sne.s32 s22, $0x3C00;
	v20 =	vld [tilespmem:s21+$0xF230];
	s20 =	sadd.s32 $0x80, s20  }
0x380: {  	v21 =	vsub.f32 v1, v16;
	v1 =	vld [tilespmem:s20+$0xFFFFFFD0]  }
0x381: {  	v7 =	vsub.f32 v3, v7;
	v22 =	vsub.f32 v5, v4;
	v3 =	vld [tilespmem:s20+$0xFFFFFFE0]  }
0x382: {  	v4 =	vsub.f32 v15, v18;
	v18 =	vsub.f32 v6, v10;
	v5 =	vld [tilespmem:s20+$0xFFFFFFF0]  }
0x383: {  	s21 =	sshra.s32 s22, $0x2;
	v10 =	vsub.f32 v17, v14;
	v6 =	vld [tilespmem:s20+$0x0];
	v13 =	vsub.f32 v13, v19  }
0x384: {  	v14 =	vand.u32 $0x7FFFFFFF, v21;
	v17 =	vand.u32 $0x7FFFFFFF, v7;
	v16 =	vld [tilespmem:s21+$0xF280];
	v12 =	vsub.f32 v12, v20  }
0x385: {  	v15 =	vand.u32 $0x7FFFFFFF, v4;
	v10 =	vand.u32 $0x7FFFFFFF, v10;
	v7 =	vld [tilespmem:s21+$0xF290];
	v13 =	vand.u32 $0x7FFFFFFF, v13  }
0x386: {  	v8 =	vadd.f32 v15, v8;
	v11 =	vadd.f32 v10, v11;
	v4 =	vld [tilespmem:s21+$0xF2A0];
	v12 =	vand.u32 $0x7FFFFFFF, v12  }
0x387: {  	v19 =	vand.u32 $0x7FFFFFFF, v22;
	v9 =	vadd.f32 v13, v9;
	v10 =	vld [tilespmem:s21+$0xF2B0];
	v2 =	vadd.f32 v12, v2  }
0x388: {  	v8 =	vadd.f32 v14, v8;
	v12 =	vand.u32 $0x7FFFFFFF, v18;
	v11 =	vadd.f32 v17, v11;
	v15 =	vld [tilespmem:s20+$0xFFFFFF90]  }
0x389: {  	v9 =	vadd.f32 v19, v9;
	v17 =	vld [tilespmem:s20+$0xFFFFFFA0];
	v2 =	vadd.f32 v12, v2  }
.Ltmp17:
0x38a: {  	v13 =	vld [tilespmem:s20+$0xFFFFFFB0];
	(pc) =	sbr.rel @p1 .LBB2_32-.Ltmp17, $4  }
0x38b: {  	v12 =	vld [tilespmem:s20+$0xFFFFFFC0]  }
0x38c: {  	v18 =	vld [tilespmem:s21+$0xF200]  }
0x38d: {  	v14 =	vld [tilespmem:s21+$0xF210]  }
0x38e: {  	s22 =	sadd.s32 $0x400, s22;
	v19 =	vld [tilespmem:s21+$0xF220]  }
0x38f: {  	v20 =	vld [tilespmem:s21+$0xF230]  }
0x390: {  	v1 =	vsub.f32 v1, v16;
	v3 =	vsub.f32 v3, v7  }
0x391: {  	v4 =	vsub.f32 v5, v4;
	v58 =	vsub.f32 v15, v18  }
0x392: {  	v6 =	vsub.f32 v6, v10;
	v59 =	vsub.f32 v17, v14  }
0x393: {  	v1 =	vand.u32 $0x7FFFFFFF, v1;
	v60 =	vsub.f32 v13, v19;
	v5 =	vand.u32 $0x7FFFFFFF, v58  }
0x394: {  	v12 =	vsub.f32 v12, v20;
	v7 =	vand.u32 $0x7FFFFFFF, v59;
	v5 =	vadd.f32 v5, v8  }
0x395: {  	v3 =	vand.u32 $0x7FFFFFFF, v3;
	v61 =	vand.u32 $0x7FFFFFFF, v60;
	v7 =	vadd.f32 v7, v11  }
0x396: {  	v62 =	vand.u32 $0x7FFFFFFF, v12;
	v8 =	vadd.f32 v61, v9;
	v1 =	vadd.f32 v1, v5  }
0x397: {  	v4 =	vand.u32 $0x7FFFFFFF, v4;
	v2 =	vadd.f32 v62, v2;
	v3 =	vadd.f32 v3, v7  }
0x398: {  	v63 =	vand.u32 $0x7FFFFFFF, v6;
	v4 =	vadd.f32 v4, v8;
	v1 =	vmul.f32 $1.220703130e-04, v1  }
0x399: {  	v2 =	vadd.f32 v63, v2;
	v3 =	vmul.f32 $1.220703130e-04, v3  }
0x39a: {  	[tilespmem:$0x10200] =	vst v1;
	v1 =	vmul.f32 $1.220703130e-04, v4  }
0x39b: {  	[tilespmem:$0x10210] =	vst v3;
	v2 =	vmul.f32 $1.220703130e-04, v2  }
0x39c: {  	[tilespmem:$0x10220] =	vst v1  }
0x39d: {  	[tilespmem:$0x10230] =	vst v2  }
0x39e: {  	[spmem:s7] =	stream.linear.scatter [tilespmem:s17], [sflag:$0xA], $0x40, $0x38;
	[tilespmem:$0x106C0] =	vst v63  }
.Ltmp18:
0x39f: {  	_ =	swait.ge [sflag:s18], $0x40;
	(pc) =	sbr.rel @p0 .LBB2_37-.Ltmp18, $3  }
0x3a0: {  	[sflag:s18] =	ssyncset.done $0x0  }
0x3a1: {  	[sflag:s18] =	ssyncadd.s32 $0xFFFFFFC0  }
0x3a2: {  	[bflag:$0x0] =	sbarrier.arrive $0xFFFF;
	_ =	sdelay $0x1  }
0x3a3: {  	s20 =	rddreg [dreg:$0x4];
	s21 =	simm.s32 $0x10280  }
0x3a4: {  	[tilespmem:s21], [sflag:$0xA] =	stream.linear.gather [spmem:s20], $0x400, $0x38;
	[tilespmem:$0x106C0] =	vst v63  }
0x3a5: {  	_ =	swait.ge [sflag:s18], $0x400  }
0x3a6: {  	[sflag:s18] =	ssyncset.done $0x0  }
0x3a7: {  	s22 =	simm.s32 $0x0;
	[sflag:s18] =	ssyncadd.s32 $0xFFFFFC00  }
0x3a8: {  	v2 =	vld [tilespmem:s22+$0x102B0]  }
0x3a9: {  	v3 =	vld [tilespmem:s22+$0x10280]  }
0x3aa: {  	v1 =	vimm.f32 $0.0e+00;
	v4 =	vld [tilespmem:s22+$0x10290]  }
0x3ab: {  	v6 =	vimm.f32 $0.0e+00;
	v7 =	vimm.f32 $0.0e+00;
	v8 =	vimm.f32 $0.0e+00;
	s20 =	simm.s32 $0x100;
	v5 =	vld [tilespmem:s22+$0x102A0]  }
.LBB2_35:
0x3ac: {  	p1 =	sne.s32 s20, $0xF00  }
.Ltmp19:
0x3ad: {  	s21 =	sshra.s32 s20, $0x2;
	s20 =	sadd.s32 $0x100, s20;
	v1 =	vadd.f32 v2, v1;
	(pc) =	sbr.rel @p1 .LBB2_35-.Ltmp19, $4  }
0x3ae: {  	v6 =	vadd.f32 v3, v6;
	v2 =	vld [tilespmem:s21+$0x102B0]  }
0x3af: {  	v7 =	vadd.f32 v4, v7;
	v3 =	vld [tilespmem:s21+$0x10280]  }
0x3b0: {  	v8 =	vadd.f32 v5, v8;
	v4 =	vld [tilespmem:s21+$0x10290]  }
0x3b1: {  	v5 =	vld [tilespmem:s21+$0x102A0]  }
.Ltmp20:
0x3b2: {  	_ = 	snop;
	(pc) =	sbr.rel .LBB2_36-.Ltmp20, $1  }
0x3b3: {  	_ =	sdelay $0x3  }
.LBB2_38:
0x3b4: {  	_ =	sfence.sel $0x180000  }
0x3b5: {  	[bflag:$0x0] =	sbarrier.arrive $0xFFFF  }
0x3b6: {  	_ =	strace $0x90000047  }
0x3b7: {  	[bflag:$0x2] =	sbarrier.arrive $0xFFFF  }
0x3b8: {  	s0 =	rddreg [dreg:$0x5]  }
0x3b9: {  	s0 =	sadd.s32 @!p0 $0x100000, s0  }
0x3ba: {  	[sflag:s0] =	ssyncadd.tile.s32 @!p0 $0x1;
	_ =	shalt  }
.Lfunc_end2:
_tile_overlayer_lowered:
.L_overlay_start_2:
0x3bb: {  	(tag) =	ssettag $0x2  }
0x3bc: {  	s0 =	rddreg [dreg:$0x0];
	s2 =	stileid.u32  }
0x3bd: {  	s1 =	rddreg [dreg:$0x1];
	p0 =	sne.s32 s2, $0x0  }
0x3be: {  	s3 =	rddreg [dreg:$0x2];
	[bflag:$0x3] =	sbarrier.arrive $0xFFFF;
	s2 =	simm.s32 @!p0 $0x1C0A  }
0x3bf: {  	[timem:s3], [sflag:s2] =	dma.local @!p0 [hbm:s0], s1  }
0x3c0: {  	s0 =	simm.s32 @!p0 $0xA  }
0x3c1: {  	_ =	swait.ge @!p0 [sflag:s0], s1  }
0x3c2: {  	s1 =	ssub.s32 @!p0 $0x0, s1;
	[sflag:s0] =	ssyncset.done @!p0 $0x0  }
0x3c3: {  	[sflag:s0] =	ssyncadd.s32 @!p0 s1  }
0x3c4: {  	[bflag:$0x3] =	sbarrier.arrive $0xFFFF  }
0x3c5: {  	_ =	shalt  }

</sc_bundles>
